<compile_context>
chip_gen: v7x
topology: tpu7x:2x2x1
jax: 0.10.2.dev20260603
libtpu: 0.0.44.dev20260713+nightly
codegen_flags: <defaults>
</compile_context>

<pallas_src>
import functools

import numpy as np
import jax
import jax.numpy as jnp
from jax import lax
from jax._src.config import enable_x64 as _enable_x64
from jax.experimental import pallas as pl
from jax.experimental.pallas import tpu as pltpu
from jax.experimental.pallas import tpu_sc as plsc

NUM_LEVELS = 16
LOG2_HASHMAP = 19
HASHMAP_SIZE = 1 << LOG2_HASHMAP
MASK = HASHMAP_SIZE - 1
N_POINTS = 1048576
BASE_RES = 16
MAX_RES = 512
RES = [int(BASE_RES * (MAX_RES / BASE_RES) ** (i / (NUM_LEVELS - 1)))
       for i in range(NUM_LEVELS)]
P1 = np.uint32(2654435761).view(np.int32)
P2 = np.int32(805459861)

NC, NS = 2, 16
NW = NC * NS
PPW = N_POINTS // NW
C = 128
WPP = NUM_LEVELS * 2
WPC = C * WPP
CHUNKS = PPW // C
PBLKS = N_POINTS // 128

_mesh = plsc.VectorSubcoreMesh(core_axis_name="c", subcore_axis_name="s")


@functools.partial(
    pl.kernel,
    out_type=jax.ShapeDtypeStruct((N_POINTS * WPP,), jnp.float32),
    mesh=_mesh,
    scratch_types=[
        pltpu.VMEM((C * 3,), jnp.float32),
        pltpu.VMEM((C * 3,), jnp.float32),
        pltpu.VMEM((WPP, 128), jnp.int32),
        pltpu.VMEM((WPP, 128), jnp.int32),
        pltpu.VMEM((WPC,), jnp.float32),
        pltpu.VMEM((WPC,), jnp.float32),
        pltpu.SemaphoreType.DMA,
        pltpu.SemaphoreType.DMA,
        pltpu.SemaphoreType.DMA,
        pltpu.SemaphoreType.DMA,
        pltpu.SemaphoreType.DMA,
        pltpu.SemaphoreType.DMA,
    ],
    compiler_params=pltpu.CompilerParams(
        needs_layout_passes=False, use_tc_tiling_on_sc=False
    ),
)
def _sc_encode(coords_hbm, table_hbm, out_hbm,
               cva, cvb, idxa, idxb, vala, valb, sga, sgb, sca, scb, spa, spb):
    iota = lax.iota(jnp.int32, 16)
    wid = lax.axis_index("s") * np.int32(NC) + lax.axis_index("c")
    pblk0 = wid * np.int32(CHUNKS)

    def coords_src(pblk):
        return coords_hbm.at[pl.ds(pblk * np.int32(C * 3), C * 3)]

    def compute_fire(cv, idxv, vals, sg, pblk):
        def group_body(i, _):
            p0 = i * np.int32(16)
            xs = cv[pl.ds(p0, 16)]
            ys = cv[pl.ds(p0 + np.int32(128), 16)]
            zs = cv[pl.ds(p0 + np.int32(256), 16)]
            for lvl in range(NUM_LEVELS):
                r = np.float32(RES[lvl])
                gx = (xs * r).astype(jnp.int32)
                gy = (ys * r).astype(jnp.int32)
                gz = (zs * r).astype(jnp.int32)
                h = (gx ^ (gy * P1) ^ (gz * P2)) & np.int32(MASK)
                t = h & np.int32(127)
                w0 = (lax.shift_left(h ^ t, np.int32(1))
                      + (t + np.int32(lvl * HASHMAP_SIZE * 2)))
                idxv[2 * lvl, pl.ds(p0, 16)] = w0
                idxv[2 * lvl + 1, pl.ds(p0, 16)] = w0 + np.int32(128)
            return 0

        lax.fori_loop(np.int32(0), np.int32(C // 16), group_body, 0)

        def fire(c, _):
            pltpu.async_copy(
                table_hbm.at[idxv.at[c]],
                vals.at[pl.ds(c * np.int32(128), 128)],
                sg,
            )
            return 0

        lax.fori_loop(np.int32(0), np.int32(WPP), fire, 0)

    def wait_puts(vals, sp, pblk):
        def wput(cb, _):
            pltpu.make_async_copy(
                vals.at[pl.ds(cb * np.int32(1024), 1024)],
                out_hbm.at[pl.ds((cb * np.int32(PBLKS) + pblk) * np.int32(1024),
                                 1024)],
                sp,
            ).wait()
            return 0

        lax.fori_loop(np.int32(0), np.int32(4), wput, 0)

    def drain_put(idxv, vals, sg, sp, pblk):
        def drain(c, _):
            pltpu.make_async_copy(
                table_hbm.at[idxv.at[c]],
                vals.at[pl.ds(c * np.int32(128), 128)],
                sg,
            ).wait()
            return 0

        lax.fori_loop(np.int32(0), np.int32(WPP), drain, 0)

        def put(cb, _):
            pltpu.async_copy(
                vals.at[pl.ds(cb * np.int32(1024), 1024)],
                out_hbm.at[pl.ds((cb * np.int32(PBLKS) + pblk) * np.int32(1024),
                                 1024)],
                sp,
            )
            return 0

        lax.fori_loop(np.int32(0), np.int32(4), put, 0)

    def next_pblk(ci):
        nxt = jnp.minimum(ci + np.int32(1), np.int32(CHUNKS - 1))
        return pblk0 + nxt

    pltpu.sync_copy(coords_src(pblk0), cva)
    pltpu.async_copy(coords_src(pblk0 + np.int32(1)), cvb, scb)
    compute_fire(cva, idxa, vala, sga, pblk0)

    def body(ci, _):
        par = ci & np.int32(1)

        @pl.when(par == np.int32(1))
        def _():
            pltpu.make_async_copy(coords_src(pblk0 + ci), cvb, scb).wait()
            pltpu.async_copy(coords_src(next_pblk(ci)), cva, sca)

            @pl.when(ci >= np.int32(3))
            def _():
                wait_puts(valb, spb, pblk0 + ci - np.int32(2))

            compute_fire(cvb, idxb, valb, sgb, pblk0 + ci)
            drain_put(idxa, vala, sga, spa, pblk0 + ci - np.int32(1))

        @pl.when(par == np.int32(0))
        def _():
            pltpu.make_async_copy(coords_src(pblk0 + ci), cva, sca).wait()
            pltpu.async_copy(coords_src(next_pblk(ci)), cvb, scb)

            @pl.when(ci >= np.int32(2))
            def _():
                wait_puts(vala, spa, pblk0 + ci - np.int32(2))

            compute_fire(cva, idxa, vala, sga, pblk0 + ci)
            drain_put(idxb, valb, sgb, spb, pblk0 + ci - np.int32(1))

        return 0

    lax.fori_loop(np.int32(1), np.int32(CHUNKS), body, 0)
    drain_put(idxb, valb, sgb, spb, pblk0 + np.int32(CHUNKS - 1))
    wait_puts(vala, spa, pblk0 + np.int32(CHUNKS - 2))
    wait_puts(valb, spb, pblk0 + np.int32(CHUNKS - 1))
    pltpu.make_async_copy(coords_src(pblk0 + np.int32(CHUNKS - 1)), cva, sca).wait()


def kernel(coords, tables):
    with _enable_x64(False):
        coords_flat = (coords.reshape(PBLKS, 128, 3)
                       .transpose(0, 2, 1)
                       .reshape(N_POINTS * 3))
        table_flat = (tables.reshape(16, 4096, 128, 2)
                      .transpose(0, 1, 3, 2)
                      .reshape(NUM_LEVELS * HASHMAP_SIZE * 2))
        out = _sc_encode(coords_flat, table_flat)
        return (out.reshape(4, PBLKS, 8, 128)
                .transpose(1, 3, 0, 2)
                .reshape(N_POINTS, WPP))

# --- scband reference (transcript-rebuilt; emitter-appended) ---
"""Pipeline reference for scband-hash-encoding-58823872086056 (READ-ONLY COPY).

The authoritative reference and input builder live on the scoring server;
editing this copy changes nothing except your own understanding.
"""

import jax, jax.numpy as jnp
import numpy as np

jax.config.update("jax_enable_x64", True)

NUM_LEVELS = 16
BASE_RES = 16
MAX_RES = 512
LOG2_HASHMAP = 19
HASHMAP_SIZE = 2 ** LOG2_HASHMAP
FEATURES_PER_LEVEL = 2
INPUT_DIM = 3
N_POINTS = 1048576

RESOLUTIONS = [int(BASE_RES * (MAX_RES / BASE_RES) ** (i / (NUM_LEVELS - 1))) for i in range(NUM_LEVELS)]
PRIMES = np.array([1, 2654435761, 805459861, 3674653429], dtype=np.int64)


def _compute_hash(grid):
    # grid: int64[..., D]; XOR of coord*prime per dim, matching the torch module
    result = jnp.zeros(grid.shape[:-1], dtype=jnp.int64)
    for i in range(min(grid.shape[-1], len(PRIMES))):
        result = result ^ (grid[..., i] * jnp.int64(PRIMES[i]))
    return result


def setup_inputs(seed: int = 0) -> dict:
    key = jax.random.key(seed)
    k1, k2 = jax.random.split(key)
    coords = jax.random.uniform(k1, (N_POINTS, INPUT_DIM), dtype=jnp.float32)
    # stacked per-level embedding tables, init uniform(-1e-4, 1e-4) like the torch module
    tables = jax.random.uniform(k2, (NUM_LEVELS, HASHMAP_SIZE, FEATURES_PER_LEVEL), dtype=jnp.float32, minval=-1e-4, maxval=1e-4)
    return {"coords": coords, "tables": tables}


def reference(coords, tables):
    encoded = []
    for level in range(NUM_LEVELS):
        res = RESOLUTIONS[level]
        scaled = coords * res
        grid = jnp.floor(scaled).astype(jnp.int64)
        idx = _compute_hash(grid) % HASHMAP_SIZE
        feats = jnp.take(tables[level], idx, axis=0)
        encoded.append(feats)
    return jnp.concatenate(encoded, axis=-1)

if __name__ == "__main__":
    import jax
    _d = setup_inputs()
    print(jax.jit(kernel)(*tuple(_d.values())))

</pallas_src>

<mosaic_0001>
#map = affine_map<(d0, d1) -> (0)>
module attributes {stable_mosaic.version = 14 : i64} {
  func.func @_sc_encode(%arg0: i32, %arg1: i32, %arg2: memref<3145728xf32, #tpu.memory_space<hbm>>, %arg3: memref<16777216xf32, #tpu.memory_space<hbm>>, %arg4: memref<33554432xf32, #tpu.memory_space<hbm>>, %arg5: memref<384xf32, #tpu.memory_space<vmem>>, %arg6: memref<384xf32, #tpu.memory_space<vmem>>, %arg7: memref<32x128xi32, #tpu.memory_space<vmem>>, %arg8: memref<32x128xi32, #tpu.memory_space<vmem>>, %arg9: memref<4096xf32, #tpu.memory_space<vmem>>, %arg10: memref<4096xf32, #tpu.memory_space<vmem>>, %arg11: memref<!tpu.dma_semaphore, #tpu.memory_space<semaphore_mem>>, %arg12: memref<!tpu.dma_semaphore, #tpu.memory_space<semaphore_mem>>, %arg13: memref<!tpu.dma_semaphore, #tpu.memory_space<semaphore_mem>>, %arg14: memref<!tpu.dma_semaphore, #tpu.memory_space<semaphore_mem>>, %arg15: memref<!tpu.dma_semaphore, #tpu.memory_space<semaphore_mem>>, %arg16: memref<!tpu.dma_semaphore, #tpu.memory_space<semaphore_mem>>) attributes {dimension_semantics = [#tpu.dimension_semantics<core_parallel>, #tpu.dimension_semantics<subcore_parallel>], iteration_bounds = array<i64: 2, 16>, scalar_prefetch = 0 : i64, scratch_operands = 12 : i64, tpu.core_type = #tpu.core_type<sc_vector_subcore>, window_params = [{transform_indices = #map}, {transform_indices = #map}, {transform_indices = #map}]} {
    %iota3A = tpu.iota {dimensions = array<i32: 0>} : vector<16xi32>
    %mul3A = arith.constant 2 : i32
    %mul3A_0 = arith.muli %arg1, %mul3A : i32
    %add3A = arith.addi %mul3A_0, %arg0 : i32
    %mul3A_1 = arith.constant 256 : i32
    %mul3A_2 = arith.muli %add3A, %mul3A_1 : i32
    %mul3A_3 = arith.constant 384 : i32
    %mul3A_4 = arith.muli %mul3A_2, %mul3A_3 : i32
    "tpu.region"() ({
      %run_scoped3A = tpu.sem_alloc : memref<!tpu.dma_semaphore, #tpu.memory_space<semaphore_mem>>
      %dma_start3A_69 = tpu.memref_slice %arg2[%mul3A_4] : memref<3145728xf32, #tpu.memory_space<hbm>> -> memref<384xf32, #tpu.memory_space<hbm>>
      %dma_start3A_70 = tpu.memref_slice %arg2[%mul3A_4] : memref<3145728xf32, #tpu.memory_space<hbm>> -> memref<384xf32, #tpu.memory_space<hbm>>
      tpu.enqueue_dma source(%dma_start3A_70 : memref<384xf32, #tpu.memory_space<hbm>>) target(%arg5 : memref<384xf32, #tpu.memory_space<vmem>>) target_semaphore(%run_scoped3A : memref<!tpu.dma_semaphore, #tpu.memory_space<semaphore_mem>>)
      %dma_wait3A_71 = tpu.memref_slice %arg2[%mul3A_4] : memref<3145728xf32, #tpu.memory_space<hbm>> -> memref<384xf32, #tpu.memory_space<hbm>>
      %dma_wait3A_72 = tpu.memref_slice %arg2[%mul3A_4] : memref<3145728xf32, #tpu.memory_space<hbm>> -> memref<384xf32, #tpu.memory_space<hbm>>
      tpu.wait_dma2 semaphore(%run_scoped3A : memref<!tpu.dma_semaphore, #tpu.memory_space<semaphore_mem>>) src(%dma_wait3A_72 : memref<384xf32, #tpu.memory_space<hbm>>) dst(%arg5 : memref<384xf32, #tpu.memory_space<vmem>>)
      tpu.yield
    }) : () -> ()
    %add3A_5 = arith.constant 1 : i32
    %add3A_6 = arith.addi %mul3A_2, %add3A_5 : i32
    %mul3A_7 = arith.constant 384 : i32
    %mul3A_8 = arith.muli %add3A_6, %mul3A_7 : i32
    %dma_start3A = tpu.memref_slice %arg2[%mul3A_8] : memref<3145728xf32, #tpu.memory_space<hbm>> -> memref<384xf32, #tpu.memory_space<hbm>>
    %dma_start3A_9 = tpu.memref_slice %arg2[%mul3A_8] : memref<3145728xf32, #tpu.memory_space<hbm>> -> memref<384xf32, #tpu.memory_space<hbm>>
    tpu.enqueue_dma source(%dma_start3A_9 : memref<384xf32, #tpu.memory_space<hbm>>) target(%arg6 : memref<384xf32, #tpu.memory_space<vmem>>) target_semaphore(%arg14 : memref<!tpu.dma_semaphore, #tpu.memory_space<semaphore_mem>>)
    %scan3A = arith.constant 0 : i32
    %scan3A_10 = arith.constant 0 : i32
    %scan3A_11 = arith.constant 8 : i32
    %scan3A_12 = arith.addi %scan3A_10, %scan3A_11 : i32
    %scan3A_13 = arith.constant 1 : i32
    %scan3A_14 = scf.for %scan3A_69 = %scan3A_10 to %scan3A_12 step %scan3A_13 iter_args(%scan3A_70 = %scan3A) -> (i32)  : i32 {
      %mul3A_71 = arith.constant 16 : i32
      %mul3A_72 = arith.muli %scan3A_69, %mul3A_71 : i32
      %get3A = arith.index_cast %mul3A_72 : i32 to index
      %get3A_73 = tpu.vector_load %arg5[%get3A] {strides = array<i32>} : memref<384xf32, #tpu.memory_space<vmem>>, vector<16xf32>,
      %add3A_74 = arith.constant 128 : i32
      %add3A_75 = arith.addi %mul3A_72, %add3A_74 : i32
      %get3A_76 = arith.index_cast %add3A_75 : i32 to index
      %get3A_77 = tpu.vector_load %arg5[%get3A_76] {strides = array<i32>} : memref<384xf32, #tpu.memory_space<vmem>>, vector<16xf32>,
      %add3A_78 = arith.constant 256 : i32
      %add3A_79 = arith.addi %mul3A_72, %add3A_78 : i32
      %get3A_80 = arith.index_cast %add3A_79 : i32 to index
      %get3A_81 = tpu.vector_load %arg5[%get3A_80] {strides = array<i32>} : memref<384xf32, #tpu.memory_space<vmem>>, vector<16xf32>,
      %mul3A_82 = arith.constant 1.600000e+01 : f32
      %mul3A_83 = vector.broadcast %mul3A_82 : f32 to vector<16xf32>
      %mul3A_84 = arith.mulf %get3A_73, %mul3A_83 : vector<16xf32>
      %convert_element_type3A = arith.fptosi %mul3A_84 : vector<16xf32> to vector<16xi32>
      %mul3A_85 = arith.constant 1.600000e+01 : f32
      %mul3A_86 = vector.broadcast %mul3A_85 : f32 to vector<16xf32>
      %mul3A_87 = arith.mulf %get3A_77, %mul3A_86 : vector<16xf32>
      %convert_element_type3A_88 = arith.fptosi %mul3A_87 : vector<16xf32> to vector<16xi32>
      %mul3A_89 = arith.constant 1.600000e+01 : f32
      %mul3A_90 = vector.broadcast %mul3A_89 : f32 to vector<16xf32>
      %mul3A_91 = arith.mulf %get3A_81, %mul3A_90 : vector<16xf32>
      %convert_element_type3A_92 = arith.fptosi %mul3A_91 : vector<16xf32> to vector<16xi32>
      %mul3A_93 = arith.constant -1640531535 : i32
      %mul3A_94 = vector.broadcast %mul3A_93 : i32 to vector<16xi32>
      %mul3A_95 = arith.muli %convert_element_type3A_88, %mul3A_94 : vector<16xi32>
      %xor3A = arith.xori %convert_element_type3A, %mul3A_95 : vector<16xi32>
      %mul3A_96 = arith.constant 805459861 : i32
      %mul3A_97 = vector.broadcast %mul3A_96 : i32 to vector<16xi32>
      %mul3A_98 = arith.muli %convert_element_type3A_92, %mul3A_97 : vector<16xi32>
      %xor3A_99 = arith.xori %xor3A, %mul3A_98 : vector<16xi32>
      %and3A = arith.constant 524287 : i32
      %and3A_100 = vector.broadcast %and3A : i32 to vector<16xi32>
      %and3A_101 = arith.andi %xor3A_99, %and3A_100 : vector<16xi32>
      %and3A_102 = arith.constant 127 : i32
      %and3A_103 = vector.broadcast %and3A_102 : i32 to vector<16xi32>
      %and3A_104 = arith.andi %and3A_101, %and3A_103 : vector<16xi32>
      %xor3A_105 = arith.xori %and3A_101, %and3A_104 : vector<16xi32>
      %shift_left3A = arith.constant 1 : i32
      %shift_left3A_106 = vector.broadcast %shift_left3A : i32 to vector<16xi32>
      %shift_left3A_107 = arith.shli %xor3A_105, %shift_left3A_106 : vector<16xi32>
      %add3A_108 = arith.constant 0 : i32
      %add3A_109 = vector.broadcast %add3A_108 : i32 to vector<16xi32>
      %add3A_110 = arith.addi %and3A_104, %add3A_109 : vector<16xi32>
      %add3A_111 = arith.addi %shift_left3A_107, %add3A_110 : vector<16xi32>
      %swap3A = arith.constant 0 : i32
      %swap3A_112 = arith.index_cast %swap3A : i32 to index
      %swap3A_113 = arith.index_cast %mul3A_72 : i32 to index
      %swap3A_114 = tpu.vector_load %arg7[%swap3A_112, %swap3A_113] {strides = array<i32>} : memref<32x128xi32, #tpu.memory_space<vmem>>, vector<16xi32>,
      tpu.vector_store %arg7[%swap3A_112, %swap3A_113], %add3A_111 {strides = array<i32>} : memref<32x128xi32, #tpu.memory_space<vmem>>, vector<16xi32>,
      %add3A_115 = arith.constant 128 : i32
      %add3A_116 = vector.broadcast %add3A_115 : i32 to vector<16xi32>
      %add3A_117 = arith.addi %add3A_111, %add3A_116 : vector<16xi32>
      %swap3A_118 = arith.constant 1 : i32
      %swap3A_119 = arith.index_cast %swap3A_118 : i32 to index
      %swap3A_120 = arith.index_cast %mul3A_72 : i32 to index
      %swap3A_121 = tpu.vector_load %arg7[%swap3A_119, %swap3A_120] {strides = array<i32>} : memref<32x128xi32, #tpu.memory_space<vmem>>, vector<16xi32>,
      tpu.vector_store %arg7[%swap3A_119, %swap3A_120], %add3A_117 {strides = array<i32>} : memref<32x128xi32, #tpu.memory_space<vmem>>, vector<16xi32>,
      %mul3A_122 = arith.constant 2.000000e+01 : f32
      %mul3A_123 = vector.broadcast %mul3A_122 : f32 to vector<16xf32>
      %mul3A_124 = arith.mulf %get3A_73, %mul3A_123 : vector<16xf32>
      %convert_element_type3A_125 = arith.fptosi %mul3A_124 : vector<16xf32> to vector<16xi32>
      %mul3A_126 = arith.constant 2.000000e+01 : f32
      %mul3A_127 = vector.broadcast %mul3A_126 : f32 to vector<16xf32>
      %mul3A_128 = arith.mulf %get3A_77, %mul3A_127 : vector<16xf32>
      %convert_element_type3A_129 = arith.fptosi %mul3A_128 : vector<16xf32> to vector<16xi32>
      %mul3A_130 = arith.constant 2.000000e+01 : f32
      %mul3A_131 = vector.broadcast %mul3A_130 : f32 to vector<16xf32>
      %mul3A_132 = arith.mulf %get3A_81, %mul3A_131 : vector<16xf32>
      %convert_element_type3A_133 = arith.fptosi %mul3A_132 : vector<16xf32> to vector<16xi32>
      %mul3A_134 = arith.constant -1640531535 : i32
      %mul3A_135 = vector.broadcast %mul3A_134 : i32 to vector<16xi32>
      %mul3A_136 = arith.muli %convert_element_type3A_129, %mul3A_135 : vector<16xi32>
      %xor3A_137 = arith.xori %convert_element_type3A_125, %mul3A_136 : vector<16xi32>
      %mul3A_138 = arith.constant 805459861 : i32
      %mul3A_139 = vector.broadcast %mul3A_138 : i32 to vector<16xi32>
      %mul3A_140 = arith.muli %convert_element_type3A_133, %mul3A_139 : vector<16xi32>
      %xor3A_141 = arith.xori %xor3A_137, %mul3A_140 : vector<16xi32>
      %and3A_142 = arith.constant 524287 : i32
      %and3A_143 = vector.broadcast %and3A_142 : i32 to vector<16xi32>
      %and3A_144 = arith.andi %xor3A_141, %and3A_143 : vector<16xi32>
      %and3A_145 = arith.constant 127 : i32
      %and3A_146 = vector.broadcast %and3A_145 : i32 to vector<16xi32>
      %and3A_147 = arith.andi %and3A_144, %and3A_146 : vector<16xi32>
      %xor3A_148 = arith.xori %and3A_144, %and3A_147 : vector<16xi32>
      %shift_left3A_149 = arith.constant 1 : i32
      %shift_left3A_150 = vector.broadcast %shift_left3A_149 : i32 to vector<16xi32>
      %shift_left3A_151 = arith.shli %xor3A_148, %shift_left3A_150 : vector<16xi32>
      %add3A_152 = arith.constant 1048576 : i32
      %add3A_153 = vector.broadcast %add3A_152 : i32 to vector<16xi32>
      %add3A_154 = arith.addi %and3A_147, %add3A_153 : vector<16xi32>
      %add3A_155 = arith.addi %shift_left3A_151, %add3A_154 : vector<16xi32>
      %swap3A_156 = arith.constant 2 : i32
      %swap3A_157 = arith.index_cast %swap3A_156 : i32 to index
      %swap3A_158 = arith.index_cast %mul3A_72 : i32 to index
      %swap3A_159 = tpu.vector_load %arg7[%swap3A_157, %swap3A_158] {strides = array<i32>} : memref<32x128xi32, #tpu.memory_space<vmem>>, vector<16xi32>,
      tpu.vector_store %arg7[%swap3A_157, %swap3A_158], %add3A_155 {strides = array<i32>} : memref<32x128xi32, #tpu.memory_space<vmem>>, vector<16xi32>,
      %add3A_160 = arith.constant 128 : i32
      %add3A_161 = vector.broadcast %add3A_160 : i32 to vector<16xi32>
      %add3A_162 = arith.addi %add3A_155, %add3A_161 : vector<16xi32>
      %swap3A_163 = arith.constant 3 : i32
      %swap3A_164 = arith.index_cast %swap3A_163 : i32 to index
      %swap3A_165 = arith.index_cast %mul3A_72 : i32 to index
      %swap3A_166 = tpu.vector_load %arg7[%swap3A_164, %swap3A_165] {strides = array<i32>} : memref<32x128xi32, #tpu.memory_space<vmem>>, vector<16xi32>,
      tpu.vector_store %arg7[%swap3A_164, %swap3A_165], %add3A_162 {strides = array<i32>} : memref<32x128xi32, #tpu.memory_space<vmem>>, vector<16xi32>,
      %mul3A_167 = arith.constant 2.500000e+01 : f32
      %mul3A_168 = vector.broadcast %mul3A_167 : f32 to vector<16xf32>
      %mul3A_169 = arith.mulf %get3A_73, %mul3A_168 : vector<16xf32>
      %convert_element_type3A_170 = arith.fptosi %mul3A_169 : vector<16xf32> to vector<16xi32>
      %mul3A_171 = arith.constant 2.500000e+01 : f32
      %mul3A_172 = vector.broadcast %mul3A_171 : f32 to vector<16xf32>
      %mul3A_173 = arith.mulf %get3A_77, %mul3A_172 : vector<16xf32>
      %convert_element_type3A_174 = arith.fptosi %mul3A_173 : vector<16xf32> to vector<16xi32>
      %mul3A_175 = arith.constant 2.500000e+01 : f32
      %mul3A_176 = vector.broadcast %mul3A_175 : f32 to vector<16xf32>
      %mul3A_177 = arith.mulf %get3A_81, %mul3A_176 : vector<16xf32>
      %convert_element_type3A_178 = arith.fptosi %mul3A_177 : vector<16xf32> to vector<16xi32>
      %mul3A_179 = arith.constant -1640531535 : i32
      %mul3A_180 = vector.broadcast %mul3A_179 : i32 to vector<16xi32>
      %mul3A_181 = arith.muli %convert_element_type3A_174, %mul3A_180 : vector<16xi32>
      %xor3A_182 = arith.xori %convert_element_type3A_170, %mul3A_181 : vector<16xi32>
      %mul3A_183 = arith.constant 805459861 : i32
      %mul3A_184 = vector.broadcast %mul3A_183 : i32 to vector<16xi32>
      %mul3A_185 = arith.muli %convert_element_type3A_178, %mul3A_184 : vector<16xi32>
      %xor3A_186 = arith.xori %xor3A_182, %mul3A_185 : vector<16xi32>
      %and3A_187 = arith.constant 524287 : i32
      %and3A_188 = vector.broadcast %and3A_187 : i32 to vector<16xi32>
      %and3A_189 = arith.andi %xor3A_186, %and3A_188 : vector<16xi32>
      %and3A_190 = arith.constant 127 : i32
      %and3A_191 = vector.broadcast %and3A_190 : i32 to vector<16xi32>
      %and3A_192 = arith.andi %and3A_189, %and3A_191 : vector<16xi32>
      %xor3A_193 = arith.xori %and3A_189, %and3A_192 : vector<16xi32>
      %shift_left3A_194 = arith.constant 1 : i32
      %shift_left3A_195 = vector.broadcast %shift_left3A_194 : i32 to vector<16xi32>
      %shift_left3A_196 = arith.shli %xor3A_193, %shift_left3A_195 : vector<16xi32>
      %add3A_197 = arith.constant 2097152 : i32
      %add3A_198 = vector.broadcast %add3A_197 : i32 to vector<16xi32>
      %add3A_199 = arith.addi %and3A_192, %add3A_198 : vector<16xi32>
      %add3A_200 = arith.addi %shift_left3A_196, %add3A_199 : vector<16xi32>
      %swap3A_201 = arith.constant 4 : i32
      %swap3A_202 = arith.index_cast %swap3A_201 : i32 to index
      %swap3A_203 = arith.index_cast %mul3A_72 : i32 to index
      %swap3A_204 = tpu.vector_load %arg7[%swap3A_202, %swap3A_203] {strides = array<i32>} : memref<32x128xi32, #tpu.memory_space<vmem>>, vector<16xi32>,
      tpu.vector_store %arg7[%swap3A_202, %swap3A_203], %add3A_200 {strides = array<i32>} : memref<32x128xi32, #tpu.memory_space<vmem>>, vector<16xi32>,
      %add3A_205 = arith.constant 128 : i32
      %add3A_206 = vector.broadcast %add3A_205 : i32 to vector<16xi32>
      %add3A_207 = arith.addi %add3A_200, %add3A_206 : vector<16xi32>
      %swap3A_208 = arith.constant 5 : i32
      %swap3A_209 = arith.index_cast %swap3A_208 : i32 to index
      %swap3A_210 = arith.index_cast %mul3A_72 : i32 to index
      %swap3A_211 = tpu.vector_load %arg7[%swap3A_209, %swap3A_210] {strides = array<i32>} : memref<32x128xi32, #tpu.memory_space<vmem>>, vector<16xi32>,
      tpu.vector_store %arg7[%swap3A_209, %swap3A_210], %add3A_207 {strides = array<i32>} : memref<32x128xi32, #tpu.memory_space<vmem>>, vector<16xi32>,
      %mul3A_212 = arith.constant 3.200000e+01 : f32
      %mul3A_213 = vector.broadcast %mul3A_212 : f32 to vector<16xf32>
      %mul3A_214 = arith.mulf %get3A_73, %mul3A_213 : vector<16xf32>
      %convert_element_type3A_215 = arith.fptosi %mul3A_214 : vector<16xf32> to vector<16xi32>
      %mul3A_216 = arith.constant 3.200000e+01 : f32
      %mul3A_217 = vector.broadcast %mul3A_216 : f32 to vector<16xf32>
      %mul3A_218 = arith.mulf %get3A_77, %mul3A_217 : vector<16xf32>
      %convert_element_type3A_219 = arith.fptosi %mul3A_218 : vector<16xf32> to vector<16xi32>
      %mul3A_220 = arith.constant 3.200000e+01 : f32
      %mul3A_221 = vector.broadcast %mul3A_220 : f32 to vector<16xf32>
      %mul3A_222 = arith.mulf %get3A_81, %mul3A_221 : vector<16xf32>
      %convert_element_type3A_223 = arith.fptosi %mul3A_222 : vector<16xf32> to vector<16xi32>
      %mul3A_224 = arith.constant -1640531535 : i32
      %mul3A_225 = vector.broadcast %mul3A_224 : i32 to vector<16xi32>
      %mul3A_226 = arith.muli %convert_element_type3A_219, %mul3A_225 : vector<16xi32>
      %xor3A_227 = arith.xori %convert_element_type3A_215, %mul3A_226 : vector<16xi32>
      %mul3A_228 = arith.constant 805459861 : i32
      %mul3A_229 = vector.broadcast %mul3A_228 : i32 to vector<16xi32>
      %mul3A_230 = arith.muli %convert_element_type3A_223, %mul3A_229 : vector<16xi32>
      %xor3A_231 = arith.xori %xor3A_227, %mul3A_230 : vector<16xi32>
      %and3A_232 = arith.constant 524287 : i32
      %and3A_233 = vector.broadcast %and3A_232 : i32 to vector<16xi32>
      %and3A_234 = arith.andi %xor3A_231, %and3A_233 : vector<16xi32>
      %and3A_235 = arith.constant 127 : i32
      %and3A_236 = vector.broadcast %and3A_235 : i32 to vector<16xi32>
      %and3A_237 = arith.andi %and3A_234, %and3A_236 : vector<16xi32>
      %xor3A_238 = arith.xori %and3A_234, %and3A_237 : vector<16xi32>
      %shift_left3A_239 = arith.constant 1 : i32
      %shift_left3A_240 = vector.broadcast %shift_left3A_239 : i32 to vector<16xi32>
      %shift_left3A_241 = arith.shli %xor3A_238, %shift_left3A_240 : vector<16xi32>
      %add3A_242 = arith.constant 3145728 : i32
      %add3A_243 = vector.broadcast %add3A_242 : i32 to vector<16xi32>
      %add3A_244 = arith.addi %and3A_237, %add3A_243 : vector<16xi32>
      %add3A_245 = arith.addi %shift_left3A_241, %add3A_244 : vector<16xi32>
      %swap3A_246 = arith.constant 6 : i32
      %swap3A_247 = arith.index_cast %swap3A_246 : i32 to index
      %swap3A_248 = arith.index_cast %mul3A_72 : i32 to index
      %swap3A_249 = tpu.vector_load %arg7[%swap3A_247, %swap3A_248] {strides = array<i32>} : memref<32x128xi32, #tpu.memory_space<vmem>>, vector<16xi32>,
      tpu.vector_store %arg7[%swap3A_247, %swap3A_248], %add3A_245 {strides = array<i32>} : memref<32x128xi32, #tpu.memory_space<vmem>>, vector<16xi32>,
      %add3A_250 = arith.constant 128 : i32
      %add3A_251 = vector.broadcast %add3A_250 : i32 to vector<16xi32>
      %add3A_252 = arith.addi %add3A_245, %add3A_251 : vector<16xi32>
      %swap3A_253 = arith.constant 7 : i32
      %swap3A_254 = arith.index_cast %swap3A_253 : i32 to index
      %swap3A_255 = arith.index_cast %mul3A_72 : i32 to index
      %swap3A_256 = tpu.vector_load %arg7[%swap3A_254, %swap3A_255] {strides = array<i32>} : memref<32x128xi32, #tpu.memory_space<vmem>>, vector<16xi32>,
      tpu.vector_store %arg7[%swap3A_254, %swap3A_255], %add3A_252 {strides = array<i32>} : memref<32x128xi32, #tpu.memory_space<vmem>>, vector<16xi32>,
      %mul3A_257 = arith.constant 4.000000e+01 : f32
      %mul3A_258 = vector.broadcast %mul3A_257 : f32 to vector<16xf32>
      %mul3A_259 = arith.mulf %get3A_73, %mul3A_258 : vector<16xf32>
      %convert_element_type3A_260 = arith.fptosi %mul3A_259 : vector<16xf32> to vector<16xi32>
      %mul3A_261 = arith.constant 4.000000e+01 : f32
      %mul3A_262 = vector.broadcast %mul3A_261 : f32 to vector<16xf32>
      %mul3A_263 = arith.mulf %get3A_77, %mul3A_262 : vector<16xf32>
      %convert_element_type3A_264 = arith.fptosi %mul3A_263 : vector<16xf32> to vector<16xi32>
      %mul3A_265 = arith.constant 4.000000e+01 : f32
      %mul3A_266 = vector.broadcast %mul3A_265 : f32 to vector<16xf32>
      %mul3A_267 = arith.mulf %get3A_81, %mul3A_266 : vector<16xf32>
      %convert_element_type3A_268 = arith.fptosi %mul3A_267 : vector<16xf32> to vector<16xi32>
      %mul3A_269 = arith.constant -1640531535 : i32
      %mul3A_270 = vector.broadcast %mul3A_269 : i32 to vector<16xi32>
      %mul3A_271 = arith.muli %convert_element_type3A_264, %mul3A_270 : vector<16xi32>
      %xor3A_272 = arith.xori %convert_element_type3A_260, %mul3A_271 : vector<16xi32>
      %mul3A_273 = arith.constant 805459861 : i32
      %mul3A_274 = vector.broadcast %mul3A_273 : i32 to vector<16xi32>
      %mul3A_275 = arith.muli %convert_element_type3A_268, %mul3A_274 : vector<16xi32>
      %xor3A_276 = arith.xori %xor3A_272, %mul3A_275 : vector<16xi32>
      %and3A_277 = arith.constant 524287 : i32
      %and3A_278 = vector.broadcast %and3A_277 : i32 to vector<16xi32>
      %and3A_279 = arith.andi %xor3A_276, %and3A_278 : vector<16xi32>
      %and3A_280 = arith.constant 127 : i32
      %and3A_281 = vector.broadcast %and3A_280 : i32 to vector<16xi32>
      %and3A_282 = arith.andi %and3A_279, %and3A_281 : vector<16xi32>
      %xor3A_283 = arith.xori %and3A_279, %and3A_282 : vector<16xi32>
      %shift_left3A_284 = arith.constant 1 : i32
      %shift_left3A_285 = vector.broadcast %shift_left3A_284 : i32 to vector<16xi32>
      %shift_left3A_286 = arith.shli %xor3A_283, %shift_left3A_285 : vector<16xi32>
      %add3A_287 = arith.constant 4194304 : i32
      %add3A_288 = vector.broadcast %add3A_287 : i32 to vector<16xi32>
      %add3A_289 = arith.addi %and3A_282, %add3A_288 : vector<16xi32>
      %add3A_290 = arith.addi %shift_left3A_286, %add3A_289 : vector<16xi32>
      %swap3A_291 = arith.constant 8 : i32
      %swap3A_292 = arith.index_cast %swap3A_291 : i32 to index
      %swap3A_293 = arith.index_cast %mul3A_72 : i32 to index
      %swap3A_294 = tpu.vector_load %arg7[%swap3A_292, %swap3A_293] {strides = array<i32>} : memref<32x128xi32, #tpu.memory_space<vmem>>, vector<16xi32>,
      tpu.vector_store %arg7[%swap3A_292, %swap3A_293], %add3A_290 {strides = array<i32>} : memref<32x128xi32, #tpu.memory_space<vmem>>, vector<16xi32>,
      %add3A_295 = arith.constant 128 : i32
      %add3A_296 = vector.broadcast %add3A_295 : i32 to vector<16xi32>
      %add3A_297 = arith.addi %add3A_290, %add3A_296 : vector<16xi32>
      %swap3A_298 = arith.constant 9 : i32
      %swap3A_299 = arith.index_cast %swap3A_298 : i32 to index
      %swap3A_300 = arith.index_cast %mul3A_72 : i32 to index
      %swap3A_301 = tpu.vector_load %arg7[%swap3A_299, %swap3A_300] {strides = array<i32>} : memref<32x128xi32, #tpu.memory_space<vmem>>, vector<16xi32>,
      tpu.vector_store %arg7[%swap3A_299, %swap3A_300], %add3A_297 {strides = array<i32>} : memref<32x128xi32, #tpu.memory_space<vmem>>, vector<16xi32>,
      %mul3A_302 = arith.constant 5.000000e+01 : f32
      %mul3A_303 = vector.broadcast %mul3A_302 : f32 to vector<16xf32>
      %mul3A_304 = arith.mulf %get3A_73, %mul3A_303 : vector<16xf32>
      %convert_element_type3A_305 = arith.fptosi %mul3A_304 : vector<16xf32> to vector<16xi32>
      %mul3A_306 = arith.constant 5.000000e+01 : f32
      %mul3A_307 = vector.broadcast %mul3A_306 : f32 to vector<16xf32>
      %mul3A_308 = arith.mulf %get3A_77, %mul3A_307 : vector<16xf32>
      %convert_element_type3A_309 = arith.fptosi %mul3A_308 : vector<16xf32> to vector<16xi32>
      %mul3A_310 = arith.constant 5.000000e+01 : f32
      %mul3A_311 = vector.broadcast %mul3A_310 : f32 to vector<16xf32>
      %mul3A_312 = arith.mulf %get3A_81, %mul3A_311 : vector<16xf32>
      %convert_element_type3A_313 = arith.fptosi %mul3A_312 : vector<16xf32> to vector<16xi32>
      %mul3A_314 = arith.constant -1640531535 : i32
      %mul3A_315 = vector.broadcast %mul3A_314 : i32 to vector<16xi32>
      %mul3A_316 = arith.muli %convert_element_type3A_309, %mul3A_315 : vector<16xi32>
      %xor3A_317 = arith.xori %convert_element_type3A_305, %mul3A_316 : vector<16xi32>
      %mul3A_318 = arith.constant 805459861 : i32
      %mul3A_319 = vector.broadcast %mul3A_318 : i32 to vector<16xi32>
      %mul3A_320 = arith.muli %convert_element_type3A_313, %mul3A_319 : vector<16xi32>
      %xor3A_321 = arith.xori %xor3A_317, %mul3A_320 : vector<16xi32>
      %and3A_322 = arith.constant 524287 : i32
      %and3A_323 = vector.broadcast %and3A_322 : i32 to vector<16xi32>
      %and3A_324 = arith.andi %xor3A_321, %and3A_323 : vector<16xi32>
      %and3A_325 = arith.constant 127 : i32
      %and3A_326 = vector.broadcast %and3A_325 : i32 to vector<16xi32>
      %and3A_327 = arith.andi %and3A_324, %and3A_326 : vector<16xi32>
      %xor3A_328 = arith.xori %and3A_324, %and3A_327 : vector<16xi32>
      %shift_left3A_329 = arith.constant 1 : i32
      %shift_left3A_330 = vector.broadcast %shift_left3A_329 : i32 to vector<16xi32>
      %shift_left3A_331 = arith.shli %xor3A_328, %shift_left3A_330 : vector<16xi32>
      %add3A_332 = arith.constant 5242880 : i32
      %add3A_333 = vector.broadcast %add3A_332 : i32 to vector<16xi32>
      %add3A_334 = arith.addi %and3A_327, %add3A_333 : vector<16xi32>
      %add3A_335 = arith.addi %shift_left3A_331, %add3A_334 : vector<16xi32>
      %swap3A_336 = arith.constant 10 : i32
      %swap3A_337 = arith.index_cast %swap3A_336 : i32 to index
      %swap3A_338 = arith.index_cast %mul3A_72 : i32 to index
      %swap3A_339 = tpu.vector_load %arg7[%swap3A_337, %swap3A_338] {strides = array<i32>} : memref<32x128xi32, #tpu.memory_space<vmem>>, vector<16xi32>,
      tpu.vector_store %arg7[%swap3A_337, %swap3A_338], %add3A_335 {strides = array<i32>} : memref<32x128xi32, #tpu.memory_space<vmem>>, vector<16xi32>,
      %add3A_340 = arith.constant 128 : i32
      %add3A_341 = vector.broadcast %add3A_340 : i32 to vector<16xi32>
      %add3A_342 = arith.addi %add3A_335, %add3A_341 : vector<16xi32>
      %swap3A_343 = arith.constant 11 : i32
      %swap3A_344 = arith.index_cast %swap3A_343 : i32 to index
      %swap3A_345 = arith.index_cast %mul3A_72 : i32 to index
      %swap3A_346 = tpu.vector_load %arg7[%swap3A_344, %swap3A_345] {strides = array<i32>} : memref<32x128xi32, #tpu.memory_space<vmem>>, vector<16xi32>,
      tpu.vector_store %arg7[%swap3A_344, %swap3A_345], %add3A_342 {strides = array<i32>} : memref<32x128xi32, #tpu.memory_space<vmem>>, vector<16xi32>,
      %mul3A_347 = arith.constant 6.400000e+01 : f32
      %mul3A_348 = vector.broadcast %mul3A_347 : f32 to vector<16xf32>
      %mul3A_349 = arith.mulf %get3A_73, %mul3A_348 : vector<16xf32>
      %convert_element_type3A_350 = arith.fptosi %mul3A_349 : vector<16xf32> to vector<16xi32>
      %mul3A_351 = arith.constant 6.400000e+01 : f32
      %mul3A_352 = vector.broadcast %mul3A_351 : f32 to vector<16xf32>
      %mul3A_353 = arith.mulf %get3A_77, %mul3A_352 : vector<16xf32>
      %convert_element_type3A_354 = arith.fptosi %mul3A_353 : vector<16xf32> to vector<16xi32>
      %mul3A_355 = arith.constant 6.400000e+01 : f32
      %mul3A_356 = vector.broadcast %mul3A_355 : f32 to vector<16xf32>
      %mul3A_357 = arith.mulf %get3A_81, %mul3A_356 : vector<16xf32>
      %convert_element_type3A_358 = arith.fptosi %mul3A_357 : vector<16xf32> to vector<16xi32>
      %mul3A_359 = arith.constant -1640531535 : i32
      %mul3A_360 = vector.broadcast %mul3A_359 : i32 to vector<16xi32>
      %mul3A_361 = arith.muli %convert_element_type3A_354, %mul3A_360 : vector<16xi32>
      %xor3A_362 = arith.xori %convert_element_type3A_350, %mul3A_361 : vector<16xi32>
      %mul3A_363 = arith.constant 805459861 : i32
      %mul3A_364 = vector.broadcast %mul3A_363 : i32 to vector<16xi32>
      %mul3A_365 = arith.muli %convert_element_type3A_358, %mul3A_364 : vector<16xi32>
      %xor3A_366 = arith.xori %xor3A_362, %mul3A_365 : vector<16xi32>
      %and3A_367 = arith.constant 524287 : i32
      %and3A_368 = vector.broadcast %and3A_367 : i32 to vector<16xi32>
      %and3A_369 = arith.andi %xor3A_366, %and3A_368 : vector<16xi32>
      %and3A_370 = arith.constant 127 : i32
      %and3A_371 = vector.broadcast %and3A_370 : i32 to vector<16xi32>
      %and3A_372 = arith.andi %and3A_369, %and3A_371 : vector<16xi32>
      %xor3A_373 = arith.xori %and3A_369, %and3A_372 : vector<16xi32>
      %shift_left3A_374 = arith.constant 1 : i32
      %shift_left3A_375 = vector.broadcast %shift_left3A_374 : i32 to vector<16xi32>
      %shift_left3A_376 = arith.shli %xor3A_373, %shift_left3A_375 : vector<16xi32>
      %add3A_377 = arith.constant 6291456 : i32
      %add3A_378 = vector.broadcast %add3A_377 : i32 to vector<16xi32>
      %add3A_379 = arith.addi %and3A_372, %add3A_378 : vector<16xi32>
      %add3A_380 = arith.addi %shift_left3A_376, %add3A_379 : vector<16xi32>
      %swap3A_381 = arith.constant 12 : i32
      %swap3A_382 = arith.index_cast %swap3A_381 : i32 to index
      %swap3A_383 = arith.index_cast %mul3A_72 : i32 to index
      %swap3A_384 = tpu.vector_load %arg7[%swap3A_382, %swap3A_383] {strides = array<i32>} : memref<32x128xi32, #tpu.memory_space<vmem>>, vector<16xi32>,
      tpu.vector_store %arg7[%swap3A_382, %swap3A_383], %add3A_380 {strides = array<i32>} : memref<32x128xi32, #tpu.memory_space<vmem>>, vector<16xi32>,
      %add3A_385 = arith.constant 128 : i32
      %add3A_386 = vector.broadcast %add3A_385 : i32 to vector<16xi32>
      %add3A_387 = arith.addi %add3A_380, %add3A_386 : vector<16xi32>
      %swap3A_388 = arith.constant 13 : i32
      %swap3A_389 = arith.index_cast %swap3A_388 : i32 to index
      %swap3A_390 = arith.index_cast %mul3A_72 : i32 to index
      %swap3A_391 = tpu.vector_load %arg7[%swap3A_389, %swap3A_390] {strides = array<i32>} : memref<32x128xi32, #tpu.memory_space<vmem>>, vector<16xi32>,
      tpu.vector_store %arg7[%swap3A_389, %swap3A_390], %add3A_387 {strides = array<i32>} : memref<32x128xi32, #tpu.memory_space<vmem>>, vector<16xi32>,
      %mul3A_392 = arith.constant 8.000000e+01 : f32
      %mul3A_393 = vector.broadcast %mul3A_392 : f32 to vector<16xf32>
      %mul3A_394 = arith.mulf %get3A_73, %mul3A_393 : vector<16xf32>
      %convert_element_type3A_395 = arith.fptosi %mul3A_394 : vector<16xf32> to vector<16xi32>
      %mul3A_396 = arith.constant 8.000000e+01 : f32
      %mul3A_397 = vector.broadcast %mul3A_396 : f32 to vector<16xf32>
      %mul3A_398 = arith.mulf %get3A_77, %mul3A_397 : vector<16xf32>
      %convert_element_type3A_399 = arith.fptosi %mul3A_398 : vector<16xf32> to vector<16xi32>
      %mul3A_400 = arith.constant 8.000000e+01 : f32
      %mul3A_401 = vector.broadcast %mul3A_400 : f32 to vector<16xf32>
      %mul3A_402 = arith.mulf %get3A_81, %mul3A_401 : vector<16xf32>
      %convert_element_type3A_403 = arith.fptosi %mul3A_402 : vector<16xf32> to vector<16xi32>
      %mul3A_404 = arith.constant -1640531535 : i32
      %mul3A_405 = vector.broadcast %mul3A_404 : i32 to vector<16xi32>
      %mul3A_406 = arith.muli %convert_element_type3A_399, %mul3A_405 : vector<16xi32>
      %xor3A_407 = arith.xori %convert_element_type3A_395, %mul3A_406 : vector<16xi32>
      %mul3A_408 = arith.constant 805459861 : i32
      %mul3A_409 = vector.broadcast %mul3A_408 : i32 to vector<16xi32>
      %mul3A_410 = arith.muli %convert_element_type3A_403, %mul3A_409 : vector<16xi32>
      %xor3A_411 = arith.xori %xor3A_407, %mul3A_410 : vector<16xi32>
      %and3A_412 = arith.constant 524287 : i32
      %and3A_413 = vector.broadcast %and3A_412 : i32 to vector<16xi32>
      %and3A_414 = arith.andi %xor3A_411, %and3A_413 : vector<16xi32>
      %and3A_415 = arith.constant 127 : i32
      %and3A_416 = vector.broadcast %and3A_415 : i32 to vector<16xi32>
      %and3A_417 = arith.andi %and3A_414, %and3A_416 : vector<16xi32>
      %xor3A_418 = arith.xori %and3A_414, %and3A_417 : vector<16xi32>
      %shift_left3A_419 = arith.constant 1 : i32
      %shift_left3A_420 = vector.broadcast %shift_left3A_419 : i32 to vector<16xi32>
      %shift_left3A_421 = arith.shli %xor3A_418, %shift_left3A_420 : vector<16xi32>
      %add3A_422 = arith.constant 7340032 : i32
      %add3A_423 = vector.broadcast %add3A_422 : i32 to vector<16xi32>
      %add3A_424 = arith.addi %and3A_417, %add3A_423 : vector<16xi32>
      %add3A_425 = arith.addi %shift_left3A_421, %add3A_424 : vector<16xi32>
      %swap3A_426 = arith.constant 14 : i32
      %swap3A_427 = arith.index_cast %swap3A_426 : i32 to index
      %swap3A_428 = arith.index_cast %mul3A_72 : i32 to index
      %swap3A_429 = tpu.vector_load %arg7[%swap3A_427, %swap3A_428] {strides = array<i32>} : memref<32x128xi32, #tpu.memory_space<vmem>>, vector<16xi32>,
      tpu.vector_store %arg7[%swap3A_427, %swap3A_428], %add3A_425 {strides = array<i32>} : memref<32x128xi32, #tpu.memory_space<vmem>>, vector<16xi32>,
      %add3A_430 = arith.constant 128 : i32
      %add3A_431 = vector.broadcast %add3A_430 : i32 to vector<16xi32>
      %add3A_432 = arith.addi %add3A_425, %add3A_431 : vector<16xi32>
      %swap3A_433 = arith.constant 15 : i32
      %swap3A_434 = arith.index_cast %swap3A_433 : i32 to index
      %swap3A_435 = arith.index_cast %mul3A_72 : i32 to index
      %swap3A_436 = tpu.vector_load %arg7[%swap3A_434, %swap3A_435] {strides = array<i32>} : memref<32x128xi32, #tpu.memory_space<vmem>>, vector<16xi32>,
      tpu.vector_store %arg7[%swap3A_434, %swap3A_435], %add3A_432 {strides = array<i32>} : memref<32x128xi32, #tpu.memory_space<vmem>>, vector<16xi32>,
      %mul3A_437 = arith.constant 1.010000e+02 : f32
      %mul3A_438 = vector.broadcast %mul3A_437 : f32 to vector<16xf32>
      %mul3A_439 = arith.mulf %get3A_73, %mul3A_438 : vector<16xf32>
      %convert_element_type3A_440 = arith.fptosi %mul3A_439 : vector<16xf32> to vector<16xi32>
      %mul3A_441 = arith.constant 1.010000e+02 : f32
      %mul3A_442 = vector.broadcast %mul3A_441 : f32 to vector<16xf32>
      %mul3A_443 = arith.mulf %get3A_77, %mul3A_442 : vector<16xf32>
      %convert_element_type3A_444 = arith.fptosi %mul3A_443 : vector<16xf32> to vector<16xi32>
      %mul3A_445 = arith.constant 1.010000e+02 : f32
      %mul3A_446 = vector.broadcast %mul3A_445 : f32 to vector<16xf32>
      %mul3A_447 = arith.mulf %get3A_81, %mul3A_446 : vector<16xf32>
      %convert_element_type3A_448 = arith.fptosi %mul3A_447 : vector<16xf32> to vector<16xi32>
      %mul3A_449 = arith.constant -1640531535 : i32
      %mul3A_450 = vector.broadcast %mul3A_449 : i32 to vector<16xi32>
      %mul3A_451 = arith.muli %convert_element_type3A_444, %mul3A_450 : vector<16xi32>
      %xor3A_452 = arith.xori %convert_element_type3A_440, %mul3A_451 : vector<16xi32>
      %mul3A_453 = arith.constant 805459861 : i32
      %mul3A_454 = vector.broadcast %mul3A_453 : i32 to vector<16xi32>
      %mul3A_455 = arith.muli %convert_element_type3A_448, %mul3A_454 : vector<16xi32>
      %xor3A_456 = arith.xori %xor3A_452, %mul3A_455 : vector<16xi32>
      %and3A_457 = arith.constant 524287 : i32
      %and3A_458 = vector.broadcast %and3A_457 : i32 to vector<16xi32>
      %and3A_459 = arith.andi %xor3A_456, %and3A_458 : vector<16xi32>
      %and3A_460 = arith.constant 127 : i32
      %and3A_461 = vector.broadcast %and3A_460 : i32 to vector<16xi32>
      %and3A_462 = arith.andi %and3A_459, %and3A_461 : vector<16xi32>
      %xor3A_463 = arith.xori %and3A_459, %and3A_462 : vector<16xi32>
      %shift_left3A_464 = arith.constant 1 : i32
      %shift_left3A_465 = vector.broadcast %shift_left3A_464 : i32 to vector<16xi32>
      %shift_left3A_466 = arith.shli %xor3A_463, %shift_left3A_465 : vector<16xi32>
      %add3A_467 = arith.constant 8388608 : i32
      %add3A_468 = vector.broadcast %add3A_467 : i32 to vector<16xi32>
      %add3A_469 = arith.addi %and3A_462, %add3A_468 : vector<16xi32>
      %add3A_470 = arith.addi %shift_left3A_466, %add3A_469 : vector<16xi32>
      %swap3A_471 = arith.constant 16 : i32
      %swap3A_472 = arith.index_cast %swap3A_471 : i32 to index
      %swap3A_473 = arith.index_cast %mul3A_72 : i32 to index
      %swap3A_474 = tpu.vector_load %arg7[%swap3A_472, %swap3A_473] {strides = array<i32>} : memref<32x128xi32, #tpu.memory_space<vmem>>, vector<16xi32>,
      tpu.vector_store %arg7[%swap3A_472, %swap3A_473], %add3A_470 {strides = array<i32>} : memref<32x128xi32, #tpu.memory_space<vmem>>, vector<16xi32>,
      %add3A_475 = arith.constant 128 : i32
      %add3A_476 = vector.broadcast %add3A_475 : i32 to vector<16xi32>
      %add3A_477 = arith.addi %add3A_470, %add3A_476 : vector<16xi32>
      %swap3A_478 = arith.constant 17 : i32
      %swap3A_479 = arith.index_cast %swap3A_478 : i32 to index
      %swap3A_480 = arith.index_cast %mul3A_72 : i32 to index
      %swap3A_481 = tpu.vector_load %arg7[%swap3A_479, %swap3A_480] {strides = array<i32>} : memref<32x128xi32, #tpu.memory_space<vmem>>, vector<16xi32>,
      tpu.vector_store %arg7[%swap3A_479, %swap3A_480], %add3A_477 {strides = array<i32>} : memref<32x128xi32, #tpu.memory_space<vmem>>, vector<16xi32>,
      %mul3A_482 = arith.constant 1.270000e+02 : f32
      %mul3A_483 = vector.broadcast %mul3A_482 : f32 to vector<16xf32>
      %mul3A_484 = arith.mulf %get3A_73, %mul3A_483 : vector<16xf32>
      %convert_element_type3A_485 = arith.fptosi %mul3A_484 : vector<16xf32> to vector<16xi32>
      %mul3A_486 = arith.constant 1.270000e+02 : f32
      %mul3A_487 = vector.broadcast %mul3A_486 : f32 to vector<16xf32>
      %mul3A_488 = arith.mulf %get3A_77, %mul3A_487 : vector<16xf32>
      %convert_element_type3A_489 = arith.fptosi %mul3A_488 : vector<16xf32> to vector<16xi32>
      %mul3A_490 = arith.constant 1.270000e+02 : f32
      %mul3A_491 = vector.broadcast %mul3A_490 : f32 to vector<16xf32>
      %mul3A_492 = arith.mulf %get3A_81, %mul3A_491 : vector<16xf32>
      %convert_element_type3A_493 = arith.fptosi %mul3A_492 : vector<16xf32> to vector<16xi32>
      %mul3A_494 = arith.constant -1640531535 : i32
      %mul3A_495 = vector.broadcast %mul3A_494 : i32 to vector<16xi32>
      %mul3A_496 = arith.muli %convert_element_type3A_489, %mul3A_495 : vector<16xi32>
      %xor3A_497 = arith.xori %convert_element_type3A_485, %mul3A_496 : vector<16xi32>
      %mul3A_498 = arith.constant 805459861 : i32
      %mul3A_499 = vector.broadcast %mul3A_498 : i32 to vector<16xi32>
      %mul3A_500 = arith.muli %convert_element_type3A_493, %mul3A_499 : vector<16xi32>
      %xor3A_501 = arith.xori %xor3A_497, %mul3A_500 : vector<16xi32>
      %and3A_502 = arith.constant 524287 : i32
      %and3A_503 = vector.broadcast %and3A_502 : i32 to vector<16xi32>
      %and3A_504 = arith.andi %xor3A_501, %and3A_503 : vector<16xi32>
      %and3A_505 = arith.constant 127 : i32
      %and3A_506 = vector.broadcast %and3A_505 : i32 to vector<16xi32>
      %and3A_507 = arith.andi %and3A_504, %and3A_506 : vector<16xi32>
      %xor3A_508 = arith.xori %and3A_504, %and3A_507 : vector<16xi32>
      %shift_left3A_509 = arith.constant 1 : i32
      %shift_left3A_510 = vector.broadcast %shift_left3A_509 : i32 to vector<16xi32>
      %shift_left3A_511 = arith.shli %xor3A_508, %shift_left3A_510 : vector<16xi32>
      %add3A_512 = arith.constant 9437184 : i32
      %add3A_513 = vector.broadcast %add3A_512 : i32 to vector<16xi32>
      %add3A_514 = arith.addi %and3A_507, %add3A_513 : vector<16xi32>
      %add3A_515 = arith.addi %shift_left3A_511, %add3A_514 : vector<16xi32>
      %swap3A_516 = arith.constant 18 : i32
      %swap3A_517 = arith.index_cast %swap3A_516 : i32 to index
      %swap3A_518 = arith.index_cast %mul3A_72 : i32 to index
      %swap3A_519 = tpu.vector_load %arg7[%swap3A_517, %swap3A_518] {strides = array<i32>} : memref<32x128xi32, #tpu.memory_space<vmem>>, vector<16xi32>,
      tpu.vector_store %arg7[%swap3A_517, %swap3A_518], %add3A_515 {strides = array<i32>} : memref<32x128xi32, #tpu.memory_space<vmem>>, vector<16xi32>,
      %add3A_520 = arith.constant 128 : i32
      %add3A_521 = vector.broadcast %add3A_520 : i32 to vector<16xi32>
      %add3A_522 = arith.addi %add3A_515, %add3A_521 : vector<16xi32>
      %swap3A_523 = arith.constant 19 : i32
      %swap3A_524 = arith.index_cast %swap3A_523 : i32 to index
      %swap3A_525 = arith.index_cast %mul3A_72 : i32 to index
      %swap3A_526 = tpu.vector_load %arg7[%swap3A_524, %swap3A_525] {strides = array<i32>} : memref<32x128xi32, #tpu.memory_space<vmem>>, vector<16xi32>,
      tpu.vector_store %arg7[%swap3A_524, %swap3A_525], %add3A_522 {strides = array<i32>} : memref<32x128xi32, #tpu.memory_space<vmem>>, vector<16xi32>,
      %mul3A_527 = arith.constant 1.610000e+02 : f32
      %mul3A_528 = vector.broadcast %mul3A_527 : f32 to vector<16xf32>
      %mul3A_529 = arith.mulf %get3A_73, %mul3A_528 : vector<16xf32>
      %convert_element_type3A_530 = arith.fptosi %mul3A_529 : vector<16xf32> to vector<16xi32>
      %mul3A_531 = arith.constant 1.610000e+02 : f32
      %mul3A_532 = vector.broadcast %mul3A_531 : f32 to vector<16xf32>
      %mul3A_533 = arith.mulf %get3A_77, %mul3A_532 : vector<16xf32>
      %convert_element_type3A_534 = arith.fptosi %mul3A_533 : vector<16xf32> to vector<16xi32>
      %mul3A_535 = arith.constant 1.610000e+02 : f32
      %mul3A_536 = vector.broadcast %mul3A_535 : f32 to vector<16xf32>
      %mul3A_537 = arith.mulf %get3A_81, %mul3A_536 : vector<16xf32>
      %convert_element_type3A_538 = arith.fptosi %mul3A_537 : vector<16xf32> to vector<16xi32>
      %mul3A_539 = arith.constant -1640531535 : i32
      %mul3A_540 = vector.broadcast %mul3A_539 : i32 to vector<16xi32>
      %mul3A_541 = arith.muli %convert_element_type3A_534, %mul3A_540 : vector<16xi32>
      %xor3A_542 = arith.xori %convert_element_type3A_530, %mul3A_541 : vector<16xi32>
      %mul3A_543 = arith.constant 805459861 : i32
      %mul3A_544 = vector.broadcast %mul3A_543 : i32 to vector<16xi32>
      %mul3A_545 = arith.muli %convert_element_type3A_538, %mul3A_544 : vector<16xi32>
      %xor3A_546 = arith.xori %xor3A_542, %mul3A_545 : vector<16xi32>
      %and3A_547 = arith.constant 524287 : i32
      %and3A_548 = vector.broadcast %and3A_547 : i32 to vector<16xi32>
      %and3A_549 = arith.andi %xor3A_546, %and3A_548 : vector<16xi32>
      %and3A_550 = arith.constant 127 : i32
      %and3A_551 = vector.broadcast %and3A_550 : i32 to vector<16xi32>
      %and3A_552 = arith.andi %and3A_549, %and3A_551 : vector<16xi32>
      %xor3A_553 = arith.xori %and3A_549, %and3A_552 : vector<16xi32>
      %shift_left3A_554 = arith.constant 1 : i32
      %shift_left3A_555 = vector.broadcast %shift_left3A_554 : i32 to vector<16xi32>
      %shift_left3A_556 = arith.shli %xor3A_553, %shift_left3A_555 : vector<16xi32>
      %add3A_557 = arith.constant 10485760 : i32
      %add3A_558 = vector.broadcast %add3A_557 : i32 to vector<16xi32>
      %add3A_559 = arith.addi %and3A_552, %add3A_558 : vector<16xi32>
      %add3A_560 = arith.addi %shift_left3A_556, %add3A_559 : vector<16xi32>
      %swap3A_561 = arith.constant 20 : i32
      %swap3A_562 = arith.index_cast %swap3A_561 : i32 to index
      %swap3A_563 = arith.index_cast %mul3A_72 : i32 to index
      %swap3A_564 = tpu.vector_load %arg7[%swap3A_562, %swap3A_563] {strides = array<i32>} : memref<32x128xi32, #tpu.memory_space<vmem>>, vector<16xi32>,
      tpu.vector_store %arg7[%swap3A_562, %swap3A_563], %add3A_560 {strides = array<i32>} : memref<32x128xi32, #tpu.memory_space<vmem>>, vector<16xi32>,
      %add3A_565 = arith.constant 128 : i32
      %add3A_566 = vector.broadcast %add3A_565 : i32 to vector<16xi32>
      %add3A_567 = arith.addi %add3A_560, %add3A_566 : vector<16xi32>
      %swap3A_568 = arith.constant 21 : i32
      %swap3A_569 = arith.index_cast %swap3A_568 : i32 to index
      %swap3A_570 = arith.index_cast %mul3A_72 : i32 to index
      %swap3A_571 = tpu.vector_load %arg7[%swap3A_569, %swap3A_570] {strides = array<i32>} : memref<32x128xi32, #tpu.memory_space<vmem>>, vector<16xi32>,
      tpu.vector_store %arg7[%swap3A_569, %swap3A_570], %add3A_567 {strides = array<i32>} : memref<32x128xi32, #tpu.memory_space<vmem>>, vector<16xi32>,
      %mul3A_572 = arith.constant 2.030000e+02 : f32
      %mul3A_573 = vector.broadcast %mul3A_572 : f32 to vector<16xf32>
      %mul3A_574 = arith.mulf %get3A_73, %mul3A_573 : vector<16xf32>
      %convert_element_type3A_575 = arith.fptosi %mul3A_574 : vector<16xf32> to vector<16xi32>
      %mul3A_576 = arith.constant 2.030000e+02 : f32
      %mul3A_577 = vector.broadcast %mul3A_576 : f32 to vector<16xf32>
      %mul3A_578 = arith.mulf %get3A_77, %mul3A_577 : vector<16xf32>
      %convert_element_type3A_579 = arith.fptosi %mul3A_578 : vector<16xf32> to vector<16xi32>
      %mul3A_580 = arith.constant 2.030000e+02 : f32
      %mul3A_581 = vector.broadcast %mul3A_580 : f32 to vector<16xf32>
      %mul3A_582 = arith.mulf %get3A_81, %mul3A_581 : vector<16xf32>
      %convert_element_type3A_583 = arith.fptosi %mul3A_582 : vector<16xf32> to vector<16xi32>
      %mul3A_584 = arith.constant -1640531535 : i32
      %mul3A_585 = vector.broadcast %mul3A_584 : i32 to vector<16xi32>
      %mul3A_586 = arith.muli %convert_element_type3A_579, %mul3A_585 : vector<16xi32>
      %xor3A_587 = arith.xori %convert_element_type3A_575, %mul3A_586 : vector<16xi32>
      %mul3A_588 = arith.constant 805459861 : i32
      %mul3A_589 = vector.broadcast %mul3A_588 : i32 to vector<16xi32>
      %mul3A_590 = arith.muli %convert_element_type3A_583, %mul3A_589 : vector<16xi32>
      %xor3A_591 = arith.xori %xor3A_587, %mul3A_590 : vector<16xi32>
      %and3A_592 = arith.constant 524287 : i32
      %and3A_593 = vector.broadcast %and3A_592 : i32 to vector<16xi32>
      %and3A_594 = arith.andi %xor3A_591, %and3A_593 : vector<16xi32>
      %and3A_595 = arith.constant 127 : i32
      %and3A_596 = vector.broadcast %and3A_595 : i32 to vector<16xi32>
      %and3A_597 = arith.andi %and3A_594, %and3A_596 : vector<16xi32>
      %xor3A_598 = arith.xori %and3A_594, %and3A_597 : vector<16xi32>
      %shift_left3A_599 = arith.constant 1 : i32
      %shift_left3A_600 = vector.broadcast %shift_left3A_599 : i32 to vector<16xi32>
      %shift_left3A_601 = arith.shli %xor3A_598, %shift_left3A_600 : vector<16xi32>
      %add3A_602 = arith.constant 11534336 : i32
      %add3A_603 = vector.broadcast %add3A_602 : i32 to vector<16xi32>
      %add3A_604 = arith.addi %and3A_597, %add3A_603 : vector<16xi32>
      %add3A_605 = arith.addi %shift_left3A_601, %add3A_604 : vector<16xi32>
      %swap3A_606 = arith.constant 22 : i32
      %swap3A_607 = arith.index_cast %swap3A_606 : i32 to index
      %swap3A_608 = arith.index_cast %mul3A_72 : i32 to index
      %swap3A_609 = tpu.vector_load %arg7[%swap3A_607, %swap3A_608] {strides = array<i32>} : memref<32x128xi32, #tpu.memory_space<vmem>>, vector<16xi32>,
      tpu.vector_store %arg7[%swap3A_607, %swap3A_608], %add3A_605 {strides = array<i32>} : memref<32x128xi32, #tpu.memory_space<vmem>>, vector<16xi32>,
      %add3A_610 = arith.constant 128 : i32
      %add3A_611 = vector.broadcast %add3A_610 : i32 to vector<16xi32>
      %add3A_612 = arith.addi %add3A_605, %add3A_611 : vector<16xi32>
      %swap3A_613 = arith.constant 23 : i32
      %swap3A_614 = arith.index_cast %swap3A_613 : i32 to index
      %swap3A_615 = arith.index_cast %mul3A_72 : i32 to index
      %swap3A_616 = tpu.vector_load %arg7[%swap3A_614, %swap3A_615] {strides = array<i32>} : memref<32x128xi32, #tpu.memory_space<vmem>>, vector<16xi32>,
      tpu.vector_store %arg7[%swap3A_614, %swap3A_615], %add3A_612 {strides = array<i32>} : memref<32x128xi32, #tpu.memory_space<vmem>>, vector<16xi32>,
      %mul3A_617 = arith.constant 2.560000e+02 : f32
      %mul3A_618 = vector.broadcast %mul3A_617 : f32 to vector<16xf32>
      %mul3A_619 = arith.mulf %get3A_73, %mul3A_618 : vector<16xf32>
      %convert_element_type3A_620 = arith.fptosi %mul3A_619 : vector<16xf32> to vector<16xi32>
      %mul3A_621 = arith.constant 2.560000e+02 : f32
      %mul3A_622 = vector.broadcast %mul3A_621 : f32 to vector<16xf32>
      %mul3A_623 = arith.mulf %get3A_77, %mul3A_622 : vector<16xf32>
      %convert_element_type3A_624 = arith.fptosi %mul3A_623 : vector<16xf32> to vector<16xi32>
      %mul3A_625 = arith.constant 2.560000e+02 : f32
      %mul3A_626 = vector.broadcast %mul3A_625 : f32 to vector<16xf32>
      %mul3A_627 = arith.mulf %get3A_81, %mul3A_626 : vector<16xf32>
      %convert_element_type3A_628 = arith.fptosi %mul3A_627 : vector<16xf32> to vector<16xi32>
      %mul3A_629 = arith.constant -1640531535 : i32
      %mul3A_630 = vector.broadcast %mul3A_629 : i32 to vector<16xi32>
      %mul3A_631 = arith.muli %convert_element_type3A_624, %mul3A_630 : vector<16xi32>
      %xor3A_632 = arith.xori %convert_element_type3A_620, %mul3A_631 : vector<16xi32>
      %mul3A_633 = arith.constant 805459861 : i32
      %mul3A_634 = vector.broadcast %mul3A_633 : i32 to vector<16xi32>
      %mul3A_635 = arith.muli %convert_element_type3A_628, %mul3A_634 : vector<16xi32>
      %xor3A_636 = arith.xori %xor3A_632, %mul3A_635 : vector<16xi32>
      %and3A_637 = arith.constant 524287 : i32
      %and3A_638 = vector.broadcast %and3A_637 : i32 to vector<16xi32>
      %and3A_639 = arith.andi %xor3A_636, %and3A_638 : vector<16xi32>
      %and3A_640 = arith.constant 127 : i32
      %and3A_641 = vector.broadcast %and3A_640 : i32 to vector<16xi32>
      %and3A_642 = arith.andi %and3A_639, %and3A_641 : vector<16xi32>
      %xor3A_643 = arith.xori %and3A_639, %and3A_642 : vector<16xi32>
      %shift_left3A_644 = arith.constant 1 : i32
      %shift_left3A_645 = vector.broadcast %shift_left3A_644 : i32 to vector<16xi32>
      %shift_left3A_646 = arith.shli %xor3A_643, %shift_left3A_645 : vector<16xi32>
      %add3A_647 = arith.constant 12582912 : i32
      %add3A_648 = vector.broadcast %add3A_647 : i32 to vector<16xi32>
      %add3A_649 = arith.addi %and3A_642, %add3A_648 : vector<16xi32>
      %add3A_650 = arith.addi %shift_left3A_646, %add3A_649 : vector<16xi32>
      %swap3A_651 = arith.constant 24 : i32
      %swap3A_652 = arith.index_cast %swap3A_651 : i32 to index
      %swap3A_653 = arith.index_cast %mul3A_72 : i32 to index
      %swap3A_654 = tpu.vector_load %arg7[%swap3A_652, %swap3A_653] {strides = array<i32>} : memref<32x128xi32, #tpu.memory_space<vmem>>, vector<16xi32>,
      tpu.vector_store %arg7[%swap3A_652, %swap3A_653], %add3A_650 {strides = array<i32>} : memref<32x128xi32, #tpu.memory_space<vmem>>, vector<16xi32>,
      %add3A_655 = arith.constant 128 : i32
      %add3A_656 = vector.broadcast %add3A_655 : i32 to vector<16xi32>
      %add3A_657 = arith.addi %add3A_650, %add3A_656 : vector<16xi32>
      %swap3A_658 = arith.constant 25 : i32
      %swap3A_659 = arith.index_cast %swap3A_658 : i32 to index
      %swap3A_660 = arith.index_cast %mul3A_72 : i32 to index
      %swap3A_661 = tpu.vector_load %arg7[%swap3A_659, %swap3A_660] {strides = array<i32>} : memref<32x128xi32, #tpu.memory_space<vmem>>, vector<16xi32>,
      tpu.vector_store %arg7[%swap3A_659, %swap3A_660], %add3A_657 {strides = array<i32>} : memref<32x128xi32, #tpu.memory_space<vmem>>, vector<16xi32>,
      %mul3A_662 = arith.constant 3.220000e+02 : f32
      %mul3A_663 = vector.broadcast %mul3A_662 : f32 to vector<16xf32>
      %mul3A_664 = arith.mulf %get3A_73, %mul3A_663 : vector<16xf32>
      %convert_element_type3A_665 = arith.fptosi %mul3A_664 : vector<16xf32> to vector<16xi32>
      %mul3A_666 = arith.constant 3.220000e+02 : f32
      %mul3A_667 = vector.broadcast %mul3A_666 : f32 to vector<16xf32>
      %mul3A_668 = arith.mulf %get3A_77, %mul3A_667 : vector<16xf32>
      %convert_element_type3A_669 = arith.fptosi %mul3A_668 : vector<16xf32> to vector<16xi32>
      %mul3A_670 = arith.constant 3.220000e+02 : f32
      %mul3A_671 = vector.broadcast %mul3A_670 : f32 to vector<16xf32>
      %mul3A_672 = arith.mulf %get3A_81, %mul3A_671 : vector<16xf32>
      %convert_element_type3A_673 = arith.fptosi %mul3A_672 : vector<16xf32> to vector<16xi32>
      %mul3A_674 = arith.constant -1640531535 : i32
      %mul3A_675 = vector.broadcast %mul3A_674 : i32 to vector<16xi32>
      %mul3A_676 = arith.muli %convert_element_type3A_669, %mul3A_675 : vector<16xi32>
      %xor3A_677 = arith.xori %convert_element_type3A_665, %mul3A_676 : vector<16xi32>
      %mul3A_678 = arith.constant 805459861 : i32
      %mul3A_679 = vector.broadcast %mul3A_678 : i32 to vector<16xi32>
      %mul3A_680 = arith.muli %convert_element_type3A_673, %mul3A_679 : vector<16xi32>
      %xor3A_681 = arith.xori %xor3A_677, %mul3A_680 : vector<16xi32>
      %and3A_682 = arith.constant 524287 : i32
      %and3A_683 = vector.broadcast %and3A_682 : i32 to vector<16xi32>
      %and3A_684 = arith.andi %xor3A_681, %and3A_683 : vector<16xi32>
      %and3A_685 = arith.constant 127 : i32
      %and3A_686 = vector.broadcast %and3A_685 : i32 to vector<16xi32>
      %and3A_687 = arith.andi %and3A_684, %and3A_686 : vector<16xi32>
      %xor3A_688 = arith.xori %and3A_684, %and3A_687 : vector<16xi32>
      %shift_left3A_689 = arith.constant 1 : i32
      %shift_left3A_690 = vector.broadcast %shift_left3A_689 : i32 to vector<16xi32>
      %shift_left3A_691 = arith.shli %xor3A_688, %shift_left3A_690 : vector<16xi32>
      %add3A_692 = arith.constant 13631488 : i32
      %add3A_693 = vector.broadcast %add3A_692 : i32 to vector<16xi32>
      %add3A_694 = arith.addi %and3A_687, %add3A_693 : vector<16xi32>
      %add3A_695 = arith.addi %shift_left3A_691, %add3A_694 : vector<16xi32>
      %swap3A_696 = arith.constant 26 : i32
      %swap3A_697 = arith.index_cast %swap3A_696 : i32 to index
      %swap3A_698 = arith.index_cast %mul3A_72 : i32 to index
      %swap3A_699 = tpu.vector_load %arg7[%swap3A_697, %swap3A_698] {strides = array<i32>} : memref<32x128xi32, #tpu.memory_space<vmem>>, vector<16xi32>,
      tpu.vector_store %arg7[%swap3A_697, %swap3A_698], %add3A_695 {strides = array<i32>} : memref<32x128xi32, #tpu.memory_space<vmem>>, vector<16xi32>,
      %add3A_700 = arith.constant 128 : i32
      %add3A_701 = vector.broadcast %add3A_700 : i32 to vector<16xi32>
      %add3A_702 = arith.addi %add3A_695, %add3A_701 : vector<16xi32>
      %swap3A_703 = arith.constant 27 : i32
      %swap3A_704 = arith.index_cast %swap3A_703 : i32 to index
      %swap3A_705 = arith.index_cast %mul3A_72 : i32 to index
      %swap3A_706 = tpu.vector_load %arg7[%swap3A_704, %swap3A_705] {strides = array<i32>} : memref<32x128xi32, #tpu.memory_space<vmem>>, vector<16xi32>,
      tpu.vector_store %arg7[%swap3A_704, %swap3A_705], %add3A_702 {strides = array<i32>} : memref<32x128xi32, #tpu.memory_space<vmem>>, vector<16xi32>,
      %mul3A_707 = arith.constant 4.060000e+02 : f32
      %mul3A_708 = vector.broadcast %mul3A_707 : f32 to vector<16xf32>
      %mul3A_709 = arith.mulf %get3A_73, %mul3A_708 : vector<16xf32>
      %convert_element_type3A_710 = arith.fptosi %mul3A_709 : vector<16xf32> to vector<16xi32>
      %mul3A_711 = arith.constant 4.060000e+02 : f32
      %mul3A_712 = vector.broadcast %mul3A_711 : f32 to vector<16xf32>
      %mul3A_713 = arith.mulf %get3A_77, %mul3A_712 : vector<16xf32>
      %convert_element_type3A_714 = arith.fptosi %mul3A_713 : vector<16xf32> to vector<16xi32>
      %mul3A_715 = arith.constant 4.060000e+02 : f32
      %mul3A_716 = vector.broadcast %mul3A_715 : f32 to vector<16xf32>
      %mul3A_717 = arith.mulf %get3A_81, %mul3A_716 : vector<16xf32>
      %convert_element_type3A_718 = arith.fptosi %mul3A_717 : vector<16xf32> to vector<16xi32>
      %mul3A_719 = arith.constant -1640531535 : i32
      %mul3A_720 = vector.broadcast %mul3A_719 : i32 to vector<16xi32>
      %mul3A_721 = arith.muli %convert_element_type3A_714, %mul3A_720 : vector<16xi32>
      %xor3A_722 = arith.xori %convert_element_type3A_710, %mul3A_721 : vector<16xi32>
      %mul3A_723 = arith.constant 805459861 : i32
      %mul3A_724 = vector.broadcast %mul3A_723 : i32 to vector<16xi32>
      %mul3A_725 = arith.muli %convert_element_type3A_718, %mul3A_724 : vector<16xi32>
      %xor3A_726 = arith.xori %xor3A_722, %mul3A_725 : vector<16xi32>
      %and3A_727 = arith.constant 524287 : i32
      %and3A_728 = vector.broadcast %and3A_727 : i32 to vector<16xi32>
      %and3A_729 = arith.andi %xor3A_726, %and3A_728 : vector<16xi32>
      %and3A_730 = arith.constant 127 : i32
      %and3A_731 = vector.broadcast %and3A_730 : i32 to vector<16xi32>
      %and3A_732 = arith.andi %and3A_729, %and3A_731 : vector<16xi32>
      %xor3A_733 = arith.xori %and3A_729, %and3A_732 : vector<16xi32>
      %shift_left3A_734 = arith.constant 1 : i32
      %shift_left3A_735 = vector.broadcast %shift_left3A_734 : i32 to vector<16xi32>
      %shift_left3A_736 = arith.shli %xor3A_733, %shift_left3A_735 : vector<16xi32>
      %add3A_737 = arith.constant 14680064 : i32
      %add3A_738 = vector.broadcast %add3A_737 : i32 to vector<16xi32>
      %add3A_739 = arith.addi %and3A_732, %add3A_738 : vector<16xi32>
      %add3A_740 = arith.addi %shift_left3A_736, %add3A_739 : vector<16xi32>
      %swap3A_741 = arith.constant 28 : i32
      %swap3A_742 = arith.index_cast %swap3A_741 : i32 to index
      %swap3A_743 = arith.index_cast %mul3A_72 : i32 to index
      %swap3A_744 = tpu.vector_load %arg7[%swap3A_742, %swap3A_743] {strides = array<i32>} : memref<32x128xi32, #tpu.memory_space<vmem>>, vector<16xi32>,
      tpu.vector_store %arg7[%swap3A_742, %swap3A_743], %add3A_740 {strides = array<i32>} : memref<32x128xi32, #tpu.memory_space<vmem>>, vector<16xi32>,
      %add3A_745 = arith.constant 128 : i32
      %add3A_746 = vector.broadcast %add3A_745 : i32 to vector<16xi32>
      %add3A_747 = arith.addi %add3A_740, %add3A_746 : vector<16xi32>
      %swap3A_748 = arith.constant 29 : i32
      %swap3A_749 = arith.index_cast %swap3A_748 : i32 to index
      %swap3A_750 = arith.index_cast %mul3A_72 : i32 to index
      %swap3A_751 = tpu.vector_load %arg7[%swap3A_749, %swap3A_750] {strides = array<i32>} : memref<32x128xi32, #tpu.memory_space<vmem>>, vector<16xi32>,
      tpu.vector_store %arg7[%swap3A_749, %swap3A_750], %add3A_747 {strides = array<i32>} : memref<32x128xi32, #tpu.memory_space<vmem>>, vector<16xi32>,
      %mul3A_752 = arith.constant 5.120000e+02 : f32
      %mul3A_753 = vector.broadcast %mul3A_752 : f32 to vector<16xf32>
      %mul3A_754 = arith.mulf %get3A_73, %mul3A_753 : vector<16xf32>
      %convert_element_type3A_755 = arith.fptosi %mul3A_754 : vector<16xf32> to vector<16xi32>
      %mul3A_756 = arith.constant 5.120000e+02 : f32
      %mul3A_757 = vector.broadcast %mul3A_756 : f32 to vector<16xf32>
      %mul3A_758 = arith.mulf %get3A_77, %mul3A_757 : vector<16xf32>
      %convert_element_type3A_759 = arith.fptosi %mul3A_758 : vector<16xf32> to vector<16xi32>
      %mul3A_760 = arith.constant 5.120000e+02 : f32
      %mul3A_761 = vector.broadcast %mul3A_760 : f32 to vector<16xf32>
      %mul3A_762 = arith.mulf %get3A_81, %mul3A_761 : vector<16xf32>
      %convert_element_type3A_763 = arith.fptosi %mul3A_762 : vector<16xf32> to vector<16xi32>
      %mul3A_764 = arith.constant -1640531535 : i32
      %mul3A_765 = vector.broadcast %mul3A_764 : i32 to vector<16xi32>
      %mul3A_766 = arith.muli %convert_element_type3A_759, %mul3A_765 : vector<16xi32>
      %xor3A_767 = arith.xori %convert_element_type3A_755, %mul3A_766 : vector<16xi32>
      %mul3A_768 = arith.constant 805459861 : i32
      %mul3A_769 = vector.broadcast %mul3A_768 : i32 to vector<16xi32>
      %mul3A_770 = arith.muli %convert_element_type3A_763, %mul3A_769 : vector<16xi32>
      %xor3A_771 = arith.xori %xor3A_767, %mul3A_770 : vector<16xi32>
      %and3A_772 = arith.constant 524287 : i32
      %and3A_773 = vector.broadcast %and3A_772 : i32 to vector<16xi32>
      %and3A_774 = arith.andi %xor3A_771, %and3A_773 : vector<16xi32>
      %and3A_775 = arith.constant 127 : i32
      %and3A_776 = vector.broadcast %and3A_775 : i32 to vector<16xi32>
      %and3A_777 = arith.andi %and3A_774, %and3A_776 : vector<16xi32>
      %xor3A_778 = arith.xori %and3A_774, %and3A_777 : vector<16xi32>
      %shift_left3A_779 = arith.constant 1 : i32
      %shift_left3A_780 = vector.broadcast %shift_left3A_779 : i32 to vector<16xi32>
      %shift_left3A_781 = arith.shli %xor3A_778, %shift_left3A_780 : vector<16xi32>
      %add3A_782 = arith.constant 15728640 : i32
      %add3A_783 = vector.broadcast %add3A_782 : i32 to vector<16xi32>
      %add3A_784 = arith.addi %and3A_777, %add3A_783 : vector<16xi32>
      %add3A_785 = arith.addi %shift_left3A_781, %add3A_784 : vector<16xi32>
      %swap3A_786 = arith.constant 30 : i32
      %swap3A_787 = arith.index_cast %swap3A_786 : i32 to index
      %swap3A_788 = arith.index_cast %mul3A_72 : i32 to index
      %swap3A_789 = tpu.vector_load %arg7[%swap3A_787, %swap3A_788] {strides = array<i32>} : memref<32x128xi32, #tpu.memory_space<vmem>>, vector<16xi32>,
      tpu.vector_store %arg7[%swap3A_787, %swap3A_788], %add3A_785 {strides = array<i32>} : memref<32x128xi32, #tpu.memory_space<vmem>>, vector<16xi32>,
      %add3A_790 = arith.constant 128 : i32
      %add3A_791 = vector.broadcast %add3A_790 : i32 to vector<16xi32>
      %add3A_792 = arith.addi %add3A_785, %add3A_791 : vector<16xi32>
      %swap3A_793 = arith.constant 31 : i32
      %swap3A_794 = arith.index_cast %swap3A_793 : i32 to index
      %swap3A_795 = arith.index_cast %mul3A_72 : i32 to index
      %swap3A_796 = tpu.vector_load %arg7[%swap3A_794, %swap3A_795] {strides = array<i32>} : memref<32x128xi32, #tpu.memory_space<vmem>>, vector<16xi32>,
      tpu.vector_store %arg7[%swap3A_794, %swap3A_795], %add3A_792 {strides = array<i32>} : memref<32x128xi32, #tpu.memory_space<vmem>>, vector<16xi32>,
      %scan3A_797 = arith.constant 0 : i32
      scf.yield %scan3A_797 : i32
    }
    %scan3A_15 = arith.constant 8 : i32
    %scan3A_16 = arith.constant 0 : i32
    %scan3A_17 = arith.constant 0 : i32
    %scan3A_18 = arith.constant 32 : i32
    %scan3A_19 = arith.addi %scan3A_17, %scan3A_18 : i32
    %scan3A_20 = arith.constant 1 : i32
    %scan3A_21 = scf.for %scan3A_69 = %scan3A_17 to %scan3A_19 step %scan3A_20 iter_args(%scan3A_70 = %scan3A_16) -> (i32)  : i32 {
      %mul3A_71 = arith.constant 128 : i32
      %mul3A_72 = arith.muli %scan3A_69, %mul3A_71 : i32
      %dma_start3A_73 = tpu.memref_slice %arg9[%mul3A_72] : memref<4096xf32, #tpu.memory_space<vmem>> -> memref<128xf32, #tpu.memory_space<vmem>>
      %dma_start3A_74 = arith.constant 0 : i32
      %dma_start3A_75 = tpu.memref_slice %arg7[%scan3A_69, %dma_start3A_74] : memref<32x128xi32, #tpu.memory_space<vmem>> -> memref<1x128xi32, #tpu.memory_space<vmem>>
      %dma_start3A_76 = tpu.memref_squeeze %dma_start3A_75 : memref<1x128xi32, #tpu.memory_space<vmem>> -> memref<128xi32, #tpu.memory_space<vmem>>
      %dma_start3A_77 = arith.constant 0 : i32
      %dma_start3A_78 = tpu.memref_slice %arg3[%dma_start3A_77] : memref<16777216xf32, #tpu.memory_space<hbm>> -> memref<16777216xf32, #tpu.memory_space<hbm>>
      tpu.enqueue_indirect_dma source(%dma_start3A_78 : memref<16777216xf32, #tpu.memory_space<hbm>>) target(%dma_start3A_73 : memref<128xf32, #tpu.memory_space<vmem>>) offsets(%dma_start3A_76 : memref<128xi32, #tpu.memory_space<vmem>>) semaphore(%arg11 : memref<!tpu.dma_semaphore, #tpu.memory_space<semaphore_mem>>)
      %scan3A_79 = arith.constant 0 : i32
      scf.yield %scan3A_79 : i32
    }
    %scan3A_22 = arith.constant 32 : i32
    %scan3A_23 = arith.constant 0 : i32
    %scan3A_24 = arith.constant 1 : i32
    %scan3A_25 = arith.constant 255 : i32
    %scan3A_26 = arith.addi %scan3A_24, %scan3A_25 : i32
    %scan3A_27 = arith.constant 1 : i32
    %scan3A_28 = scf.for %scan3A_69 = %scan3A_24 to %scan3A_26 step %scan3A_27 iter_args(%scan3A_70 = %scan3A_23) -> (i32)  : i32 {
      %and3A = arith.constant 1 : i32
      %and3A_71 = arith.andi %scan3A_69, %and3A : i32
      %eq3A = arith.constant 1 : i32
      %eq3A_72 = arith.cmpi eq, %and3A_71, %eq3A : i32
      %convert_element_type3A = arith.extui %eq3A_72 : i1 to i32
      %cond3A = arith.constant 0 : i32
      %cond3A_73 = arith.cmpi ne, %convert_element_type3A, %cond3A : i32
      scf.if %cond3A_73 {
        %add3A_80 = arith.addi %mul3A_2, %scan3A_69 : i32
        %mul3A_81 = arith.constant 384 : i32
        %mul3A_82 = arith.muli %add3A_80, %mul3A_81 : i32
        %dma_wait3A_83 = tpu.memref_slice %arg2[%mul3A_82] : memref<3145728xf32, #tpu.memory_space<hbm>> -> memref<384xf32, #tpu.memory_space<hbm>>
        %dma_wait3A_84 = tpu.memref_slice %arg2[%mul3A_82] : memref<3145728xf32, #tpu.memory_space<hbm>> -> memref<384xf32, #tpu.memory_space<hbm>>
        tpu.wait_dma2 semaphore(%arg14 : memref<!tpu.dma_semaphore, #tpu.memory_space<semaphore_mem>>) src(%dma_wait3A_84 : memref<384xf32, #tpu.memory_space<hbm>>) dst(%arg6 : memref<384xf32, #tpu.memory_space<vmem>>)
        %add3A_85 = arith.constant 1 : i32
        %add3A_86 = arith.addi %scan3A_69, %add3A_85 : i32
        %min3A = arith.constant 255 : i32
        %min3A_87 = arith.minsi %add3A_86, %min3A : i32
        %add3A_88 = arith.addi %mul3A_2, %min3A_87 : i32
        %mul3A_89 = arith.constant 384 : i32
        %mul3A_90 = arith.muli %add3A_88, %mul3A_89 : i32
        %dma_start3A_91 = tpu.memref_slice %arg2[%mul3A_90] : memref<3145728xf32, #tpu.memory_space<hbm>> -> memref<384xf32, #tpu.memory_space<hbm>>
        %dma_start3A_92 = tpu.memref_slice %arg2[%mul3A_90] : memref<3145728xf32, #tpu.memory_space<hbm>> -> memref<384xf32, #tpu.memory_space<hbm>>
        tpu.enqueue_dma source(%dma_start3A_92 : memref<384xf32, #tpu.memory_space<hbm>>) target(%arg5 : memref<384xf32, #tpu.memory_space<vmem>>) target_semaphore(%arg13 : memref<!tpu.dma_semaphore, #tpu.memory_space<semaphore_mem>>)
        %ge3A = arith.constant 3 : i32
        %ge3A_93 = arith.cmpi sge, %scan3A_69, %ge3A : i32
        %convert_element_type3A_94 = arith.extui %ge3A_93 : i1 to i32
        %cond3A_95 = arith.constant 0 : i32
        %cond3A_96 = arith.cmpi ne, %convert_element_type3A_94, %cond3A_95 : i32
        scf.if %cond3A_96 {
          %add3A_128 = arith.addi %mul3A_2, %scan3A_69 : i32
          %sub3A_129 = arith.constant 2 : i32
          %sub3A_130 = arith.subi %add3A_128, %sub3A_129 : i32
          %scan3A_131 = arith.constant 0 : i32
          %scan3A_132 = arith.constant 0 : i32
          %scan3A_133 = arith.constant 4 : i32
          %scan3A_134 = arith.addi %scan3A_132, %scan3A_133 : i32
          %scan3A_135 = arith.constant 1 : i32
          %scan3A_136 = scf.for %scan3A_138 = %scan3A_132 to %scan3A_134 step %scan3A_135 iter_args(%scan3A_139 = %scan3A_131) -> (i32)  : i32 {
            %mul3A_140 = arith.constant 1024 : i32
            %mul3A_141 = arith.muli %scan3A_138, %mul3A_140 : i32
            %mul3A_142 = arith.constant 8192 : i32
            %mul3A_143 = arith.muli %scan3A_138, %mul3A_142 : i32
            %add3A_144 = arith.addi %mul3A_143, %sub3A_130 : i32
            %mul3A_145 = arith.constant 1024 : i32
            %mul3A_146 = arith.muli %add3A_144, %mul3A_145 : i32
            %dma_wait3A_147 = tpu.memref_slice %arg10[%mul3A_141] : memref<4096xf32, #tpu.memory_space<vmem>> -> memref<1024xf32, #tpu.memory_space<vmem>>
            %dma_wait3A_148 = tpu.memref_slice %arg4[%mul3A_146] : memref<33554432xf32, #tpu.memory_space<hbm>> -> memref<1024xf32, #tpu.memory_space<hbm>>
            %dma_wait3A_149 = tpu.memref_slice %arg4[%mul3A_146] : memref<33554432xf32, #tpu.memory_space<hbm>> -> memref<1024xf32, #tpu.memory_space<hbm>>
            %dma_wait3A_150 = tpu.memref_slice %arg10[%mul3A_141] : memref<4096xf32, #tpu.memory_space<vmem>> -> memref<1024xf32, #tpu.memory_space<vmem>>
            tpu.wait_dma2 semaphore(%arg16 : memref<!tpu.dma_semaphore, #tpu.memory_space<semaphore_mem>>) src(%dma_wait3A_150 : memref<1024xf32, #tpu.memory_space<vmem>>) dst(%dma_wait3A_149 : memref<1024xf32, #tpu.memory_space<hbm>>)
            %scan3A_151 = arith.constant 0 : i32
            scf.yield %scan3A_151 : i32
          }
          %scan3A_137 = arith.constant 4 : i32
        } else {
        }
        %add3A_97 = arith.addi %mul3A_2, %scan3A_69 : i32
        %scan3A_98 = arith.constant 0 : i32
        %scan3A_99 = arith.constant 0 : i32
        %scan3A_100 = arith.constant 8 : i32
        %scan3A_101 = arith.addi %scan3A_99, %scan3A_100 : i32
        %scan3A_102 = arith.constant 1 : i32
        %scan3A_103 = scf.for %scan3A_128 = %scan3A_99 to %scan3A_101 step %scan3A_102 iter_args(%scan3A_129 = %scan3A_98) -> (i32)  : i32 {
          %mul3A_130 = arith.constant 16 : i32
          %mul3A_131 = arith.muli %scan3A_128, %mul3A_130 : i32
          %get3A = arith.index_cast %mul3A_131 : i32 to index
          %get3A_132 = tpu.vector_load %arg6[%get3A] {strides = array<i32>} : memref<384xf32, #tpu.memory_space<vmem>>, vector<16xf32>,
          %add3A_133 = arith.constant 128 : i32
          %add3A_134 = arith.addi %mul3A_131, %add3A_133 : i32
          %get3A_135 = arith.index_cast %add3A_134 : i32 to index
          %get3A_136 = tpu.vector_load %arg6[%get3A_135] {strides = array<i32>} : memref<384xf32, #tpu.memory_space<vmem>>, vector<16xf32>,
          %add3A_137 = arith.constant 256 : i32
          %add3A_138 = arith.addi %mul3A_131, %add3A_137 : i32
          %get3A_139 = arith.index_cast %add3A_138 : i32 to index
          %get3A_140 = tpu.vector_load %arg6[%get3A_139] {strides = array<i32>} : memref<384xf32, #tpu.memory_space<vmem>>, vector<16xf32>,
          %mul3A_141 = arith.constant 1.600000e+01 : f32
          %mul3A_142 = vector.broadcast %mul3A_141 : f32 to vector<16xf32>
          %mul3A_143 = arith.mulf %get3A_132, %mul3A_142 : vector<16xf32>
          %convert_element_type3A_144 = arith.fptosi %mul3A_143 : vector<16xf32> to vector<16xi32>
          %mul3A_145 = arith.constant 1.600000e+01 : f32
          %mul3A_146 = vector.broadcast %mul3A_145 : f32 to vector<16xf32>
          %mul3A_147 = arith.mulf %get3A_136, %mul3A_146 : vector<16xf32>
          %convert_element_type3A_148 = arith.fptosi %mul3A_147 : vector<16xf32> to vector<16xi32>
          %mul3A_149 = arith.constant 1.600000e+01 : f32
          %mul3A_150 = vector.broadcast %mul3A_149 : f32 to vector<16xf32>
          %mul3A_151 = arith.mulf %get3A_140, %mul3A_150 : vector<16xf32>
          %convert_element_type3A_152 = arith.fptosi %mul3A_151 : vector<16xf32> to vector<16xi32>
          %mul3A_153 = arith.constant -1640531535 : i32
          %mul3A_154 = vector.broadcast %mul3A_153 : i32 to vector<16xi32>
          %mul3A_155 = arith.muli %convert_element_type3A_148, %mul3A_154 : vector<16xi32>
          %xor3A = arith.xori %convert_element_type3A_144, %mul3A_155 : vector<16xi32>
          %mul3A_156 = arith.constant 805459861 : i32
          %mul3A_157 = vector.broadcast %mul3A_156 : i32 to vector<16xi32>
          %mul3A_158 = arith.muli %convert_element_type3A_152, %mul3A_157 : vector<16xi32>
          %xor3A_159 = arith.xori %xor3A, %mul3A_158 : vector<16xi32>
          %and3A_160 = arith.constant 524287 : i32
          %and3A_161 = vector.broadcast %and3A_160 : i32 to vector<16xi32>
          %and3A_162 = arith.andi %xor3A_159, %and3A_161 : vector<16xi32>
          %and3A_163 = arith.constant 127 : i32
          %and3A_164 = vector.broadcast %and3A_163 : i32 to vector<16xi32>
          %and3A_165 = arith.andi %and3A_162, %and3A_164 : vector<16xi32>
          %xor3A_166 = arith.xori %and3A_162, %and3A_165 : vector<16xi32>
          %shift_left3A = arith.constant 1 : i32
          %shift_left3A_167 = vector.broadcast %shift_left3A : i32 to vector<16xi32>
          %shift_left3A_168 = arith.shli %xor3A_166, %shift_left3A_167 : vector<16xi32>
          %add3A_169 = arith.constant 0 : i32
          %add3A_170 = vector.broadcast %add3A_169 : i32 to vector<16xi32>
          %add3A_171 = arith.addi %and3A_165, %add3A_170 : vector<16xi32>
          %add3A_172 = arith.addi %shift_left3A_168, %add3A_171 : vector<16xi32>
          %swap3A = arith.constant 0 : i32
          %swap3A_173 = arith.index_cast %swap3A : i32 to index
          %swap3A_174 = arith.index_cast %mul3A_131 : i32 to index
          %swap3A_175 = tpu.vector_load %arg8[%swap3A_173, %swap3A_174] {strides = array<i32>} : memref<32x128xi32, #tpu.memory_space<vmem>>, vector<16xi32>,
          tpu.vector_store %arg8[%swap3A_173, %swap3A_174], %add3A_172 {strides = array<i32>} : memref<32x128xi32, #tpu.memory_space<vmem>>, vector<16xi32>,
          %add3A_176 = arith.constant 128 : i32
          %add3A_177 = vector.broadcast %add3A_176 : i32 to vector<16xi32>
          %add3A_178 = arith.addi %add3A_172, %add3A_177 : vector<16xi32>
          %swap3A_179 = arith.constant 1 : i32
          %swap3A_180 = arith.index_cast %swap3A_179 : i32 to index
          %swap3A_181 = arith.index_cast %mul3A_131 : i32 to index
          %swap3A_182 = tpu.vector_load %arg8[%swap3A_180, %swap3A_181] {strides = array<i32>} : memref<32x128xi32, #tpu.memory_space<vmem>>, vector<16xi32>,
          tpu.vector_store %arg8[%swap3A_180, %swap3A_181], %add3A_178 {strides = array<i32>} : memref<32x128xi32, #tpu.memory_space<vmem>>, vector<16xi32>,
          %mul3A_183 = arith.constant 2.000000e+01 : f32
          %mul3A_184 = vector.broadcast %mul3A_183 : f32 to vector<16xf32>
          %mul3A_185 = arith.mulf %get3A_132, %mul3A_184 : vector<16xf32>
          %convert_element_type3A_186 = arith.fptosi %mul3A_185 : vector<16xf32> to vector<16xi32>
          %mul3A_187 = arith.constant 2.000000e+01 : f32
          %mul3A_188 = vector.broadcast %mul3A_187 : f32 to vector<16xf32>
          %mul3A_189 = arith.mulf %get3A_136, %mul3A_188 : vector<16xf32>
          %convert_element_type3A_190 = arith.fptosi %mul3A_189 : vector<16xf32> to vector<16xi32>
          %mul3A_191 = arith.constant 2.000000e+01 : f32
          %mul3A_192 = vector.broadcast %mul3A_191 : f32 to vector<16xf32>
          %mul3A_193 = arith.mulf %get3A_140, %mul3A_192 : vector<16xf32>
          %convert_element_type3A_194 = arith.fptosi %mul3A_193 : vector<16xf32> to vector<16xi32>
          %mul3A_195 = arith.constant -1640531535 : i32
          %mul3A_196 = vector.broadcast %mul3A_195 : i32 to vector<16xi32>
          %mul3A_197 = arith.muli %convert_element_type3A_190, %mul3A_196 : vector<16xi32>
          %xor3A_198 = arith.xori %convert_element_type3A_186, %mul3A_197 : vector<16xi32>
          %mul3A_199 = arith.constant 805459861 : i32
          %mul3A_200 = vector.broadcast %mul3A_199 : i32 to vector<16xi32>
          %mul3A_201 = arith.muli %convert_element_type3A_194, %mul3A_200 : vector<16xi32>
          %xor3A_202 = arith.xori %xor3A_198, %mul3A_201 : vector<16xi32>
          %and3A_203 = arith.constant 524287 : i32
          %and3A_204 = vector.broadcast %and3A_203 : i32 to vector<16xi32>
          %and3A_205 = arith.andi %xor3A_202, %and3A_204 : vector<16xi32>
          %and3A_206 = arith.constant 127 : i32
          %and3A_207 = vector.broadcast %and3A_206 : i32 to vector<16xi32>
          %and3A_208 = arith.andi %and3A_205, %and3A_207 : vector<16xi32>
          %xor3A_209 = arith.xori %and3A_205, %and3A_208 : vector<16xi32>
          %shift_left3A_210 = arith.constant 1 : i32
          %shift_left3A_211 = vector.broadcast %shift_left3A_210 : i32 to vector<16xi32>
          %shift_left3A_212 = arith.shli %xor3A_209, %shift_left3A_211 : vector<16xi32>
          %add3A_213 = arith.constant 1048576 : i32
          %add3A_214 = vector.broadcast %add3A_213 : i32 to vector<16xi32>
          %add3A_215 = arith.addi %and3A_208, %add3A_214 : vector<16xi32>
          %add3A_216 = arith.addi %shift_left3A_212, %add3A_215 : vector<16xi32>
          %swap3A_217 = arith.constant 2 : i32
          %swap3A_218 = arith.index_cast %swap3A_217 : i32 to index
          %swap3A_219 = arith.index_cast %mul3A_131 : i32 to index
          %swap3A_220 = tpu.vector_load %arg8[%swap3A_218, %swap3A_219] {strides = array<i32>} : memref<32x128xi32, #tpu.memory_space<vmem>>, vector<16xi32>,
          tpu.vector_store %arg8[%swap3A_218, %swap3A_219], %add3A_216 {strides = array<i32>} : memref<32x128xi32, #tpu.memory_space<vmem>>, vector<16xi32>,
          %add3A_221 = arith.constant 128 : i32
          %add3A_222 = vector.broadcast %add3A_221 : i32 to vector<16xi32>
          %add3A_223 = arith.addi %add3A_216, %add3A_222 : vector<16xi32>
          %swap3A_224 = arith.constant 3 : i32
          %swap3A_225 = arith.index_cast %swap3A_224 : i32 to index
          %swap3A_226 = arith.index_cast %mul3A_131 : i32 to index
          %swap3A_227 = tpu.vector_load %arg8[%swap3A_225, %swap3A_226] {strides = array<i32>} : memref<32x128xi32, #tpu.memory_space<vmem>>, vector<16xi32>,
          tpu.vector_store %arg8[%swap3A_225, %swap3A_226], %add3A_223 {strides = array<i32>} : memref<32x128xi32, #tpu.memory_space<vmem>>, vector<16xi32>,
          %mul3A_228 = arith.constant 2.500000e+01 : f32
          %mul3A_229 = vector.broadcast %mul3A_228 : f32 to vector<16xf32>
          %mul3A_230 = arith.mulf %get3A_132, %mul3A_229 : vector<16xf32>
          %convert_element_type3A_231 = arith.fptosi %mul3A_230 : vector<16xf32> to vector<16xi32>
          %mul3A_232 = arith.constant 2.500000e+01 : f32
          %mul3A_233 = vector.broadcast %mul3A_232 : f32 to vector<16xf32>
          %mul3A_234 = arith.mulf %get3A_136, %mul3A_233 : vector<16xf32>
          %convert_element_type3A_235 = arith.fptosi %mul3A_234 : vector<16xf32> to vector<16xi32>
          %mul3A_236 = arith.constant 2.500000e+01 : f32
          %mul3A_237 = vector.broadcast %mul3A_236 : f32 to vector<16xf32>
          %mul3A_238 = arith.mulf %get3A_140, %mul3A_237 : vector<16xf32>
          %convert_element_type3A_239 = arith.fptosi %mul3A_238 : vector<16xf32> to vector<16xi32>
          %mul3A_240 = arith.constant -1640531535 : i32
          %mul3A_241 = vector.broadcast %mul3A_240 : i32 to vector<16xi32>
          %mul3A_242 = arith.muli %convert_element_type3A_235, %mul3A_241 : vector<16xi32>
          %xor3A_243 = arith.xori %convert_element_type3A_231, %mul3A_242 : vector<16xi32>
          %mul3A_244 = arith.constant 805459861 : i32
          %mul3A_245 = vector.broadcast %mul3A_244 : i32 to vector<16xi32>
          %mul3A_246 = arith.muli %convert_element_type3A_239, %mul3A_245 : vector<16xi32>
          %xor3A_247 = arith.xori %xor3A_243, %mul3A_246 : vector<16xi32>
          %and3A_248 = arith.constant 524287 : i32
          %and3A_249 = vector.broadcast %and3A_248 : i32 to vector<16xi32>
          %and3A_250 = arith.andi %xor3A_247, %and3A_249 : vector<16xi32>
          %and3A_251 = arith.constant 127 : i32
          %and3A_252 = vector.broadcast %and3A_251 : i32 to vector<16xi32>
          %and3A_253 = arith.andi %and3A_250, %and3A_252 : vector<16xi32>
          %xor3A_254 = arith.xori %and3A_250, %and3A_253 : vector<16xi32>
          %shift_left3A_255 = arith.constant 1 : i32
          %shift_left3A_256 = vector.broadcast %shift_left3A_255 : i32 to vector<16xi32>
          %shift_left3A_257 = arith.shli %xor3A_254, %shift_left3A_256 : vector<16xi32>
          %add3A_258 = arith.constant 2097152 : i32
          %add3A_259 = vector.broadcast %add3A_258 : i32 to vector<16xi32>
          %add3A_260 = arith.addi %and3A_253, %add3A_259 : vector<16xi32>
          %add3A_261 = arith.addi %shift_left3A_257, %add3A_260 : vector<16xi32>
          %swap3A_262 = arith.constant 4 : i32
          %swap3A_263 = arith.index_cast %swap3A_262 : i32 to index
          %swap3A_264 = arith.index_cast %mul3A_131 : i32 to index
          %swap3A_265 = tpu.vector_load %arg8[%swap3A_263, %swap3A_264] {strides = array<i32>} : memref<32x128xi32, #tpu.memory_space<vmem>>, vector<16xi32>,
          tpu.vector_store %arg8[%swap3A_263, %swap3A_264], %add3A_261 {strides = array<i32>} : memref<32x128xi32, #tpu.memory_space<vmem>>, vector<16xi32>,
          %add3A_266 = arith.constant 128 : i32
          %add3A_267 = vector.broadcast %add3A_266 : i32 to vector<16xi32>
          %add3A_268 = arith.addi %add3A_261, %add3A_267 : vector<16xi32>
          %swap3A_269 = arith.constant 5 : i32
          %swap3A_270 = arith.index_cast %swap3A_269 : i32 to index
          %swap3A_271 = arith.index_cast %mul3A_131 : i32 to index
          %swap3A_272 = tpu.vector_load %arg8[%swap3A_270, %swap3A_271] {strides = array<i32>} : memref<32x128xi32, #tpu.memory_space<vmem>>, vector<16xi32>,
          tpu.vector_store %arg8[%swap3A_270, %swap3A_271], %add3A_268 {strides = array<i32>} : memref<32x128xi32, #tpu.memory_space<vmem>>, vector<16xi32>,
          %mul3A_273 = arith.constant 3.200000e+01 : f32
          %mul3A_274 = vector.broadcast %mul3A_273 : f32 to vector<16xf32>
          %mul3A_275 = arith.mulf %get3A_132, %mul3A_274 : vector<16xf32>
          %convert_element_type3A_276 = arith.fptosi %mul3A_275 : vector<16xf32> to vector<16xi32>
          %mul3A_277 = arith.constant 3.200000e+01 : f32
          %mul3A_278 = vector.broadcast %mul3A_277 : f32 to vector<16xf32>
          %mul3A_279 = arith.mulf %get3A_136, %mul3A_278 : vector<16xf32>
          %convert_element_type3A_280 = arith.fptosi %mul3A_279 : vector<16xf32> to vector<16xi32>
          %mul3A_281 = arith.constant 3.200000e+01 : f32
          %mul3A_282 = vector.broadcast %mul3A_281 : f32 to vector<16xf32>
          %mul3A_283 = arith.mulf %get3A_140, %mul3A_282 : vector<16xf32>
          %convert_element_type3A_284 = arith.fptosi %mul3A_283 : vector<16xf32> to vector<16xi32>
          %mul3A_285 = arith.constant -1640531535 : i32
          %mul3A_286 = vector.broadcast %mul3A_285 : i32 to vector<16xi32>
          %mul3A_287 = arith.muli %convert_element_type3A_280, %mul3A_286 : vector<16xi32>
          %xor3A_288 = arith.xori %convert_element_type3A_276, %mul3A_287 : vector<16xi32>
          %mul3A_289 = arith.constant 805459861 : i32
          %mul3A_290 = vector.broadcast %mul3A_289 : i32 to vector<16xi32>
          %mul3A_291 = arith.muli %convert_element_type3A_284, %mul3A_290 : vector<16xi32>
          %xor3A_292 = arith.xori %xor3A_288, %mul3A_291 : vector<16xi32>
          %and3A_293 = arith.constant 524287 : i32
          %and3A_294 = vector.broadcast %and3A_293 : i32 to vector<16xi32>
          %and3A_295 = arith.andi %xor3A_292, %and3A_294 : vector<16xi32>
          %and3A_296 = arith.constant 127 : i32
          %and3A_297 = vector.broadcast %and3A_296 : i32 to vector<16xi32>
          %and3A_298 = arith.andi %and3A_295, %and3A_297 : vector<16xi32>
          %xor3A_299 = arith.xori %and3A_295, %and3A_298 : vector<16xi32>
          %shift_left3A_300 = arith.constant 1 : i32
          %shift_left3A_301 = vector.broadcast %shift_left3A_300 : i32 to vector<16xi32>
          %shift_left3A_302 = arith.shli %xor3A_299, %shift_left3A_301 : vector<16xi32>
          %add3A_303 = arith.constant 3145728 : i32
          %add3A_304 = vector.broadcast %add3A_303 : i32 to vector<16xi32>
          %add3A_305 = arith.addi %and3A_298, %add3A_304 : vector<16xi32>
          %add3A_306 = arith.addi %shift_left3A_302, %add3A_305 : vector<16xi32>
          %swap3A_307 = arith.constant 6 : i32
          %swap3A_308 = arith.index_cast %swap3A_307 : i32 to index
          %swap3A_309 = arith.index_cast %mul3A_131 : i32 to index
          %swap3A_310 = tpu.vector_load %arg8[%swap3A_308, %swap3A_309] {strides = array<i32>} : memref<32x128xi32, #tpu.memory_space<vmem>>, vector<16xi32>,
          tpu.vector_store %arg8[%swap3A_308, %swap3A_309], %add3A_306 {strides = array<i32>} : memref<32x128xi32, #tpu.memory_space<vmem>>, vector<16xi32>,
          %add3A_311 = arith.constant 128 : i32
          %add3A_312 = vector.broadcast %add3A_311 : i32 to vector<16xi32>
          %add3A_313 = arith.addi %add3A_306, %add3A_312 : vector<16xi32>
          %swap3A_314 = arith.constant 7 : i32
          %swap3A_315 = arith.index_cast %swap3A_314 : i32 to index
          %swap3A_316 = arith.index_cast %mul3A_131 : i32 to index
          %swap3A_317 = tpu.vector_load %arg8[%swap3A_315, %swap3A_316] {strides = array<i32>} : memref<32x128xi32, #tpu.memory_space<vmem>>, vector<16xi32>,
          tpu.vector_store %arg8[%swap3A_315, %swap3A_316], %add3A_313 {strides = array<i32>} : memref<32x128xi32, #tpu.memory_space<vmem>>, vector<16xi32>,
          %mul3A_318 = arith.constant 4.000000e+01 : f32
          %mul3A_319 = vector.broadcast %mul3A_318 : f32 to vector<16xf32>
          %mul3A_320 = arith.mulf %get3A_132, %mul3A_319 : vector<16xf32>
          %convert_element_type3A_321 = arith.fptosi %mul3A_320 : vector<16xf32> to vector<16xi32>
          %mul3A_322 = arith.constant 4.000000e+01 : f32
          %mul3A_323 = vector.broadcast %mul3A_322 : f32 to vector<16xf32>
          %mul3A_324 = arith.mulf %get3A_136, %mul3A_323 : vector<16xf32>
          %convert_element_type3A_325 = arith.fptosi %mul3A_324 : vector<16xf32> to vector<16xi32>
          %mul3A_326 = arith.constant 4.000000e+01 : f32
          %mul3A_327 = vector.broadcast %mul3A_326 : f32 to vector<16xf32>
          %mul3A_328 = arith.mulf %get3A_140, %mul3A_327 : vector<16xf32>
          %convert_element_type3A_329 = arith.fptosi %mul3A_328 : vector<16xf32> to vector<16xi32>
          %mul3A_330 = arith.constant -1640531535 : i32
          %mul3A_331 = vector.broadcast %mul3A_330 : i32 to vector<16xi32>
          %mul3A_332 = arith.muli %convert_element_type3A_325, %mul3A_331 : vector<16xi32>
          %xor3A_333 = arith.xori %convert_element_type3A_321, %mul3A_332 : vector<16xi32>
          %mul3A_334 = arith.constant 805459861 : i32
          %mul3A_335 = vector.broadcast %mul3A_334 : i32 to vector<16xi32>
          %mul3A_336 = arith.muli %convert_element_type3A_329, %mul3A_335 : vector<16xi32>
          %xor3A_337 = arith.xori %xor3A_333, %mul3A_336 : vector<16xi32>
          %and3A_338 = arith.constant 524287 : i32
          %and3A_339 = vector.broadcast %and3A_338 : i32 to vector<16xi32>
          %and3A_340 = arith.andi %xor3A_337, %and3A_339 : vector<16xi32>
          %and3A_341 = arith.constant 127 : i32
          %and3A_342 = vector.broadcast %and3A_341 : i32 to vector<16xi32>
          %and3A_343 = arith.andi %and3A_340, %and3A_342 : vector<16xi32>
          %xor3A_344 = arith.xori %and3A_340, %and3A_343 : vector<16xi32>
          %shift_left3A_345 = arith.constant 1 : i32
          %shift_left3A_346 = vector.broadcast %shift_left3A_345 : i32 to vector<16xi32>
          %shift_left3A_347 = arith.shli %xor3A_344, %shift_left3A_346 : vector<16xi32>
          %add3A_348 = arith.constant 4194304 : i32
          %add3A_349 = vector.broadcast %add3A_348 : i32 to vector<16xi32>
          %add3A_350 = arith.addi %and3A_343, %add3A_349 : vector<16xi32>
          %add3A_351 = arith.addi %shift_left3A_347, %add3A_350 : vector<16xi32>
          %swap3A_352 = arith.constant 8 : i32
          %swap3A_353 = arith.index_cast %swap3A_352 : i32 to index
          %swap3A_354 = arith.index_cast %mul3A_131 : i32 to index
          %swap3A_355 = tpu.vector_load %arg8[%swap3A_353, %swap3A_354] {strides = array<i32>} : memref<32x128xi32, #tpu.memory_space<vmem>>, vector<16xi32>,
          tpu.vector_store %arg8[%swap3A_353, %swap3A_354], %add3A_351 {strides = array<i32>} : memref<32x128xi32, #tpu.memory_space<vmem>>, vector<16xi32>,
          %add3A_356 = arith.constant 128 : i32
          %add3A_357 = vector.broadcast %add3A_356 : i32 to vector<16xi32>
          %add3A_358 = arith.addi %add3A_351, %add3A_357 : vector<16xi32>
          %swap3A_359 = arith.constant 9 : i32
          %swap3A_360 = arith.index_cast %swap3A_359 : i32 to index
          %swap3A_361 = arith.index_cast %mul3A_131 : i32 to index
          %swap3A_362 = tpu.vector_load %arg8[%swap3A_360, %swap3A_361] {strides = array<i32>} : memref<32x128xi32, #tpu.memory_space<vmem>>, vector<16xi32>,
          tpu.vector_store %arg8[%swap3A_360, %swap3A_361], %add3A_358 {strides = array<i32>} : memref<32x128xi32, #tpu.memory_space<vmem>>, vector<16xi32>,
          %mul3A_363 = arith.constant 5.000000e+01 : f32
          %mul3A_364 = vector.broadcast %mul3A_363 : f32 to vector<16xf32>
          %mul3A_365 = arith.mulf %get3A_132, %mul3A_364 : vector<16xf32>
          %convert_element_type3A_366 = arith.fptosi %mul3A_365 : vector<16xf32> to vector<16xi32>
          %mul3A_367 = arith.constant 5.000000e+01 : f32
          %mul3A_368 = vector.broadcast %mul3A_367 : f32 to vector<16xf32>
          %mul3A_369 = arith.mulf %get3A_136, %mul3A_368 : vector<16xf32>
          %convert_element_type3A_370 = arith.fptosi %mul3A_369 : vector<16xf32> to vector<16xi32>
          %mul3A_371 = arith.constant 5.000000e+01 : f32
          %mul3A_372 = vector.broadcast %mul3A_371 : f32 to vector<16xf32>
          %mul3A_373 = arith.mulf %get3A_140, %mul3A_372 : vector<16xf32>
          %convert_element_type3A_374 = arith.fptosi %mul3A_373 : vector<16xf32> to vector<16xi32>
          %mul3A_375 = arith.constant -1640531535 : i32
          %mul3A_376 = vector.broadcast %mul3A_375 : i32 to vector<16xi32>
          %mul3A_377 = arith.muli %convert_element_type3A_370, %mul3A_376 : vector<16xi32>
          %xor3A_378 = arith.xori %convert_element_type3A_366, %mul3A_377 : vector<16xi32>
          %mul3A_379 = arith.constant 805459861 : i32
          %mul3A_380 = vector.broadcast %mul3A_379 : i32 to vector<16xi32>
          %mul3A_381 = arith.muli %convert_element_type3A_374, %mul3A_380 : vector<16xi32>
          %xor3A_382 = arith.xori %xor3A_378, %mul3A_381 : vector<16xi32>
          %and3A_383 = arith.constant 524287 : i32
          %and3A_384 = vector.broadcast %and3A_383 : i32 to vector<16xi32>
          %and3A_385 = arith.andi %xor3A_382, %and3A_384 : vector<16xi32>
          %and3A_386 = arith.constant 127 : i32
          %and3A_387 = vector.broadcast %and3A_386 : i32 to vector<16xi32>
          %and3A_388 = arith.andi %and3A_385, %and3A_387 : vector<16xi32>
          %xor3A_389 = arith.xori %and3A_385, %and3A_388 : vector<16xi32>
          %shift_left3A_390 = arith.constant 1 : i32
          %shift_left3A_391 = vector.broadcast %shift_left3A_390 : i32 to vector<16xi32>
          %shift_left3A_392 = arith.shli %xor3A_389, %shift_left3A_391 : vector<16xi32>
          %add3A_393 = arith.constant 5242880 : i32
          %add3A_394 = vector.broadcast %add3A_393 : i32 to vector<16xi32>
          %add3A_395 = arith.addi %and3A_388, %add3A_394 : vector<16xi32>
          %add3A_396 = arith.addi %shift_left3A_392, %add3A_395 : vector<16xi32>
          %swap3A_397 = arith.constant 10 : i32
          %swap3A_398 = arith.index_cast %swap3A_397 : i32 to index
          %swap3A_399 = arith.index_cast %mul3A_131 : i32 to index
          %swap3A_400 = tpu.vector_load %arg8[%swap3A_398, %swap3A_399] {strides = array<i32>} : memref<32x128xi32, #tpu.memory_space<vmem>>, vector<16xi32>,
          tpu.vector_store %arg8[%swap3A_398, %swap3A_399], %add3A_396 {strides = array<i32>} : memref<32x128xi32, #tpu.memory_space<vmem>>, vector<16xi32>,
          %add3A_401 = arith.constant 128 : i32
          %add3A_402 = vector.broadcast %add3A_401 : i32 to vector<16xi32>
          %add3A_403 = arith.addi %add3A_396, %add3A_402 : vector<16xi32>
          %swap3A_404 = arith.constant 11 : i32
          %swap3A_405 = arith.index_cast %swap3A_404 : i32 to index
          %swap3A_406 = arith.index_cast %mul3A_131 : i32 to index
          %swap3A_407 = tpu.vector_load %arg8[%swap3A_405, %swap3A_406] {strides = array<i32>} : memref<32x128xi32, #tpu.memory_space<vmem>>, vector<16xi32>,
          tpu.vector_store %arg8[%swap3A_405, %swap3A_406], %add3A_403 {strides = array<i32>} : memref<32x128xi32, #tpu.memory_space<vmem>>, vector<16xi32>,
          %mul3A_408 = arith.constant 6.400000e+01 : f32
          %mul3A_409 = vector.broadcast %mul3A_408 : f32 to vector<16xf32>
          %mul3A_410 = arith.mulf %get3A_132, %mul3A_409 : vector<16xf32>
          %convert_element_type3A_411 = arith.fptosi %mul3A_410 : vector<16xf32> to vector<16xi32>
          %mul3A_412 = arith.constant 6.400000e+01 : f32
          %mul3A_413 = vector.broadcast %mul3A_412 : f32 to vector<16xf32>
          %mul3A_414 = arith.mulf %get3A_136, %mul3A_413 : vector<16xf32>
          %convert_element_type3A_415 = arith.fptosi %mul3A_414 : vector<16xf32> to vector<16xi32>
          %mul3A_416 = arith.constant 6.400000e+01 : f32
          %mul3A_417 = vector.broadcast %mul3A_416 : f32 to vector<16xf32>
          %mul3A_418 = arith.mulf %get3A_140, %mul3A_417 : vector<16xf32>
          %convert_element_type3A_419 = arith.fptosi %mul3A_418 : vector<16xf32> to vector<16xi32>
          %mul3A_420 = arith.constant -1640531535 : i32
          %mul3A_421 = vector.broadcast %mul3A_420 : i32 to vector<16xi32>
          %mul3A_422 = arith.muli %convert_element_type3A_415, %mul3A_421 : vector<16xi32>
          %xor3A_423 = arith.xori %convert_element_type3A_411, %mul3A_422 : vector<16xi32>
          %mul3A_424 = arith.constant 805459861 : i32
          %mul3A_425 = vector.broadcast %mul3A_424 : i32 to vector<16xi32>
          %mul3A_426 = arith.muli %convert_element_type3A_419, %mul3A_425 : vector<16xi32>
          %xor3A_427 = arith.xori %xor3A_423, %mul3A_426 : vector<16xi32>
          %and3A_428 = arith.constant 524287 : i32
          %and3A_429 = vector.broadcast %and3A_428 : i32 to vector<16xi32>
          %and3A_430 = arith.andi %xor3A_427, %and3A_429 : vector<16xi32>
          %and3A_431 = arith.constant 127 : i32
          %and3A_432 = vector.broadcast %and3A_431 : i32 to vector<16xi32>
          %and3A_433 = arith.andi %and3A_430, %and3A_432 : vector<16xi32>
          %xor3A_434 = arith.xori %and3A_430, %and3A_433 : vector<16xi32>
          %shift_left3A_435 = arith.constant 1 : i32
          %shift_left3A_436 = vector.broadcast %shift_left3A_435 : i32 to vector<16xi32>
          %shift_left3A_437 = arith.shli %xor3A_434, %shift_left3A_436 : vector<16xi32>
          %add3A_438 = arith.constant 6291456 : i32
          %add3A_439 = vector.broadcast %add3A_438 : i32 to vector<16xi32>
          %add3A_440 = arith.addi %and3A_433, %add3A_439 : vector<16xi32>
          %add3A_441 = arith.addi %shift_left3A_437, %add3A_440 : vector<16xi32>
          %swap3A_442 = arith.constant 12 : i32
          %swap3A_443 = arith.index_cast %swap3A_442 : i32 to index
          %swap3A_444 = arith.index_cast %mul3A_131 : i32 to index
          %swap3A_445 = tpu.vector_load %arg8[%swap3A_443, %swap3A_444] {strides = array<i32>} : memref<32x128xi32, #tpu.memory_space<vmem>>, vector<16xi32>,
          tpu.vector_store %arg8[%swap3A_443, %swap3A_444], %add3A_441 {strides = array<i32>} : memref<32x128xi32, #tpu.memory_space<vmem>>, vector<16xi32>,
          %add3A_446 = arith.constant 128 : i32
          %add3A_447 = vector.broadcast %add3A_446 : i32 to vector<16xi32>
          %add3A_448 = arith.addi %add3A_441, %add3A_447 : vector<16xi32>
          %swap3A_449 = arith.constant 13 : i32
          %swap3A_450 = arith.index_cast %swap3A_449 : i32 to index
          %swap3A_451 = arith.index_cast %mul3A_131 : i32 to index
          %swap3A_452 = tpu.vector_load %arg8[%swap3A_450, %swap3A_451] {strides = array<i32>} : memref<32x128xi32, #tpu.memory_space<vmem>>, vector<16xi32>,
          tpu.vector_store %arg8[%swap3A_450, %swap3A_451], %add3A_448 {strides = array<i32>} : memref<32x128xi32, #tpu.memory_space<vmem>>, vector<16xi32>,
          %mul3A_453 = arith.constant 8.000000e+01 : f32
          %mul3A_454 = vector.broadcast %mul3A_453 : f32 to vector<16xf32>
          %mul3A_455 = arith.mulf %get3A_132, %mul3A_454 : vector<16xf32>
          %convert_element_type3A_456 = arith.fptosi %mul3A_455 : vector<16xf32> to vector<16xi32>
          %mul3A_457 = arith.constant 8.000000e+01 : f32
          %mul3A_458 = vector.broadcast %mul3A_457 : f32 to vector<16xf32>
          %mul3A_459 = arith.mulf %get3A_136, %mul3A_458 : vector<16xf32>
          %convert_element_type3A_460 = arith.fptosi %mul3A_459 : vector<16xf32> to vector<16xi32>
          %mul3A_461 = arith.constant 8.000000e+01 : f32
          %mul3A_462 = vector.broadcast %mul3A_461 : f32 to vector<16xf32>
          %mul3A_463 = arith.mulf %get3A_140, %mul3A_462 : vector<16xf32>
          %convert_element_type3A_464 = arith.fptosi %mul3A_463 : vector<16xf32> to vector<16xi32>
          %mul3A_465 = arith.constant -1640531535 : i32
          %mul3A_466 = vector.broadcast %mul3A_465 : i32 to vector<16xi32>
          %mul3A_467 = arith.muli %convert_element_type3A_460, %mul3A_466 : vector<16xi32>
          %xor3A_468 = arith.xori %convert_element_type3A_456, %mul3A_467 : vector<16xi32>
          %mul3A_469 = arith.constant 805459861 : i32
          %mul3A_470 = vector.broadcast %mul3A_469 : i32 to vector<16xi32>
          %mul3A_471 = arith.muli %convert_element_type3A_464, %mul3A_470 : vector<16xi32>
          %xor3A_472 = arith.xori %xor3A_468, %mul3A_471 : vector<16xi32>
          %and3A_473 = arith.constant 524287 : i32
          %and3A_474 = vector.broadcast %and3A_473 : i32 to vector<16xi32>
          %and3A_475 = arith.andi %xor3A_472, %and3A_474 : vector<16xi32>
          %and3A_476 = arith.constant 127 : i32
          %and3A_477 = vector.broadcast %and3A_476 : i32 to vector<16xi32>
          %and3A_478 = arith.andi %and3A_475, %and3A_477 : vector<16xi32>
          %xor3A_479 = arith.xori %and3A_475, %and3A_478 : vector<16xi32>
          %shift_left3A_480 = arith.constant 1 : i32
          %shift_left3A_481 = vector.broadcast %shift_left3A_480 : i32 to vector<16xi32>
          %shift_left3A_482 = arith.shli %xor3A_479, %shift_left3A_481 : vector<16xi32>
          %add3A_483 = arith.constant 7340032 : i32
          %add3A_484 = vector.broadcast %add3A_483 : i32 to vector<16xi32>
          %add3A_485 = arith.addi %and3A_478, %add3A_484 : vector<16xi32>
          %add3A_486 = arith.addi %shift_left3A_482, %add3A_485 : vector<16xi32>
          %swap3A_487 = arith.constant 14 : i32
          %swap3A_488 = arith.index_cast %swap3A_487 : i32 to index
          %swap3A_489 = arith.index_cast %mul3A_131 : i32 to index
          %swap3A_490 = tpu.vector_load %arg8[%swap3A_488, %swap3A_489] {strides = array<i32>} : memref<32x128xi32, #tpu.memory_space<vmem>>, vector<16xi32>,
          tpu.vector_store %arg8[%swap3A_488, %swap3A_489], %add3A_486 {strides = array<i32>} : memref<32x128xi32, #tpu.memory_space<vmem>>, vector<16xi32>,
          %add3A_491 = arith.constant 128 : i32
          %add3A_492 = vector.broadcast %add3A_491 : i32 to vector<16xi32>
          %add3A_493 = arith.addi %add3A_486, %add3A_492 : vector<16xi32>
          %swap3A_494 = arith.constant 15 : i32
          %swap3A_495 = arith.index_cast %swap3A_494 : i32 to index
          %swap3A_496 = arith.index_cast %mul3A_131 : i32 to index
          %swap3A_497 = tpu.vector_load %arg8[%swap3A_495, %swap3A_496] {strides = array<i32>} : memref<32x128xi32, #tpu.memory_space<vmem>>, vector<16xi32>,
          tpu.vector_store %arg8[%swap3A_495, %swap3A_496], %add3A_493 {strides = array<i32>} : memref<32x128xi32, #tpu.memory_space<vmem>>, vector<16xi32>,
          %mul3A_498 = arith.constant 1.010000e+02 : f32
          %mul3A_499 = vector.broadcast %mul3A_498 : f32 to vector<16xf32>
          %mul3A_500 = arith.mulf %get3A_132, %mul3A_499 : vector<16xf32>
          %convert_element_type3A_501 = arith.fptosi %mul3A_500 : vector<16xf32> to vector<16xi32>
          %mul3A_502 = arith.constant 1.010000e+02 : f32
          %mul3A_503 = vector.broadcast %mul3A_502 : f32 to vector<16xf32>
          %mul3A_504 = arith.mulf %get3A_136, %mul3A_503 : vector<16xf32>
          %convert_element_type3A_505 = arith.fptosi %mul3A_504 : vector<16xf32> to vector<16xi32>
          %mul3A_506 = arith.constant 1.010000e+02 : f32
          %mul3A_507 = vector.broadcast %mul3A_506 : f32 to vector<16xf32>
          %mul3A_508 = arith.mulf %get3A_140, %mul3A_507 : vector<16xf32>
          %convert_element_type3A_509 = arith.fptosi %mul3A_508 : vector<16xf32> to vector<16xi32>
          %mul3A_510 = arith.constant -1640531535 : i32
          %mul3A_511 = vector.broadcast %mul3A_510 : i32 to vector<16xi32>
          %mul3A_512 = arith.muli %convert_element_type3A_505, %mul3A_511 : vector<16xi32>
          %xor3A_513 = arith.xori %convert_element_type3A_501, %mul3A_512 : vector<16xi32>
          %mul3A_514 = arith.constant 805459861 : i32
          %mul3A_515 = vector.broadcast %mul3A_514 : i32 to vector<16xi32>
          %mul3A_516 = arith.muli %convert_element_type3A_509, %mul3A_515 : vector<16xi32>
          %xor3A_517 = arith.xori %xor3A_513, %mul3A_516 : vector<16xi32>
          %and3A_518 = arith.constant 524287 : i32
          %and3A_519 = vector.broadcast %and3A_518 : i32 to vector<16xi32>
          %and3A_520 = arith.andi %xor3A_517, %and3A_519 : vector<16xi32>
          %and3A_521 = arith.constant 127 : i32
          %and3A_522 = vector.broadcast %and3A_521 : i32 to vector<16xi32>
          %and3A_523 = arith.andi %and3A_520, %and3A_522 : vector<16xi32>
          %xor3A_524 = arith.xori %and3A_520, %and3A_523 : vector<16xi32>
          %shift_left3A_525 = arith.constant 1 : i32
          %shift_left3A_526 = vector.broadcast %shift_left3A_525 : i32 to vector<16xi32>
          %shift_left3A_527 = arith.shli %xor3A_524, %shift_left3A_526 : vector<16xi32>
          %add3A_528 = arith.constant 8388608 : i32
          %add3A_529 = vector.broadcast %add3A_528 : i32 to vector<16xi32>
          %add3A_530 = arith.addi %and3A_523, %add3A_529 : vector<16xi32>
          %add3A_531 = arith.addi %shift_left3A_527, %add3A_530 : vector<16xi32>
          %swap3A_532 = arith.constant 16 : i32
          %swap3A_533 = arith.index_cast %swap3A_532 : i32 to index
          %swap3A_534 = arith.index_cast %mul3A_131 : i32 to index
          %swap3A_535 = tpu.vector_load %arg8[%swap3A_533, %swap3A_534] {strides = array<i32>} : memref<32x128xi32, #tpu.memory_space<vmem>>, vector<16xi32>,
          tpu.vector_store %arg8[%swap3A_533, %swap3A_534], %add3A_531 {strides = array<i32>} : memref<32x128xi32, #tpu.memory_space<vmem>>, vector<16xi32>,
          %add3A_536 = arith.constant 128 : i32
          %add3A_537 = vector.broadcast %add3A_536 : i32 to vector<16xi32>
          %add3A_538 = arith.addi %add3A_531, %add3A_537 : vector<16xi32>
          %swap3A_539 = arith.constant 17 : i32
          %swap3A_540 = arith.index_cast %swap3A_539 : i32 to index
          %swap3A_541 = arith.index_cast %mul3A_131 : i32 to index
          %swap3A_542 = tpu.vector_load %arg8[%swap3A_540, %swap3A_541] {strides = array<i32>} : memref<32x128xi32, #tpu.memory_space<vmem>>, vector<16xi32>,
          tpu.vector_store %arg8[%swap3A_540, %swap3A_541], %add3A_538 {strides = array<i32>} : memref<32x128xi32, #tpu.memory_space<vmem>>, vector<16xi32>,
          %mul3A_543 = arith.constant 1.270000e+02 : f32
          %mul3A_544 = vector.broadcast %mul3A_543 : f32 to vector<16xf32>
          %mul3A_545 = arith.mulf %get3A_132, %mul3A_544 : vector<16xf32>
          %convert_element_type3A_546 = arith.fptosi %mul3A_545 : vector<16xf32> to vector<16xi32>
          %mul3A_547 = arith.constant 1.270000e+02 : f32
          %mul3A_548 = vector.broadcast %mul3A_547 : f32 to vector<16xf32>
          %mul3A_549 = arith.mulf %get3A_136, %mul3A_548 : vector<16xf32>
          %convert_element_type3A_550 = arith.fptosi %mul3A_549 : vector<16xf32> to vector<16xi32>
          %mul3A_551 = arith.constant 1.270000e+02 : f32
          %mul3A_552 = vector.broadcast %mul3A_551 : f32 to vector<16xf32>
          %mul3A_553 = arith.mulf %get3A_140, %mul3A_552 : vector<16xf32>
          %convert_element_type3A_554 = arith.fptosi %mul3A_553 : vector<16xf32> to vector<16xi32>
          %mul3A_555 = arith.constant -1640531535 : i32
          %mul3A_556 = vector.broadcast %mul3A_555 : i32 to vector<16xi32>
          %mul3A_557 = arith.muli %convert_element_type3A_550, %mul3A_556 : vector<16xi32>
          %xor3A_558 = arith.xori %convert_element_type3A_546, %mul3A_557 : vector<16xi32>
          %mul3A_559 = arith.constant 805459861 : i32
          %mul3A_560 = vector.broadcast %mul3A_559 : i32 to vector<16xi32>
          %mul3A_561 = arith.muli %convert_element_type3A_554, %mul3A_560 : vector<16xi32>
          %xor3A_562 = arith.xori %xor3A_558, %mul3A_561 : vector<16xi32>
          %and3A_563 = arith.constant 524287 : i32
          %and3A_564 = vector.broadcast %and3A_563 : i32 to vector<16xi32>
          %and3A_565 = arith.andi %xor3A_562, %and3A_564 : vector<16xi32>
          %and3A_566 = arith.constant 127 : i32
          %and3A_567 = vector.broadcast %and3A_566 : i32 to vector<16xi32>
          %and3A_568 = arith.andi %and3A_565, %and3A_567 : vector<16xi32>
          %xor3A_569 = arith.xori %and3A_565, %and3A_568 : vector<16xi32>
          %shift_left3A_570 = arith.constant 1 : i32
          %shift_left3A_571 = vector.broadcast %shift_left3A_570 : i32 to vector<16xi32>
          %shift_left3A_572 = arith.shli %xor3A_569, %shift_left3A_571 : vector<16xi32>
          %add3A_573 = arith.constant 9437184 : i32
          %add3A_574 = vector.broadcast %add3A_573 : i32 to vector<16xi32>
          %add3A_575 = arith.addi %and3A_568, %add3A_574 : vector<16xi32>
          %add3A_576 = arith.addi %shift_left3A_572, %add3A_575 : vector<16xi32>
          %swap3A_577 = arith.constant 18 : i32
          %swap3A_578 = arith.index_cast %swap3A_577 : i32 to index
          %swap3A_579 = arith.index_cast %mul3A_131 : i32 to index
          %swap3A_580 = tpu.vector_load %arg8[%swap3A_578, %swap3A_579] {strides = array<i32>} : memref<32x128xi32, #tpu.memory_space<vmem>>, vector<16xi32>,
          tpu.vector_store %arg8[%swap3A_578, %swap3A_579], %add3A_576 {strides = array<i32>} : memref<32x128xi32, #tpu.memory_space<vmem>>, vector<16xi32>,
          %add3A_581 = arith.constant 128 : i32
          %add3A_582 = vector.broadcast %add3A_581 : i32 to vector<16xi32>
          %add3A_583 = arith.addi %add3A_576, %add3A_582 : vector<16xi32>
          %swap3A_584 = arith.constant 19 : i32
          %swap3A_585 = arith.index_cast %swap3A_584 : i32 to index
          %swap3A_586 = arith.index_cast %mul3A_131 : i32 to index
          %swap3A_587 = tpu.vector_load %arg8[%swap3A_585, %swap3A_586] {strides = array<i32>} : memref<32x128xi32, #tpu.memory_space<vmem>>, vector<16xi32>,
          tpu.vector_store %arg8[%swap3A_585, %swap3A_586], %add3A_583 {strides = array<i32>} : memref<32x128xi32, #tpu.memory_space<vmem>>, vector<16xi32>,
          %mul3A_588 = arith.constant 1.610000e+02 : f32
          %mul3A_589 = vector.broadcast %mul3A_588 : f32 to vector<16xf32>
          %mul3A_590 = arith.mulf %get3A_132, %mul3A_589 : vector<16xf32>
          %convert_element_type3A_591 = arith.fptosi %mul3A_590 : vector<16xf32> to vector<16xi32>
          %mul3A_592 = arith.constant 1.610000e+02 : f32
          %mul3A_593 = vector.broadcast %mul3A_592 : f32 to vector<16xf32>
          %mul3A_594 = arith.mulf %get3A_136, %mul3A_593 : vector<16xf32>
          %convert_element_type3A_595 = arith.fptosi %mul3A_594 : vector<16xf32> to vector<16xi32>
          %mul3A_596 = arith.constant 1.610000e+02 : f32
          %mul3A_597 = vector.broadcast %mul3A_596 : f32 to vector<16xf32>
          %mul3A_598 = arith.mulf %get3A_140, %mul3A_597 : vector<16xf32>
          %convert_element_type3A_599 = arith.fptosi %mul3A_598 : vector<16xf32> to vector<16xi32>
          %mul3A_600 = arith.constant -1640531535 : i32
          %mul3A_601 = vector.broadcast %mul3A_600 : i32 to vector<16xi32>
          %mul3A_602 = arith.muli %convert_element_type3A_595, %mul3A_601 : vector<16xi32>
          %xor3A_603 = arith.xori %convert_element_type3A_591, %mul3A_602 : vector<16xi32>
          %mul3A_604 = arith.constant 805459861 : i32
          %mul3A_605 = vector.broadcast %mul3A_604 : i32 to vector<16xi32>
          %mul3A_606 = arith.muli %convert_element_type3A_599, %mul3A_605 : vector<16xi32>
          %xor3A_607 = arith.xori %xor3A_603, %mul3A_606 : vector<16xi32>
          %and3A_608 = arith.constant 524287 : i32
          %and3A_609 = vector.broadcast %and3A_608 : i32 to vector<16xi32>
          %and3A_610 = arith.andi %xor3A_607, %and3A_609 : vector<16xi32>
          %and3A_611 = arith.constant 127 : i32
          %and3A_612 = vector.broadcast %and3A_611 : i32 to vector<16xi32>
          %and3A_613 = arith.andi %and3A_610, %and3A_612 : vector<16xi32>
          %xor3A_614 = arith.xori %and3A_610, %and3A_613 : vector<16xi32>
          %shift_left3A_615 = arith.constant 1 : i32
          %shift_left3A_616 = vector.broadcast %shift_left3A_615 : i32 to vector<16xi32>
          %shift_left3A_617 = arith.shli %xor3A_614, %shift_left3A_616 : vector<16xi32>
          %add3A_618 = arith.constant 10485760 : i32
          %add3A_619 = vector.broadcast %add3A_618 : i32 to vector<16xi32>
          %add3A_620 = arith.addi %and3A_613, %add3A_619 : vector<16xi32>
          %add3A_621 = arith.addi %shift_left3A_617, %add3A_620 : vector<16xi32>
          %swap3A_622 = arith.constant 20 : i32
          %swap3A_623 = arith.index_cast %swap3A_622 : i32 to index
          %swap3A_624 = arith.index_cast %mul3A_131 : i32 to index
          %swap3A_625 = tpu.vector_load %arg8[%swap3A_623, %swap3A_624] {strides = array<i32>} : memref<32x128xi32, #tpu.memory_space<vmem>>, vector<16xi32>,
          tpu.vector_store %arg8[%swap3A_623, %swap3A_624], %add3A_621 {strides = array<i32>} : memref<32x128xi32, #tpu.memory_space<vmem>>, vector<16xi32>,
          %add3A_626 = arith.constant 128 : i32
          %add3A_627 = vector.broadcast %add3A_626 : i32 to vector<16xi32>
          %add3A_628 = arith.addi %add3A_621, %add3A_627 : vector<16xi32>
          %swap3A_629 = arith.constant 21 : i32
          %swap3A_630 = arith.index_cast %swap3A_629 : i32 to index
          %swap3A_631 = arith.index_cast %mul3A_131 : i32 to index
          %swap3A_632 = tpu.vector_load %arg8[%swap3A_630, %swap3A_631] {strides = array<i32>} : memref<32x128xi32, #tpu.memory_space<vmem>>, vector<16xi32>,
          tpu.vector_store %arg8[%swap3A_630, %swap3A_631], %add3A_628 {strides = array<i32>} : memref<32x128xi32, #tpu.memory_space<vmem>>, vector<16xi32>,
          %mul3A_633 = arith.constant 2.030000e+02 : f32
          %mul3A_634 = vector.broadcast %mul3A_633 : f32 to vector<16xf32>
          %mul3A_635 = arith.mulf %get3A_132, %mul3A_634 : vector<16xf32>
          %convert_element_type3A_636 = arith.fptosi %mul3A_635 : vector<16xf32> to vector<16xi32>
          %mul3A_637 = arith.constant 2.030000e+02 : f32
          %mul3A_638 = vector.broadcast %mul3A_637 : f32 to vector<16xf32>
          %mul3A_639 = arith.mulf %get3A_136, %mul3A_638 : vector<16xf32>
          %convert_element_type3A_640 = arith.fptosi %mul3A_639 : vector<16xf32> to vector<16xi32>
          %mul3A_641 = arith.constant 2.030000e+02 : f32
          %mul3A_642 = vector.broadcast %mul3A_641 : f32 to vector<16xf32>
          %mul3A_643 = arith.mulf %get3A_140, %mul3A_642 : vector<16xf32>
          %convert_element_type3A_644 = arith.fptosi %mul3A_643 : vector<16xf32> to vector<16xi32>
          %mul3A_645 = arith.constant -1640531535 : i32
          %mul3A_646 = vector.broadcast %mul3A_645 : i32 to vector<16xi32>
          %mul3A_647 = arith.muli %convert_element_type3A_640, %mul3A_646 : vector<16xi32>
          %xor3A_648 = arith.xori %convert_element_type3A_636, %mul3A_647 : vector<16xi32>
          %mul3A_649 = arith.constant 805459861 : i32
          %mul3A_650 = vector.broadcast %mul3A_649 : i32 to vector<16xi32>
          %mul3A_651 = arith.muli %convert_element_type3A_644, %mul3A_650 : vector<16xi32>
          %xor3A_652 = arith.xori %xor3A_648, %mul3A_651 : vector<16xi32>
          %and3A_653 = arith.constant 524287 : i32
          %and3A_654 = vector.broadcast %and3A_653 : i32 to vector<16xi32>
          %and3A_655 = arith.andi %xor3A_652, %and3A_654 : vector<16xi32>
          %and3A_656 = arith.constant 127 : i32
          %and3A_657 = vector.broadcast %and3A_656 : i32 to vector<16xi32>
          %and3A_658 = arith.andi %and3A_655, %and3A_657 : vector<16xi32>
          %xor3A_659 = arith.xori %and3A_655, %and3A_658 : vector<16xi32>
          %shift_left3A_660 = arith.constant 1 : i32
          %shift_left3A_661 = vector.broadcast %shift_left3A_660 : i32 to vector<16xi32>
          %shift_left3A_662 = arith.shli %xor3A_659, %shift_left3A_661 : vector<16xi32>
          %add3A_663 = arith.constant 11534336 : i32
          %add3A_664 = vector.broadcast %add3A_663 : i32 to vector<16xi32>
          %add3A_665 = arith.addi %and3A_658, %add3A_664 : vector<16xi32>
          %add3A_666 = arith.addi %shift_left3A_662, %add3A_665 : vector<16xi32>
          %swap3A_667 = arith.constant 22 : i32
          %swap3A_668 = arith.index_cast %swap3A_667 : i32 to index
          %swap3A_669 = arith.index_cast %mul3A_131 : i32 to index
          %swap3A_670 = tpu.vector_load %arg8[%swap3A_668, %swap3A_669] {strides = array<i32>} : memref<32x128xi32, #tpu.memory_space<vmem>>, vector<16xi32>,
          tpu.vector_store %arg8[%swap3A_668, %swap3A_669], %add3A_666 {strides = array<i32>} : memref<32x128xi32, #tpu.memory_space<vmem>>, vector<16xi32>,
          %add3A_671 = arith.constant 128 : i32
          %add3A_672 = vector.broadcast %add3A_671 : i32 to vector<16xi32>
          %add3A_673 = arith.addi %add3A_666, %add3A_672 : vector<16xi32>
          %swap3A_674 = arith.constant 23 : i32
          %swap3A_675 = arith.index_cast %swap3A_674 : i32 to index
          %swap3A_676 = arith.index_cast %mul3A_131 : i32 to index
          %swap3A_677 = tpu.vector_load %arg8[%swap3A_675, %swap3A_676] {strides = array<i32>} : memref<32x128xi32, #tpu.memory_space<vmem>>, vector<16xi32>,
          tpu.vector_store %arg8[%swap3A_675, %swap3A_676], %add3A_673 {strides = array<i32>} : memref<32x128xi32, #tpu.memory_space<vmem>>, vector<16xi32>,
          %mul3A_678 = arith.constant 2.560000e+02 : f32
          %mul3A_679 = vector.broadcast %mul3A_678 : f32 to vector<16xf32>
          %mul3A_680 = arith.mulf %get3A_132, %mul3A_679 : vector<16xf32>
          %convert_element_type3A_681 = arith.fptosi %mul3A_680 : vector<16xf32> to vector<16xi32>
          %mul3A_682 = arith.constant 2.560000e+02 : f32
          %mul3A_683 = vector.broadcast %mul3A_682 : f32 to vector<16xf32>
          %mul3A_684 = arith.mulf %get3A_136, %mul3A_683 : vector<16xf32>
          %convert_element_type3A_685 = arith.fptosi %mul3A_684 : vector<16xf32> to vector<16xi32>
          %mul3A_686 = arith.constant 2.560000e+02 : f32
          %mul3A_687 = vector.broadcast %mul3A_686 : f32 to vector<16xf32>
          %mul3A_688 = arith.mulf %get3A_140, %mul3A_687 : vector<16xf32>
          %convert_element_type3A_689 = arith.fptosi %mul3A_688 : vector<16xf32> to vector<16xi32>
          %mul3A_690 = arith.constant -1640531535 : i32
          %mul3A_691 = vector.broadcast %mul3A_690 : i32 to vector<16xi32>
          %mul3A_692 = arith.muli %convert_element_type3A_685, %mul3A_691 : vector<16xi32>
          %xor3A_693 = arith.xori %convert_element_type3A_681, %mul3A_692 : vector<16xi32>
          %mul3A_694 = arith.constant 805459861 : i32
          %mul3A_695 = vector.broadcast %mul3A_694 : i32 to vector<16xi32>
          %mul3A_696 = arith.muli %convert_element_type3A_689, %mul3A_695 : vector<16xi32>
          %xor3A_697 = arith.xori %xor3A_693, %mul3A_696 : vector<16xi32>
          %and3A_698 = arith.constant 524287 : i32
          %and3A_699 = vector.broadcast %and3A_698 : i32 to vector<16xi32>
          %and3A_700 = arith.andi %xor3A_697, %and3A_699 : vector<16xi32>
          %and3A_701 = arith.constant 127 : i32
          %and3A_702 = vector.broadcast %and3A_701 : i32 to vector<16xi32>
          %and3A_703 = arith.andi %and3A_700, %and3A_702 : vector<16xi32>
          %xor3A_704 = arith.xori %and3A_700, %and3A_703 : vector<16xi32>
          %shift_left3A_705 = arith.constant 1 : i32
          %shift_left3A_706 = vector.broadcast %shift_left3A_705 : i32 to vector<16xi32>
          %shift_left3A_707 = arith.shli %xor3A_704, %shift_left3A_706 : vector<16xi32>
          %add3A_708 = arith.constant 12582912 : i32
          %add3A_709 = vector.broadcast %add3A_708 : i32 to vector<16xi32>
          %add3A_710 = arith.addi %and3A_703, %add3A_709 : vector<16xi32>
          %add3A_711 = arith.addi %shift_left3A_707, %add3A_710 : vector<16xi32>
          %swap3A_712 = arith.constant 24 : i32
          %swap3A_713 = arith.index_cast %swap3A_712 : i32 to index
          %swap3A_714 = arith.index_cast %mul3A_131 : i32 to index
          %swap3A_715 = tpu.vector_load %arg8[%swap3A_713, %swap3A_714] {strides = array<i32>} : memref<32x128xi32, #tpu.memory_space<vmem>>, vector<16xi32>,
          tpu.vector_store %arg8[%swap3A_713, %swap3A_714], %add3A_711 {strides = array<i32>} : memref<32x128xi32, #tpu.memory_space<vmem>>, vector<16xi32>,
          %add3A_716 = arith.constant 128 : i32
          %add3A_717 = vector.broadcast %add3A_716 : i32 to vector<16xi32>
          %add3A_718 = arith.addi %add3A_711, %add3A_717 : vector<16xi32>
          %swap3A_719 = arith.constant 25 : i32
          %swap3A_720 = arith.index_cast %swap3A_719 : i32 to index
          %swap3A_721 = arith.index_cast %mul3A_131 : i32 to index
          %swap3A_722 = tpu.vector_load %arg8[%swap3A_720, %swap3A_721] {strides = array<i32>} : memref<32x128xi32, #tpu.memory_space<vmem>>, vector<16xi32>,
          tpu.vector_store %arg8[%swap3A_720, %swap3A_721], %add3A_718 {strides = array<i32>} : memref<32x128xi32, #tpu.memory_space<vmem>>, vector<16xi32>,
          %mul3A_723 = arith.constant 3.220000e+02 : f32
          %mul3A_724 = vector.broadcast %mul3A_723 : f32 to vector<16xf32>
          %mul3A_725 = arith.mulf %get3A_132, %mul3A_724 : vector<16xf32>
          %convert_element_type3A_726 = arith.fptosi %mul3A_725 : vector<16xf32> to vector<16xi32>
          %mul3A_727 = arith.constant 3.220000e+02 : f32
          %mul3A_728 = vector.broadcast %mul3A_727 : f32 to vector<16xf32>
          %mul3A_729 = arith.mulf %get3A_136, %mul3A_728 : vector<16xf32>
          %convert_element_type3A_730 = arith.fptosi %mul3A_729 : vector<16xf32> to vector<16xi32>
          %mul3A_731 = arith.constant 3.220000e+02 : f32
          %mul3A_732 = vector.broadcast %mul3A_731 : f32 to vector<16xf32>
          %mul3A_733 = arith.mulf %get3A_140, %mul3A_732 : vector<16xf32>
          %convert_element_type3A_734 = arith.fptosi %mul3A_733 : vector<16xf32> to vector<16xi32>
          %mul3A_735 = arith.constant -1640531535 : i32
          %mul3A_736 = vector.broadcast %mul3A_735 : i32 to vector<16xi32>
          %mul3A_737 = arith.muli %convert_element_type3A_730, %mul3A_736 : vector<16xi32>
          %xor3A_738 = arith.xori %convert_element_type3A_726, %mul3A_737 : vector<16xi32>
          %mul3A_739 = arith.constant 805459861 : i32
          %mul3A_740 = vector.broadcast %mul3A_739 : i32 to vector<16xi32>
          %mul3A_741 = arith.muli %convert_element_type3A_734, %mul3A_740 : vector<16xi32>
          %xor3A_742 = arith.xori %xor3A_738, %mul3A_741 : vector<16xi32>
          %and3A_743 = arith.constant 524287 : i32
          %and3A_744 = vector.broadcast %and3A_743 : i32 to vector<16xi32>
          %and3A_745 = arith.andi %xor3A_742, %and3A_744 : vector<16xi32>
          %and3A_746 = arith.constant 127 : i32
          %and3A_747 = vector.broadcast %and3A_746 : i32 to vector<16xi32>
          %and3A_748 = arith.andi %and3A_745, %and3A_747 : vector<16xi32>
          %xor3A_749 = arith.xori %and3A_745, %and3A_748 : vector<16xi32>
          %shift_left3A_750 = arith.constant 1 : i32
          %shift_left3A_751 = vector.broadcast %shift_left3A_750 : i32 to vector<16xi32>
          %shift_left3A_752 = arith.shli %xor3A_749, %shift_left3A_751 : vector<16xi32>
          %add3A_753 = arith.constant 13631488 : i32
          %add3A_754 = vector.broadcast %add3A_753 : i32 to vector<16xi32>
          %add3A_755 = arith.addi %and3A_748, %add3A_754 : vector<16xi32>
          %add3A_756 = arith.addi %shift_left3A_752, %add3A_755 : vector<16xi32>
          %swap3A_757 = arith.constant 26 : i32
          %swap3A_758 = arith.index_cast %swap3A_757 : i32 to index
          %swap3A_759 = arith.index_cast %mul3A_131 : i32 to index
          %swap3A_760 = tpu.vector_load %arg8[%swap3A_758, %swap3A_759] {strides = array<i32>} : memref<32x128xi32, #tpu.memory_space<vmem>>, vector<16xi32>,
          tpu.vector_store %arg8[%swap3A_758, %swap3A_759], %add3A_756 {strides = array<i32>} : memref<32x128xi32, #tpu.memory_space<vmem>>, vector<16xi32>,
          %add3A_761 = arith.constant 128 : i32
          %add3A_762 = vector.broadcast %add3A_761 : i32 to vector<16xi32>
          %add3A_763 = arith.addi %add3A_756, %add3A_762 : vector<16xi32>
          %swap3A_764 = arith.constant 27 : i32
          %swap3A_765 = arith.index_cast %swap3A_764 : i32 to index
          %swap3A_766 = arith.index_cast %mul3A_131 : i32 to index
          %swap3A_767 = tpu.vector_load %arg8[%swap3A_765, %swap3A_766] {strides = array<i32>} : memref<32x128xi32, #tpu.memory_space<vmem>>, vector<16xi32>,
          tpu.vector_store %arg8[%swap3A_765, %swap3A_766], %add3A_763 {strides = array<i32>} : memref<32x128xi32, #tpu.memory_space<vmem>>, vector<16xi32>,
          %mul3A_768 = arith.constant 4.060000e+02 : f32
          %mul3A_769 = vector.broadcast %mul3A_768 : f32 to vector<16xf32>
          %mul3A_770 = arith.mulf %get3A_132, %mul3A_769 : vector<16xf32>
          %convert_element_type3A_771 = arith.fptosi %mul3A_770 : vector<16xf32> to vector<16xi32>
          %mul3A_772 = arith.constant 4.060000e+02 : f32
          %mul3A_773 = vector.broadcast %mul3A_772 : f32 to vector<16xf32>
          %mul3A_774 = arith.mulf %get3A_136, %mul3A_773 : vector<16xf32>
          %convert_element_type3A_775 = arith.fptosi %mul3A_774 : vector<16xf32> to vector<16xi32>
          %mul3A_776 = arith.constant 4.060000e+02 : f32
          %mul3A_777 = vector.broadcast %mul3A_776 : f32 to vector<16xf32>
          %mul3A_778 = arith.mulf %get3A_140, %mul3A_777 : vector<16xf32>
          %convert_element_type3A_779 = arith.fptosi %mul3A_778 : vector<16xf32> to vector<16xi32>
          %mul3A_780 = arith.constant -1640531535 : i32
          %mul3A_781 = vector.broadcast %mul3A_780 : i32 to vector<16xi32>
          %mul3A_782 = arith.muli %convert_element_type3A_775, %mul3A_781 : vector<16xi32>
          %xor3A_783 = arith.xori %convert_element_type3A_771, %mul3A_782 : vector<16xi32>
          %mul3A_784 = arith.constant 805459861 : i32
          %mul3A_785 = vector.broadcast %mul3A_784 : i32 to vector<16xi32>
          %mul3A_786 = arith.muli %convert_element_type3A_779, %mul3A_785 : vector<16xi32>
          %xor3A_787 = arith.xori %xor3A_783, %mul3A_786 : vector<16xi32>
          %and3A_788 = arith.constant 524287 : i32
          %and3A_789 = vector.broadcast %and3A_788 : i32 to vector<16xi32>
          %and3A_790 = arith.andi %xor3A_787, %and3A_789 : vector<16xi32>
          %and3A_791 = arith.constant 127 : i32
          %and3A_792 = vector.broadcast %and3A_791 : i32 to vector<16xi32>
          %and3A_793 = arith.andi %and3A_790, %and3A_792 : vector<16xi32>
          %xor3A_794 = arith.xori %and3A_790, %and3A_793 : vector<16xi32>
          %shift_left3A_795 = arith.constant 1 : i32
          %shift_left3A_796 = vector.broadcast %shift_left3A_795 : i32 to vector<16xi32>
          %shift_left3A_797 = arith.shli %xor3A_794, %shift_left3A_796 : vector<16xi32>
          %add3A_798 = arith.constant 14680064 : i32
          %add3A_799 = vector.broadcast %add3A_798 : i32 to vector<16xi32>
          %add3A_800 = arith.addi %and3A_793, %add3A_799 : vector<16xi32>
          %add3A_801 = arith.addi %shift_left3A_797, %add3A_800 : vector<16xi32>
          %swap3A_802 = arith.constant 28 : i32
          %swap3A_803 = arith.index_cast %swap3A_802 : i32 to index
          %swap3A_804 = arith.index_cast %mul3A_131 : i32 to index
          %swap3A_805 = tpu.vector_load %arg8[%swap3A_803, %swap3A_804] {strides = array<i32>} : memref<32x128xi32, #tpu.memory_space<vmem>>, vector<16xi32>,
          tpu.vector_store %arg8[%swap3A_803, %swap3A_804], %add3A_801 {strides = array<i32>} : memref<32x128xi32, #tpu.memory_space<vmem>>, vector<16xi32>,
          %add3A_806 = arith.constant 128 : i32
          %add3A_807 = vector.broadcast %add3A_806 : i32 to vector<16xi32>
          %add3A_808 = arith.addi %add3A_801, %add3A_807 : vector<16xi32>
          %swap3A_809 = arith.constant 29 : i32
          %swap3A_810 = arith.index_cast %swap3A_809 : i32 to index
          %swap3A_811 = arith.index_cast %mul3A_131 : i32 to index
          %swap3A_812 = tpu.vector_load %arg8[%swap3A_810, %swap3A_811] {strides = array<i32>} : memref<32x128xi32, #tpu.memory_space<vmem>>, vector<16xi32>,
          tpu.vector_store %arg8[%swap3A_810, %swap3A_811], %add3A_808 {strides = array<i32>} : memref<32x128xi32, #tpu.memory_space<vmem>>, vector<16xi32>,
          %mul3A_813 = arith.constant 5.120000e+02 : f32
          %mul3A_814 = vector.broadcast %mul3A_813 : f32 to vector<16xf32>
          %mul3A_815 = arith.mulf %get3A_132, %mul3A_814 : vector<16xf32>
          %convert_element_type3A_816 = arith.fptosi %mul3A_815 : vector<16xf32> to vector<16xi32>
          %mul3A_817 = arith.constant 5.120000e+02 : f32
          %mul3A_818 = vector.broadcast %mul3A_817 : f32 to vector<16xf32>
          %mul3A_819 = arith.mulf %get3A_136, %mul3A_818 : vector<16xf32>
          %convert_element_type3A_820 = arith.fptosi %mul3A_819 : vector<16xf32> to vector<16xi32>
          %mul3A_821 = arith.constant 5.120000e+02 : f32
          %mul3A_822 = vector.broadcast %mul3A_821 : f32 to vector<16xf32>
          %mul3A_823 = arith.mulf %get3A_140, %mul3A_822 : vector<16xf32>
          %convert_element_type3A_824 = arith.fptosi %mul3A_823 : vector<16xf32> to vector<16xi32>
          %mul3A_825 = arith.constant -1640531535 : i32
          %mul3A_826 = vector.broadcast %mul3A_825 : i32 to vector<16xi32>
          %mul3A_827 = arith.muli %convert_element_type3A_820, %mul3A_826 : vector<16xi32>
          %xor3A_828 = arith.xori %convert_element_type3A_816, %mul3A_827 : vector<16xi32>
          %mul3A_829 = arith.constant 805459861 : i32
          %mul3A_830 = vector.broadcast %mul3A_829 : i32 to vector<16xi32>
          %mul3A_831 = arith.muli %convert_element_type3A_824, %mul3A_830 : vector<16xi32>
          %xor3A_832 = arith.xori %xor3A_828, %mul3A_831 : vector<16xi32>
          %and3A_833 = arith.constant 524287 : i32
          %and3A_834 = vector.broadcast %and3A_833 : i32 to vector<16xi32>
          %and3A_835 = arith.andi %xor3A_832, %and3A_834 : vector<16xi32>
          %and3A_836 = arith.constant 127 : i32
          %and3A_837 = vector.broadcast %and3A_836 : i32 to vector<16xi32>
          %and3A_838 = arith.andi %and3A_835, %and3A_837 : vector<16xi32>
          %xor3A_839 = arith.xori %and3A_835, %and3A_838 : vector<16xi32>
          %shift_left3A_840 = arith.constant 1 : i32
          %shift_left3A_841 = vector.broadcast %shift_left3A_840 : i32 to vector<16xi32>
          %shift_left3A_842 = arith.shli %xor3A_839, %shift_left3A_841 : vector<16xi32>
          %add3A_843 = arith.constant 15728640 : i32
          %add3A_844 = vector.broadcast %add3A_843 : i32 to vector<16xi32>
          %add3A_845 = arith.addi %and3A_838, %add3A_844 : vector<16xi32>
          %add3A_846 = arith.addi %shift_left3A_842, %add3A_845 : vector<16xi32>
          %swap3A_847 = arith.constant 30 : i32
          %swap3A_848 = arith.index_cast %swap3A_847 : i32 to index
          %swap3A_849 = arith.index_cast %mul3A_131 : i32 to index
          %swap3A_850 = tpu.vector_load %arg8[%swap3A_848, %swap3A_849] {strides = array<i32>} : memref<32x128xi32, #tpu.memory_space<vmem>>, vector<16xi32>,
          tpu.vector_store %arg8[%swap3A_848, %swap3A_849], %add3A_846 {strides = array<i32>} : memref<32x128xi32, #tpu.memory_space<vmem>>, vector<16xi32>,
          %add3A_851 = arith.constant 128 : i32
          %add3A_852 = vector.broadcast %add3A_851 : i32 to vector<16xi32>
          %add3A_853 = arith.addi %add3A_846, %add3A_852 : vector<16xi32>
          %swap3A_854 = arith.constant 31 : i32
          %swap3A_855 = arith.index_cast %swap3A_854 : i32 to index
          %swap3A_856 = arith.index_cast %mul3A_131 : i32 to index
          %swap3A_857 = tpu.vector_load %arg8[%swap3A_855, %swap3A_856] {strides = array<i32>} : memref<32x128xi32, #tpu.memory_space<vmem>>, vector<16xi32>,
          tpu.vector_store %arg8[%swap3A_855, %swap3A_856], %add3A_853 {strides = array<i32>} : memref<32x128xi32, #tpu.memory_space<vmem>>, vector<16xi32>,
          %scan3A_858 = arith.constant 0 : i32
          scf.yield %scan3A_858 : i32
        }
        %scan3A_104 = arith.constant 8 : i32
        %scan3A_105 = arith.constant 0 : i32
        %scan3A_106 = arith.constant 0 : i32
        %scan3A_107 = arith.constant 32 : i32
        %scan3A_108 = arith.addi %scan3A_106, %scan3A_107 : i32
        %scan3A_109 = arith.constant 1 : i32
        %scan3A_110 = scf.for %scan3A_128 = %scan3A_106 to %scan3A_108 step %scan3A_109 iter_args(%scan3A_129 = %scan3A_105) -> (i32)  : i32 {
          %mul3A_130 = arith.constant 128 : i32
          %mul3A_131 = arith.muli %scan3A_128, %mul3A_130 : i32
          %dma_start3A_132 = tpu.memref_slice %arg10[%mul3A_131] : memref<4096xf32, #tpu.memory_space<vmem>> -> memref<128xf32, #tpu.memory_space<vmem>>
          %dma_start3A_133 = arith.constant 0 : i32
          %dma_start3A_134 = tpu.memref_slice %arg8[%scan3A_128, %dma_start3A_133] : memref<32x128xi32, #tpu.memory_space<vmem>> -> memref<1x128xi32, #tpu.memory_space<vmem>>
          %dma_start3A_135 = tpu.memref_squeeze %dma_start3A_134 : memref<1x128xi32, #tpu.memory_space<vmem>> -> memref<128xi32, #tpu.memory_space<vmem>>
          %dma_start3A_136 = arith.constant 0 : i32
          %dma_start3A_137 = tpu.memref_slice %arg3[%dma_start3A_136] : memref<16777216xf32, #tpu.memory_space<hbm>> -> memref<16777216xf32, #tpu.memory_space<hbm>>
          tpu.enqueue_indirect_dma source(%dma_start3A_137 : memref<16777216xf32, #tpu.memory_space<hbm>>) target(%dma_start3A_132 : memref<128xf32, #tpu.memory_space<vmem>>) offsets(%dma_start3A_135 : memref<128xi32, #tpu.memory_space<vmem>>) semaphore(%arg12 : memref<!tpu.dma_semaphore, #tpu.memory_space<semaphore_mem>>)
          %scan3A_138 = arith.constant 0 : i32
          scf.yield %scan3A_138 : i32
        }
        %scan3A_111 = arith.constant 32 : i32
        %add3A_112 = arith.addi %mul3A_2, %scan3A_69 : i32
        %sub3A = arith.constant 1 : i32
        %sub3A_113 = arith.subi %add3A_112, %sub3A : i32
        %scan3A_114 = arith.constant 0 : i32
        %scan3A_115 = arith.constant 0 : i32
        %scan3A_116 = arith.constant 32 : i32
        %scan3A_117 = arith.addi %scan3A_115, %scan3A_116 : i32
        %scan3A_118 = arith.constant 1 : i32
        %scan3A_119 = scf.for %scan3A_128 = %scan3A_115 to %scan3A_117 step %scan3A_118 iter_args(%scan3A_129 = %scan3A_114) -> (i32)  : i32 {
          %mul3A_130 = arith.constant 128 : i32
          %mul3A_131 = arith.muli %scan3A_128, %mul3A_130 : i32
          %dma_wait3A_132 = tpu.memref_slice %arg9[%mul3A_131] : memref<4096xf32, #tpu.memory_space<vmem>> -> memref<128xf32, #tpu.memory_space<vmem>>
          %dma_wait3A_133 = arith.constant 0 : i32
          %dma_wait3A_134 = tpu.memref_slice %arg7[%scan3A_128, %dma_wait3A_133] : memref<32x128xi32, #tpu.memory_space<vmem>> -> memref<1x128xi32, #tpu.memory_space<vmem>>
          %dma_wait3A_135 = tpu.memref_squeeze %dma_wait3A_134 : memref<1x128xi32, #tpu.memory_space<vmem>> -> memref<128xi32, #tpu.memory_space<vmem>>
          %dma_wait3A_136 = arith.constant 0 : i32
          %dma_wait3A_137 = tpu.memref_slice %arg3[%dma_wait3A_136] : memref<16777216xf32, #tpu.memory_space<hbm>> -> memref<16777216xf32, #tpu.memory_space<hbm>>
          tpu.wait_indirect_dma semaphore(%arg11 : memref<!tpu.dma_semaphore, #tpu.memory_space<semaphore_mem>>) src(%dma_wait3A_137 : memref<16777216xf32, #tpu.memory_space<hbm>>) dst(%dma_wait3A_132 : memref<128xf32, #tpu.memory_space<vmem>>)
          %scan3A_138 = arith.constant 0 : i32
          scf.yield %scan3A_138 : i32
        }
        %scan3A_120 = arith.constant 32 : i32
        %scan3A_121 = arith.constant 0 : i32
        %scan3A_122 = arith.constant 0 : i32
        %scan3A_123 = arith.constant 4 : i32
        %scan3A_124 = arith.addi %scan3A_122, %scan3A_123 : i32
        %scan3A_125 = arith.constant 1 : i32
        %scan3A_126 = scf.for %scan3A_128 = %scan3A_122 to %scan3A_124 step %scan3A_125 iter_args(%scan3A_129 = %scan3A_121) -> (i32)  : i32 {
          %mul3A_130 = arith.constant 1024 : i32
          %mul3A_131 = arith.muli %scan3A_128, %mul3A_130 : i32
          %mul3A_132 = arith.constant 8192 : i32
          %mul3A_133 = arith.muli %scan3A_128, %mul3A_132 : i32
          %add3A_134 = arith.addi %mul3A_133, %sub3A_113 : i32
          %mul3A_135 = arith.constant 1024 : i32
          %mul3A_136 = arith.muli %add3A_134, %mul3A_135 : i32
          %dma_start3A_137 = tpu.memref_slice %arg9[%mul3A_131] : memref<4096xf32, #tpu.memory_space<vmem>> -> memref<1024xf32, #tpu.memory_space<vmem>>
          %dma_start3A_138 = tpu.memref_slice %arg4[%mul3A_136] : memref<33554432xf32, #tpu.memory_space<hbm>> -> memref<1024xf32, #tpu.memory_space<hbm>>
          %dma_start3A_139 = tpu.memref_slice %arg4[%mul3A_136] : memref<33554432xf32, #tpu.memory_space<hbm>> -> memref<1024xf32, #tpu.memory_space<hbm>>
          %dma_start3A_140 = tpu.memref_slice %arg9[%mul3A_131] : memref<4096xf32, #tpu.memory_space<vmem>> -> memref<1024xf32, #tpu.memory_space<vmem>>
          tpu.enqueue_dma source(%dma_start3A_140 : memref<1024xf32, #tpu.memory_space<vmem>>) target(%dma_start3A_139 : memref<1024xf32, #tpu.memory_space<hbm>>) target_semaphore(%arg15 : memref<!tpu.dma_semaphore, #tpu.memory_space<semaphore_mem>>)
          %scan3A_141 = arith.constant 0 : i32
          scf.yield %scan3A_141 : i32
        }
        %scan3A_127 = arith.constant 4 : i32
      } else {
      }
      %eq3A_74 = arith.constant 0 : i32
      %eq3A_75 = arith.cmpi eq, %and3A_71, %eq3A_74 : i32
      %convert_element_type3A_76 = arith.extui %eq3A_75 : i1 to i32
      %cond3A_77 = arith.constant 0 : i32
      %cond3A_78 = arith.cmpi ne, %convert_element_type3A_76, %cond3A_77 : i32
      scf.if %cond3A_78 {
        %add3A_80 = arith.addi %mul3A_2, %scan3A_69 : i32
        %mul3A_81 = arith.constant 384 : i32
        %mul3A_82 = arith.muli %add3A_80, %mul3A_81 : i32
        %dma_wait3A_83 = tpu.memref_slice %arg2[%mul3A_82] : memref<3145728xf32, #tpu.memory_space<hbm>> -> memref<384xf32, #tpu.memory_space<hbm>>
        %dma_wait3A_84 = tpu.memref_slice %arg2[%mul3A_82] : memref<3145728xf32, #tpu.memory_space<hbm>> -> memref<384xf32, #tpu.memory_space<hbm>>
        tpu.wait_dma2 semaphore(%arg13 : memref<!tpu.dma_semaphore, #tpu.memory_space<semaphore_mem>>) src(%dma_wait3A_84 : memref<384xf32, #tpu.memory_space<hbm>>) dst(%arg5 : memref<384xf32, #tpu.memory_space<vmem>>)
        %add3A_85 = arith.constant 1 : i32
        %add3A_86 = arith.addi %scan3A_69, %add3A_85 : i32
        %min3A = arith.constant 255 : i32
        %min3A_87 = arith.minsi %add3A_86, %min3A : i32
        %add3A_88 = arith.addi %mul3A_2, %min3A_87 : i32
        %mul3A_89 = arith.constant 384 : i32
        %mul3A_90 = arith.muli %add3A_88, %mul3A_89 : i32
        %dma_start3A_91 = tpu.memref_slice %arg2[%mul3A_90] : memref<3145728xf32, #tpu.memory_space<hbm>> -> memref<384xf32, #tpu.memory_space<hbm>>
        %dma_start3A_92 = tpu.memref_slice %arg2[%mul3A_90] : memref<3145728xf32, #tpu.memory_space<hbm>> -> memref<384xf32, #tpu.memory_space<hbm>>
        tpu.enqueue_dma source(%dma_start3A_92 : memref<384xf32, #tpu.memory_space<hbm>>) target(%arg6 : memref<384xf32, #tpu.memory_space<vmem>>) target_semaphore(%arg14 : memref<!tpu.dma_semaphore, #tpu.memory_space<semaphore_mem>>)
        %ge3A = arith.constant 2 : i32
        %ge3A_93 = arith.cmpi sge, %scan3A_69, %ge3A : i32
        %convert_element_type3A_94 = arith.extui %ge3A_93 : i1 to i32
        %cond3A_95 = arith.constant 0 : i32
        %cond3A_96 = arith.cmpi ne, %convert_element_type3A_94, %cond3A_95 : i32
        scf.if %cond3A_96 {
          %add3A_128 = arith.addi %mul3A_2, %scan3A_69 : i32
          %sub3A_129 = arith.constant 2 : i32
          %sub3A_130 = arith.subi %add3A_128, %sub3A_129 : i32
          %scan3A_131 = arith.constant 0 : i32
          %scan3A_132 = arith.constant 0 : i32
          %scan3A_133 = arith.constant 4 : i32
          %scan3A_134 = arith.addi %scan3A_132, %scan3A_133 : i32
          %scan3A_135 = arith.constant 1 : i32
          %scan3A_136 = scf.for %scan3A_138 = %scan3A_132 to %scan3A_134 step %scan3A_135 iter_args(%scan3A_139 = %scan3A_131) -> (i32)  : i32 {
            %mul3A_140 = arith.constant 1024 : i32
            %mul3A_141 = arith.muli %scan3A_138, %mul3A_140 : i32
            %mul3A_142 = arith.constant 8192 : i32
            %mul3A_143 = arith.muli %scan3A_138, %mul3A_142 : i32
            %add3A_144 = arith.addi %mul3A_143, %sub3A_130 : i32
            %mul3A_145 = arith.constant 1024 : i32
            %mul3A_146 = arith.muli %add3A_144, %mul3A_145 : i32
            %dma_wait3A_147 = tpu.memref_slice %arg9[%mul3A_141] : memref<4096xf32, #tpu.memory_space<vmem>> -> memref<1024xf32, #tpu.memory_space<vmem>>
            %dma_wait3A_148 = tpu.memref_slice %arg4[%mul3A_146] : memref<33554432xf32, #tpu.memory_space<hbm>> -> memref<1024xf32, #tpu.memory_space<hbm>>
            %dma_wait3A_149 = tpu.memref_slice %arg4[%mul3A_146] : memref<33554432xf32, #tpu.memory_space<hbm>> -> memref<1024xf32, #tpu.memory_space<hbm>>
            %dma_wait3A_150 = tpu.memref_slice %arg9[%mul3A_141] : memref<4096xf32, #tpu.memory_space<vmem>> -> memref<1024xf32, #tpu.memory_space<vmem>>
            tpu.wait_dma2 semaphore(%arg15 : memref<!tpu.dma_semaphore, #tpu.memory_space<semaphore_mem>>) src(%dma_wait3A_150 : memref<1024xf32, #tpu.memory_space<vmem>>) dst(%dma_wait3A_149 : memref<1024xf32, #tpu.memory_space<hbm>>)
            %scan3A_151 = arith.constant 0 : i32
            scf.yield %scan3A_151 : i32
          }
          %scan3A_137 = arith.constant 4 : i32
        } else {
        }
        %add3A_97 = arith.addi %mul3A_2, %scan3A_69 : i32
        %scan3A_98 = arith.constant 0 : i32
        %scan3A_99 = arith.constant 0 : i32
        %scan3A_100 = arith.constant 8 : i32
        %scan3A_101 = arith.addi %scan3A_99, %scan3A_100 : i32
        %scan3A_102 = arith.constant 1 : i32
        %scan3A_103 = scf.for %scan3A_128 = %scan3A_99 to %scan3A_101 step %scan3A_102 iter_args(%scan3A_129 = %scan3A_98) -> (i32)  : i32 {
          %mul3A_130 = arith.constant 16 : i32
          %mul3A_131 = arith.muli %scan3A_128, %mul3A_130 : i32
          %get3A = arith.index_cast %mul3A_131 : i32 to index
          %get3A_132 = tpu.vector_load %arg5[%get3A] {strides = array<i32>} : memref<384xf32, #tpu.memory_space<vmem>>, vector<16xf32>,
          %add3A_133 = arith.constant 128 : i32
          %add3A_134 = arith.addi %mul3A_131, %add3A_133 : i32
          %get3A_135 = arith.index_cast %add3A_134 : i32 to index
          %get3A_136 = tpu.vector_load %arg5[%get3A_135] {strides = array<i32>} : memref<384xf32, #tpu.memory_space<vmem>>, vector<16xf32>,
          %add3A_137 = arith.constant 256 : i32
          %add3A_138 = arith.addi %mul3A_131, %add3A_137 : i32
          %get3A_139 = arith.index_cast %add3A_138 : i32 to index
          %get3A_140 = tpu.vector_load %arg5[%get3A_139] {strides = array<i32>} : memref<384xf32, #tpu.memory_space<vmem>>, vector<16xf32>,
          %mul3A_141 = arith.constant 1.600000e+01 : f32
          %mul3A_142 = vector.broadcast %mul3A_141 : f32 to vector<16xf32>
          %mul3A_143 = arith.mulf %get3A_132, %mul3A_142 : vector<16xf32>
          %convert_element_type3A_144 = arith.fptosi %mul3A_143 : vector<16xf32> to vector<16xi32>
          %mul3A_145 = arith.constant 1.600000e+01 : f32
          %mul3A_146 = vector.broadcast %mul3A_145 : f32 to vector<16xf32>
          %mul3A_147 = arith.mulf %get3A_136, %mul3A_146 : vector<16xf32>
          %convert_element_type3A_148 = arith.fptosi %mul3A_147 : vector<16xf32> to vector<16xi32>
          %mul3A_149 = arith.constant 1.600000e+01 : f32
          %mul3A_150 = vector.broadcast %mul3A_149 : f32 to vector<16xf32>
          %mul3A_151 = arith.mulf %get3A_140, %mul3A_150 : vector<16xf32>
          %convert_element_type3A_152 = arith.fptosi %mul3A_151 : vector<16xf32> to vector<16xi32>
          %mul3A_153 = arith.constant -1640531535 : i32
          %mul3A_154 = vector.broadcast %mul3A_153 : i32 to vector<16xi32>
          %mul3A_155 = arith.muli %convert_element_type3A_148, %mul3A_154 : vector<16xi32>
          %xor3A = arith.xori %convert_element_type3A_144, %mul3A_155 : vector<16xi32>
          %mul3A_156 = arith.constant 805459861 : i32
          %mul3A_157 = vector.broadcast %mul3A_156 : i32 to vector<16xi32>
          %mul3A_158 = arith.muli %convert_element_type3A_152, %mul3A_157 : vector<16xi32>
          %xor3A_159 = arith.xori %xor3A, %mul3A_158 : vector<16xi32>
          %and3A_160 = arith.constant 524287 : i32
          %and3A_161 = vector.broadcast %and3A_160 : i32 to vector<16xi32>
          %and3A_162 = arith.andi %xor3A_159, %and3A_161 : vector<16xi32>
          %and3A_163 = arith.constant 127 : i32
          %and3A_164 = vector.broadcast %and3A_163 : i32 to vector<16xi32>
          %and3A_165 = arith.andi %and3A_162, %and3A_164 : vector<16xi32>
          %xor3A_166 = arith.xori %and3A_162, %and3A_165 : vector<16xi32>
          %shift_left3A = arith.constant 1 : i32
          %shift_left3A_167 = vector.broadcast %shift_left3A : i32 to vector<16xi32>
          %shift_left3A_168 = arith.shli %xor3A_166, %shift_left3A_167 : vector<16xi32>
          %add3A_169 = arith.constant 0 : i32
          %add3A_170 = vector.broadcast %add3A_169 : i32 to vector<16xi32>
          %add3A_171 = arith.addi %and3A_165, %add3A_170 : vector<16xi32>
          %add3A_172 = arith.addi %shift_left3A_168, %add3A_171 : vector<16xi32>
          %swap3A = arith.constant 0 : i32
          %swap3A_173 = arith.index_cast %swap3A : i32 to index
          %swap3A_174 = arith.index_cast %mul3A_131 : i32 to index
          %swap3A_175 = tpu.vector_load %arg7[%swap3A_173, %swap3A_174] {strides = array<i32>} : memref<32x128xi32, #tpu.memory_space<vmem>>, vector<16xi32>,
          tpu.vector_store %arg7[%swap3A_173, %swap3A_174], %add3A_172 {strides = array<i32>} : memref<32x128xi32, #tpu.memory_space<vmem>>, vector<16xi32>,
          %add3A_176 = arith.constant 128 : i32
          %add3A_177 = vector.broadcast %add3A_176 : i32 to vector<16xi32>
          %add3A_178 = arith.addi %add3A_172, %add3A_177 : vector<16xi32>
          %swap3A_179 = arith.constant 1 : i32
          %swap3A_180 = arith.index_cast %swap3A_179 : i32 to index
          %swap3A_181 = arith.index_cast %mul3A_131 : i32 to index
          %swap3A_182 = tpu.vector_load %arg7[%swap3A_180, %swap3A_181] {strides = array<i32>} : memref<32x128xi32, #tpu.memory_space<vmem>>, vector<16xi32>,
          tpu.vector_store %arg7[%swap3A_180, %swap3A_181], %add3A_178 {strides = array<i32>} : memref<32x128xi32, #tpu.memory_space<vmem>>, vector<16xi32>,
          %mul3A_183 = arith.constant 2.000000e+01 : f32
          %mul3A_184 = vector.broadcast %mul3A_183 : f32 to vector<16xf32>
          %mul3A_185 = arith.mulf %get3A_132, %mul3A_184 : vector<16xf32>
          %convert_element_type3A_186 = arith.fptosi %mul3A_185 : vector<16xf32> to vector<16xi32>
          %mul3A_187 = arith.constant 2.000000e+01 : f32
          %mul3A_188 = vector.broadcast %mul3A_187 : f32 to vector<16xf32>
          %mul3A_189 = arith.mulf %get3A_136, %mul3A_188 : vector<16xf32>
          %convert_element_type3A_190 = arith.fptosi %mul3A_189 : vector<16xf32> to vector<16xi32>
          %mul3A_191 = arith.constant 2.000000e+01 : f32
          %mul3A_192 = vector.broadcast %mul3A_191 : f32 to vector<16xf32>
          %mul3A_193 = arith.mulf %get3A_140, %mul3A_192 : vector<16xf32>
          %convert_element_type3A_194 = arith.fptosi %mul3A_193 : vector<16xf32> to vector<16xi32>
          %mul3A_195 = arith.constant -1640531535 : i32
          %mul3A_196 = vector.broadcast %mul3A_195 : i32 to vector<16xi32>
          %mul3A_197 = arith.muli %convert_element_type3A_190, %mul3A_196 : vector<16xi32>
          %xor3A_198 = arith.xori %convert_element_type3A_186, %mul3A_197 : vector<16xi32>
          %mul3A_199 = arith.constant 805459861 : i32
          %mul3A_200 = vector.broadcast %mul3A_199 : i32 to vector<16xi32>
          %mul3A_201 = arith.muli %convert_element_type3A_194, %mul3A_200 : vector<16xi32>
          %xor3A_202 = arith.xori %xor3A_198, %mul3A_201 : vector<16xi32>
          %and3A_203 = arith.constant 524287 : i32
          %and3A_204 = vector.broadcast %and3A_203 : i32 to vector<16xi32>
          %and3A_205 = arith.andi %xor3A_202, %and3A_204 : vector<16xi32>
          %and3A_206 = arith.constant 127 : i32
          %and3A_207 = vector.broadcast %and3A_206 : i32 to vector<16xi32>
          %and3A_208 = arith.andi %and3A_205, %and3A_207 : vector<16xi32>
          %xor3A_209 = arith.xori %and3A_205, %and3A_208 : vector<16xi32>
          %shift_left3A_210 = arith.constant 1 : i32
          %shift_left3A_211 = vector.broadcast %shift_left3A_210 : i32 to vector<16xi32>
          %shift_left3A_212 = arith.shli %xor3A_209, %shift_left3A_211 : vector<16xi32>
          %add3A_213 = arith.constant 1048576 : i32
          %add3A_214 = vector.broadcast %add3A_213 : i32 to vector<16xi32>
          %add3A_215 = arith.addi %and3A_208, %add3A_214 : vector<16xi32>
          %add3A_216 = arith.addi %shift_left3A_212, %add3A_215 : vector<16xi32>
          %swap3A_217 = arith.constant 2 : i32
          %swap3A_218 = arith.index_cast %swap3A_217 : i32 to index
          %swap3A_219 = arith.index_cast %mul3A_131 : i32 to index
          %swap3A_220 = tpu.vector_load %arg7[%swap3A_218, %swap3A_219] {strides = array<i32>} : memref<32x128xi32, #tpu.memory_space<vmem>>, vector<16xi32>,
          tpu.vector_store %arg7[%swap3A_218, %swap3A_219], %add3A_216 {strides = array<i32>} : memref<32x128xi32, #tpu.memory_space<vmem>>, vector<16xi32>,
          %add3A_221 = arith.constant 128 : i32
          %add3A_222 = vector.broadcast %add3A_221 : i32 to vector<16xi32>
          %add3A_223 = arith.addi %add3A_216, %add3A_222 : vector<16xi32>
          %swap3A_224 = arith.constant 3 : i32
          %swap3A_225 = arith.index_cast %swap3A_224 : i32 to index
          %swap3A_226 = arith.index_cast %mul3A_131 : i32 to index
          %swap3A_227 = tpu.vector_load %arg7[%swap3A_225, %swap3A_226] {strides = array<i32>} : memref<32x128xi32, #tpu.memory_space<vmem>>, vector<16xi32>,
          tpu.vector_store %arg7[%swap3A_225, %swap3A_226], %add3A_223 {strides = array<i32>} : memref<32x128xi32, #tpu.memory_space<vmem>>, vector<16xi32>,
          %mul3A_228 = arith.constant 2.500000e+01 : f32
          %mul3A_229 = vector.broadcast %mul3A_228 : f32 to vector<16xf32>
          %mul3A_230 = arith.mulf %get3A_132, %mul3A_229 : vector<16xf32>
          %convert_element_type3A_231 = arith.fptosi %mul3A_230 : vector<16xf32> to vector<16xi32>
          %mul3A_232 = arith.constant 2.500000e+01 : f32
          %mul3A_233 = vector.broadcast %mul3A_232 : f32 to vector<16xf32>
          %mul3A_234 = arith.mulf %get3A_136, %mul3A_233 : vector<16xf32>
          %convert_element_type3A_235 = arith.fptosi %mul3A_234 : vector<16xf32> to vector<16xi32>
          %mul3A_236 = arith.constant 2.500000e+01 : f32
          %mul3A_237 = vector.broadcast %mul3A_236 : f32 to vector<16xf32>
          %mul3A_238 = arith.mulf %get3A_140, %mul3A_237 : vector<16xf32>
          %convert_element_type3A_239 = arith.fptosi %mul3A_238 : vector<16xf32> to vector<16xi32>
          %mul3A_240 = arith.constant -1640531535 : i32
          %mul3A_241 = vector.broadcast %mul3A_240 : i32 to vector<16xi32>
          %mul3A_242 = arith.muli %convert_element_type3A_235, %mul3A_241 : vector<16xi32>
          %xor3A_243 = arith.xori %convert_element_type3A_231, %mul3A_242 : vector<16xi32>
          %mul3A_244 = arith.constant 805459861 : i32
          %mul3A_245 = vector.broadcast %mul3A_244 : i32 to vector<16xi32>
          %mul3A_246 = arith.muli %convert_element_type3A_239, %mul3A_245 : vector<16xi32>
          %xor3A_247 = arith.xori %xor3A_243, %mul3A_246 : vector<16xi32>
          %and3A_248 = arith.constant 524287 : i32
          %and3A_249 = vector.broadcast %and3A_248 : i32 to vector<16xi32>
          %and3A_250 = arith.andi %xor3A_247, %and3A_249 : vector<16xi32>
          %and3A_251 = arith.constant 127 : i32
          %and3A_252 = vector.broadcast %and3A_251 : i32 to vector<16xi32>
          %and3A_253 = arith.andi %and3A_250, %and3A_252 : vector<16xi32>
          %xor3A_254 = arith.xori %and3A_250, %and3A_253 : vector<16xi32>
          %shift_left3A_255 = arith.constant 1 : i32
          %shift_left3A_256 = vector.broadcast %shift_left3A_255 : i32 to vector<16xi32>
          %shift_left3A_257 = arith.shli %xor3A_254, %shift_left3A_256 : vector<16xi32>
          %add3A_258 = arith.constant 2097152 : i32
          %add3A_259 = vector.broadcast %add3A_258 : i32 to vector<16xi32>
          %add3A_260 = arith.addi %and3A_253, %add3A_259 : vector<16xi32>
          %add3A_261 = arith.addi %shift_left3A_257, %add3A_260 : vector<16xi32>
          %swap3A_262 = arith.constant 4 : i32
          %swap3A_263 = arith.index_cast %swap3A_262 : i32 to index
          %swap3A_264 = arith.index_cast %mul3A_131 : i32 to index
          %swap3A_265 = tpu.vector_load %arg7[%swap3A_263, %swap3A_264] {strides = array<i32>} : memref<32x128xi32, #tpu.memory_space<vmem>>, vector<16xi32>,
          tpu.vector_store %arg7[%swap3A_263, %swap3A_264], %add3A_261 {strides = array<i32>} : memref<32x128xi32, #tpu.memory_space<vmem>>, vector<16xi32>,
          %add3A_266 = arith.constant 128 : i32
          %add3A_267 = vector.broadcast %add3A_266 : i32 to vector<16xi32>
          %add3A_268 = arith.addi %add3A_261, %add3A_267 : vector<16xi32>
          %swap3A_269 = arith.constant 5 : i32
          %swap3A_270 = arith.index_cast %swap3A_269 : i32 to index
          %swap3A_271 = arith.index_cast %mul3A_131 : i32 to index
          %swap3A_272 = tpu.vector_load %arg7[%swap3A_270, %swap3A_271] {strides = array<i32>} : memref<32x128xi32, #tpu.memory_space<vmem>>, vector<16xi32>,
          tpu.vector_store %arg7[%swap3A_270, %swap3A_271], %add3A_268 {strides = array<i32>} : memref<32x128xi32, #tpu.memory_space<vmem>>, vector<16xi32>,
          %mul3A_273 = arith.constant 3.200000e+01 : f32
          %mul3A_274 = vector.broadcast %mul3A_273 : f32 to vector<16xf32>
          %mul3A_275 = arith.mulf %get3A_132, %mul3A_274 : vector<16xf32>
          %convert_element_type3A_276 = arith.fptosi %mul3A_275 : vector<16xf32> to vector<16xi32>
          %mul3A_277 = arith.constant 3.200000e+01 : f32
          %mul3A_278 = vector.broadcast %mul3A_277 : f32 to vector<16xf32>
          %mul3A_279 = arith.mulf %get3A_136, %mul3A_278 : vector<16xf32>
          %convert_element_type3A_280 = arith.fptosi %mul3A_279 : vector<16xf32> to vector<16xi32>
          %mul3A_281 = arith.constant 3.200000e+01 : f32
          %mul3A_282 = vector.broadcast %mul3A_281 : f32 to vector<16xf32>
          %mul3A_283 = arith.mulf %get3A_140, %mul3A_282 : vector<16xf32>
          %convert_element_type3A_284 = arith.fptosi %mul3A_283 : vector<16xf32> to vector<16xi32>
          %mul3A_285 = arith.constant -1640531535 : i32
          %mul3A_286 = vector.broadcast %mul3A_285 : i32 to vector<16xi32>
          %mul3A_287 = arith.muli %convert_element_type3A_280, %mul3A_286 : vector<16xi32>
          %xor3A_288 = arith.xori %convert_element_type3A_276, %mul3A_287 : vector<16xi32>
          %mul3A_289 = arith.constant 805459861 : i32
          %mul3A_290 = vector.broadcast %mul3A_289 : i32 to vector<16xi32>
          %mul3A_291 = arith.muli %convert_element_type3A_284, %mul3A_290 : vector<16xi32>
          %xor3A_292 = arith.xori %xor3A_288, %mul3A_291 : vector<16xi32>
          %and3A_293 = arith.constant 524287 : i32
          %and3A_294 = vector.broadcast %and3A_293 : i32 to vector<16xi32>
          %and3A_295 = arith.andi %xor3A_292, %and3A_294 : vector<16xi32>
          %and3A_296 = arith.constant 127 : i32
          %and3A_297 = vector.broadcast %and3A_296 : i32 to vector<16xi32>
          %and3A_298 = arith.andi %and3A_295, %and3A_297 : vector<16xi32>
          %xor3A_299 = arith.xori %and3A_295, %and3A_298 : vector<16xi32>
          %shift_left3A_300 = arith.constant 1 : i32
          %shift_left3A_301 = vector.broadcast %shift_left3A_300 : i32 to vector<16xi32>
          %shift_left3A_302 = arith.shli %xor3A_299, %shift_left3A_301 : vector<16xi32>
          %add3A_303 = arith.constant 3145728 : i32
          %add3A_304 = vector.broadcast %add3A_303 : i32 to vector<16xi32>
          %add3A_305 = arith.addi %and3A_298, %add3A_304 : vector<16xi32>
          %add3A_306 = arith.addi %shift_left3A_302, %add3A_305 : vector<16xi32>
          %swap3A_307 = arith.constant 6 : i32
          %swap3A_308 = arith.index_cast %swap3A_307 : i32 to index
          %swap3A_309 = arith.index_cast %mul3A_131 : i32 to index
          %swap3A_310 = tpu.vector_load %arg7[%swap3A_308, %swap3A_309] {strides = array<i32>} : memref<32x128xi32, #tpu.memory_space<vmem>>, vector<16xi32>,
          tpu.vector_store %arg7[%swap3A_308, %swap3A_309], %add3A_306 {strides = array<i32>} : memref<32x128xi32, #tpu.memory_space<vmem>>, vector<16xi32>,
          %add3A_311 = arith.constant 128 : i32
          %add3A_312 = vector.broadcast %add3A_311 : i32 to vector<16xi32>
          %add3A_313 = arith.addi %add3A_306, %add3A_312 : vector<16xi32>
          %swap3A_314 = arith.constant 7 : i32
          %swap3A_315 = arith.index_cast %swap3A_314 : i32 to index
          %swap3A_316 = arith.index_cast %mul3A_131 : i32 to index
          %swap3A_317 = tpu.vector_load %arg7[%swap3A_315, %swap3A_316] {strides = array<i32>} : memref<32x128xi32, #tpu.memory_space<vmem>>, vector<16xi32>,
          tpu.vector_store %arg7[%swap3A_315, %swap3A_316], %add3A_313 {strides = array<i32>} : memref<32x128xi32, #tpu.memory_space<vmem>>, vector<16xi32>,
          %mul3A_318 = arith.constant 4.000000e+01 : f32
          %mul3A_319 = vector.broadcast %mul3A_318 : f32 to vector<16xf32>
          %mul3A_320 = arith.mulf %get3A_132, %mul3A_319 : vector<16xf32>
          %convert_element_type3A_321 = arith.fptosi %mul3A_320 : vector<16xf32> to vector<16xi32>
          %mul3A_322 = arith.constant 4.000000e+01 : f32
          %mul3A_323 = vector.broadcast %mul3A_322 : f32 to vector<16xf32>
          %mul3A_324 = arith.mulf %get3A_136, %mul3A_323 : vector<16xf32>
          %convert_element_type3A_325 = arith.fptosi %mul3A_324 : vector<16xf32> to vector<16xi32>
          %mul3A_326 = arith.constant 4.000000e+01 : f32
          %mul3A_327 = vector.broadcast %mul3A_326 : f32 to vector<16xf32>
          %mul3A_328 = arith.mulf %get3A_140, %mul3A_327 : vector<16xf32>
          %convert_element_type3A_329 = arith.fptosi %mul3A_328 : vector<16xf32> to vector<16xi32>
          %mul3A_330 = arith.constant -1640531535 : i32
          %mul3A_331 = vector.broadcast %mul3A_330 : i32 to vector<16xi32>
          %mul3A_332 = arith.muli %convert_element_type3A_325, %mul3A_331 : vector<16xi32>
          %xor3A_333 = arith.xori %convert_element_type3A_321, %mul3A_332 : vector<16xi32>
          %mul3A_334 = arith.constant 805459861 : i32
          %mul3A_335 = vector.broadcast %mul3A_334 : i32 to vector<16xi32>
          %mul3A_336 = arith.muli %convert_element_type3A_329, %mul3A_335 : vector<16xi32>
          %xor3A_337 = arith.xori %xor3A_333, %mul3A_336 : vector<16xi32>
          %and3A_338 = arith.constant 524287 : i32
          %and3A_339 = vector.broadcast %and3A_338 : i32 to vector<16xi32>
          %and3A_340 = arith.andi %xor3A_337, %and3A_339 : vector<16xi32>
          %and3A_341 = arith.constant 127 : i32
          %and3A_342 = vector.broadcast %and3A_341 : i32 to vector<16xi32>
          %and3A_343 = arith.andi %and3A_340, %and3A_342 : vector<16xi32>
          %xor3A_344 = arith.xori %and3A_340, %and3A_343 : vector<16xi32>
          %shift_left3A_345 = arith.constant 1 : i32
          %shift_left3A_346 = vector.broadcast %shift_left3A_345 : i32 to vector<16xi32>
          %shift_left3A_347 = arith.shli %xor3A_344, %shift_left3A_346 : vector<16xi32>
          %add3A_348 = arith.constant 4194304 : i32
          %add3A_349 = vector.broadcast %add3A_348 : i32 to vector<16xi32>
          %add3A_350 = arith.addi %and3A_343, %add3A_349 : vector<16xi32>
          %add3A_351 = arith.addi %shift_left3A_347, %add3A_350 : vector<16xi32>
          %swap3A_352 = arith.constant 8 : i32
          %swap3A_353 = arith.index_cast %swap3A_352 : i32 to index
          %swap3A_354 = arith.index_cast %mul3A_131 : i32 to index
          %swap3A_355 = tpu.vector_load %arg7[%swap3A_353, %swap3A_354] {strides = array<i32>} : memref<32x128xi32, #tpu.memory_space<vmem>>, vector<16xi32>,
          tpu.vector_store %arg7[%swap3A_353, %swap3A_354], %add3A_351 {strides = array<i32>} : memref<32x128xi32, #tpu.memory_space<vmem>>, vector<16xi32>,
          %add3A_356 = arith.constant 128 : i32
          %add3A_357 = vector.broadcast %add3A_356 : i32 to vector<16xi32>
          %add3A_358 = arith.addi %add3A_351, %add3A_357 : vector<16xi32>
          %swap3A_359 = arith.constant 9 : i32
          %swap3A_360 = arith.index_cast %swap3A_359 : i32 to index
          %swap3A_361 = arith.index_cast %mul3A_131 : i32 to index
          %swap3A_362 = tpu.vector_load %arg7[%swap3A_360, %swap3A_361] {strides = array<i32>} : memref<32x128xi32, #tpu.memory_space<vmem>>, vector<16xi32>,
          tpu.vector_store %arg7[%swap3A_360, %swap3A_361], %add3A_358 {strides = array<i32>} : memref<32x128xi32, #tpu.memory_space<vmem>>, vector<16xi32>,
          %mul3A_363 = arith.constant 5.000000e+01 : f32
          %mul3A_364 = vector.broadcast %mul3A_363 : f32 to vector<16xf32>
          %mul3A_365 = arith.mulf %get3A_132, %mul3A_364 : vector<16xf32>
          %convert_element_type3A_366 = arith.fptosi %mul3A_365 : vector<16xf32> to vector<16xi32>
          %mul3A_367 = arith.constant 5.000000e+01 : f32
          %mul3A_368 = vector.broadcast %mul3A_367 : f32 to vector<16xf32>
          %mul3A_369 = arith.mulf %get3A_136, %mul3A_368 : vector<16xf32>
          %convert_element_type3A_370 = arith.fptosi %mul3A_369 : vector<16xf32> to vector<16xi32>
          %mul3A_371 = arith.constant 5.000000e+01 : f32
          %mul3A_372 = vector.broadcast %mul3A_371 : f32 to vector<16xf32>
          %mul3A_373 = arith.mulf %get3A_140, %mul3A_372 : vector<16xf32>
          %convert_element_type3A_374 = arith.fptosi %mul3A_373 : vector<16xf32> to vector<16xi32>
          %mul3A_375 = arith.constant -1640531535 : i32
          %mul3A_376 = vector.broadcast %mul3A_375 : i32 to vector<16xi32>
          %mul3A_377 = arith.muli %convert_element_type3A_370, %mul3A_376 : vector<16xi32>
          %xor3A_378 = arith.xori %convert_element_type3A_366, %mul3A_377 : vector<16xi32>
          %mul3A_379 = arith.constant 805459861 : i32
          %mul3A_380 = vector.broadcast %mul3A_379 : i32 to vector<16xi32>
          %mul3A_381 = arith.muli %convert_element_type3A_374, %mul3A_380 : vector<16xi32>
          %xor3A_382 = arith.xori %xor3A_378, %mul3A_381 : vector<16xi32>
          %and3A_383 = arith.constant 524287 : i32
          %and3A_384 = vector.broadcast %and3A_383 : i32 to vector<16xi32>
          %and3A_385 = arith.andi %xor3A_382, %and3A_384 : vector<16xi32>
          %and3A_386 = arith.constant 127 : i32
          %and3A_387 = vector.broadcast %and3A_386 : i32 to vector<16xi32>
          %and3A_388 = arith.andi %and3A_385, %and3A_387 : vector<16xi32>
          %xor3A_389 = arith.xori %and3A_385, %and3A_388 : vector<16xi32>
          %shift_left3A_390 = arith.constant 1 : i32
          %shift_left3A_391 = vector.broadcast %shift_left3A_390 : i32 to vector<16xi32>
          %shift_left3A_392 = arith.shli %xor3A_389, %shift_left3A_391 : vector<16xi32>
          %add3A_393 = arith.constant 5242880 : i32
          %add3A_394 = vector.broadcast %add3A_393 : i32 to vector<16xi32>
          %add3A_395 = arith.addi %and3A_388, %add3A_394 : vector<16xi32>
          %add3A_396 = arith.addi %shift_left3A_392, %add3A_395 : vector<16xi32>
          %swap3A_397 = arith.constant 10 : i32
          %swap3A_398 = arith.index_cast %swap3A_397 : i32 to index
          %swap3A_399 = arith.index_cast %mul3A_131 : i32 to index
          %swap3A_400 = tpu.vector_load %arg7[%swap3A_398, %swap3A_399] {strides = array<i32>} : memref<32x128xi32, #tpu.memory_space<vmem>>, vector<16xi32>,
          tpu.vector_store %arg7[%swap3A_398, %swap3A_399], %add3A_396 {strides = array<i32>} : memref<32x128xi32, #tpu.memory_space<vmem>>, vector<16xi32>,
          %add3A_401 = arith.constant 128 : i32
          %add3A_402 = vector.broadcast %add3A_401 : i32 to vector<16xi32>
          %add3A_403 = arith.addi %add3A_396, %add3A_402 : vector<16xi32>
          %swap3A_404 = arith.constant 11 : i32
          %swap3A_405 = arith.index_cast %swap3A_404 : i32 to index
          %swap3A_406 = arith.index_cast %mul3A_131 : i32 to index
          %swap3A_407 = tpu.vector_load %arg7[%swap3A_405, %swap3A_406] {strides = array<i32>} : memref<32x128xi32, #tpu.memory_space<vmem>>, vector<16xi32>,
          tpu.vector_store %arg7[%swap3A_405, %swap3A_406], %add3A_403 {strides = array<i32>} : memref<32x128xi32, #tpu.memory_space<vmem>>, vector<16xi32>,
          %mul3A_408 = arith.constant 6.400000e+01 : f32
          %mul3A_409 = vector.broadcast %mul3A_408 : f32 to vector<16xf32>
          %mul3A_410 = arith.mulf %get3A_132, %mul3A_409 : vector<16xf32>
          %convert_element_type3A_411 = arith.fptosi %mul3A_410 : vector<16xf32> to vector<16xi32>
          %mul3A_412 = arith.constant 6.400000e+01 : f32
          %mul3A_413 = vector.broadcast %mul3A_412 : f32 to vector<16xf32>
          %mul3A_414 = arith.mulf %get3A_136, %mul3A_413 : vector<16xf32>
          %convert_element_type3A_415 = arith.fptosi %mul3A_414 : vector<16xf32> to vector<16xi32>
          %mul3A_416 = arith.constant 6.400000e+01 : f32
          %mul3A_417 = vector.broadcast %mul3A_416 : f32 to vector<16xf32>
          %mul3A_418 = arith.mulf %get3A_140, %mul3A_417 : vector<16xf32>
          %convert_element_type3A_419 = arith.fptosi %mul3A_418 : vector<16xf32> to vector<16xi32>
          %mul3A_420 = arith.constant -1640531535 : i32
          %mul3A_421 = vector.broadcast %mul3A_420 : i32 to vector<16xi32>
          %mul3A_422 = arith.muli %convert_element_type3A_415, %mul3A_421 : vector<16xi32>
          %xor3A_423 = arith.xori %convert_element_type3A_411, %mul3A_422 : vector<16xi32>
          %mul3A_424 = arith.constant 805459861 : i32
          %mul3A_425 = vector.broadcast %mul3A_424 : i32 to vector<16xi32>
          %mul3A_426 = arith.muli %convert_element_type3A_419, %mul3A_425 : vector<16xi32>
          %xor3A_427 = arith.xori %xor3A_423, %mul3A_426 : vector<16xi32>
          %and3A_428 = arith.constant 524287 : i32
          %and3A_429 = vector.broadcast %and3A_428 : i32 to vector<16xi32>
          %and3A_430 = arith.andi %xor3A_427, %and3A_429 : vector<16xi32>
          %and3A_431 = arith.constant 127 : i32
          %and3A_432 = vector.broadcast %and3A_431 : i32 to vector<16xi32>
          %and3A_433 = arith.andi %and3A_430, %and3A_432 : vector<16xi32>
          %xor3A_434 = arith.xori %and3A_430, %and3A_433 : vector<16xi32>
          %shift_left3A_435 = arith.constant 1 : i32
          %shift_left3A_436 = vector.broadcast %shift_left3A_435 : i32 to vector<16xi32>
          %shift_left3A_437 = arith.shli %xor3A_434, %shift_left3A_436 : vector<16xi32>
          %add3A_438 = arith.constant 6291456 : i32
          %add3A_439 = vector.broadcast %add3A_438 : i32 to vector<16xi32>
          %add3A_440 = arith.addi %and3A_433, %add3A_439 : vector<16xi32>
          %add3A_441 = arith.addi %shift_left3A_437, %add3A_440 : vector<16xi32>
          %swap3A_442 = arith.constant 12 : i32
          %swap3A_443 = arith.index_cast %swap3A_442 : i32 to index
          %swap3A_444 = arith.index_cast %mul3A_131 : i32 to index
          %swap3A_445 = tpu.vector_load %arg7[%swap3A_443, %swap3A_444] {strides = array<i32>} : memref<32x128xi32, #tpu.memory_space<vmem>>, vector<16xi32>,
          tpu.vector_store %arg7[%swap3A_443, %swap3A_444], %add3A_441 {strides = array<i32>} : memref<32x128xi32, #tpu.memory_space<vmem>>, vector<16xi32>,
          %add3A_446 = arith.constant 128 : i32
          %add3A_447 = vector.broadcast %add3A_446 : i32 to vector<16xi32>
          %add3A_448 = arith.addi %add3A_441, %add3A_447 : vector<16xi32>
          %swap3A_449 = arith.constant 13 : i32
          %swap3A_450 = arith.index_cast %swap3A_449 : i32 to index
          %swap3A_451 = arith.index_cast %mul3A_131 : i32 to index
          %swap3A_452 = tpu.vector_load %arg7[%swap3A_450, %swap3A_451] {strides = array<i32>} : memref<32x128xi32, #tpu.memory_space<vmem>>, vector<16xi32>,
          tpu.vector_store %arg7[%swap3A_450, %swap3A_451], %add3A_448 {strides = array<i32>} : memref<32x128xi32, #tpu.memory_space<vmem>>, vector<16xi32>,
          %mul3A_453 = arith.constant 8.000000e+01 : f32
          %mul3A_454 = vector.broadcast %mul3A_453 : f32 to vector<16xf32>
          %mul3A_455 = arith.mulf %get3A_132, %mul3A_454 : vector<16xf32>
          %convert_element_type3A_456 = arith.fptosi %mul3A_455 : vector<16xf32> to vector<16xi32>
          %mul3A_457 = arith.constant 8.000000e+01 : f32
          %mul3A_458 = vector.broadcast %mul3A_457 : f32 to vector<16xf32>
          %mul3A_459 = arith.mulf %get3A_136, %mul3A_458 : vector<16xf32>
          %convert_element_type3A_460 = arith.fptosi %mul3A_459 : vector<16xf32> to vector<16xi32>
          %mul3A_461 = arith.constant 8.000000e+01 : f32
          %mul3A_462 = vector.broadcast %mul3A_461 : f32 to vector<16xf32>
          %mul3A_463 = arith.mulf %get3A_140, %mul3A_462 : vector<16xf32>
          %convert_element_type3A_464 = arith.fptosi %mul3A_463 : vector<16xf32> to vector<16xi32>
          %mul3A_465 = arith.constant -1640531535 : i32
          %mul3A_466 = vector.broadcast %mul3A_465 : i32 to vector<16xi32>
          %mul3A_467 = arith.muli %convert_element_type3A_460, %mul3A_466 : vector<16xi32>
          %xor3A_468 = arith.xori %convert_element_type3A_456, %mul3A_467 : vector<16xi32>
          %mul3A_469 = arith.constant 805459861 : i32
          %mul3A_470 = vector.broadcast %mul3A_469 : i32 to vector<16xi32>
          %mul3A_471 = arith.muli %convert_element_type3A_464, %mul3A_470 : vector<16xi32>
          %xor3A_472 = arith.xori %xor3A_468, %mul3A_471 : vector<16xi32>
          %and3A_473 = arith.constant 524287 : i32
          %and3A_474 = vector.broadcast %and3A_473 : i32 to vector<16xi32>
          %and3A_475 = arith.andi %xor3A_472, %and3A_474 : vector<16xi32>
          %and3A_476 = arith.constant 127 : i32
          %and3A_477 = vector.broadcast %and3A_476 : i32 to vector<16xi32>
          %and3A_478 = arith.andi %and3A_475, %and3A_477 : vector<16xi32>
          %xor3A_479 = arith.xori %and3A_475, %and3A_478 : vector<16xi32>
          %shift_left3A_480 = arith.constant 1 : i32
          %shift_left3A_481 = vector.broadcast %shift_left3A_480 : i32 to vector<16xi32>
          %shift_left3A_482 = arith.shli %xor3A_479, %shift_left3A_481 : vector<16xi32>
          %add3A_483 = arith.constant 7340032 : i32
          %add3A_484 = vector.broadcast %add3A_483 : i32 to vector<16xi32>
          %add3A_485 = arith.addi %and3A_478, %add3A_484 : vector<16xi32>
          %add3A_486 = arith.addi %shift_left3A_482, %add3A_485 : vector<16xi32>
          %swap3A_487 = arith.constant 14 : i32
          %swap3A_488 = arith.index_cast %swap3A_487 : i32 to index
          %swap3A_489 = arith.index_cast %mul3A_131 : i32 to index
          %swap3A_490 = tpu.vector_load %arg7[%swap3A_488, %swap3A_489] {strides = array<i32>} : memref<32x128xi32, #tpu.memory_space<vmem>>, vector<16xi32>,
          tpu.vector_store %arg7[%swap3A_488, %swap3A_489], %add3A_486 {strides = array<i32>} : memref<32x128xi32, #tpu.memory_space<vmem>>, vector<16xi32>,
          %add3A_491 = arith.constant 128 : i32
          %add3A_492 = vector.broadcast %add3A_491 : i32 to vector<16xi32>
          %add3A_493 = arith.addi %add3A_486, %add3A_492 : vector<16xi32>
          %swap3A_494 = arith.constant 15 : i32
          %swap3A_495 = arith.index_cast %swap3A_494 : i32 to index
          %swap3A_496 = arith.index_cast %mul3A_131 : i32 to index
          %swap3A_497 = tpu.vector_load %arg7[%swap3A_495, %swap3A_496] {strides = array<i32>} : memref<32x128xi32, #tpu.memory_space<vmem>>, vector<16xi32>,
          tpu.vector_store %arg7[%swap3A_495, %swap3A_496], %add3A_493 {strides = array<i32>} : memref<32x128xi32, #tpu.memory_space<vmem>>, vector<16xi32>,
          %mul3A_498 = arith.constant 1.010000e+02 : f32
          %mul3A_499 = vector.broadcast %mul3A_498 : f32 to vector<16xf32>
          %mul3A_500 = arith.mulf %get3A_132, %mul3A_499 : vector<16xf32>
          %convert_element_type3A_501 = arith.fptosi %mul3A_500 : vector<16xf32> to vector<16xi32>
          %mul3A_502 = arith.constant 1.010000e+02 : f32
          %mul3A_503 = vector.broadcast %mul3A_502 : f32 to vector<16xf32>
          %mul3A_504 = arith.mulf %get3A_136, %mul3A_503 : vector<16xf32>
          %convert_element_type3A_505 = arith.fptosi %mul3A_504 : vector<16xf32> to vector<16xi32>
          %mul3A_506 = arith.constant 1.010000e+02 : f32
          %mul3A_507 = vector.broadcast %mul3A_506 : f32 to vector<16xf32>
          %mul3A_508 = arith.mulf %get3A_140, %mul3A_507 : vector<16xf32>
          %convert_element_type3A_509 = arith.fptosi %mul3A_508 : vector<16xf32> to vector<16xi32>
          %mul3A_510 = arith.constant -1640531535 : i32
          %mul3A_511 = vector.broadcast %mul3A_510 : i32 to vector<16xi32>
          %mul3A_512 = arith.muli %convert_element_type3A_505, %mul3A_511 : vector<16xi32>
          %xor3A_513 = arith.xori %convert_element_type3A_501, %mul3A_512 : vector<16xi32>
          %mul3A_514 = arith.constant 805459861 : i32
          %mul3A_515 = vector.broadcast %mul3A_514 : i32 to vector<16xi32>
          %mul3A_516 = arith.muli %convert_element_type3A_509, %mul3A_515 : vector<16xi32>
          %xor3A_517 = arith.xori %xor3A_513, %mul3A_516 : vector<16xi32>
          %and3A_518 = arith.constant 524287 : i32
          %and3A_519 = vector.broadcast %and3A_518 : i32 to vector<16xi32>
          %and3A_520 = arith.andi %xor3A_517, %and3A_519 : vector<16xi32>
          %and3A_521 = arith.constant 127 : i32
          %and3A_522 = vector.broadcast %and3A_521 : i32 to vector<16xi32>
          %and3A_523 = arith.andi %and3A_520, %and3A_522 : vector<16xi32>
          %xor3A_524 = arith.xori %and3A_520, %and3A_523 : vector<16xi32>
          %shift_left3A_525 = arith.constant 1 : i32
          %shift_left3A_526 = vector.broadcast %shift_left3A_525 : i32 to vector<16xi32>
          %shift_left3A_527 = arith.shli %xor3A_524, %shift_left3A_526 : vector<16xi32>
          %add3A_528 = arith.constant 8388608 : i32
          %add3A_529 = vector.broadcast %add3A_528 : i32 to vector<16xi32>
          %add3A_530 = arith.addi %and3A_523, %add3A_529 : vector<16xi32>
          %add3A_531 = arith.addi %shift_left3A_527, %add3A_530 : vector<16xi32>
          %swap3A_532 = arith.constant 16 : i32
          %swap3A_533 = arith.index_cast %swap3A_532 : i32 to index
          %swap3A_534 = arith.index_cast %mul3A_131 : i32 to index
          %swap3A_535 = tpu.vector_load %arg7[%swap3A_533, %swap3A_534] {strides = array<i32>} : memref<32x128xi32, #tpu.memory_space<vmem>>, vector<16xi32>,
          tpu.vector_store %arg7[%swap3A_533, %swap3A_534], %add3A_531 {strides = array<i32>} : memref<32x128xi32, #tpu.memory_space<vmem>>, vector<16xi32>,
          %add3A_536 = arith.constant 128 : i32
          %add3A_537 = vector.broadcast %add3A_536 : i32 to vector<16xi32>
          %add3A_538 = arith.addi %add3A_531, %add3A_537 : vector<16xi32>
          %swap3A_539 = arith.constant 17 : i32
          %swap3A_540 = arith.index_cast %swap3A_539 : i32 to index
          %swap3A_541 = arith.index_cast %mul3A_131 : i32 to index
          %swap3A_542 = tpu.vector_load %arg7[%swap3A_540, %swap3A_541] {strides = array<i32>} : memref<32x128xi32, #tpu.memory_space<vmem>>, vector<16xi32>,
          tpu.vector_store %arg7[%swap3A_540, %swap3A_541], %add3A_538 {strides = array<i32>} : memref<32x128xi32, #tpu.memory_space<vmem>>, vector<16xi32>,
          %mul3A_543 = arith.constant 1.270000e+02 : f32
          %mul3A_544 = vector.broadcast %mul3A_543 : f32 to vector<16xf32>
          %mul3A_545 = arith.mulf %get3A_132, %mul3A_544 : vector<16xf32>
          %convert_element_type3A_546 = arith.fptosi %mul3A_545 : vector<16xf32> to vector<16xi32>
          %mul3A_547 = arith.constant 1.270000e+02 : f32
          %mul3A_548 = vector.broadcast %mul3A_547 : f32 to vector<16xf32>
          %mul3A_549 = arith.mulf %get3A_136, %mul3A_548 : vector<16xf32>
          %convert_element_type3A_550 = arith.fptosi %mul3A_549 : vector<16xf32> to vector<16xi32>
          %mul3A_551 = arith.constant 1.270000e+02 : f32
          %mul3A_552 = vector.broadcast %mul3A_551 : f32 to vector<16xf32>
          %mul3A_553 = arith.mulf %get3A_140, %mul3A_552 : vector<16xf32>
          %convert_element_type3A_554 = arith.fptosi %mul3A_553 : vector<16xf32> to vector<16xi32>
          %mul3A_555 = arith.constant -1640531535 : i32
          %mul3A_556 = vector.broadcast %mul3A_555 : i32 to vector<16xi32>
          %mul3A_557 = arith.muli %convert_element_type3A_550, %mul3A_556 : vector<16xi32>
          %xor3A_558 = arith.xori %convert_element_type3A_546, %mul3A_557 : vector<16xi32>
          %mul3A_559 = arith.constant 805459861 : i32
          %mul3A_560 = vector.broadcast %mul3A_559 : i32 to vector<16xi32>
          %mul3A_561 = arith.muli %convert_element_type3A_554, %mul3A_560 : vector<16xi32>
          %xor3A_562 = arith.xori %xor3A_558, %mul3A_561 : vector<16xi32>
          %and3A_563 = arith.constant 524287 : i32
          %and3A_564 = vector.broadcast %and3A_563 : i32 to vector<16xi32>
          %and3A_565 = arith.andi %xor3A_562, %and3A_564 : vector<16xi32>
          %and3A_566 = arith.constant 127 : i32
          %and3A_567 = vector.broadcast %and3A_566 : i32 to vector<16xi32>
          %and3A_568 = arith.andi %and3A_565, %and3A_567 : vector<16xi32>
          %xor3A_569 = arith.xori %and3A_565, %and3A_568 : vector<16xi32>
          %shift_left3A_570 = arith.constant 1 : i32
          %shift_left3A_571 = vector.broadcast %shift_left3A_570 : i32 to vector<16xi32>
          %shift_left3A_572 = arith.shli %xor3A_569, %shift_left3A_571 : vector<16xi32>
          %add3A_573 = arith.constant 9437184 : i32
          %add3A_574 = vector.broadcast %add3A_573 : i32 to vector<16xi32>
          %add3A_575 = arith.addi %and3A_568, %add3A_574 : vector<16xi32>
          %add3A_576 = arith.addi %shift_left3A_572, %add3A_575 : vector<16xi32>
          %swap3A_577 = arith.constant 18 : i32
          %swap3A_578 = arith.index_cast %swap3A_577 : i32 to index
          %swap3A_579 = arith.index_cast %mul3A_131 : i32 to index
          %swap3A_580 = tpu.vector_load %arg7[%swap3A_578, %swap3A_579] {strides = array<i32>} : memref<32x128xi32, #tpu.memory_space<vmem>>, vector<16xi32>,
          tpu.vector_store %arg7[%swap3A_578, %swap3A_579], %add3A_576 {strides = array<i32>} : memref<32x128xi32, #tpu.memory_space<vmem>>, vector<16xi32>,
          %add3A_581 = arith.constant 128 : i32
          %add3A_582 = vector.broadcast %add3A_581 : i32 to vector<16xi32>
          %add3A_583 = arith.addi %add3A_576, %add3A_582 : vector<16xi32>
          %swap3A_584 = arith.constant 19 : i32
          %swap3A_585 = arith.index_cast %swap3A_584 : i32 to index
          %swap3A_586 = arith.index_cast %mul3A_131 : i32 to index
          %swap3A_587 = tpu.vector_load %arg7[%swap3A_585, %swap3A_586] {strides = array<i32>} : memref<32x128xi32, #tpu.memory_space<vmem>>, vector<16xi32>,
          tpu.vector_store %arg7[%swap3A_585, %swap3A_586], %add3A_583 {strides = array<i32>} : memref<32x128xi32, #tpu.memory_space<vmem>>, vector<16xi32>,
          %mul3A_588 = arith.constant 1.610000e+02 : f32
          %mul3A_589 = vector.broadcast %mul3A_588 : f32 to vector<16xf32>
          %mul3A_590 = arith.mulf %get3A_132, %mul3A_589 : vector<16xf32>
          %convert_element_type3A_591 = arith.fptosi %mul3A_590 : vector<16xf32> to vector<16xi32>
          %mul3A_592 = arith.constant 1.610000e+02 : f32
          %mul3A_593 = vector.broadcast %mul3A_592 : f32 to vector<16xf32>
          %mul3A_594 = arith.mulf %get3A_136, %mul3A_593 : vector<16xf32>
          %convert_element_type3A_595 = arith.fptosi %mul3A_594 : vector<16xf32> to vector<16xi32>
          %mul3A_596 = arith.constant 1.610000e+02 : f32
          %mul3A_597 = vector.broadcast %mul3A_596 : f32 to vector<16xf32>
          %mul3A_598 = arith.mulf %get3A_140, %mul3A_597 : vector<16xf32>
          %convert_element_type3A_599 = arith.fptosi %mul3A_598 : vector<16xf32> to vector<16xi32>
          %mul3A_600 = arith.constant -1640531535 : i32
          %mul3A_601 = vector.broadcast %mul3A_600 : i32 to vector<16xi32>
          %mul3A_602 = arith.muli %convert_element_type3A_595, %mul3A_601 : vector<16xi32>
          %xor3A_603 = arith.xori %convert_element_type3A_591, %mul3A_602 : vector<16xi32>
          %mul3A_604 = arith.constant 805459861 : i32
          %mul3A_605 = vector.broadcast %mul3A_604 : i32 to vector<16xi32>
          %mul3A_606 = arith.muli %convert_element_type3A_599, %mul3A_605 : vector<16xi32>
          %xor3A_607 = arith.xori %xor3A_603, %mul3A_606 : vector<16xi32>
          %and3A_608 = arith.constant 524287 : i32
          %and3A_609 = vector.broadcast %and3A_608 : i32 to vector<16xi32>
          %and3A_610 = arith.andi %xor3A_607, %and3A_609 : vector<16xi32>
          %and3A_611 = arith.constant 127 : i32
          %and3A_612 = vector.broadcast %and3A_611 : i32 to vector<16xi32>
          %and3A_613 = arith.andi %and3A_610, %and3A_612 : vector<16xi32>
          %xor3A_614 = arith.xori %and3A_610, %and3A_613 : vector<16xi32>
          %shift_left3A_615 = arith.constant 1 : i32
          %shift_left3A_616 = vector.broadcast %shift_left3A_615 : i32 to vector<16xi32>
          %shift_left3A_617 = arith.shli %xor3A_614, %shift_left3A_616 : vector<16xi32>
          %add3A_618 = arith.constant 10485760 : i32
          %add3A_619 = vector.broadcast %add3A_618 : i32 to vector<16xi32>
          %add3A_620 = arith.addi %and3A_613, %add3A_619 : vector<16xi32>
          %add3A_621 = arith.addi %shift_left3A_617, %add3A_620 : vector<16xi32>
          %swap3A_622 = arith.constant 20 : i32
          %swap3A_623 = arith.index_cast %swap3A_622 : i32 to index
          %swap3A_624 = arith.index_cast %mul3A_131 : i32 to index
          %swap3A_625 = tpu.vector_load %arg7[%swap3A_623, %swap3A_624] {strides = array<i32>} : memref<32x128xi32, #tpu.memory_space<vmem>>, vector<16xi32>,
          tpu.vector_store %arg7[%swap3A_623, %swap3A_624], %add3A_621 {strides = array<i32>} : memref<32x128xi32, #tpu.memory_space<vmem>>, vector<16xi32>,
          %add3A_626 = arith.constant 128 : i32
          %add3A_627 = vector.broadcast %add3A_626 : i32 to vector<16xi32>
          %add3A_628 = arith.addi %add3A_621, %add3A_627 : vector<16xi32>
          %swap3A_629 = arith.constant 21 : i32
          %swap3A_630 = arith.index_cast %swap3A_629 : i32 to index
          %swap3A_631 = arith.index_cast %mul3A_131 : i32 to index
          %swap3A_632 = tpu.vector_load %arg7[%swap3A_630, %swap3A_631] {strides = array<i32>} : memref<32x128xi32, #tpu.memory_space<vmem>>, vector<16xi32>,
          tpu.vector_store %arg7[%swap3A_630, %swap3A_631], %add3A_628 {strides = array<i32>} : memref<32x128xi32, #tpu.memory_space<vmem>>, vector<16xi32>,
          %mul3A_633 = arith.constant 2.030000e+02 : f32
          %mul3A_634 = vector.broadcast %mul3A_633 : f32 to vector<16xf32>
          %mul3A_635 = arith.mulf %get3A_132, %mul3A_634 : vector<16xf32>
          %convert_element_type3A_636 = arith.fptosi %mul3A_635 : vector<16xf32> to vector<16xi32>
          %mul3A_637 = arith.constant 2.030000e+02 : f32
          %mul3A_638 = vector.broadcast %mul3A_637 : f32 to vector<16xf32>
          %mul3A_639 = arith.mulf %get3A_136, %mul3A_638 : vector<16xf32>
          %convert_element_type3A_640 = arith.fptosi %mul3A_639 : vector<16xf32> to vector<16xi32>
          %mul3A_641 = arith.constant 2.030000e+02 : f32
          %mul3A_642 = vector.broadcast %mul3A_641 : f32 to vector<16xf32>
          %mul3A_643 = arith.mulf %get3A_140, %mul3A_642 : vector<16xf32>
          %convert_element_type3A_644 = arith.fptosi %mul3A_643 : vector<16xf32> to vector<16xi32>
          %mul3A_645 = arith.constant -1640531535 : i32
          %mul3A_646 = vector.broadcast %mul3A_645 : i32 to vector<16xi32>
          %mul3A_647 = arith.muli %convert_element_type3A_640, %mul3A_646 : vector<16xi32>
          %xor3A_648 = arith.xori %convert_element_type3A_636, %mul3A_647 : vector<16xi32>
          %mul3A_649 = arith.constant 805459861 : i32
          %mul3A_650 = vector.broadcast %mul3A_649 : i32 to vector<16xi32>
          %mul3A_651 = arith.muli %convert_element_type3A_644, %mul3A_650 : vector<16xi32>
          %xor3A_652 = arith.xori %xor3A_648, %mul3A_651 : vector<16xi32>
          %and3A_653 = arith.constant 524287 : i32
          %and3A_654 = vector.broadcast %and3A_653 : i32 to vector<16xi32>
          %and3A_655 = arith.andi %xor3A_652, %and3A_654 : vector<16xi32>
          %and3A_656 = arith.constant 127 : i32
          %and3A_657 = vector.broadcast %and3A_656 : i32 to vector<16xi32>
          %and3A_658 = arith.andi %and3A_655, %and3A_657 : vector<16xi32>
          %xor3A_659 = arith.xori %and3A_655, %and3A_658 : vector<16xi32>
          %shift_left3A_660 = arith.constant 1 : i32
          %shift_left3A_661 = vector.broadcast %shift_left3A_660 : i32 to vector<16xi32>
          %shift_left3A_662 = arith.shli %xor3A_659, %shift_left3A_661 : vector<16xi32>
          %add3A_663 = arith.constant 11534336 : i32
          %add3A_664 = vector.broadcast %add3A_663 : i32 to vector<16xi32>
          %add3A_665 = arith.addi %and3A_658, %add3A_664 : vector<16xi32>
          %add3A_666 = arith.addi %shift_left3A_662, %add3A_665 : vector<16xi32>
          %swap3A_667 = arith.constant 22 : i32
          %swap3A_668 = arith.index_cast %swap3A_667 : i32 to index
          %swap3A_669 = arith.index_cast %mul3A_131 : i32 to index
          %swap3A_670 = tpu.vector_load %arg7[%swap3A_668, %swap3A_669] {strides = array<i32>} : memref<32x128xi32, #tpu.memory_space<vmem>>, vector<16xi32>,
          tpu.vector_store %arg7[%swap3A_668, %swap3A_669], %add3A_666 {strides = array<i32>} : memref<32x128xi32, #tpu.memory_space<vmem>>, vector<16xi32>,
          %add3A_671 = arith.constant 128 : i32
          %add3A_672 = vector.broadcast %add3A_671 : i32 to vector<16xi32>
          %add3A_673 = arith.addi %add3A_666, %add3A_672 : vector<16xi32>
          %swap3A_674 = arith.constant 23 : i32
          %swap3A_675 = arith.index_cast %swap3A_674 : i32 to index
          %swap3A_676 = arith.index_cast %mul3A_131 : i32 to index
          %swap3A_677 = tpu.vector_load %arg7[%swap3A_675, %swap3A_676] {strides = array<i32>} : memref<32x128xi32, #tpu.memory_space<vmem>>, vector<16xi32>,
          tpu.vector_store %arg7[%swap3A_675, %swap3A_676], %add3A_673 {strides = array<i32>} : memref<32x128xi32, #tpu.memory_space<vmem>>, vector<16xi32>,
          %mul3A_678 = arith.constant 2.560000e+02 : f32
          %mul3A_679 = vector.broadcast %mul3A_678 : f32 to vector<16xf32>
          %mul3A_680 = arith.mulf %get3A_132, %mul3A_679 : vector<16xf32>
          %convert_element_type3A_681 = arith.fptosi %mul3A_680 : vector<16xf32> to vector<16xi32>
          %mul3A_682 = arith.constant 2.560000e+02 : f32
          %mul3A_683 = vector.broadcast %mul3A_682 : f32 to vector<16xf32>
          %mul3A_684 = arith.mulf %get3A_136, %mul3A_683 : vector<16xf32>
          %convert_element_type3A_685 = arith.fptosi %mul3A_684 : vector<16xf32> to vector<16xi32>
          %mul3A_686 = arith.constant 2.560000e+02 : f32
          %mul3A_687 = vector.broadcast %mul3A_686 : f32 to vector<16xf32>
          %mul3A_688 = arith.mulf %get3A_140, %mul3A_687 : vector<16xf32>
          %convert_element_type3A_689 = arith.fptosi %mul3A_688 : vector<16xf32> to vector<16xi32>
          %mul3A_690 = arith.constant -1640531535 : i32
          %mul3A_691 = vector.broadcast %mul3A_690 : i32 to vector<16xi32>
          %mul3A_692 = arith.muli %convert_element_type3A_685, %mul3A_691 : vector<16xi32>
          %xor3A_693 = arith.xori %convert_element_type3A_681, %mul3A_692 : vector<16xi32>
          %mul3A_694 = arith.constant 805459861 : i32
          %mul3A_695 = vector.broadcast %mul3A_694 : i32 to vector<16xi32>
          %mul3A_696 = arith.muli %convert_element_type3A_689, %mul3A_695 : vector<16xi32>
          %xor3A_697 = arith.xori %xor3A_693, %mul3A_696 : vector<16xi32>
          %and3A_698 = arith.constant 524287 : i32
          %and3A_699 = vector.broadcast %and3A_698 : i32 to vector<16xi32>
          %and3A_700 = arith.andi %xor3A_697, %and3A_699 : vector<16xi32>
          %and3A_701 = arith.constant 127 : i32
          %and3A_702 = vector.broadcast %and3A_701 : i32 to vector<16xi32>
          %and3A_703 = arith.andi %and3A_700, %and3A_702 : vector<16xi32>
          %xor3A_704 = arith.xori %and3A_700, %and3A_703 : vector<16xi32>
          %shift_left3A_705 = arith.constant 1 : i32
          %shift_left3A_706 = vector.broadcast %shift_left3A_705 : i32 to vector<16xi32>
          %shift_left3A_707 = arith.shli %xor3A_704, %shift_left3A_706 : vector<16xi32>
          %add3A_708 = arith.constant 12582912 : i32
          %add3A_709 = vector.broadcast %add3A_708 : i32 to vector<16xi32>
          %add3A_710 = arith.addi %and3A_703, %add3A_709 : vector<16xi32>
          %add3A_711 = arith.addi %shift_left3A_707, %add3A_710 : vector<16xi32>
          %swap3A_712 = arith.constant 24 : i32
          %swap3A_713 = arith.index_cast %swap3A_712 : i32 to index
          %swap3A_714 = arith.index_cast %mul3A_131 : i32 to index
          %swap3A_715 = tpu.vector_load %arg7[%swap3A_713, %swap3A_714] {strides = array<i32>} : memref<32x128xi32, #tpu.memory_space<vmem>>, vector<16xi32>,
          tpu.vector_store %arg7[%swap3A_713, %swap3A_714], %add3A_711 {strides = array<i32>} : memref<32x128xi32, #tpu.memory_space<vmem>>, vector<16xi32>,
          %add3A_716 = arith.constant 128 : i32
          %add3A_717 = vector.broadcast %add3A_716 : i32 to vector<16xi32>
          %add3A_718 = arith.addi %add3A_711, %add3A_717 : vector<16xi32>
          %swap3A_719 = arith.constant 25 : i32
          %swap3A_720 = arith.index_cast %swap3A_719 : i32 to index
          %swap3A_721 = arith.index_cast %mul3A_131 : i32 to index
          %swap3A_722 = tpu.vector_load %arg7[%swap3A_720, %swap3A_721] {strides = array<i32>} : memref<32x128xi32, #tpu.memory_space<vmem>>, vector<16xi32>,
          tpu.vector_store %arg7[%swap3A_720, %swap3A_721], %add3A_718 {strides = array<i32>} : memref<32x128xi32, #tpu.memory_space<vmem>>, vector<16xi32>,
          %mul3A_723 = arith.constant 3.220000e+02 : f32
          %mul3A_724 = vector.broadcast %mul3A_723 : f32 to vector<16xf32>
          %mul3A_725 = arith.mulf %get3A_132, %mul3A_724 : vector<16xf32>
          %convert_element_type3A_726 = arith.fptosi %mul3A_725 : vector<16xf32> to vector<16xi32>
          %mul3A_727 = arith.constant 3.220000e+02 : f32
          %mul3A_728 = vector.broadcast %mul3A_727 : f32 to vector<16xf32>
          %mul3A_729 = arith.mulf %get3A_136, %mul3A_728 : vector<16xf32>
          %convert_element_type3A_730 = arith.fptosi %mul3A_729 : vector<16xf32> to vector<16xi32>
          %mul3A_731 = arith.constant 3.220000e+02 : f32
          %mul3A_732 = vector.broadcast %mul3A_731 : f32 to vector<16xf32>
          %mul3A_733 = arith.mulf %get3A_140, %mul3A_732 : vector<16xf32>
          %convert_element_type3A_734 = arith.fptosi %mul3A_733 : vector<16xf32> to vector<16xi32>
          %mul3A_735 = arith.constant -1640531535 : i32
          %mul3A_736 = vector.broadcast %mul3A_735 : i32 to vector<16xi32>
          %mul3A_737 = arith.muli %convert_element_type3A_730, %mul3A_736 : vector<16xi32>
          %xor3A_738 = arith.xori %convert_element_type3A_726, %mul3A_737 : vector<16xi32>
          %mul3A_739 = arith.constant 805459861 : i32
          %mul3A_740 = vector.broadcast %mul3A_739 : i32 to vector<16xi32>
          %mul3A_741 = arith.muli %convert_element_type3A_734, %mul3A_740 : vector<16xi32>
          %xor3A_742 = arith.xori %xor3A_738, %mul3A_741 : vector<16xi32>
          %and3A_743 = arith.constant 524287 : i32
          %and3A_744 = vector.broadcast %and3A_743 : i32 to vector<16xi32>
          %and3A_745 = arith.andi %xor3A_742, %and3A_744 : vector<16xi32>
          %and3A_746 = arith.constant 127 : i32
          %and3A_747 = vector.broadcast %and3A_746 : i32 to vector<16xi32>
          %and3A_748 = arith.andi %and3A_745, %and3A_747 : vector<16xi32>
          %xor3A_749 = arith.xori %and3A_745, %and3A_748 : vector<16xi32>
          %shift_left3A_750 = arith.constant 1 : i32
          %shift_left3A_751 = vector.broadcast %shift_left3A_750 : i32 to vector<16xi32>
          %shift_left3A_752 = arith.shli %xor3A_749, %shift_left3A_751 : vector<16xi32>
          %add3A_753 = arith.constant 13631488 : i32
          %add3A_754 = vector.broadcast %add3A_753 : i32 to vector<16xi32>
          %add3A_755 = arith.addi %and3A_748, %add3A_754 : vector<16xi32>
          %add3A_756 = arith.addi %shift_left3A_752, %add3A_755 : vector<16xi32>
          %swap3A_757 = arith.constant 26 : i32
          %swap3A_758 = arith.index_cast %swap3A_757 : i32 to index
          %swap3A_759 = arith.index_cast %mul3A_131 : i32 to index
          %swap3A_760 = tpu.vector_load %arg7[%swap3A_758, %swap3A_759] {strides = array<i32>} : memref<32x128xi32, #tpu.memory_space<vmem>>, vector<16xi32>,
          tpu.vector_store %arg7[%swap3A_758, %swap3A_759], %add3A_756 {strides = array<i32>} : memref<32x128xi32, #tpu.memory_space<vmem>>, vector<16xi32>,
          %add3A_761 = arith.constant 128 : i32
          %add3A_762 = vector.broadcast %add3A_761 : i32 to vector<16xi32>
          %add3A_763 = arith.addi %add3A_756, %add3A_762 : vector<16xi32>
          %swap3A_764 = arith.constant 27 : i32
          %swap3A_765 = arith.index_cast %swap3A_764 : i32 to index
          %swap3A_766 = arith.index_cast %mul3A_131 : i32 to index
          %swap3A_767 = tpu.vector_load %arg7[%swap3A_765, %swap3A_766] {strides = array<i32>} : memref<32x128xi32, #tpu.memory_space<vmem>>, vector<16xi32>,
          tpu.vector_store %arg7[%swap3A_765, %swap3A_766], %add3A_763 {strides = array<i32>} : memref<32x128xi32, #tpu.memory_space<vmem>>, vector<16xi32>,
          %mul3A_768 = arith.constant 4.060000e+02 : f32
          %mul3A_769 = vector.broadcast %mul3A_768 : f32 to vector<16xf32>
          %mul3A_770 = arith.mulf %get3A_132, %mul3A_769 : vector<16xf32>
          %convert_element_type3A_771 = arith.fptosi %mul3A_770 : vector<16xf32> to vector<16xi32>
          %mul3A_772 = arith.constant 4.060000e+02 : f32
          %mul3A_773 = vector.broadcast %mul3A_772 : f32 to vector<16xf32>
          %mul3A_774 = arith.mulf %get3A_136, %mul3A_773 : vector<16xf32>
          %convert_element_type3A_775 = arith.fptosi %mul3A_774 : vector<16xf32> to vector<16xi32>
          %mul3A_776 = arith.constant 4.060000e+02 : f32
          %mul3A_777 = vector.broadcast %mul3A_776 : f32 to vector<16xf32>
          %mul3A_778 = arith.mulf %get3A_140, %mul3A_777 : vector<16xf32>
          %convert_element_type3A_779 = arith.fptosi %mul3A_778 : vector<16xf32> to vector<16xi32>
          %mul3A_780 = arith.constant -1640531535 : i32
          %mul3A_781 = vector.broadcast %mul3A_780 : i32 to vector<16xi32>
          %mul3A_782 = arith.muli %convert_element_type3A_775, %mul3A_781 : vector<16xi32>
          %xor3A_783 = arith.xori %convert_element_type3A_771, %mul3A_782 : vector<16xi32>
          %mul3A_784 = arith.constant 805459861 : i32
          %mul3A_785 = vector.broadcast %mul3A_784 : i32 to vector<16xi32>
          %mul3A_786 = arith.muli %convert_element_type3A_779, %mul3A_785 : vector<16xi32>
          %xor3A_787 = arith.xori %xor3A_783, %mul3A_786 : vector<16xi32>
          %and3A_788 = arith.constant 524287 : i32
          %and3A_789 = vector.broadcast %and3A_788 : i32 to vector<16xi32>
          %and3A_790 = arith.andi %xor3A_787, %and3A_789 : vector<16xi32>
          %and3A_791 = arith.constant 127 : i32
          %and3A_792 = vector.broadcast %and3A_791 : i32 to vector<16xi32>
          %and3A_793 = arith.andi %and3A_790, %and3A_792 : vector<16xi32>
          %xor3A_794 = arith.xori %and3A_790, %and3A_793 : vector<16xi32>
          %shift_left3A_795 = arith.constant 1 : i32
          %shift_left3A_796 = vector.broadcast %shift_left3A_795 : i32 to vector<16xi32>
          %shift_left3A_797 = arith.shli %xor3A_794, %shift_left3A_796 : vector<16xi32>
          %add3A_798 = arith.constant 14680064 : i32
          %add3A_799 = vector.broadcast %add3A_798 : i32 to vector<16xi32>
          %add3A_800 = arith.addi %and3A_793, %add3A_799 : vector<16xi32>
          %add3A_801 = arith.addi %shift_left3A_797, %add3A_800 : vector<16xi32>
          %swap3A_802 = arith.constant 28 : i32
          %swap3A_803 = arith.index_cast %swap3A_802 : i32 to index
          %swap3A_804 = arith.index_cast %mul3A_131 : i32 to index
          %swap3A_805 = tpu.vector_load %arg7[%swap3A_803, %swap3A_804] {strides = array<i32>} : memref<32x128xi32, #tpu.memory_space<vmem>>, vector<16xi32>,
          tpu.vector_store %arg7[%swap3A_803, %swap3A_804], %add3A_801 {strides = array<i32>} : memref<32x128xi32, #tpu.memory_space<vmem>>, vector<16xi32>,
          %add3A_806 = arith.constant 128 : i32
          %add3A_807 = vector.broadcast %add3A_806 : i32 to vector<16xi32>
          %add3A_808 = arith.addi %add3A_801, %add3A_807 : vector<16xi32>
          %swap3A_809 = arith.constant 29 : i32
          %swap3A_810 = arith.index_cast %swap3A_809 : i32 to index
          %swap3A_811 = arith.index_cast %mul3A_131 : i32 to index
          %swap3A_812 = tpu.vector_load %arg7[%swap3A_810, %swap3A_811] {strides = array<i32>} : memref<32x128xi32, #tpu.memory_space<vmem>>, vector<16xi32>,
          tpu.vector_store %arg7[%swap3A_810, %swap3A_811], %add3A_808 {strides = array<i32>} : memref<32x128xi32, #tpu.memory_space<vmem>>, vector<16xi32>,
          %mul3A_813 = arith.constant 5.120000e+02 : f32
          %mul3A_814 = vector.broadcast %mul3A_813 : f32 to vector<16xf32>
          %mul3A_815 = arith.mulf %get3A_132, %mul3A_814 : vector<16xf32>
          %convert_element_type3A_816 = arith.fptosi %mul3A_815 : vector<16xf32> to vector<16xi32>
          %mul3A_817 = arith.constant 5.120000e+02 : f32
          %mul3A_818 = vector.broadcast %mul3A_817 : f32 to vector<16xf32>
          %mul3A_819 = arith.mulf %get3A_136, %mul3A_818 : vector<16xf32>
          %convert_element_type3A_820 = arith.fptosi %mul3A_819 : vector<16xf32> to vector<16xi32>
          %mul3A_821 = arith.constant 5.120000e+02 : f32
          %mul3A_822 = vector.broadcast %mul3A_821 : f32 to vector<16xf32>
          %mul3A_823 = arith.mulf %get3A_140, %mul3A_822 : vector<16xf32>
          %convert_element_type3A_824 = arith.fptosi %mul3A_823 : vector<16xf32> to vector<16xi32>
          %mul3A_825 = arith.constant -1640531535 : i32
          %mul3A_826 = vector.broadcast %mul3A_825 : i32 to vector<16xi32>
          %mul3A_827 = arith.muli %convert_element_type3A_820, %mul3A_826 : vector<16xi32>
          %xor3A_828 = arith.xori %convert_element_type3A_816, %mul3A_827 : vector<16xi32>
          %mul3A_829 = arith.constant 805459861 : i32
          %mul3A_830 = vector.broadcast %mul3A_829 : i32 to vector<16xi32>
          %mul3A_831 = arith.muli %convert_element_type3A_824, %mul3A_830 : vector<16xi32>
          %xor3A_832 = arith.xori %xor3A_828, %mul3A_831 : vector<16xi32>
          %and3A_833 = arith.constant 524287 : i32
          %and3A_834 = vector.broadcast %and3A_833 : i32 to vector<16xi32>
          %and3A_835 = arith.andi %xor3A_832, %and3A_834 : vector<16xi32>
          %and3A_836 = arith.constant 127 : i32
          %and3A_837 = vector.broadcast %and3A_836 : i32 to vector<16xi32>
          %and3A_838 = arith.andi %and3A_835, %and3A_837 : vector<16xi32>
          %xor3A_839 = arith.xori %and3A_835, %and3A_838 : vector<16xi32>
          %shift_left3A_840 = arith.constant 1 : i32
          %shift_left3A_841 = vector.broadcast %shift_left3A_840 : i32 to vector<16xi32>
          %shift_left3A_842 = arith.shli %xor3A_839, %shift_left3A_841 : vector<16xi32>
          %add3A_843 = arith.constant 15728640 : i32
          %add3A_844 = vector.broadcast %add3A_843 : i32 to vector<16xi32>
          %add3A_845 = arith.addi %and3A_838, %add3A_844 : vector<16xi32>
          %add3A_846 = arith.addi %shift_left3A_842, %add3A_845 : vector<16xi32>
          %swap3A_847 = arith.constant 30 : i32
          %swap3A_848 = arith.index_cast %swap3A_847 : i32 to index
          %swap3A_849 = arith.index_cast %mul3A_131 : i32 to index
          %swap3A_850 = tpu.vector_load %arg7[%swap3A_848, %swap3A_849] {strides = array<i32>} : memref<32x128xi32, #tpu.memory_space<vmem>>, vector<16xi32>,
          tpu.vector_store %arg7[%swap3A_848, %swap3A_849], %add3A_846 {strides = array<i32>} : memref<32x128xi32, #tpu.memory_space<vmem>>, vector<16xi32>,
          %add3A_851 = arith.constant 128 : i32
          %add3A_852 = vector.broadcast %add3A_851 : i32 to vector<16xi32>
          %add3A_853 = arith.addi %add3A_846, %add3A_852 : vector<16xi32>
          %swap3A_854 = arith.constant 31 : i32
          %swap3A_855 = arith.index_cast %swap3A_854 : i32 to index
          %swap3A_856 = arith.index_cast %mul3A_131 : i32 to index
          %swap3A_857 = tpu.vector_load %arg7[%swap3A_855, %swap3A_856] {strides = array<i32>} : memref<32x128xi32, #tpu.memory_space<vmem>>, vector<16xi32>,
          tpu.vector_store %arg7[%swap3A_855, %swap3A_856], %add3A_853 {strides = array<i32>} : memref<32x128xi32, #tpu.memory_space<vmem>>, vector<16xi32>,
          %scan3A_858 = arith.constant 0 : i32
          scf.yield %scan3A_858 : i32
        }
        %scan3A_104 = arith.constant 8 : i32
        %scan3A_105 = arith.constant 0 : i32
        %scan3A_106 = arith.constant 0 : i32
        %scan3A_107 = arith.constant 32 : i32
        %scan3A_108 = arith.addi %scan3A_106, %scan3A_107 : i32
        %scan3A_109 = arith.constant 1 : i32
        %scan3A_110 = scf.for %scan3A_128 = %scan3A_106 to %scan3A_108 step %scan3A_109 iter_args(%scan3A_129 = %scan3A_105) -> (i32)  : i32 {
          %mul3A_130 = arith.constant 128 : i32
          %mul3A_131 = arith.muli %scan3A_128, %mul3A_130 : i32
          %dma_start3A_132 = tpu.memref_slice %arg9[%mul3A_131] : memref<4096xf32, #tpu.memory_space<vmem>> -> memref<128xf32, #tpu.memory_space<vmem>>
          %dma_start3A_133 = arith.constant 0 : i32
          %dma_start3A_134 = tpu.memref_slice %arg7[%scan3A_128, %dma_start3A_133] : memref<32x128xi32, #tpu.memory_space<vmem>> -> memref<1x128xi32, #tpu.memory_space<vmem>>
          %dma_start3A_135 = tpu.memref_squeeze %dma_start3A_134 : memref<1x128xi32, #tpu.memory_space<vmem>> -> memref<128xi32, #tpu.memory_space<vmem>>
          %dma_start3A_136 = arith.constant 0 : i32
          %dma_start3A_137 = tpu.memref_slice %arg3[%dma_start3A_136] : memref<16777216xf32, #tpu.memory_space<hbm>> -> memref<16777216xf32, #tpu.memory_space<hbm>>
          tpu.enqueue_indirect_dma source(%dma_start3A_137 : memref<16777216xf32, #tpu.memory_space<hbm>>) target(%dma_start3A_132 : memref<128xf32, #tpu.memory_space<vmem>>) offsets(%dma_start3A_135 : memref<128xi32, #tpu.memory_space<vmem>>) semaphore(%arg11 : memref<!tpu.dma_semaphore, #tpu.memory_space<semaphore_mem>>)
          %scan3A_138 = arith.constant 0 : i32
          scf.yield %scan3A_138 : i32
        }
        %scan3A_111 = arith.constant 32 : i32
        %add3A_112 = arith.addi %mul3A_2, %scan3A_69 : i32
        %sub3A = arith.constant 1 : i32
        %sub3A_113 = arith.subi %add3A_112, %sub3A : i32
        %scan3A_114 = arith.constant 0 : i32
        %scan3A_115 = arith.constant 0 : i32
        %scan3A_116 = arith.constant 32 : i32
        %scan3A_117 = arith.addi %scan3A_115, %scan3A_116 : i32
        %scan3A_118 = arith.constant 1 : i32
        %scan3A_119 = scf.for %scan3A_128 = %scan3A_115 to %scan3A_117 step %scan3A_118 iter_args(%scan3A_129 = %scan3A_114) -> (i32)  : i32 {
          %mul3A_130 = arith.constant 128 : i32
          %mul3A_131 = arith.muli %scan3A_128, %mul3A_130 : i32
          %dma_wait3A_132 = tpu.memref_slice %arg10[%mul3A_131] : memref<4096xf32, #tpu.memory_space<vmem>> -> memref<128xf32, #tpu.memory_space<vmem>>
          %dma_wait3A_133 = arith.constant 0 : i32
          %dma_wait3A_134 = tpu.memref_slice %arg8[%scan3A_128, %dma_wait3A_133] : memref<32x128xi32, #tpu.memory_space<vmem>> -> memref<1x128xi32, #tpu.memory_space<vmem>>
          %dma_wait3A_135 = tpu.memref_squeeze %dma_wait3A_134 : memref<1x128xi32, #tpu.memory_space<vmem>> -> memref<128xi32, #tpu.memory_space<vmem>>
          %dma_wait3A_136 = arith.constant 0 : i32
          %dma_wait3A_137 = tpu.memref_slice %arg3[%dma_wait3A_136] : memref<16777216xf32, #tpu.memory_space<hbm>> -> memref<16777216xf32, #tpu.memory_space<hbm>>
          tpu.wait_indirect_dma semaphore(%arg12 : memref<!tpu.dma_semaphore, #tpu.memory_space<semaphore_mem>>) src(%dma_wait3A_137 : memref<16777216xf32, #tpu.memory_space<hbm>>) dst(%dma_wait3A_132 : memref<128xf32, #tpu.memory_space<vmem>>)
          %scan3A_138 = arith.constant 0 : i32
          scf.yield %scan3A_138 : i32
        }
        %scan3A_120 = arith.constant 32 : i32
        %scan3A_121 = arith.constant 0 : i32
        %scan3A_122 = arith.constant 0 : i32
        %scan3A_123 = arith.constant 4 : i32
        %scan3A_124 = arith.addi %scan3A_122, %scan3A_123 : i32
        %scan3A_125 = arith.constant 1 : i32
        %scan3A_126 = scf.for %scan3A_128 = %scan3A_122 to %scan3A_124 step %scan3A_125 iter_args(%scan3A_129 = %scan3A_121) -> (i32)  : i32 {
          %mul3A_130 = arith.constant 1024 : i32
          %mul3A_131 = arith.muli %scan3A_128, %mul3A_130 : i32
          %mul3A_132 = arith.constant 8192 : i32
          %mul3A_133 = arith.muli %scan3A_128, %mul3A_132 : i32
          %add3A_134 = arith.addi %mul3A_133, %sub3A_113 : i32
          %mul3A_135 = arith.constant 1024 : i32
          %mul3A_136 = arith.muli %add3A_134, %mul3A_135 : i32
          %dma_start3A_137 = tpu.memref_slice %arg10[%mul3A_131] : memref<4096xf32, #tpu.memory_space<vmem>> -> memref<1024xf32, #tpu.memory_space<vmem>>
          %dma_start3A_138 = tpu.memref_slice %arg4[%mul3A_136] : memref<33554432xf32, #tpu.memory_space<hbm>> -> memref<1024xf32, #tpu.memory_space<hbm>>
          %dma_start3A_139 = tpu.memref_slice %arg4[%mul3A_136] : memref<33554432xf32, #tpu.memory_space<hbm>> -> memref<1024xf32, #tpu.memory_space<hbm>>
          %dma_start3A_140 = tpu.memref_slice %arg10[%mul3A_131] : memref<4096xf32, #tpu.memory_space<vmem>> -> memref<1024xf32, #tpu.memory_space<vmem>>
          tpu.enqueue_dma source(%dma_start3A_140 : memref<1024xf32, #tpu.memory_space<vmem>>) target(%dma_start3A_139 : memref<1024xf32, #tpu.memory_space<hbm>>) target_semaphore(%arg16 : memref<!tpu.dma_semaphore, #tpu.memory_space<semaphore_mem>>)
          %scan3A_141 = arith.constant 0 : i32
          scf.yield %scan3A_141 : i32
        }
        %scan3A_127 = arith.constant 4 : i32
      } else {
      }
      %scan3A_79 = arith.constant 0 : i32
      scf.yield %scan3A_79 : i32
    }
    %scan3A_29 = arith.constant 255 : i32
    %add3A_30 = arith.constant 255 : i32
    %add3A_31 = arith.addi %mul3A_2, %add3A_30 : i32
    %scan3A_32 = arith.constant 0 : i32
    %scan3A_33 = arith.constant 0 : i32
    %scan3A_34 = arith.constant 32 : i32
    %scan3A_35 = arith.addi %scan3A_33, %scan3A_34 : i32
    %scan3A_36 = arith.constant 1 : i32
    %scan3A_37 = scf.for %scan3A_69 = %scan3A_33 to %scan3A_35 step %scan3A_36 iter_args(%scan3A_70 = %scan3A_32) -> (i32)  : i32 {
      %mul3A_71 = arith.constant 128 : i32
      %mul3A_72 = arith.muli %scan3A_69, %mul3A_71 : i32
      %dma_wait3A_73 = tpu.memref_slice %arg10[%mul3A_72] : memref<4096xf32, #tpu.memory_space<vmem>> -> memref<128xf32, #tpu.memory_space<vmem>>
      %dma_wait3A_74 = arith.constant 0 : i32
      %dma_wait3A_75 = tpu.memref_slice %arg8[%scan3A_69, %dma_wait3A_74] : memref<32x128xi32, #tpu.memory_space<vmem>> -> memref<1x128xi32, #tpu.memory_space<vmem>>
      %dma_wait3A_76 = tpu.memref_squeeze %dma_wait3A_75 : memref<1x128xi32, #tpu.memory_space<vmem>> -> memref<128xi32, #tpu.memory_space<vmem>>
      %dma_wait3A_77 = arith.constant 0 : i32
      %dma_wait3A_78 = tpu.memref_slice %arg3[%dma_wait3A_77] : memref<16777216xf32, #tpu.memory_space<hbm>> -> memref<16777216xf32, #tpu.memory_space<hbm>>
      tpu.wait_indirect_dma semaphore(%arg12 : memref<!tpu.dma_semaphore, #tpu.memory_space<semaphore_mem>>) src(%dma_wait3A_78 : memref<16777216xf32, #tpu.memory_space<hbm>>) dst(%dma_wait3A_73 : memref<128xf32, #tpu.memory_space<vmem>>)
      %scan3A_79 = arith.constant 0 : i32
      scf.yield %scan3A_79 : i32
    }
    %scan3A_38 = arith.constant 32 : i32
    %scan3A_39 = arith.constant 0 : i32
    %scan3A_40 = arith.constant 0 : i32
    %scan3A_41 = arith.constant 4 : i32
    %scan3A_42 = arith.addi %scan3A_40, %scan3A_41 : i32
    %scan3A_43 = arith.constant 1 : i32
    %scan3A_44 = scf.for %scan3A_69 = %scan3A_40 to %scan3A_42 step %scan3A_43 iter_args(%scan3A_70 = %scan3A_39) -> (i32)  : i32 {
      %mul3A_71 = arith.constant 1024 : i32
      %mul3A_72 = arith.muli %scan3A_69, %mul3A_71 : i32
      %mul3A_73 = arith.constant 8192 : i32
      %mul3A_74 = arith.muli %scan3A_69, %mul3A_73 : i32
      %add3A_75 = arith.addi %mul3A_74, %add3A_31 : i32
      %mul3A_76 = arith.constant 1024 : i32
      %mul3A_77 = arith.muli %add3A_75, %mul3A_76 : i32
      %dma_start3A_78 = tpu.memref_slice %arg10[%mul3A_72] : memref<4096xf32, #tpu.memory_space<vmem>> -> memref<1024xf32, #tpu.memory_space<vmem>>
      %dma_start3A_79 = tpu.memref_slice %arg4[%mul3A_77] : memref<33554432xf32, #tpu.memory_space<hbm>> -> memref<1024xf32, #tpu.memory_space<hbm>>
      %dma_start3A_80 = tpu.memref_slice %arg4[%mul3A_77] : memref<33554432xf32, #tpu.memory_space<hbm>> -> memref<1024xf32, #tpu.memory_space<hbm>>
      %dma_start3A_81 = tpu.memref_slice %arg10[%mul3A_72] : memref<4096xf32, #tpu.memory_space<vmem>> -> memref<1024xf32, #tpu.memory_space<vmem>>
      tpu.enqueue_dma source(%dma_start3A_81 : memref<1024xf32, #tpu.memory_space<vmem>>) target(%dma_start3A_80 : memref<1024xf32, #tpu.memory_space<hbm>>) target_semaphore(%arg16 : memref<!tpu.dma_semaphore, #tpu.memory_space<semaphore_mem>>)
      %scan3A_82 = arith.constant 0 : i32
      scf.yield %scan3A_82 : i32
    }
    %scan3A_45 = arith.constant 4 : i32
    %add3A_46 = arith.constant 254 : i32
    %add3A_47 = arith.addi %mul3A_2, %add3A_46 : i32
    %scan3A_48 = arith.constant 0 : i32
    %scan3A_49 = arith.constant 0 : i32
    %scan3A_50 = arith.constant 4 : i32
    %scan3A_51 = arith.addi %scan3A_49, %scan3A_50 : i32
    %scan3A_52 = arith.constant 1 : i32
    %scan3A_53 = scf.for %scan3A_69 = %scan3A_49 to %scan3A_51 step %scan3A_52 iter_args(%scan3A_70 = %scan3A_48) -> (i32)  : i32 {
      %mul3A_71 = arith.constant 1024 : i32
      %mul3A_72 = arith.muli %scan3A_69, %mul3A_71 : i32
      %mul3A_73 = arith.constant 8192 : i32
      %mul3A_74 = arith.muli %scan3A_69, %mul3A_73 : i32
      %add3A_75 = arith.addi %mul3A_74, %add3A_47 : i32
      %mul3A_76 = arith.constant 1024 : i32
      %mul3A_77 = arith.muli %add3A_75, %mul3A_76 : i32
      %dma_wait3A_78 = tpu.memref_slice %arg9[%mul3A_72] : memref<4096xf32, #tpu.memory_space<vmem>> -> memref<1024xf32, #tpu.memory_space<vmem>>
      %dma_wait3A_79 = tpu.memref_slice %arg4[%mul3A_77] : memref<33554432xf32, #tpu.memory_space<hbm>> -> memref<1024xf32, #tpu.memory_space<hbm>>
      %dma_wait3A_80 = tpu.memref_slice %arg4[%mul3A_77] : memref<33554432xf32, #tpu.memory_space<hbm>> -> memref<1024xf32, #tpu.memory_space<hbm>>
      %dma_wait3A_81 = tpu.memref_slice %arg9[%mul3A_72] : memref<4096xf32, #tpu.memory_space<vmem>> -> memref<1024xf32, #tpu.memory_space<vmem>>
      tpu.wait_dma2 semaphore(%arg15 : memref<!tpu.dma_semaphore, #tpu.memory_space<semaphore_mem>>) src(%dma_wait3A_81 : memref<1024xf32, #tpu.memory_space<vmem>>) dst(%dma_wait3A_80 : memref<1024xf32, #tpu.memory_space<hbm>>)
      %scan3A_82 = arith.constant 0 : i32
      scf.yield %scan3A_82 : i32
    }
    %scan3A_54 = arith.constant 4 : i32
    %add3A_55 = arith.constant 255 : i32
    %add3A_56 = arith.addi %mul3A_2, %add3A_55 : i32
    %scan3A_57 = arith.constant 0 : i32
    %scan3A_58 = arith.constant 0 : i32
    %scan3A_59 = arith.constant 4 : i32
    %scan3A_60 = arith.addi %scan3A_58, %scan3A_59 : i32
    %scan3A_61 = arith.constant 1 : i32
    %scan3A_62 = scf.for %scan3A_69 = %scan3A_58 to %scan3A_60 step %scan3A_61 iter_args(%scan3A_70 = %scan3A_57) -> (i32)  : i32 {
      %mul3A_71 = arith.constant 1024 : i32
      %mul3A_72 = arith.muli %scan3A_69, %mul3A_71 : i32
      %mul3A_73 = arith.constant 8192 : i32
      %mul3A_74 = arith.muli %scan3A_69, %mul3A_73 : i32
      %add3A_75 = arith.addi %mul3A_74, %add3A_56 : i32
      %mul3A_76 = arith.constant 1024 : i32
      %mul3A_77 = arith.muli %add3A_75, %mul3A_76 : i32
      %dma_wait3A_78 = tpu.memref_slice %arg10[%mul3A_72] : memref<4096xf32, #tpu.memory_space<vmem>> -> memref<1024xf32, #tpu.memory_space<vmem>>
      %dma_wait3A_79 = tpu.memref_slice %arg4[%mul3A_77] : memref<33554432xf32, #tpu.memory_space<hbm>> -> memref<1024xf32, #tpu.memory_space<hbm>>
      %dma_wait3A_80 = tpu.memref_slice %arg4[%mul3A_77] : memref<33554432xf32, #tpu.memory_space<hbm>> -> memref<1024xf32, #tpu.memory_space<hbm>>
      %dma_wait3A_81 = tpu.memref_slice %arg10[%mul3A_72] : memref<4096xf32, #tpu.memory_space<vmem>> -> memref<1024xf32, #tpu.memory_space<vmem>>
      tpu.wait_dma2 semaphore(%arg16 : memref<!tpu.dma_semaphore, #tpu.memory_space<semaphore_mem>>) src(%dma_wait3A_81 : memref<1024xf32, #tpu.memory_space<vmem>>) dst(%dma_wait3A_80 : memref<1024xf32, #tpu.memory_space<hbm>>)
      %scan3A_82 = arith.constant 0 : i32
      scf.yield %scan3A_82 : i32
    }
    %scan3A_63 = arith.constant 4 : i32
    %add3A_64 = arith.constant 255 : i32
    %add3A_65 = arith.addi %mul3A_2, %add3A_64 : i32
    %mul3A_66 = arith.constant 384 : i32
    %mul3A_67 = arith.muli %add3A_65, %mul3A_66 : i32
    %dma_wait3A = tpu.memref_slice %arg2[%mul3A_67] : memref<3145728xf32, #tpu.memory_space<hbm>> -> memref<384xf32, #tpu.memory_space<hbm>>
    %dma_wait3A_68 = tpu.memref_slice %arg2[%mul3A_67] : memref<3145728xf32, #tpu.memory_space<hbm>> -> memref<384xf32, #tpu.memory_space<hbm>>
    tpu.wait_dma2 semaphore(%arg13 : memref<!tpu.dma_semaphore, #tpu.memory_space<semaphore_mem>>) src(%dma_wait3A_68 : memref<384xf32, #tpu.memory_space<hbm>>) dst(%arg5 : memref<384xf32, #tpu.memory_space<vmem>>)
    return
  }
}

</mosaic_0001>

<sc_bundles>
// kernel: kernel.3.cloned.1.call-start
scs
__scs_entry_jumppad:
0x0: {  	(pc) =	sbr.rel $0x88, $3  }
0x1: {  	(tag) =	ssettag $0x0;
	lr =	simm.s32 $0x1  }
0x2: {  	[smem:$0x3F9F] =	sst lr;
	_ =	strace $0xD0000000  }
0x3: {  	_ = 	snop  }
0x4: {  	_ = 	snop  }
0x5: {  	_ = 	snop  }
0x6: {  	_ = 	snop  }
0x7: {  	_ = 	snop  }
__scs_overlays_trampoline_lowered:
0x8: {  	[smem:$0x3FAE] =	sst s0  }
0x9: {  	[smem:$0x3FAF] =	sst s1  }
0xa: {  	[smem:$0x3FB0] =	sst s2  }
0xb: {  	[smem:$0x3FB1] =	sst s3  }
0xc: {  	[smem:$0x3FB2] =	sst s4  }
0xd: {  	[smem:$0x3FB3] =	sst s5  }
0xe: {  	[smem:$0x3FB4] =	sst s6  }
0xf: {  	[smem:$0x3FB5] =	sst s7  }
0x10: {  	[smem:$0x3FB6] =	sst s8  }
0x11: {  	[smem:$0x3FB7] =	sst s9;
	s0 =	simm.s32 @!p0 $0x0  }
0x12: {  	s1 =	sld [smem:$0x3F9D];
	s0 =	simm.s32 @p0 $0x1  }
0x13: {  	[smem:$0x3FB8] =	sst s0;
	s0 =	simm.s32 @!p1 $0x0  }
0x14: {  	s2 =	sld [smem:$0x3F9C];
	s0 =	simm.s32 @p1 $0x1  }
0x15: {  	[smem:$0x3FB9] =	sst s0;
	s0 =	simm.s32 @!p2 $0x0  }
0x16: {  	s3 =	sld [smem:$0x3FDB];
	s0 =	simm.s32 @p2 $0x1  }
0x17: {  	s4 =	simm.s32 $0x1BF5;
	[smem:$0x3FBB] =	sst s0  }
0x18: {  	s0 =	sld [smem:$0x3F9E];
	_ =	swait.ge [sflag:s4], $0x0  }
0x19: {  	s7 =	sld [smem:$0x3F9F]  }
0x1a: {  	s8 =	sadd.s32 $0xFFFFE003, lr  }
0x1b: {  	s9 =	sadd.s32 $0xFFFFFEF7, lr;
	s5 =	simm.s32 $0xFFFFFFFF;
	p2 =	slt.u32 s8, $0xFFFFF086  }
0x1c: {  	p1 =	slt.u32 s9, $0xF7A;
	s5 =	simm.s32 @!p2 $0x0  }
0x1d: {  	s5 =	simm.s32 @p1 $0x1;
	p0 =	seq.s32 s7, s2  }
0x1e: {  	s7 =	smul.u32 @!p0 $0xF7A, s2;
	p2 =	seq.s32 @!p0 s5, $0x0  }
0x1f: {  	s9 =	smul.u32 $0xF7A, s1;
	s8 =	simm.s32 @!p0 $0x1BF5;
	p2 =	por !p2, p0  }
0x20: {  	[sflag:s8] =	ssyncset.s32 @!p0 $0xFFFFF086;
	s6 =	sadd.s32 @!p0 s3, s7;
	s7 =	simm.s32 @!p0 $0x108  }
0x21: {  	s3 =	sadd.s32 s3, s9;
	s6 =	sadd.s32 @!p0 $0x88, s6;
	s7 =	simm.s32 @p2 $0x1082  }
0x22: {  	[simem:s7], [sflag:s8] =	dma.local @!p0 [hbm:s6], $0xF7A  }
0x23: {  	s9 =	sor.u32 $0xD0000000, s2;
	s6 =	simm.s32 $0x108;
	_ =	swait.ge @!p0 [sflag:s8], $0x0  }
0x24: {  	s3 =	sadd.s32 $0x88, s3;
	s6 =	simm.s32 @!p1 $0x1082;
	[sflag:s4] =	ssyncset.s32 $0xFFFFF086  }
0x25: {  	[simem:s6], [sflag:s4] =	dma.local [hbm:s3], $0xF7A  }
0x26: {  	[smem:$0x3F9F] =	sst s1;
	(tag) =	ssettag s2;
	_ =	strace s9  }
0x27: {  	s1 =	sld [smem:$0x3FAF]  }
0x28: {  	s2 =	sld [smem:$0x3FB0]  }
0x29: {  	s4 =	sld [smem:$0x3FB2]  }
0x2a: {  	p0 =	seq.s32 s5, $0x0;
	s5 =	sld [smem:$0x3FB3]  }
0x2b: {  	s6 =	sld [smem:$0x3FB4]  }
0x2c: {  	s7 =	sld [smem:$0x3FB5]  }
0x2d: {  	s3 =	simm.s32 $0x108;
	s8 =	sld [smem:$0x3FB6]  }
0x2e: {  	s3 =	simm.s32 @!p0 $0x1082;
	s9 =	sld [smem:$0x3FB7]  }
0x2f: {  	lr =	sadd.s32 s0, s3;
	s0 =	sld [smem:$0x3FAE]  }
0x30: {  	s3 =	sld [smem:$0x3FB1]  }
0x31: {  	[smem:$0x3FBA] =	sst s10  }
0x32: {  	s10 =	sld [smem:$0x3FB8];
	_ =	sdelay $0x3  }
0x33: {  	p0 =	seq.s32 s10, $0x1;
	s10 =	sld [smem:$0x3FBA];
	_ =	sdelay $0x3  }
0x34: {  	[smem:$0x3FBA] =	sst s10  }
0x35: {  	s10 =	sld [smem:$0x3FB9];
	_ =	sdelay $0x3  }
0x36: {  	p1 =	seq.s32 s10, $0x1;
	s10 =	sld [smem:$0x3FBA];
	_ =	sdelay $0x3  }
0x37: {  	[smem:$0x3FBA] =	sst s10  }
0x38: {  	s10 =	sld [smem:$0x3FBB]  }
0x39: {  	_ = 	snop;
	(pc) =	sbr.ind lr, $3  }
0x3a: {  	_ = 	snop  }
0x3b: {  	_ = 	snop  }
0x3c: {  	p2 =	seq.s32 s10, $0x1;
	s10 =	sld [smem:$0x3FBA]  }
0x3d: {  	_ =	shalt  }
0x3e: {  	_ =	shalt  }
0x3f: {  	_ =	shalt  }
0x40: {  	_ =	shalt  }
0x41: {  	_ =	shalt  }
0x42: {  	_ =	shalt  }
0x43: {  	_ =	shalt  }
0x44: {  	_ =	shalt  }
0x45: {  	_ =	shalt  }
0x46: {  	_ =	shalt  }
0x47: {  	_ =	shalt  }
0x48: {  	_ =	shalt  }
0x49: {  	_ =	shalt  }
0x4a: {  	_ =	shalt  }
0x4b: {  	_ =	shalt  }
0x4c: {  	_ =	shalt  }
0x4d: {  	_ =	shalt  }
0x4e: {  	_ =	shalt  }
0x4f: {  	_ =	shalt  }
0x50: {  	_ =	shalt  }
0x51: {  	_ =	shalt  }
0x52: {  	_ =	shalt  }
0x53: {  	_ =	shalt  }
0x54: {  	_ =	shalt  }
0x55: {  	_ =	shalt  }
0x56: {  	_ =	shalt  }
0x57: {  	_ =	shalt  }
0x58: {  	_ =	shalt  }
0x59: {  	_ =	shalt  }
0x5a: {  	_ =	shalt  }
0x5b: {  	_ =	shalt  }
0x5c: {  	_ =	shalt  }
0x5d: {  	_ =	shalt  }
0x5e: {  	_ =	shalt  }
0x5f: {  	_ =	shalt  }
0x60: {  	_ =	shalt  }
0x61: {  	_ =	shalt  }
0x62: {  	_ =	shalt  }
0x63: {  	_ =	shalt  }
0x64: {  	_ =	shalt  }
0x65: {  	_ =	shalt  }
0x66: {  	_ =	shalt  }
0x67: {  	_ =	shalt  }
0x68: {  	_ =	shalt  }
0x69: {  	_ =	shalt  }
0x6a: {  	_ =	shalt  }
0x6b: {  	_ =	shalt  }
0x6c: {  	_ =	shalt  }
0x6d: {  	_ =	shalt  }
0x6e: {  	_ =	shalt  }
0x6f: {  	_ =	shalt  }
0x70: {  	_ =	shalt  }
0x71: {  	_ =	shalt  }
0x72: {  	_ =	shalt  }
0x73: {  	_ =	shalt  }
0x74: {  	_ =	shalt  }
0x75: {  	_ =	shalt  }
0x76: {  	_ =	shalt  }
0x77: {  	_ =	shalt  }
0x78: {  	_ =	shalt  }
0x79: {  	_ =	shalt  }
0x7a: {  	_ =	shalt  }
0x7b: {  	_ =	shalt  }
0x7c: {  	_ =	shalt  }
0x7d: {  	_ =	shalt  }
0x7e: {  	_ =	shalt  }
0x7f: {  	_ =	shalt  }
0x80: {  	_ =	shalt  }
0x81: {  	_ =	shalt  }
0x82: {  	_ =	shalt  }
0x83: {  	_ =	shalt  }
0x84: {  	_ =	shalt  }
0x85: {  	_ =	shalt  }
0x86: {  	_ =	shalt  }
0x87: {  	_ =	shalt  }
.Lfunc_end0:
.L_simem_size_0:
called_computation_lowered:
.L_overlay_start_0:
0x88: {  	s2 =	sld [smem:$0x3FD9]  }
0x89: {  	s3 =	sld [smem:$0x3FFE];
	_ =	sdelay $0x1  }
0x8a: {  	s1 =	srdreg.scid  }
0x8b: {  	s0 =	sand.u32 $0x1, s1  }
0x8c: {  	s17 =	sshll.u32 s0, $0xA;
	s2 =	sadd.s32 s3, s2  }
0x8d: {  	s2 =	sadd.s32 s2, s17  }
0x8e: {  	[smem:$0x3FC6] =	sst s2  }
0x8f: {  	_ = 	snop  }
0x90: {  	s2 =	sld [smem:$0x3FC8]  }
0x91: {  	s18 =	sld [smem:$0x3FD0];
	(tm) =	ssettm $0x1  }
0x92: {  	s4 =	sld [smem:$0x3FFB];
	_ =	sdelay $0x3  }
0x93: {  	_ =	strace s4  }
0x94: {  	s4 =	sld [smem:$0x3FFC];
	_ =	sdelay $0x3  }
0x95: {  	_ =	strace s4  }
0x96: {  	s4 =	sld [smem:$0x3FFD];
	_ =	sdelay $0x3  }
0x97: {  	_ =	strace s4  }
0x98: {  	_ =	strace $0x8FFFFFFF  }
0x99: {  	s19 =	sld [smem:$0x3FDB];
	_ =	sdelay $0x1  }
0x9a: {  	s5 =	simm.s32 $_scs_section_size  }
0x9b: {  	s6 =	simm.s32 $_size__tile_overlayer_lowered;
	s7 =	simm.s32 $_tile_overlayer_lowered  }
0x9c: {  	s22 =	simm.s32 $0x1BFF;
	s21 =	sshll.u32 s7, $0x1;
	s4 =	sadd.s32 s5, s19  }
0x9d: {  	s8 =	simm.s32 $0x0;
	s20 =	sshll.u32 s6, $0x1;
	s6 =	sadd.s32 s21, s4  }
0x9e: {  	[timem:s8], [sflag:s22] =	dma.local [hbm:s6], s20  }
0x9f: {  	_ =	swait.ge [sflag:s22], s20  }
0xa0: {  	s5 =	ssub.s32 $0x0, s20;
	[sflag:s22] =	ssyncset.done $0x0  }
0xa1: {  	[sflag:s22] =	ssyncadd.s32 s5;
	_ =	sdelay $0x1  }
0xa2: {  	s23 =	simm.s32 $0x1B8B  }
0xa3: {  	_ =	swait.ge [sflag:s23], $0x1  }
0xa4: {  	[sflag:s23] =	ssyncset.done $0x0  }
0xa5: {  	s25 =	simm.s32 $0x1B8E;
	s24 =	sld [smem:$0x3FFE];
	[sflag:s23] =	ssyncadd.s32 $0xFFFFFFFF  }
0xa6: {  	s26 =	simm.s32 $execute0_lowered;
	[smem:$0x3FD2] =	sst s25  }
0xa7: {  	s6 =	sshll.u32 s26, $0x1;
	_ =	strace $0x80000046;
	[dreg:$0x1] =	wrdreg $0xFFFFFFFF  }
0xa8: {  	s28 =	simm.s32 $_size_execute0_lowered;
	s4 =	sadd.s32 s4, s6;
	[dreg:$0x0] =	wrdreg $0x0  }
0xa9: {  	s6 =	sshll.u32 s28, $0x1;
	[dreg:$0x2] =	wrdreg s4  }
0xaa: {  	[dreg:$0x3] =	wrdreg s6  }
0xab: {  	[dreg:$0x4] =	wrdreg $0xC0  }
0xac: {  	_ =	task [dreg:s8], $0x5FFFF  }
0xad: {  	[dreg:$0x1] =	wrdreg $0xFFFFFFFF  }
0xae: {  	[dreg:$0x0] =	wrdreg $0x60  }
0xaf: {  	[dreg:$0x2] =	wrdreg s24  }
0xb0: {  	[dreg:$0x3] =	wrdreg s2  }
0xb1: {  	[dreg:$0x4] =	wrdreg s18  }
0xb2: {  	[dreg:$0x5] =	wrdreg $0x9  }
0xb3: {  	_ =	task.clear_ibuf [dreg:s8], $0x6FFFF;
	_ =	strace $0x90000046  }
0xb4: {  	s29 =	simm.s32 $0x9;
	_ =	strace $0x80000048  }
0xb5: {  	_ =	swait.ge [sflag:s29], $0x1  }
0xb6: {  	[sflag:s29] =	ssyncadd.s32 $0xFFFFFFFF  }
0xb7: {  	_ =	strace $0x90000048  }
0xb8: {  	_ =	sfence  }
0xb9: {  	s30 =	sld [smem:$0x0];
	_ =	sdelay $0x2  }
0xba: {  	s31 =	sshll.u32 s1, $0xD;
	s1 =	sshrl.u32 s1, $0x2  }
0xbb: {  	s3 =	sand.u32 $0x4000, s31;
	s1 =	sadd.s32 s1, s30  }
0xbc: {  	s0 =	sor.u32 s3, s0;
	s1 =	sshll.u32 s1, $0x11  }
0xbd: {  	s0 =	sor.u32 s1, s0  }
0xbe: {  	s0 =	sadd.s32 $0x8F2B, s0  }
0xbf: {  	[sflag:s0] =	ssyncadd.remote.s32 $0x1  }
0xc0: {  	_ =	sfence.sel $0xFFFF  }
0xc1: {  	[dreg:$0x0] =	wrdreg $0xFFFFFFFF;
	(pc) =	sbr.abs _section_cstart, $3  }
0xc2: {  	[dreg:$0x1] =	wrdreg $0xFFFFFFFF  }
0xc3: {  	_ =	task.clear_ibuf [dreg:s8], $0x2FFFF;
	_ =	strace $0x9FFFFFFF  }
0xc4: {  	(tm) =	ssettm $0x7FFFFFFF  }
0xc5: {  	_ =	shalt  }
tec
execute0_lowered:
.L_overlay_start_1:
0x0: {  	(tag) =	ssettag $0x1  }
0x1: {  	s0 =	rddreg [dreg:$0x0]  }
0x2: {  	s1 =	rddreg [dreg:$0x1]  }
0x3: {  	s3 =	rddreg [dreg:$0x2];
	s2 =	srdreg.scid;
	s4 =	simm.s32 $0x0  }
0x4: {  	s5 =	stileid.u32;
	s16 =	simm.s32 $0x7;
	s17 =	simm.s32 $0x180  }
0x5: {  	s18 =	simm.s32 $0x80;
	s19 =	simm.s32 $0x4;
	s28 =	simm.s32 $0x3700  }
0x6: {  	s29 =	simm.s32 $0x3B00;
	s30 =	simm.s32 $0x3F00;
	s31 =	simm.s32 $0x5  }
0x7: {  	s2 =	sand.u32 $0x1, s2;
	[smem:$0x7FF] =	sst s4;
	s5 =	sshll.u32 s5, $0x1  }
0x8: {  	s6 =	ssub.s32 $0x2, s2;
	_ =	strace $0x80000047;
	s2 =	sor.u32 s2, s5  }
0x9: {  	s5 =	sadd.s32 $0x400, s0;
	s7 =	sshrl.u32 s6, $0x1;
	s9 =	smul.u32 $0x3000, s2  }
0xa: {  	s20 =	sshll.u32 s2, $0xF;
	s8 =	ssub.s32 s6, s7;
	s6 =	sshll.u32 s2, $0x8  }
0xb: {  	s7 =	sadd.s32 $0x430, s0;
	s0 =	sadd.s32 s20, s3;
	s21 =	sadd.s32 s5, s9  }
0xc: {  	s20 =	simm.s32 $0x1;
	s22 =	sadd.s32 s9, s7;
	[dreg:$0x4] =	wrdreg s21  }
0xd: {  	s2 =	simm.s32 $0x3;
	s23 =	sadd.s32 $0x7F80, s0;
	[dreg:$0x5] =	wrdreg s22  }
0xe: {  	s10 =	sor.u32 $0x1, s6;
	s24 =	sadd.s32 $0x107F80, s0;
	[dreg:$0x6] =	wrdreg s23  }
.Ltmp0:
0xf: {  	s25 =	smax.u32 s8, $0x1;
	[dreg:$0x7] =	wrdreg s24;
	(pc) =	sbr.rel .LBB2_1-.Ltmp0, $4  }
0x10: {  	s26 =	sadd.s32 $0x207F80, s0;
	s15 =	sadd.s32 $0x307F80, s0;
	[dreg:$0x8] =	wrdreg s25  }
0x11: {  	s0 =	simm.s32 $0x6;
	s8 =	simm.s32 $0x0;
	[dreg:$0x9] =	wrdreg s26  }
0x12: {  	s21 =	simm.s32 $0x2300;
	s22 =	simm.s32 $0x2700;
	s23 =	simm.s32 $0x2B00  }
0x13: {  	s24 =	simm.s32 $0x2F00;
	s25 =	simm.s32 $0x2;
	s26 =	simm.s32 $0x3300  }
.LBB2_18:
0x14: {  	_ =	swait.ge [sflag:s25], $0x80  }
0x15: {  	[sflag:s25] =	ssyncset.done $0x0  }
0x16: {  	[sflag:s25] =	ssyncadd.s32 $0xFFFFFF80  }
0x17: {  	_ =	swait.ge [sflag:s25], $0x80  }
0x18: {  	[sflag:s25] =	ssyncset.done $0x0  }
0x19: {  	[sflag:s25] =	ssyncadd.s32 $0xFFFFFF80  }
0x1a: {  	_ =	swait.ge [sflag:s25], $0x80  }
0x1b: {  	[sflag:s25] =	ssyncset.done $0x0  }
0x1c: {  	[sflag:s25] =	ssyncadd.s32 $0xFFFFFF80  }
0x1d: {  	_ =	swait.ge [sflag:s25], $0x80  }
0x1e: {  	[sflag:s25] =	ssyncset.done $0x0  }
0x1f: {  	[sflag:s25] =	ssyncadd.s32 $0xFFFFFF80  }
0x20: {  	_ =	swait.ge [sflag:s25], $0x80  }
0x21: {  	[sflag:s25] =	ssyncset.done $0x0  }
0x22: {  	[sflag:s25] =	ssyncadd.s32 $0xFFFFFF80  }
0x23: {  	_ =	swait.ge [sflag:s25], $0x80  }
0x24: {  	[sflag:s25] =	ssyncset.done $0x0  }
0x25: {  	[sflag:s25] =	ssyncadd.s32 $0xFFFFFF80  }
0x26: {  	_ =	swait.ge [sflag:s25], $0x80  }
0x27: {  	[sflag:s25] =	ssyncset.done $0x0  }
0x28: {  	[sflag:s25] =	ssyncadd.s32 $0xFFFFFF80  }
0x29: {  	_ =	swait.ge [sflag:s25], $0x80  }
0x2a: {  	[sflag:s25] =	ssyncset.done $0x0  }
0x2b: {  	[sflag:s25] =	ssyncadd.s32 $0xFFFFFF80  }
0x2c: {  	_ =	swait.ge [sflag:s25], $0x80  }
0x2d: {  	[sflag:s25] =	ssyncset.done $0x0  }
0x2e: {  	[sflag:s25] =	ssyncadd.s32 $0xFFFFFF80  }
0x2f: {  	_ =	swait.ge [sflag:s25], $0x80  }
0x30: {  	[sflag:s25] =	ssyncset.done $0x0  }
0x31: {  	[sflag:s25] =	ssyncadd.s32 $0xFFFFFF80  }
0x32: {  	_ =	swait.ge [sflag:s25], $0x80  }
0x33: {  	[sflag:s25] =	ssyncset.done $0x0  }
0x34: {  	[sflag:s25] =	ssyncadd.s32 $0xFFFFFF80  }
0x35: {  	_ =	swait.ge [sflag:s25], $0x80  }
0x36: {  	[sflag:s25] =	ssyncset.done $0x0  }
0x37: {  	[sflag:s25] =	ssyncadd.s32 $0xFFFFFF80  }
0x38: {  	_ =	swait.ge [sflag:s25], $0x80  }
0x39: {  	[sflag:s25] =	ssyncset.done $0x0  }
0x3a: {  	[sflag:s25] =	ssyncadd.s32 $0xFFFFFF80  }
0x3b: {  	_ =	swait.ge [sflag:s25], $0x80  }
0x3c: {  	[sflag:s25] =	ssyncset.done $0x0  }
0x3d: {  	[sflag:s25] =	ssyncadd.s32 $0xFFFFFF80  }
0x3e: {  	_ =	swait.ge [sflag:s25], $0x80  }
0x3f: {  	[sflag:s25] =	ssyncset.done $0x0  }
0x40: {  	[sflag:s25] =	ssyncadd.s32 $0xFFFFFF80  }
0x41: {  	_ =	swait.ge [sflag:s25], $0x80  }
0x42: {  	[sflag:s25] =	ssyncset.done $0x0  }
0x43: {  	[sflag:s25] =	ssyncadd.s32 $0xFFFFFF80  }
0x44: {  	_ =	swait.ge [sflag:s25], $0x80  }
0x45: {  	[sflag:s25] =	ssyncset.done $0x0  }
0x46: {  	[sflag:s25] =	ssyncadd.s32 $0xFFFFFF80  }
0x47: {  	_ =	swait.ge [sflag:s25], $0x80  }
0x48: {  	[sflag:s25] =	ssyncset.done $0x0  }
0x49: {  	[sflag:s25] =	ssyncadd.s32 $0xFFFFFF80  }
0x4a: {  	_ =	swait.ge [sflag:s25], $0x80  }
0x4b: {  	[sflag:s25] =	ssyncset.done $0x0  }
0x4c: {  	[sflag:s25] =	ssyncadd.s32 $0xFFFFFF80  }
0x4d: {  	_ =	swait.ge [sflag:s25], $0x80  }
0x4e: {  	[sflag:s25] =	ssyncset.done $0x0  }
0x4f: {  	[sflag:s25] =	ssyncadd.s32 $0xFFFFFF80  }
0x50: {  	_ =	swait.ge [sflag:s25], $0x80  }
0x51: {  	[sflag:s25] =	ssyncset.done $0x0  }
0x52: {  	[sflag:s25] =	ssyncadd.s32 $0xFFFFFF80  }
0x53: {  	_ =	swait.ge [sflag:s25], $0x80  }
0x54: {  	[sflag:s25] =	ssyncset.done $0x0  }
0x55: {  	[sflag:s25] =	ssyncadd.s32 $0xFFFFFF80  }
0x56: {  	_ =	swait.ge [sflag:s25], $0x80  }
0x57: {  	[sflag:s25] =	ssyncset.done $0x0  }
0x58: {  	[sflag:s25] =	ssyncadd.s32 $0xFFFFFF80  }
0x59: {  	_ =	swait.ge [sflag:s25], $0x80  }
0x5a: {  	[sflag:s25] =	ssyncset.done $0x0  }
0x5b: {  	[sflag:s25] =	ssyncadd.s32 $0xFFFFFF80  }
0x5c: {  	_ =	swait.ge [sflag:s25], $0x80  }
0x5d: {  	[sflag:s25] =	ssyncset.done $0x0  }
0x5e: {  	[sflag:s25] =	ssyncadd.s32 $0xFFFFFF80  }
0x5f: {  	_ =	swait.ge [sflag:s25], $0x80  }
0x60: {  	[sflag:s25] =	ssyncset.done $0x0  }
0x61: {  	[sflag:s25] =	ssyncadd.s32 $0xFFFFFF80  }
0x62: {  	_ =	swait.ge [sflag:s25], $0x80  }
0x63: {  	[sflag:s25] =	ssyncset.done $0x0  }
0x64: {  	[sflag:s25] =	ssyncadd.s32 $0xFFFFFF80  }
0x65: {  	_ =	swait.ge [sflag:s25], $0x80  }
0x66: {  	[sflag:s25] =	ssyncset.done $0x0  }
0x67: {  	[sflag:s25] =	ssyncadd.s32 $0xFFFFFF80  }
0x68: {  	_ =	swait.ge [sflag:s25], $0x80  }
0x69: {  	[sflag:s25] =	ssyncset.done $0x0  }
0x6a: {  	[sflag:s25] =	ssyncadd.s32 $0xFFFFFF80  }
0x6b: {  	_ =	swait.ge [sflag:s25], $0x80  }
0x6c: {  	[sflag:s25] =	ssyncset.done $0x0  }
0x6d: {  	[sflag:s25] =	ssyncadd.s32 $0xFFFFFF80  }
0x6e: {  	_ =	swait.ge [sflag:s25], $0x80  }
0x6f: {  	[sflag:s25] =	ssyncset.done $0x0  }
0x70: {  	[sflag:s25] =	ssyncadd.s32 $0xFFFFFF80  }
0x71: {  	_ =	swait.ge [sflag:s25], $0x80  }
0x72: {  	[sflag:s25] =	ssyncset.done $0x0  }
0x73: {  	s9 =	rddreg [dreg:$0x6];
	[sflag:s25] =	ssyncadd.s32 $0xFFFFFF80  }
0x74: {  	[hbm4b:s9+s4] =	stream.linear.scatter [tilespmem:s26], [sflag:$0x6], $0x400, $0x38;
	[tilespmem:$0x4300] =	vst v63  }
0x75: {  	s12 =	rddreg [dreg:$0x7]  }
0x76: {  	[hbm4b:s12+s4] =	stream.linear.scatter [tilespmem:s28], [sflag:$0x6], $0x400, $0x38;
	[tilespmem:$0x4300] =	vst v63  }
0x77: {  	s13 =	rddreg [dreg:$0x9]  }
0x78: {  	[hbm4b:s13+s4] =	stream.linear.scatter [tilespmem:s29], [sflag:$0x6], $0x400, $0x38;
	[tilespmem:$0x4300] =	vst v63  }
0x79: {  	_ = 	snop  }
0x7a: {  	[hbm4b:s15+s4] =	stream.linear.scatter [tilespmem:s30], [sflag:$0x6], $0x400, $0x38;
	[tilespmem:$0x4300] =	vst v63  }
0x7b: {  	_ =	swait.ge [sflag:s31], $0x400  }
0x7c: {  	[sflag:s31] =	ssyncset.done $0x0  }
0x7d: {  	[sflag:s31] =	ssyncadd.s32 $0xFFFFFC00  }
0x7e: {  	_ =	swait.ge [sflag:s31], $0x400  }
0x7f: {  	[sflag:s31] =	ssyncset.done $0x0  }
0x80: {  	[sflag:s31] =	ssyncadd.s32 $0xFFFFFC00  }
0x81: {  	_ =	swait.ge [sflag:s31], $0x400  }
0x82: {  	[sflag:s31] =	ssyncset.done $0x0  }
0x83: {  	[sflag:s31] =	ssyncadd.s32 $0xFFFFFC00  }
0x84: {  	_ =	swait.ge [sflag:s31], $0x400  }
0x85: {  	[sflag:s31] =	ssyncset.done $0x0  }
0x86: {  	[sflag:s31] =	ssyncadd.s32 $0xFFFFFC00  }
0x87: {  	_ =	swait.ge [sflag:s0], $0x400  }
0x88: {  	[sflag:s0] =	ssyncset.done $0x0  }
0x89: {  	[sflag:s0] =	ssyncadd.s32 $0xFFFFFC00  }
0x8a: {  	_ =	swait.ge [sflag:s0], $0x400  }
0x8b: {  	[sflag:s0] =	ssyncset.done $0x0  }
0x8c: {  	[sflag:s0] =	ssyncadd.s32 $0xFFFFFC00  }
0x8d: {  	_ =	swait.ge [sflag:s0], $0x400  }
0x8e: {  	[sflag:s0] =	ssyncset.done $0x0  }
0x8f: {  	[sflag:s0] =	ssyncadd.s32 $0xFFFFFC00  }
0x90: {  	_ =	swait.ge [sflag:s0], $0x400  }
0x91: {  	[sflag:s0] =	ssyncset.done $0x0  }
0x92: {  	[sflag:s0] =	ssyncadd.s32 $0xFFFFFC00  }
0x93: {  	_ =	swait.ge [sflag:s2], $0x180  }
0x94: {  	s8 =	sadd.s32 $0x1, s8;
	s14 =	rddreg [dreg:$0x8]  }
0x95: {  	p0 =	sne.s32 s8, s14  }
.Ltmp1:
0x96: {  	_ = 	snop;
	(pc) =	sbr.rel @!p0 .LBB2_19-.Ltmp1, $3  }
0x97: {  	_ =	sdelay $0x1  }
0x98: {  	[sflag:s2] =	ssyncset.done $0x0  }
0x99: {  	[sflag:s2] =	ssyncadd.s32 $0xFFFFFE80  }
.LBB2_1:
0x9a: {  	s9 =	rddreg [dreg:$0x4]  }
0x9b: {  	[tilespmem:s4], [sflag:$0x7] =	stream.linear.gather [hbm4b:s9+s4], $0x180, $0x38;
	[tilespmem:$0x4300] =	vst v63  }
0x9c: {  	_ =	swait.ge [sflag:s16], $0x180  }
0x9d: {  	[sflag:s16] =	ssyncset.done $0x0  }
0x9e: {  	s9 =	simm.s32 $0x0;
	s14 =	rddreg [dreg:$0x5];
	[sflag:s16] =	ssyncadd.s32 $0xFFFFFE80  }
0x9f: {  	[tilespmem:s17], [sflag:$0x4] =	stream.linear.gather [hbm4b:s14+s4], $0x180, $0x38;
	[tilespmem:$0x4300] =	vst v63  }
0xa0: {  	v0 =	vld [tilespmem:s9+$0x80]  }
0xa1: {  	v1 =	vld [tilespmem:s9+$0x100]  }
0xa2: {  	v2 =	vld [tilespmem:s9+$0x0];
	_ =	sdelay $0x2  }
0xa3: {  	v3 =	vmul.f32 $5.120000000e+02, v0  }
0xa4: {  	v4 =	vmul.f32 $1.600000000e+01, v0;
	v5 =	vmul.f32 $5.120000000e+02, v1  }
0xa5: {  	v6 =	vmul.f32 $5.120000000e+02, v2;
	v7 =	vmul.f32 $2.000000000e+01, v0  }
0xa6: {  	v8 =	vmul.f32 $2.500000000e+01, v0;
	v9 =	vmul.f32 $3.200000000e+01, v0  }
0xa7: {  	v10 =	vmul.f32 $4.000000000e+01, v0;
	v11 =	vmul.f32 $5.000000000e+01, v0  }
0xa8: {  	v12 =	vmul.f32 $6.400000000e+01, v0;
	v13 =	vmul.f32 $8.000000000e+01, v0  }
0xa9: {  	v14 =	vmul.f32 $1.010000000e+02, v0;
	v15 =	vmul.f32 $1.270000000e+02, v0  }
0xaa: {  	v16 =	vmul.f32 $1.610000000e+02, v0;
	v17 =	vmul.f32 $2.030000000e+02, v0  }
0xab: {  	v18 =	vmul.f32 $2.560000000e+02, v0;
	v19 =	vmul.f32 $3.220000000e+02, v0  }
0xac: {  	v20 =	vmul.f32 $1.600000000e+01, v1;
	v0 =	vmul.f32 $4.060000000e+02, v0  }
0xad: {  	v21 =	vmul.f32 $2.000000000e+01, v1;
	v22 =	vmul.f32 $2.500000000e+01, v1  }
0xae: {  	v23 =	vmul.f32 $3.200000000e+01, v1;
	v24 =	vmul.f32 $4.000000000e+01, v1  }
0xaf: {  	v25 =	vmul.f32 $5.000000000e+01, v1;
	v26 =	vmul.f32 $6.400000000e+01, v1  }
0xb0: {  	v27 =	vmul.f32 $8.000000000e+01, v1;
	v28 =	vmul.f32 $1.010000000e+02, v1  }
0xb1: {  	v29 =	vmul.f32 $1.270000000e+02, v1;
	v30 =	vmul.f32 $1.610000000e+02, v1  }
0xb2: {  	v31 =	vmul.f32 $2.030000000e+02, v1;
	v32 =	vmul.f32 $2.560000000e+02, v1  }
0xb3: {  	v33 =	vmul.f32 $3.220000000e+02, v1;
	v34 =	vmul.f32 $4.060000000e+02, v1  }
0xb4: {  	v36 =	vmul.f32 $2.500000000e+01, v2;
	v37 =	vmul.f32 $4.000000000e+01, v2  }
0xb5: {  	v38 =	vmul.f32 $6.400000000e+01, v2;
	v40 =	vmul.f32 $8.000000000e+01, v2  }
0xb6: {  	v41 =	vmul.f32 $1.010000000e+02, v2;
	v42 =	vmul.f32 $1.270000000e+02, v2  }
0xb7: {  	v43 =	vmul.f32 $1.610000000e+02, v2;
	v44 =	vmul.f32 $2.030000000e+02, v2  }
0xb8: {  	v49 =	vmul.f32 $2.560000000e+02, v2;
	v45 =	vmul.f32 $3.220000000e+02, v2  }
0xb9: {  	v3 =	vtrunc.f32 v3;
	v5 =	vtrunc.f32 v5  }
0xba: {  	v6 =	vtrunc.f32 v6;
	v1 =	vtrunc.f32 v4  }
0xbb: {  	v4 =	vtrunc.f32 v7;
	v7 =	vtrunc.f32 v8  }
0xbc: {  	v8 =	vtrunc.f32 v9;
	v9 =	vtrunc.f32 v10  }
0xbd: {  	v10 =	vtrunc.f32 v11;
	v11 =	vtrunc.f32 v12  }
0xbe: {  	v12 =	vtrunc.f32 v13;
	v13 =	vtrunc.f32 v14  }
0xbf: {  	v14 =	vtrunc.f32 v15;
	v15 =	vtrunc.f32 v16  }
0xc0: {  	v16 =	vtrunc.f32 v17;
	v17 =	vtrunc.f32 v18  }
0xc1: {  	v18 =	vtrunc.f32 v19;
	v19 =	vmul.f32 $1.600000000e+01, v2  }
0xc2: {  	v35 =	vtrunc.f32 v0;
	v20 =	vtrunc.f32 v20  }
0xc3: {  	v21 =	vtrunc.f32 v21;
	v22 =	vtrunc.f32 v22  }
0xc4: {  	v23 =	vtrunc.f32 v23;
	v24 =	vtrunc.f32 v24  }
0xc5: {  	v25 =	vtrunc.f32 v25;
	v26 =	vtrunc.f32 v26  }
0xc6: {  	v27 =	vtrunc.f32 v27;
	v28 =	vtrunc.f32 v28  }
0xc7: {  	v29 =	vtrunc.f32 v29;
	v30 =	vtrunc.f32 v30  }
0xc8: {  	v31 =	vtrunc.f32 v31;
	v32 =	vtrunc.f32 v32  }
0xc9: {  	v33 =	vtrunc.f32 v33;
	v34 =	vtrunc.f32 v34  }
0xca: {  	v36 =	vtrunc.f32 v36;
	v37 =	vtrunc.f32 v37  }
0xcb: {  	v38 =	vtrunc.f32 v38;
	v40 =	vtrunc.f32 v40  }
0xcc: {  	v41 =	vtrunc.f32 v41;
	v42 =	vtrunc.f32 v42  }
0xcd: {  	v43 =	vtrunc.f32 v43;
	v44 =	vtrunc.f32 v44  }
0xce: {  	v45 =	vtrunc.f32 v45;
	v3 =	vcvt.f32.s32 v3  }
0xcf: {  	v5 =	vcvt.f32.s32 v5;
	v6 =	vcvt.f32.s32 v6  }
0xd0: {  	v1 =	vcvt.f32.s32 v1;
	v4 =	vcvt.f32.s32 v4  }
0xd1: {  	v7 =	vcvt.f32.s32 v7;
	v8 =	vcvt.f32.s32 v8  }
0xd2: {  	v9 =	vcvt.f32.s32 v9;
	v10 =	vcvt.f32.s32 v10  }
0xd3: {  	v11 =	vcvt.f32.s32 v11;
	v12 =	vcvt.f32.s32 v12  }
0xd4: {  	v13 =	vcvt.f32.s32 v13;
	v14 =	vcvt.f32.s32 v14  }
0xd5: {  	v15 =	vcvt.f32.s32 v15;
	v16 =	vcvt.f32.s32 v16  }
0xd6: {  	v17 =	vcvt.f32.s32 v17;
	v18 =	vcvt.f32.s32 v18  }
0xd7: {  	v35 =	vcvt.f32.s32 v35;
	v20 =	vcvt.f32.s32 v20  }
0xd8: {  	v21 =	vcvt.f32.s32 v21;
	v22 =	vcvt.f32.s32 v22  }
0xd9: {  	v23 =	vcvt.f32.s32 v23;
	v24 =	vcvt.f32.s32 v24  }
0xda: {  	v25 =	vcvt.f32.s32 v25;
	v26 =	vcvt.f32.s32 v26  }
0xdb: {  	v27 =	vcvt.f32.s32 v27;
	v28 =	vcvt.f32.s32 v28  }
0xdc: {  	v29 =	vcvt.f32.s32 v29;
	v30 =	vcvt.f32.s32 v30  }
0xdd: {  	v31 =	vcvt.f32.s32 v31;
	v32 =	vcvt.f32.s32 v32  }
0xde: {  	v33 =	vcvt.f32.s32 v33;
	v34 =	vcvt.f32.s32 v34  }
0xdf: {  	v36 =	vcvt.f32.s32 v36;
	v37 =	vcvt.f32.s32 v37  }
0xe0: {  	v50 =	vcvt.f32.s32 v40;
	v51 =	vcvt.f32.s32 v41  }
0xe1: {  	v52 =	vcvt.f32.s32 v42;
	v53 =	vcvt.f32.s32 v44  }
0xe2: {  	v55 =	vcvt.f32.s32 v45;
	v19 =	vtrunc.f32 v19;
	v3 =	vmul.u32 $0x779B1, v3  }
0xe3: {  	v0 =	vmul.u32 $0x25795, v5;
	v5 =	vmul.f32 $2.000000000e+01, v2;
	v1 =	vmul.u32 $0x779B1, v1  }
0xe4: {  	v19 =	vcvt.f32.s32 v19;
	v4 =	vmul.u32 $0x779B1, v4;
	v7 =	vmul.u32 $0x779B1, v7  }
0xe5: {  	v8 =	vmul.u32 $0x779B1, v8;
	v9 =	vmul.u32 $0x779B1, v9;
	v10 =	vmul.u32 $0x779B1, v10  }
0xe6: {  	v11 =	vmul.u32 $0x779B1, v11;
	v12 =	vmul.u32 $0x779B1, v12;
	v13 =	vmul.u32 $0x779B1, v13  }
0xe7: {  	v14 =	vmul.u32 $0x779B1, v14;
	v15 =	vmul.u32 $0x779B1, v15;
	v16 =	vmul.u32 $0x779B1, v16  }
0xe8: {  	v17 =	vmul.u32 $0x779B1, v17;
	v18 =	vmul.u32 $0x779B1, v18;
	v35 =	vmul.u32 $0x779B1, v35  }
0xe9: {  	v20 =	vmul.u32 $0x25795, v20;
	v21 =	vmul.u32 $0x25795, v21;
	v22 =	vmul.u32 $0x25795, v22  }
0xea: {  	v23 =	vmul.u32 $0x25795, v23;
	v24 =	vmul.u32 $0x25795, v24;
	v25 =	vmul.u32 $0x25795, v25  }
0xeb: {  	v26 =	vmul.u32 $0x25795, v26;
	v27 =	vmul.u32 $0x25795, v27;
	v28 =	vmul.u32 $0x25795, v28  }
0xec: {  	v29 =	vmul.u32 $0x25795, v29;
	v30 =	vmul.u32 $0x25795, v30;
	v31 =	vmul.u32 $0x25795, v31  }
0xed: {  	v32 =	vmul.u32 $0x25795, v32;
	v33 =	vmul.u32 $0x25795, v33;
	v34 =	vmul.u32 $0x25795, v34  }
0xee: {  	v3 =	vxor.u32 v6, v3;
	v6 =	vmul.f32 $3.200000000e+01, v2;
	v19 =	vxor.u32 v19, v1  }
0xef: {  	v5 =	vtrunc.f32 v5;
	v7 =	vxor.u32 v36, v7;
	v9 =	vxor.u32 v37, v9  }
0xf0: {  	v0 =	vxor.u32 v0, v3;
	v3 =	vmul.f32 $5.000000000e+01, v2;
	v2 =	vmul.f32 $4.060000000e+02, v2  }
0xf1: {  	v5 =	vcvt.f32.s32 v5;
	v39 =	vshll.u32 v0, $0x1;
	v0 =	vand.u32 $0x7F, v0  }
0xf2: {  	v6 =	vtrunc.f32 v6;
	v39 =	vand.u32 $0xFFF00, v39;
	v3 =	vtrunc.f32 v3  }
0xf3: {  	v2 =	vtrunc.f32 v2;
	v6 =	vcvt.f32.s32 v6;
	v4 =	vxor.u32 v5, v4  }
0xf4: {  	v5 =	vcvt.f32.s32 v38;
	v0 =	vor.u32 v39, v0;
	v39 =	vtrunc.f32 v49  }
0xf5: {  	v3 =	vcvt.f32.s32 v3;
	v2 =	vcvt.f32.s32 v2;
	v1 =	vor.u32 $0xF00080, v0  }
0xf6: {  	v0 =	vor.u32 $0xF00000, v0;
	v6 =	vxor.u32 v6, v8;
	v8 =	vcvt.f32.s32 v43  }
0xf7: {  	v54 =	vcvt.f32.s32 v39;
	v5 =	vxor.u32 v5, v11;
	v11 =	vxor.u32 v51, v13  }
0xf8: {  	v13 =	vxor.u32 v53, v16;
	v16 =	vxor.u32 v20, v19;
	v20 =	vxor.u32 v24, v9  }
0xf9: {  	v3 =	vxor.u32 v3, v10;
	v10 =	vxor.u32 v50, v12;
	v12 =	vxor.u32 v52, v14  }
0xfa: {  	v2 =	vxor.u32 v2, v35;
	v19 =	vxor.u32 v23, v6;
	v6 =	vshll.u32 v20, $0x1  }
0xfb: {  	v63 =	vand.u32 $0x7F, v16;
	v20 =	vand.u32 $0x7F, v20;
	v8 =	vxor.u32 v8, v15  }
0xfc: {  	v14 =	vxor.u32 v54, v17;
	v15 =	vxor.u32 v55, v18;
	v17 =	vxor.u32 v21, v4  }
0xfd: {  	v18 =	vxor.u32 v22, v7;
	v21 =	vxor.u32 v25, v3;
	v22 =	vxor.u32 v26, v5  }
0xfe: {  	v23 =	vxor.u32 v27, v10;
	v27 =	vxor.u32 v28, v11;
	v28 =	vxor.u32 v29, v12  }
0xff: {  	v3 =	vshll.u32 v16, $0x1;
	v57 =	vxor.u32 v34, v2;
	v5 =	vshll.u32 v19, $0x1  }
0x100: {  	v10 =	vand.u32 $0xFFF00, v6;
	v29 =	vxor.u32 v30, v8;
	v30 =	vxor.u32 v31, v13  }
0x101: {  	v31 =	vxor.u32 v32, v14;
	v56 =	vxor.u32 v33, v15;
	v2 =	vshll.u32 v17, $0x1  }
0x102: {  	v4 =	vshll.u32 v18, $0x1;
	v7 =	vshll.u32 v21, $0x1;
	v8 =	vshll.u32 v22, $0x1  }
0x103: {  	v9 =	vshll.u32 v23, $0x1;
	v24 =	vshll.u32 v27, $0x1;
	v25 =	vshll.u32 v28, $0x1  }
0x104: {  	v60 =	vand.u32 $0xFFF00, v3;
	v62 =	vshll.u32 v57, $0x1;
	v15 =	vand.u32 $0xFFF00, v5  }
0x105: {  	v21 =	vand.u32 $0x7F, v21;
	v22 =	vand.u32 $0x7F, v22;
	v16 =	vand.u32 $0x7F, v23  }
0x106: {  	v26 =	vshll.u32 v29, $0x1;
	v58 =	vshll.u32 v30, $0x1;
	v59 =	vshll.u32 v31, $0x1  }
0x107: {  	v61 =	vshll.u32 v56, $0x1;
	v13 =	vand.u32 $0xFFF00, v2;
	v14 =	vand.u32 $0xFFF00, v4  }
0x108: {  	v11 =	vand.u32 $0xFFF00, v7;
	v12 =	vand.u32 $0xFFF00, v8;
	v2 =	vand.u32 $0xFFF00, v9  }
0x109: {  	v3 =	vand.u32 $0xFFF00, v24;
	v4 =	vand.u32 $0xFFF00, v25;
	v5 =	vand.u32 $0xFFF00, v62  }
0x10a: {  	v24 =	vand.u32 $0x7F, v17;
	v25 =	vand.u32 $0x7F, v18;
	v17 =	vand.u32 $0x7F, v27  }
0x10b: {  	[tilespmem:s9+$0x1280] =	vst v1;
	v18 =	vand.u32 $0x7F, v28;
	v1 =	vand.u32 $0x7F, v29;
	v23 =	vand.u32 $0x7F, v31  }
0x10c: {  	v28 =	vor.u32 v63, v60;
	v29 =	vand.u32 $0x7F, v56;
	v27 =	vand.u32 $0x7F, v57  }
0x10d: {  	v6 =	vand.u32 $0xFFF00, v26;
	v7 =	vand.u32 $0xFFF00, v58;
	v8 =	vand.u32 $0xFFF00, v59  }
0x10e: {  	s11 =	simm.s32 $0x10;
	s12 =	simm.s32 $0x80;
	[tilespmem:s9+$0x1200] =	vst v0;
	v9 =	vand.u32 $0xFFF00, v61;
	v26 =	vand.u32 $0x7F, v19;
	v19 =	vand.u32 $0x7F, v30  }
.LBB2_2:
0x10f: {  	p0 =	sne.s32 s12, $0x1C0;
	v30 =	vld [tilespmem:s11+$0x80];
	[tilespmem:s9+$0x300] =	vst v28;
	v13 =	vor.u32 v13, v24;
	v14 =	vor.u32 v14, v25;
	v15 =	vor.u32 v15, v26  }
0x110: {  	v25 =	vor.u32 v10, v20;
	v26 =	vor.u32 v11, v21;
	v22 =	vor.u32 v12, v22;
	v24 =	vld [tilespmem:s11+$0x100]  }
0x111: {  	v31 =	vor.u32 v2, v16;
	v32 =	vor.u32 v3, v17;
	v21 =	vor.u32 v4, v18;
	v0 =	vld [tilespmem:s11+$0x0]  }
0x112: {  	v20 =	vor.u32 v6, v1;
	v4 =	vor.u32 v7, v19;
	v3 =	vor.u32 v8, v23  }
0x113: {  	v6 =	vor.u32 $0x80, v28;
	v2 =	vor.u32 v9, v29;
	v1 =	vor.u32 v5, v27  }
0x114: {  	v23 =	vmul.f32 $1.600000000e+01, v30;
	v5 =	vmul.f32 $5.120000000e+02, v30;
	[tilespmem:s9+$0x380] =	vst v6;
	v6 =	vor.u32 $0x100000, v13  }
0x115: {  	v27 =	vmul.f32 $2.000000000e+01, v30;
	v7 =	vmul.f32 $5.120000000e+02, v24;
	[tilespmem:s9+$0x400] =	vst v6;
	v6 =	vor.u32 $0x100080, v13  }
0x116: {  	v8 =	vmul.f32 $5.120000000e+02, v0;
	v5 =	vtrunc.f32 v5;
	[tilespmem:s9+$0x480] =	vst v6;
	v6 =	vor.u32 $0x200000, v14  }
0x117: {  	v5 =	vcvt.f32.s32 v5;
	v7 =	vtrunc.f32 v7;
	[tilespmem:s9+$0x500] =	vst v6;
	v6 =	vor.u32 $0x200080, v14  }
0x118: {  	v8 =	vtrunc.f32 v8;
	v7 =	vcvt.f32.s32 v7;
	[tilespmem:s9+$0x580] =	vst v6;
	v6 =	vor.u32 $0x300000, v15  }
0x119: {  	v28 =	vmul.f32 $2.500000000e+01, v30;
	v8 =	vcvt.f32.s32 v8;
	v5 =	vmul.u32 $0x779B1, v5;
	[tilespmem:s9+$0x600] =	vst v6  }
0x11a: {  	v29 =	vmul.f32 $3.200000000e+01, v30;
	v33 =	vmul.f32 $4.000000000e+01, v30;
	v6 =	vmul.u32 $0x25795, v7  }
0x11b: {  	v34 =	vmul.f32 $5.000000000e+01, v30;
	v35 =	vmul.f32 $6.400000000e+01, v30;
	v5 =	vxor.u32 v8, v5  }
0x11c: {  	v36 =	vmul.f32 $8.000000000e+01, v30;
	v37 =	vmul.f32 $1.010000000e+02, v30;
	v5 =	vxor.u32 v6, v5  }
0x11d: {  	v38 =	vmul.f32 $1.270000000e+02, v30;
	v39 =	vmul.f32 $1.610000000e+02, v30;
	v6 =	vshll.u32 v5, $0x1  }
0x11e: {  	v40 =	vmul.f32 $2.030000000e+02, v30;
	v5 =	vand.u32 $0x7F, v5;
	v6 =	vand.u32 $0xFFF00, v6  }
0x11f: {  	v41 =	vmul.f32 $2.560000000e+02, v30;
	v42 =	vmul.f32 $3.220000000e+02, v30;
	v43 =	vor.u32 v6, v5  }
0x120: {  	v30 =	vmul.f32 $4.060000000e+02, v30;
	v5 =	vmul.f32 $1.600000000e+01, v24;
	v8 =	vor.u32 $0xF00080, v43  }
0x121: {  	v10 =	vor.u32 $0x300080, v15;
	v7 =	vmul.f32 $2.500000000e+01, v24;
	v6 =	vmul.f32 $2.000000000e+01, v24;
	[tilespmem:s11+$0x1280] =	vst v8  }
0x122: {  	v12 =	vor.u32 $0x400000, v25;
	v9 =	vmul.f32 $4.000000000e+01, v24;
	v8 =	vmul.f32 $3.200000000e+01, v24;
	[tilespmem:s9+$0x680] =	vst v10  }
0x123: {  	v11 =	vmul.f32 $6.400000000e+01, v24;
	v14 =	vor.u32 $0x400080, v25;
	v10 =	vmul.f32 $5.000000000e+01, v24;
	[tilespmem:s9+$0x700] =	vst v12  }
0x124: {  	v16 =	vor.u32 $0x500000, v26;
	v13 =	vmul.f32 $1.010000000e+02, v24;
	v12 =	vmul.f32 $8.000000000e+01, v24;
	[tilespmem:s9+$0x780] =	vst v14  }
0x125: {  	v18 =	vor.u32 $0x500080, v26;
	v15 =	vmul.f32 $1.610000000e+02, v24;
	v14 =	vmul.f32 $1.270000000e+02, v24;
	[tilespmem:s9+$0x800] =	vst v16  }
0x126: {  	v17 =	vmul.f32 $2.030000000e+02, v24;
	v25 =	vor.u32 $0x600000, v22;
	v16 =	vmul.f32 $2.560000000e+02, v24;
	[tilespmem:s9+$0x880] =	vst v18  }
0x127: {  	v19 =	vmul.f32 $4.060000000e+02, v24;
	v22 =	vor.u32 $0x600080, v22;
	v18 =	vmul.f32 $3.220000000e+02, v24;
	[tilespmem:s9+$0x900] =	vst v25  }
0x128: {  	v26 =	vtrunc.f32 v23;
	v27 =	vtrunc.f32 v27;
	[tilespmem:s9+$0x980] =	vst v22;
	v22 =	vor.u32 $0x700000, v31  }
0x129: {  	v28 =	vtrunc.f32 v28;
	v29 =	vtrunc.f32 v29;
	[tilespmem:s9+$0xA00] =	vst v22;
	v22 =	vor.u32 $0x700080, v31  }
0x12a: {  	v31 =	vtrunc.f32 v33;
	v33 =	vtrunc.f32 v34;
	[tilespmem:s9+$0xA80] =	vst v22;
	v22 =	vor.u32 $0x800000, v32  }
0x12b: {  	v34 =	vtrunc.f32 v35;
	v35 =	vtrunc.f32 v36;
	[tilespmem:s9+$0xB00] =	vst v22;
	v22 =	vor.u32 $0x800080, v32  }
0x12c: {  	v36 =	vtrunc.f32 v38;
	v32 =	vtrunc.f32 v37;
	[tilespmem:s9+$0xB80] =	vst v22;
	v22 =	vor.u32 $0x900000, v21  }
0x12d: {  	v38 =	vtrunc.f32 v40;
	v37 =	vtrunc.f32 v39;
	v21 =	vor.u32 $0x900080, v21;
	[tilespmem:s9+$0xC00] =	vst v22  }
0x12e: {  	v40 =	vtrunc.f32 v42;
	v39 =	vtrunc.f32 v41;
	v22 =	vor.u32 $0xA00000, v20;
	[tilespmem:s9+$0xC80] =	vst v21  }
0x12f: {  	v30 =	vtrunc.f32 v30;
	v23 =	vor.u32 $0xA00080, v20;
	v21 =	vmul.f32 $1.600000000e+01, v0;
	[tilespmem:s9+$0xD00] =	vst v22  }
0x130: {  	v25 =	vor.u32 $0xB00000, v4;
	v20 =	vmul.f32 $2.000000000e+01, v0;
	v22 =	vmul.f32 $2.500000000e+01, v0;
	[tilespmem:s9+$0xD80] =	vst v23  }
0x131: {  	v24 =	vmul.f32 $4.000000000e+01, v0;
	v41 =	vor.u32 $0xB00080, v4;
	v23 =	vmul.f32 $3.200000000e+01, v0;
	[tilespmem:s9+$0xE00] =	vst v25  }
0x132: {  	v4 =	vmul.f32 $5.000000000e+01, v0;
	v25 =	vmul.f32 $6.400000000e+01, v0;
	[tilespmem:s9+$0xE80] =	vst v41;
	v41 =	vor.u32 $0xC00000, v3  }
0x133: {  	v44 =	vmul.f32 $1.010000000e+02, v0;
	v42 =	vmul.f32 $8.000000000e+01, v0;
	v3 =	vor.u32 $0xC00080, v3;
	[tilespmem:s9+$0xF00] =	vst v41  }
0x134: {  	v45 =	vmul.f32 $1.610000000e+02, v0;
	v41 =	vmul.f32 $1.270000000e+02, v0;
	[tilespmem:s9+$0xF80] =	vst v3;
	v3 =	vor.u32 $0xD00000, v2  }
0x135: {  	v46 =	vmul.f32 $2.030000000e+02, v0;
	v47 =	vmul.f32 $2.560000000e+02, v0;
	v2 =	vor.u32 $0xD00080, v2;
	[tilespmem:s9+$0x1000] =	vst v3  }
0x136: {  	v3 =	vmul.f32 $3.220000000e+02, v0;
	v0 =	vmul.f32 $4.060000000e+02, v0;
	[tilespmem:s9+$0x1080] =	vst v2;
	v2 =	vor.u32 $0xE00000, v1  }
0x137: {  	v26 =	vcvt.f32.s32 v26;
	v27 =	vcvt.f32.s32 v27;
	v1 =	vor.u32 $0xE00080, v1;
	[tilespmem:s9+$0x1100] =	vst v2  }
0x138: {  	v2 =	vcvt.f32.s32 v28;
	v28 =	vcvt.f32.s32 v29;
	v29 =	vor.u32 $0xF00000, v43;
	[tilespmem:s9+$0x1180] =	vst v1;
	s9 =	smov.u32 s11  }
0x139: {  	v1 =	vmul.u32 $0x779B1, v26;
	v26 =	vcvt.f32.s32 v31;
	v31 =	vcvt.f32.s32 v33;
	[tilespmem:s9+$0x1200] =	vst v29  }
0x13a: {  	v27 =	vmul.u32 $0x779B1, v27;
	v33 =	vcvt.f32.s32 v35;
	v29 =	vcvt.f32.s32 v34  }
0x13b: {  	v32 =	vcvt.f32.s32 v32;
	v2 =	vmul.u32 $0x779B1, v2;
	v34 =	vcvt.f32.s32 v36  }
0x13c: {  	v35 =	vcvt.f32.s32 v37;
	v28 =	vmul.u32 $0x779B1, v28;
	v36 =	vcvt.f32.s32 v38  }
0x13d: {  	v37 =	vcvt.f32.s32 v39;
	v38 =	vcvt.f32.s32 v40;
	v26 =	vmul.u32 $0x779B1, v26  }
0x13e: {  	v30 =	vcvt.f32.s32 v30;
	v5 =	vtrunc.f32 v5;
	v31 =	vmul.u32 $0x779B1, v31  }
0x13f: {  	v7 =	vtrunc.f32 v7;
	v6 =	vtrunc.f32 v6;
	v29 =	vmul.u32 $0x779B1, v29  }
0x140: {  	v9 =	vtrunc.f32 v9;
	v8 =	vtrunc.f32 v8;
	v33 =	vmul.u32 $0x779B1, v33  }
0x141: {  	v11 =	vtrunc.f32 v11;
	v10 =	vtrunc.f32 v10;
	v32 =	vmul.u32 $0x779B1, v32  }
0x142: {  	v13 =	vtrunc.f32 v13;
	v12 =	vtrunc.f32 v12;
	v34 =	vmul.u32 $0x779B1, v34  }
0x143: {  	v15 =	vtrunc.f32 v15;
	v14 =	vtrunc.f32 v14;
	v35 =	vmul.u32 $0x779B1, v35  }
0x144: {  	v17 =	vtrunc.f32 v17;
	v16 =	vtrunc.f32 v16;
	v36 =	vmul.u32 $0x779B1, v36  }
0x145: {  	v19 =	vtrunc.f32 v19;
	v18 =	vtrunc.f32 v18;
	v37 =	vmul.u32 $0x779B1, v37  }
0x146: {  	v5 =	vcvt.f32.s32 v5;
	v6 =	vcvt.f32.s32 v6;
	v38 =	vmul.u32 $0x779B1, v38  }
0x147: {  	v30 =	vmul.u32 $0x779B1, v30;
	v7 =	vcvt.f32.s32 v7;
	v8 =	vcvt.f32.s32 v8  }
0x148: {  	v9 =	vcvt.f32.s32 v9;
	v5 =	vmul.u32 $0x25795, v5;
	v10 =	vcvt.f32.s32 v10  }
0x149: {  	v11 =	vcvt.f32.s32 v11;
	v6 =	vmul.u32 $0x25795, v6;
	v12 =	vcvt.f32.s32 v12  }
0x14a: {  	v13 =	vcvt.f32.s32 v13;
	v7 =	vmul.u32 $0x25795, v7;
	v14 =	vcvt.f32.s32 v14  }
0x14b: {  	v17 =	vcvt.f32.s32 v17;
	v15 =	vcvt.f32.s32 v15;
	v8 =	vmul.u32 $0x25795, v8  }
0x14c: {  	v9 =	vmul.u32 $0x25795, v9;
	v16 =	vcvt.f32.s32 v16;
	v18 =	vcvt.f32.s32 v18  }
0x14d: {  	v19 =	vcvt.f32.s32 v19;
	v10 =	vmul.u32 $0x25795, v10;
	v21 =	vtrunc.f32 v21  }
0x14e: {  	v11 =	vmul.u32 $0x25795, v11;
	v20 =	vtrunc.f32 v20;
	v22 =	vtrunc.f32 v22  }
0x14f: {  	v24 =	vtrunc.f32 v24;
	v12 =	vmul.u32 $0x25795, v12;
	v23 =	vtrunc.f32 v23  }
0x150: {  	v13 =	vmul.u32 $0x25795, v13;
	v4 =	vtrunc.f32 v4;
	v25 =	vtrunc.f32 v25  }
0x151: {  	v14 =	vmul.u32 $0x25795, v14;
	v39 =	vtrunc.f32 v42;
	v40 =	vtrunc.f32 v44  }
0x152: {  	v15 =	vmul.u32 $0x25795, v15;
	v41 =	vtrunc.f32 v41;
	v42 =	vtrunc.f32 v45  }
0x153: {  	v17 =	vmul.u32 $0x25795, v17;
	v43 =	vtrunc.f32 v46;
	v44 =	vtrunc.f32 v47  }
0x154: {  	v16 =	vmul.u32 $0x25795, v16;
	v3 =	vtrunc.f32 v3;
	v0 =	vtrunc.f32 v0  }
0x155: {  	v18 =	vmul.u32 $0x25795, v18;
	v20 =	vcvt.f32.s32 v20;
	v21 =	vcvt.f32.s32 v21  }
0x156: {  	v19 =	vmul.u32 $0x25795, v19;
	v22 =	vcvt.f32.s32 v22;
	v23 =	vcvt.f32.s32 v23  }
0x157: {  	v4 =	vcvt.f32.s32 v4;
	v1 =	vxor.u32 v21, v1;
	v21 =	vcvt.f32.s32 v24  }
0x158: {  	v20 =	vxor.u32 v20, v27;
	v24 =	vcvt.f32.s32 v25;
	v25 =	vcvt.f32.s32 v39  }
0x159: {  	v27 =	vcvt.f32.s32 v41;
	v2 =	vxor.u32 v22, v2;
	v22 =	vcvt.f32.s32 v40  }
0x15a: {  	v39 =	vcvt.f32.s32 v43;
	v23 =	vxor.u32 v23, v28;
	v28 =	vcvt.f32.s32 v42  }
0x15b: {  	v3 =	vcvt.f32.s32 v3;
	v21 =	vxor.u32 v21, v26;
	v26 =	vcvt.f32.s32 v44  }
0x15c: {  	v0 =	vcvt.f32.s32 v0;
	v4 =	vxor.u32 v4, v31;
	v24 =	vxor.u32 v24, v29  }
0x15d: {  	v25 =	vxor.u32 v25, v33;
	v22 =	vxor.u32 v22, v32;
	v27 =	vxor.u32 v27, v34  }
0x15e: {  	v28 =	vxor.u32 v28, v35;
	v29 =	vxor.u32 v39, v36;
	v26 =	vxor.u32 v26, v37  }
0x15f: {  	v0 =	vxor.u32 v0, v30;
	v1 =	vxor.u32 v5, v1;
	v3 =	vxor.u32 v3, v38  }
0x160: {  	v20 =	vxor.u32 v6, v20;
	v30 =	vxor.u32 v7, v2;
	v23 =	vxor.u32 v8, v23  }
0x161: {  	v21 =	vxor.u32 v9, v21;
	v31 =	vxor.u32 v10, v4;
	v32 =	vxor.u32 v11, v24  }
0x162: {  	v33 =	vxor.u32 v12, v25;
	v34 =	vxor.u32 v13, v22;
	v27 =	vxor.u32 v14, v27  }
0x163: {  	v28 =	vxor.u32 v15, v28;
	v29 =	vxor.u32 v17, v29;
	v35 =	vxor.u32 v16, v26  }
0x164: {  	v0 =	vxor.u32 v19, v0;
	v2 =	vshll.u32 v1, $0x1;
	v36 =	vxor.u32 v18, v3  }
0x165: {  	v4 =	vshll.u32 v30, $0x1;
	v5 =	vshll.u32 v23, $0x1;
	v3 =	vshll.u32 v20, $0x1  }
0x166: {  	v6 =	vshll.u32 v21, $0x1;
	v7 =	vshll.u32 v31, $0x1;
	v8 =	vshll.u32 v32, $0x1  }
0x167: {  	v9 =	vshll.u32 v33, $0x1;
	v16 =	vshll.u32 v34, $0x1;
	v17 =	vshll.u32 v27, $0x1  }
0x168: {  	v18 =	vshll.u32 v28, $0x1;
	v19 =	vshll.u32 v29, $0x1;
	v22 =	vshll.u32 v35, $0x1  }
0x169: {  	v25 =	vshll.u32 v0, $0x1;
	v37 =	vand.u32 $0xFFF00, v2;
	v24 =	vshll.u32 v36, $0x1  }
0x16a: {  	v14 =	vand.u32 $0xFFF00, v4;
	v15 =	vand.u32 $0xFFF00, v5;
	v13 =	vand.u32 $0xFFF00, v3  }
0x16b: {  	v10 =	vand.u32 $0xFFF00, v6;
	v11 =	vand.u32 $0xFFF00, v7;
	v12 =	vand.u32 $0xFFF00, v8  }
0x16c: {  	v2 =	vand.u32 $0xFFF00, v9;
	v3 =	vand.u32 $0xFFF00, v16;
	v4 =	vand.u32 $0xFFF00, v17  }
0x16d: {  	v6 =	vand.u32 $0xFFF00, v18;
	v7 =	vand.u32 $0xFFF00, v19;
	v8 =	vand.u32 $0xFFF00, v22  }
0x16e: {  	v38 =	vand.u32 $0x7F, v1;
	v5 =	vand.u32 $0xFFF00, v25;
	v9 =	vand.u32 $0xFFF00, v24  }
.Ltmp2:
0x16f: {  	v25 =	vand.u32 $0x7F, v30;
	v26 =	vand.u32 $0x7F, v23;
	v24 =	vand.u32 $0x7F, v20;
	(pc) =	sbr.rel @p0 .LBB2_2-.Ltmp2, $4  }
0x170: {  	v20 =	vand.u32 $0x7F, v21;
	v21 =	vand.u32 $0x7F, v31;
	v22 =	vand.u32 $0x7F, v32  }
0x171: {  	v16 =	vand.u32 $0x7F, v33;
	v17 =	vand.u32 $0x7F, v34;
	v18 =	vand.u32 $0x7F, v27  }
0x172: {  	v1 =	vand.u32 $0x7F, v28;
	v19 =	vand.u32 $0x7F, v29;
	v23 =	vand.u32 $0x7F, v35  }
0x173: {  	s11 =	sshra.s32 s12, $0x2;
	s12 =	sadd.s32 $0x40, s12;
	v28 =	vor.u32 v38, v37;
	v29 =	vand.u32 $0x7F, v36;
	v27 =	vand.u32 $0x7F, v0  }
0x174: {  	v31 =	vld [tilespmem:s11+$0x80];
	_ =	sdelay $0x3  }
0x175: {  	v10 =	vor.u32 v10, v20  }
0x176: {  	v19 =	vor.u32 v7, v19;
	v52 =	vmul.f32 $5.120000000e+02, v31;
	v7 =	vmul.f32 $1.600000000e+01, v31  }
0x177: {  	[tilespmem:s9+$0x300] =	vst v28;
	v20 =	vor.u32 v3, v17;
	v17 =	vmul.f32 $2.000000000e+01, v31;
	v62 =	vmul.f32 $2.500000000e+01, v31  }
0x178: {  	v50 =	vor.u32 v15, v26;
	v15 =	vld [tilespmem:s11+$0x100];
	v32 =	vmul.f32 $3.200000000e+01, v31;
	v33 =	vmul.f32 $4.000000000e+01, v31  }
0x179: {  	v12 =	vor.u32 v12, v22;
	v22 =	vld [tilespmem:s11+$0x0];
	v34 =	vmul.f32 $5.000000000e+01, v31;
	v35 =	vmul.f32 $6.400000000e+01, v31  }
0x17a: {  	v0 =	vor.u32 v13, v24;
	v36 =	vmul.f32 $8.000000000e+01, v31;
	v37 =	vmul.f32 $1.010000000e+02, v31  }
0x17b: {  	v16 =	vor.u32 v2, v16;
	v38 =	vmul.f32 $1.270000000e+02, v31;
	v2 =	vmul.f32 $1.610000000e+02, v31  }
0x17c: {  	v49 =	vor.u32 v14, v25;
	v39 =	vmul.f32 $2.030000000e+02, v31;
	v40 =	vmul.f32 $2.560000000e+02, v31  }
0x17d: {  	v51 =	vor.u32 $0x80, v28;
	v41 =	vmul.f32 $3.220000000e+02, v31;
	v31 =	vmul.f32 $4.060000000e+02, v31  }
0x17e: {  	v54 =	vor.u32 $0x100000, v0;
	v53 =	vmul.f32 $5.120000000e+02, v15;
	v55 =	vmul.f32 $5.120000000e+02, v22  }
0x17f: {  	v57 =	vor.u32 $0x200000, v49;
	v42 =	vmul.f32 $1.600000000e+01, v15;
	v43 =	vmul.f32 $2.000000000e+01, v15  }
0x180: {  	v60 =	vor.u32 $0x200080, v49;
	v44 =	vmul.f32 $2.500000000e+01, v15;
	v46 =	vmul.f32 $3.200000000e+01, v15  }
0x181: {  	[tilespmem:$0x1FFA0] =	vst v51;
	v63 =	vor.u32 $0x300000, v50;
	v47 =	vmul.f32 $4.000000000e+01, v15;
	v48 =	vmul.f32 $5.000000000e+01, v15  }
0x182: {  	v28 =	vor.u32 $0x300080, v50;
	[tilespmem:$0x1FFB0] =	vst v54;
	v49 =	vmul.f32 $6.400000000e+01, v15;
	v50 =	vmul.f32 $8.000000000e+01, v15  }
0x183: {  	[tilespmem:$0x1FFC0] =	vst v57;
	v51 =	vmul.f32 $1.010000000e+02, v15;
	v54 =	vmul.f32 $2.030000000e+02, v15  }
0x184: {  	v26 =	vor.u32 v6, v1;
	[tilespmem:$0x1FFE0] =	vst v63;
	v57 =	vmul.f32 $4.060000000e+02, v15;
	v63 =	vmul.f32 $3.200000000e+01, v22  }
0x185: {  	v6 =	vor.u32 $0x100080, v0;
	v0 =	vmul.f32 $4.000000000e+01, v22;
	v1 =	vtrunc.f32 v52  }
0x186: {  	[tilespmem:$0x1FFD0] =	vst v60;
	v52 =	vmul.f32 $1.270000000e+02, v15;
	v60 =	vtrunc.f32 v62  }
0x187: {  	v32 =	vtrunc.f32 v32;
	v33 =	vtrunc.f32 v33  }
0x188: {  	v34 =	vtrunc.f32 v34;
	v35 =	vtrunc.f32 v35  }
0x189: {  	v36 =	vtrunc.f32 v36;
	v37 =	vtrunc.f32 v37  }
0x18a: {  	v38 =	vtrunc.f32 v38;
	v39 =	vtrunc.f32 v39  }
0x18b: {  	v40 =	vtrunc.f32 v40;
	v41 =	vtrunc.f32 v41  }
0x18c: {  	v62 =	vtrunc.f32 v31;
	v31 =	vmul.f32 $2.500000000e+01, v22  }
0x18d: {  	v11 =	vor.u32 v11, v21;
	v56 =	vcvt.f32.s32 v1;
	v58 =	vtrunc.f32 v53  }
0x18e: {  	v4 =	vor.u32 v4, v18;
	v59 =	vtrunc.f32 v55;
	v53 =	vmul.f32 $1.610000000e+02, v15  }
0x18f: {  	v30 =	vor.u32 v8, v23;
	v55 =	vmul.f32 $2.560000000e+02, v15;
	v32 =	vcvt.f32.s32 v32  }
0x190: {  	v29 =	vor.u32 v9, v29;
	v0 =	vtrunc.f32 v0;
	v1 =	vmul.f32 $1.270000000e+02, v22  }
0x191: {  	v24 =	vor.u32 v5, v27;
	v36 =	vcvt.f32.s32 v36;
	v37 =	vcvt.f32.s32 v37  }
0x192: {  	v27 =	vor.u32 $0x400000, v10;
	v38 =	vcvt.f32.s32 v38;
	v39 =	vcvt.f32.s32 v39  }
0x193: {  	v25 =	vor.u32 $0x400080, v10;
	v40 =	vcvt.f32.s32 v40;
	v41 =	vcvt.f32.s32 v41  }
0x194: {  	v23 =	vor.u32 $0x500000, v11;
	v42 =	vtrunc.f32 v42;
	v62 =	vcvt.f32.s32 v62  }
0x195: {  	v21 =	vor.u32 $0x500080, v11;
	v43 =	vtrunc.f32 v43;
	v44 =	vtrunc.f32 v44  }
0x196: {  	v14 =	vor.u32 $0x700080, v16;
	v46 =	vtrunc.f32 v46;
	v47 =	vtrunc.f32 v47  }
0x197: {  	v13 =	vor.u32 $0x800000, v20;
	v48 =	vtrunc.f32 v48;
	v49 =	vtrunc.f32 v49  }
0x198: {  	v11 =	vor.u32 $0x900000, v4;
	v61 =	vcvt.f32.s32 v58;
	v8 =	vcvt.f32.s32 v59  }
0x199: {  	v10 =	vor.u32 $0x900080, v4;
	v58 =	vtrunc.f32 v7;
	v59 =	vtrunc.f32 v17  }
0x19a: {  	v17 =	vor.u32 $0x600080, v12;
	v31 =	vtrunc.f32 v31;
	v0 =	vcvt.f32.s32 v0  }
0x19b: {  	[tilespmem:s9+$0x480] =	vst v6;
	v7 =	vor.u32 $0xB00000, v19;
	v6 =	vtrunc.f32 v52;
	v42 =	vcvt.f32.s32 v42  }
0x19c: {  	v43 =	vcvt.f32.s32 v43;
	v18 =	vmul.u32 $0x779B1, v56;
	v56 =	vmul.f32 $3.220000000e+02, v15  }
0x19d: {  	v15 =	vor.u32 $0x700000, v16;
	v16 =	vmul.f32 $1.600000000e+01, v22;
	v4 =	vcvt.f32.s32 v58  }
0x19e: {  	v5 =	vcvt.f32.s32 v59;
	v59 =	vor.u32 $0xB00080, v19;
	v31 =	vcvt.f32.s32 v31  }
0x19f: {  	v32 =	vmul.u32 $0x779B1, v32;
	v36 =	vmul.u32 $0x779B1, v36;
	v37 =	vmul.u32 $0x779B1, v37  }
0x1a0: {  	v38 =	vmul.u32 $0x779B1, v38;
	v39 =	vmul.u32 $0x779B1, v39;
	v40 =	vmul.u32 $0x779B1, v40  }
0x1a1: {  	v41 =	vmul.u32 $0x779B1, v41;
	v6 =	vcvt.f32.s32 v6;
	v1 =	vtrunc.f32 v1  }
0x1a2: {  	v9 =	vmul.u32 $0x25795, v61;
	v61 =	vtrunc.f32 v2;
	[tilespmem:$0x1FFF0] =	vst v59;
	v59 =	vmul.f32 $5.000000000e+01, v22  }
0x1a3: {  	v2 =	vmul.f32 $8.000000000e+01, v22;
	v1 =	vcvt.f32.s32 v1;
	v8 =	vxor.u32 v8, v18  }
0x1a4: {  	v16 =	vtrunc.f32 v16;
	v58 =	vmul.u32 $0x779B1, v5;
	v8 =	vxor.u32 v9, v8  }
0x1a5: {  	v5 =	vtrunc.f32 v63;
	v61 =	vcvt.f32.s32 v61;
	v3 =	vshll.u32 v8, $0x1  }
0x1a6: {  	v63 =	vmul.f32 $3.220000000e+02, v22;
	v8 =	vand.u32 $0x7F, v8;
	v18 =	vand.u32 $0xFFF00, v3  }
0x1a7: {  	v16 =	vcvt.f32.s32 v16;
	v52 =	vmul.u32 $0x779B1, v61;
	v61 =	vld [tilespmem:$0x1FFC0];
	v45 =	vor.u32 v18, v8  }
0x1a8: {  	v18 =	vor.u32 $0x600000, v12;
	v12 =	vor.u32 $0x800080, v20;
	v20 =	vmul.f32 $2.000000000e+01, v22  }
0x1a9: {  	v6 =	vmul.u32 $0x25795, v6;
	v5 =	vcvt.f32.s32 v5;
	v3 =	vcvt.f32.s32 v60  }
0x1aa: {  	v9 =	vor.u32 $0xA00000, v26;
	v59 =	vtrunc.f32 v59;
	v20 =	vtrunc.f32 v20  }
0x1ab: {  	v2 =	vtrunc.f32 v2;
	v60 =	vmul.u32 $0x779B1, v3;
	v20 =	vcvt.f32.s32 v20  }
0x1ac: {  	v2 =	vcvt.f32.s32 v2;
	v8 =	vor.u32 $0xA00080, v26;
	v26 =	vmul.u32 $0x779B1, v4;
	[tilespmem:s9+$0x500] =	vst v61;
	v61 =	vld [tilespmem:$0x1FFD0]  }
0x1ad: {  	v58 =	vxor.u32 v20, v58;
	v20 =	vxor.u32 v31, v60;
	v31 =	vxor.u32 v5, v32;
	v5 =	vld [tilespmem:$0x1FFA0]  }
0x1ae: {  	v1 =	vxor.u32 v1, v38;
	v4 =	vcvt.f32.s32 v33;
	v33 =	vcvt.f32.s32 v34  }
0x1af: {  	v34 =	vcvt.f32.s32 v35;
	v19 =	vxor.u32 v16, v26;
	v16 =	vmul.f32 $6.400000000e+01, v22  }
0x1b0: {  	v1 =	vxor.u32 v6, v1;
	v35 =	vcvt.f32.s32 v59;
	v59 =	vmul.f32 $1.010000000e+02, v22  }
0x1b1: {  	v2 =	vxor.u32 v2, v36;
	v33 =	vmul.u32 $0x779B1, v33;
	v16 =	vtrunc.f32 v16;
	[tilespmem:s9+$0x580] =	vst v61;
	v61 =	vld [tilespmem:$0x1FFE0]  }
0x1b2: {  	v4 =	vmul.u32 $0x779B1, v4;
	v34 =	vmul.u32 $0x779B1, v34;
	v16 =	vcvt.f32.s32 v16;
	[tilespmem:s9+$0x380] =	vst v5;
	v5 =	vld [tilespmem:$0x1FFB0]  }
0x1b3: {  	v33 =	vxor.u32 v35, v33;
	v35 =	vmul.f32 $1.610000000e+02, v22;
	v60 =	vmul.f32 $2.560000000e+02, v22  }
0x1b4: {  	v34 =	vxor.u32 v16, v34;
	v16 =	vmul.f32 $2.030000000e+02, v22;
	v22 =	vmul.f32 $4.060000000e+02, v22  }
0x1b5: {  	v3 =	vor.u32 $0xD00000, v29;
	v29 =	vor.u32 $0xD00080, v29;
	v26 =	vor.u32 $0xC00000, v30  }
0x1b6: {  	v30 =	vor.u32 $0xC00080, v30;
	v32 =	vxor.u32 v0, v4;
	v22 =	vtrunc.f32 v22;
	[tilespmem:s9+$0x600] =	vst v61  }
0x1b7: {  	v0 =	vor.u32 $0xF00080, v45;
	v22 =	vcvt.f32.s32 v22;
	v61 =	vcvt.f32.s32 v46;
	[tilespmem:s9+$0x400] =	vst v5  }
0x1b8: {  	v46 =	vmul.u32 $0x779B1, v62;
	v62 =	vcvt.f32.s32 v47;
	v47 =	vcvt.f32.s32 v48;
	[tilespmem:s11+$0x1280] =	vst v0  }
0x1b9: {  	v4 =	vor.u32 $0xE00000, v24;
	v5 =	vtrunc.f32 v50;
	v50 =	vtrunc.f32 v51;
	[tilespmem:s9+$0x680] =	vst v28  }
0x1ba: {  	v24 =	vor.u32 $0xE00080, v24;
	v51 =	vtrunc.f32 v53;
	v53 =	vtrunc.f32 v54;
	[tilespmem:s9+$0x700] =	vst v27  }
0x1bb: {  	v45 =	vor.u32 $0xF00000, v45;
	v54 =	vtrunc.f32 v55;
	v55 =	vtrunc.f32 v56;
	[tilespmem:s9+$0x780] =	vst v25  }
0x1bc: {  	v56 =	vtrunc.f32 v57;
	v57 =	vcvt.f32.s32 v44;
	v22 =	vxor.u32 v22, v46;
	[tilespmem:s9+$0x800] =	vst v23  }
0x1bd: {  	v5 =	vcvt.f32.s32 v5;
	v48 =	vcvt.f32.s32 v53;
	v27 =	vmul.u32 $0x25795, v43;
	[tilespmem:s9+$0x880] =	vst v21  }
0x1be: {  	v43 =	vcvt.f32.s32 v49;
	v0 =	vmul.u32 $0x25795, v57;
	v25 =	vcvt.f32.s32 v50;
	[tilespmem:s9+$0x900] =	vst v18  }
0x1bf: {  	v23 =	vmul.u32 $0x25795, v61;
	v57 =	vcvt.f32.s32 v51;
	v61 =	vcvt.f32.s32 v54;
	[tilespmem:s9+$0x980] =	vst v17  }
0x1c0: {  	v21 =	vmul.u32 $0x25795, v62;
	v62 =	vcvt.f32.s32 v55;
	v50 =	vcvt.f32.s32 v56;
	[tilespmem:s9+$0xA00] =	vst v15  }
0x1c1: {  	v28 =	vmul.u32 $0x25795, v42;
	v51 =	vtrunc.f32 v59;
	v54 =	vtrunc.f32 v35;
	[tilespmem:s9+$0xA80] =	vst v14  }
0x1c2: {  	v18 =	vmul.u32 $0x25795, v47;
	v55 =	vtrunc.f32 v16;
	v56 =	vtrunc.f32 v60;
	[tilespmem:s9+$0xB00] =	vst v13  }
0x1c3: {  	v59 =	vtrunc.f32 v63;
	[tilespmem:s9+$0xB80] =	vst v12;
	v5 =	vmul.u32 $0x25795, v5;
	v17 =	vcvt.f32.s32 v51  }
0x1c4: {  	v38 =	vld [tilespmem:$0x1FFF0];
	[tilespmem:s9+$0xC00] =	vst v11;
	v60 =	vmul.u32 $0x25795, v48;
	v14 =	vcvt.f32.s32 v55;
	v16 =	vcvt.f32.s32 v56  }
0x1c5: {  	[tilespmem:s9+$0xC80] =	vst v10;
	v35 =	vcvt.f32.s32 v59;
	v43 =	vmul.u32 $0x25795, v43;
	v53 =	vmul.u32 $0x25795, v25  }
0x1c6: {  	[tilespmem:s9+$0xD00] =	vst v9;
	v57 =	vmul.u32 $0x25795, v57;
	v61 =	vmul.u32 $0x25795, v61;
	v25 =	vcvt.f32.s32 v54  }
0x1c7: {  	[tilespmem:s9+$0xD80] =	vst v8;
	v62 =	vmul.u32 $0x25795, v62;
	v63 =	vmul.u32 $0x25795, v50;
	v0 =	vxor.u32 v0, v20  }
0x1c8: {  	[tilespmem:s9+$0xE00] =	vst v7;
	v42 =	vxor.u32 v23, v31;
	v21 =	vxor.u32 v21, v32;
	v18 =	vxor.u32 v18, v33  }
0x1c9: {  	[tilespmem:s9+$0xE80] =	vst v38;
	v32 =	vshll.u32 v1, $0x1;
	v1 =	vand.u32 $0x7F, v1;
	v36 =	vxor.u32 v17, v37  }
0x1ca: {  	[tilespmem:s9+$0xF00] =	vst v26;
	v14 =	vxor.u32 v14, v39;
	v16 =	vxor.u32 v16, v40;
	v39 =	vxor.u32 v28, v19  }
0x1cb: {  	[tilespmem:s9+$0xF80] =	vst v30;
	v40 =	vxor.u32 v35, v41;
	v41 =	vxor.u32 v27, v58;
	v2 =	vxor.u32 v5, v2  }
0x1cc: {  	[tilespmem:s9+$0x1000] =	vst v3;
	v54 =	vshll.u32 v42, $0x1;
	v59 =	vshll.u32 v21, $0x1;
	v37 =	vxor.u32 v25, v52  }
0x1cd: {  	[tilespmem:s9+$0x1080] =	vst v29;
	v43 =	vxor.u32 v43, v34;
	v44 =	vxor.u32 v53, v36;
	v47 =	vxor.u32 v60, v14  }
0x1ce: {  	[tilespmem:s9+$0x1100] =	vst v4;
	v48 =	vshll.u32 v39, $0x1;
	v8 =	vxor.u32 v62, v40;
	v9 =	vxor.u32 v63, v22  }
0x1cf: {  	[tilespmem:s9+$0x1180] =	vst v24;
	v50 =	vand.u32 $0x7F, v39;
	v34 =	vand.u32 $0xFFF00, v32;
	v4 =	vand.u32 $0xFFF00, v48  }
0x1d0: {  	[tilespmem:s11+$0x1200] =	vst v45;
	v49 =	vshll.u32 v41, $0x1;
	v1 =	vor.u32 v34, v1;
	v4 =	vor.u32 v50, v4  }
0x1d1: {  	v51 =	vand.u32 $0x7F, v41;
	v46 =	vxor.u32 v57, v37;
	v40 =	vor.u32 $0x900000, v1;
	[tilespmem:s11+$0x300] =	vst v4  }
0x1d2: {  	v10 =	vand.u32 $0xFFF00, v49;
	v57 =	vand.u32 $0x7F, v42;
	v42 =	vor.u32 $0x900080, v1;
	[tilespmem:s11+$0xC00] =	vst v40  }
0x1d3: {  	v52 =	vshll.u32 v0, $0x1;
	v10 =	vor.u32 v10, v51;
	v4 =	vor.u32 $0x80, v4;
	[tilespmem:s11+$0xC80] =	vst v42  }
0x1d4: {  	v0 =	vand.u32 $0x7F, v0;
	v11 =	vand.u32 $0xFFF00, v52;
	v53 =	vor.u32 $0x100000, v10;
	[tilespmem:s11+$0x380] =	vst v4  }
0x1d5: {  	v24 =	vshll.u32 v2, $0x1;
	v0 =	vor.u32 v11, v0;
	v55 =	vor.u32 $0x100080, v10;
	[tilespmem:s11+$0x400] =	vst v53  }
0x1d6: {  	v2 =	vand.u32 $0x7F, v2;
	v26 =	vand.u32 $0xFFF00, v24;
	v58 =	vor.u32 $0x200000, v0;
	[tilespmem:s11+$0x480] =	vst v55  }
0x1d7: {  	v56 =	vand.u32 $0xFFF00, v54;
	v2 =	vor.u32 v26, v2;
	v0 =	vor.u32 $0x200080, v0;
	[tilespmem:s11+$0x500] =	vst v58  }
0x1d8: {  	v19 =	vshll.u32 v43, $0x1;
	v22 =	vand.u32 $0x7F, v43;
	v31 =	vor.u32 $0x700000, v2;
	[tilespmem:s11+$0x580] =	vst v0  }
0x1d9: {  	v28 =	vshll.u32 v44, $0x1;
	v10 =	vor.u32 v56, v57;
	v33 =	vor.u32 $0x700080, v2;
	[tilespmem:s11+$0xA00] =	vst v31  }
0x1da: {  	v3 =	vand.u32 $0x7F, v44;
	v30 =	vand.u32 $0xFFF00, v28;
	v62 =	vor.u32 $0x300000, v10;
	[tilespmem:s11+$0xA80] =	vst v33  }
0x1db: {  	v41 =	vshll.u32 v47, $0x1;
	v3 =	vor.u32 v30, v3;
	v15 =	vor.u32 $0x300080, v10;
	[tilespmem:s11+$0x600] =	vst v62  }
0x1dc: {  	v44 =	vand.u32 $0x7F, v47;
	v43 =	vand.u32 $0xFFF00, v41;
	v35 =	vor.u32 $0x800000, v3;
	[tilespmem:s11+$0x680] =	vst v15  }
0x1dd: {  	v7 =	vxor.u32 v61, v16;
	v1 =	vor.u32 v43, v44;
	v37 =	vor.u32 $0x800080, v3;
	[tilespmem:s11+$0xB00] =	vst v35  }
0x1de: {  	v60 =	vand.u32 $0xFFF00, v59;
	v61 =	vand.u32 $0x7F, v21;
	v50 =	vor.u32 $0xB00000, v1;
	[tilespmem:s11+$0xB80] =	vst v37  }
0x1df: {  	v63 =	vshll.u32 v18, $0x1;
	v4 =	vor.u32 v60, v61;
	v52 =	vor.u32 $0xB00080, v1;
	[tilespmem:s11+$0xE00] =	vst v50  }
0x1e0: {  	v17 =	vand.u32 $0x7F, v18;
	v16 =	vand.u32 $0xFFF00, v63;
	v18 =	vor.u32 $0x400000, v4;
	[tilespmem:s11+$0xE80] =	vst v52  }
0x1e1: {  	v36 =	vshll.u32 v46, $0x1;
	v10 =	vor.u32 v16, v17;
	v20 =	vor.u32 $0x400080, v4;
	[tilespmem:s11+$0x700] =	vst v18  }
0x1e2: {  	v39 =	vand.u32 $0x7F, v46;
	v38 =	vand.u32 $0xFFF00, v36;
	v23 =	vor.u32 $0x500000, v10;
	[tilespmem:s11+$0x780] =	vst v20  }
0x1e3: {  	v2 =	vor.u32 v38, v39;
	v25 =	vor.u32 $0x500080, v10;
	[tilespmem:s11+$0x800] =	vst v23  }
0x1e4: {  	v21 =	vand.u32 $0xFFF00, v19;
	v45 =	vor.u32 $0xA00000, v2;
	[tilespmem:s11+$0x880] =	vst v25  }
0x1e5: {  	v46 =	vshll.u32 v7, $0x1;
	v4 =	vor.u32 v21, v22;
	v47 =	vor.u32 $0xA00080, v2;
	[tilespmem:s11+$0xD00] =	vst v45  }
0x1e6: {  	v49 =	vand.u32 $0x7F, v7;
	v48 =	vand.u32 $0xFFF00, v46;
	v27 =	vor.u32 $0x600000, v4;
	[tilespmem:s11+$0xD80] =	vst v47  }
0x1e7: {  	v51 =	vshll.u32 v8, $0x1;
	v2 =	vor.u32 v48, v49;
	v29 =	vor.u32 $0x600080, v4;
	[tilespmem:s11+$0x900] =	vst v27  }
0x1e8: {  	v54 =	vand.u32 $0x7F, v8;
	v53 =	vand.u32 $0xFFF00, v51;
	v55 =	vor.u32 $0xC00000, v2;
	[tilespmem:s11+$0x980] =	vst v29  }
0x1e9: {  	v56 =	vshll.u32 v9, $0x1;
	v1 =	vor.u32 v53, v54;
	v57 =	vor.u32 $0xC00080, v2;
	[tilespmem:s11+$0xF00] =	vst v55  }
0x1ea: {  	v59 =	vand.u32 $0x7F, v9;
	v58 =	vand.u32 $0xFFF00, v56;
	v60 =	vor.u32 $0xD00000, v1;
	[tilespmem:s11+$0xF80] =	vst v57  }
0x1eb: {  	v2 =	vor.u32 v58, v59;
	v61 =	vor.u32 $0xD00080, v1;
	[tilespmem:s11+$0x1000] =	vst v60  }
0x1ec: {  	[tilespmem:s11+$0x1080] =	vst v61;
	v62 =	vor.u32 $0xE00000, v2  }
0x1ed: {  	v63 =	vor.u32 $0xE00080, v2;
	[tilespmem:s11+$0x1100] =	vst v62  }
0x1ee: {  	s9 =	simm.s32 $0x0;
	[tilespmem:s11+$0x1180] =	vst v63  }
.LBB2_4:
0x1ef: {  	p0 =	sne.s32 s9, $0x3E00  }
.Ltmp3:
0x1f0: {  	_ = 	snop;
	(pc) =	sbr.rel @p0 .LBB2_4-.Ltmp3, $4  }
0x1f1: {  	_ = 	snop  }
0x1f2: {  	s11 =	sshra.s32 s9, $0x2  }
0x1f3: {  	s9 =	sadd.s32 $0x200, s9;
	s12 =	sadd.s32 $0x2300, s11;
	s11 =	sadd.s32 $0x300, s11  }
0x1f4: {  	[tilespmem:s12], [sflag:$0x1] =	stream.indirect.gather [hbm4b:s1+s18], $0x1, s11, s18, $0xb8;
	[tilespmem:$0x4300] =	vst v63  }
.Ltmp4:
0x1f5: {  	(pc) =	sbr.rel .LBB2_6-.Ltmp4, $2  }
0x1f6: {  	_ =	sdelay $0x2  }
0x1f7: {  	s9 =	simm.s32 $0x1  }
.LBB2_16:
0x1f8: {  	[tilespmem:s13], [sflag:$0x1] =	stream.indirect.gather [hbm4b:s1+s18], $0x1, s14, s18, $0xb8;
	[tilespmem:$0x4300] =	vst v63  }
0x1f9: {  	_ =	swait.ge [sflag:s25], $0x80  }
0x1fa: {  	[sflag:s25] =	ssyncset.done $0x0  }
0x1fb: {  	[sflag:s25] =	ssyncadd.s32 $0xFFFFFF80  }
0x1fc: {  	_ =	swait.ge [sflag:s25], $0x80  }
0x1fd: {  	[sflag:s25] =	ssyncset.done $0x0  }
0x1fe: {  	[sflag:s25] =	ssyncadd.s32 $0xFFFFFF80  }
0x1ff: {  	_ =	swait.ge [sflag:s25], $0x80  }
0x200: {  	[sflag:s25] =	ssyncset.done $0x0  }
0x201: {  	[sflag:s25] =	ssyncadd.s32 $0xFFFFFF80  }
0x202: {  	_ =	swait.ge [sflag:s25], $0x80  }
0x203: {  	[sflag:s25] =	ssyncset.done $0x0  }
0x204: {  	[sflag:s25] =	ssyncadd.s32 $0xFFFFFF80  }
0x205: {  	_ =	swait.ge [sflag:s25], $0x80  }
0x206: {  	[sflag:s25] =	ssyncset.done $0x0  }
0x207: {  	[sflag:s25] =	ssyncadd.s32 $0xFFFFFF80  }
0x208: {  	_ =	swait.ge [sflag:s25], $0x80  }
0x209: {  	[sflag:s25] =	ssyncset.done $0x0  }
0x20a: {  	[sflag:s25] =	ssyncadd.s32 $0xFFFFFF80  }
0x20b: {  	_ =	swait.ge [sflag:s25], $0x80  }
0x20c: {  	[sflag:s25] =	ssyncset.done $0x0  }
0x20d: {  	[sflag:s25] =	ssyncadd.s32 $0xFFFFFF80  }
0x20e: {  	_ =	swait.ge [sflag:s25], $0x80  }
0x20f: {  	[sflag:s25] =	ssyncset.done $0x0  }
0x210: {  	[sflag:s25] =	ssyncadd.s32 $0xFFFFFF80  }
0x211: {  	_ =	swait.ge [sflag:s25], $0x80  }
0x212: {  	[sflag:s25] =	ssyncset.done $0x0  }
0x213: {  	[sflag:s25] =	ssyncadd.s32 $0xFFFFFF80  }
0x214: {  	_ =	swait.ge [sflag:s25], $0x80  }
0x215: {  	[sflag:s25] =	ssyncset.done $0x0  }
0x216: {  	[sflag:s25] =	ssyncadd.s32 $0xFFFFFF80  }
0x217: {  	_ =	swait.ge [sflag:s25], $0x80  }
0x218: {  	[sflag:s25] =	ssyncset.done $0x0  }
0x219: {  	[sflag:s25] =	ssyncadd.s32 $0xFFFFFF80  }
0x21a: {  	_ =	swait.ge [sflag:s25], $0x80  }
0x21b: {  	[sflag:s25] =	ssyncset.done $0x0  }
0x21c: {  	[sflag:s25] =	ssyncadd.s32 $0xFFFFFF80  }
0x21d: {  	_ =	swait.ge [sflag:s25], $0x80  }
0x21e: {  	[sflag:s25] =	ssyncset.done $0x0  }
0x21f: {  	[sflag:s25] =	ssyncadd.s32 $0xFFFFFF80  }
0x220: {  	_ =	swait.ge [sflag:s25], $0x80  }
0x221: {  	[sflag:s25] =	ssyncset.done $0x0  }
0x222: {  	[sflag:s25] =	ssyncadd.s32 $0xFFFFFF80  }
0x223: {  	_ =	swait.ge [sflag:s25], $0x80  }
0x224: {  	[sflag:s25] =	ssyncset.done $0x0  }
0x225: {  	[sflag:s25] =	ssyncadd.s32 $0xFFFFFF80  }
0x226: {  	_ =	swait.ge [sflag:s25], $0x80  }
0x227: {  	[sflag:s25] =	ssyncset.done $0x0  }
0x228: {  	[sflag:s25] =	ssyncadd.s32 $0xFFFFFF80  }
0x229: {  	_ =	swait.ge [sflag:s25], $0x80  }
0x22a: {  	[sflag:s25] =	ssyncset.done $0x0  }
0x22b: {  	[sflag:s25] =	ssyncadd.s32 $0xFFFFFF80  }
0x22c: {  	_ =	swait.ge [sflag:s25], $0x80  }
0x22d: {  	[sflag:s25] =	ssyncset.done $0x0  }
0x22e: {  	[sflag:s25] =	ssyncadd.s32 $0xFFFFFF80  }
0x22f: {  	_ =	swait.ge [sflag:s25], $0x80  }
0x230: {  	[sflag:s25] =	ssyncset.done $0x0  }
0x231: {  	[sflag:s25] =	ssyncadd.s32 $0xFFFFFF80  }
0x232: {  	_ =	swait.ge [sflag:s25], $0x80  }
0x233: {  	[sflag:s25] =	ssyncset.done $0x0  }
0x234: {  	[sflag:s25] =	ssyncadd.s32 $0xFFFFFF80  }
0x235: {  	_ =	swait.ge [sflag:s25], $0x80  }
0x236: {  	[sflag:s25] =	ssyncset.done $0x0  }
0x237: {  	[sflag:s25] =	ssyncadd.s32 $0xFFFFFF80  }
0x238: {  	_ =	swait.ge [sflag:s25], $0x80  }
0x239: {  	[sflag:s25] =	ssyncset.done $0x0  }
0x23a: {  	[sflag:s25] =	ssyncadd.s32 $0xFFFFFF80  }
0x23b: {  	_ =	swait.ge [sflag:s25], $0x80  }
0x23c: {  	[sflag:s25] =	ssyncset.done $0x0  }
0x23d: {  	[sflag:s25] =	ssyncadd.s32 $0xFFFFFF80  }
0x23e: {  	_ =	swait.ge [sflag:s25], $0x80  }
0x23f: {  	[sflag:s25] =	ssyncset.done $0x0  }
0x240: {  	[sflag:s25] =	ssyncadd.s32 $0xFFFFFF80  }
0x241: {  	_ =	swait.ge [sflag:s25], $0x80  }
0x242: {  	[sflag:s25] =	ssyncset.done $0x0  }
0x243: {  	[sflag:s25] =	ssyncadd.s32 $0xFFFFFF80  }
0x244: {  	_ =	swait.ge [sflag:s25], $0x80  }
0x245: {  	[sflag:s25] =	ssyncset.done $0x0  }
0x246: {  	[sflag:s25] =	ssyncadd.s32 $0xFFFFFF80  }
0x247: {  	_ =	swait.ge [sflag:s25], $0x80  }
0x248: {  	[sflag:s25] =	ssyncset.done $0x0  }
0x249: {  	[sflag:s25] =	ssyncadd.s32 $0xFFFFFF80  }
0x24a: {  	_ =	swait.ge [sflag:s25], $0x80  }
0x24b: {  	[sflag:s25] =	ssyncset.done $0x0  }
0x24c: {  	[sflag:s25] =	ssyncadd.s32 $0xFFFFFF80  }
0x24d: {  	_ =	swait.ge [sflag:s25], $0x80  }
0x24e: {  	[sflag:s25] =	ssyncset.done $0x0  }
0x24f: {  	[sflag:s25] =	ssyncadd.s32 $0xFFFFFF80  }
0x250: {  	_ =	swait.ge [sflag:s25], $0x80  }
0x251: {  	[sflag:s25] =	ssyncset.done $0x0  }
0x252: {  	[sflag:s25] =	ssyncadd.s32 $0xFFFFFF80  }
0x253: {  	_ =	swait.ge [sflag:s25], $0x80  }
0x254: {  	[sflag:s25] =	ssyncset.done $0x0  }
0x255: {  	s11 =	sshll.u32 s11, $0xA;
	[sflag:s25] =	ssyncadd.s32 $0xFFFFFF80  }
0x256: {  	s12 =	sadd.s32 $0xFFFFFC00, s11;
	_ =	swait.ge [sflag:s25], $0x80  }
0x257: {  	s11 =	sshrl.u32 s11, $0x3;
	s12 =	sshrl.u32 s12, $0x3;
	[sflag:s25] =	ssyncset.done $0x0  }
0x258: {  	s11 =	sadd.s32 s3, s11;
	s12 =	sadd.s32 s3, s12;
	[sflag:s25] =	ssyncadd.s32 $0xFFFFFF80  }
0x259: {  	[hbm4b:s12+s4] =	stream.linear.scatter [tilespmem:s26], [sflag:$0x6], $0x400, $0x38;
	[tilespmem:$0x4300] =	vst v63  }
0x25a: {  	s13 =	sadd.s32 $0xFFF80, s11  }
0x25b: {  	[hbm4b:s13+s4] =	stream.linear.scatter [tilespmem:s28], [sflag:$0x6], $0x400, $0x38;
	[tilespmem:$0x4300] =	vst v63  }
0x25c: {  	s14 =	sadd.s32 $0x1FFF80, s11  }
0x25d: {  	[hbm4b:s14+s4] =	stream.linear.scatter [tilespmem:s29], [sflag:$0x6], $0x400, $0x38;
	[tilespmem:$0x4300] =	vst v63  }
0x25e: {  	s11 =	sadd.s32 $0x2FFF80, s11  }
0x25f: {  	[hbm4b:s11+s4] =	stream.linear.scatter [tilespmem:s30], [sflag:$0x6], $0x400, $0x38;
	[tilespmem:$0x4300] =	vst v63  }
.LBB2_17:
0x260: {  	s9 =	sadd.s32 $0x1, s9  }
0x261: {  	p0 =	sne.s32 s9, $0x100  }
.Ltmp5:
0x262: {  	_ = 	snop;
	(pc) =	sbr.rel @!p0 .LBB2_18-.Ltmp5, $1  }
0x263: {  	_ =	sdelay $0x3  }
.LBB2_6:
0x264: {  	s11 =	sand.u32 $0x1, s9  }
0x265: {  	p0 =	seq.s32 s11, $0x0  }
.Ltmp6:
0x266: {  	_ = 	snop;
	(pc) =	sbr.rel @p0 .LBB2_12-.Ltmp6, $2  }
0x267: {  	_ =	sdelay $0x2  }
0x268: {  	s11 =	sadd.s32 s6, s9  }
0x269: {  	s12 =	smin.u32 s9, $0xFE  }
0x26a: {  	s12 =	sadd.s32 s12, s10  }
0x26b: {  	_ =	swait.ge [sflag:s19], $0x180;
	s12 =	smul.u32 $0x30, s12  }
0x26c: {  	[sflag:s19] =	ssyncset.done $0x0  }
0x26d: {  	p0 =	slt.u32 s9, $0x3;
	[sflag:s19] =	ssyncadd.s32 $0xFFFFFE80;
	s12 =	sadd.s32 s5, s12  }
0x26e: {  	[tilespmem:s4], [sflag:$0x3] =	stream.linear.gather [hbm4b:s12+s4], $0x180, $0x38;
	[tilespmem:$0x4300] =	vst v63  }
0x26f: {  	s12 =	simm.s32 @!p0 $0x6  }
0x270: {  	_ =	swait.ge @!p0 [sflag:s12], $0x400  }
0x271: {  	[sflag:s12] =	ssyncset.done @!p0 $0x0  }
0x272: {  	[sflag:s12] =	ssyncadd.s32 @!p0 $0xFFFFFC00  }
0x273: {  	_ =	swait.ge @!p0 [sflag:s12], $0x400  }
0x274: {  	[sflag:s12] =	ssyncset.done @!p0 $0x0  }
0x275: {  	[sflag:s12] =	ssyncadd.s32 @!p0 $0xFFFFFC00  }
0x276: {  	_ =	swait.ge @!p0 [sflag:s12], $0x400  }
0x277: {  	[sflag:s12] =	ssyncset.done @!p0 $0x0  }
0x278: {  	[sflag:s12] =	ssyncadd.s32 @!p0 $0xFFFFFC00  }
0x279: {  	_ =	swait.ge @!p0 [sflag:s12], $0x400  }
0x27a: {  	[sflag:s12] =	ssyncset.done @!p0 $0x0  }
0x27b: {  	[sflag:s12] =	ssyncadd.s32 @!p0 $0xFFFFFC00;
	s12 =	simm.s32 $0x0  }
0x27c: {  	v0 =	vld [tilespmem:s12+$0x200]  }
0x27d: {  	v1 =	vld [tilespmem:s12+$0x280]  }
0x27e: {  	v2 =	vld [tilespmem:s12+$0x180];
	_ =	sdelay $0x2  }
0x27f: {  	v3 =	vmul.f32 $5.120000000e+02, v0  }
0x280: {  	v4 =	vmul.f32 $1.600000000e+01, v0;
	v5 =	vmul.f32 $5.120000000e+02, v1  }
0x281: {  	v6 =	vmul.f32 $5.120000000e+02, v2;
	v7 =	vmul.f32 $2.000000000e+01, v0  }
0x282: {  	v8 =	vmul.f32 $2.500000000e+01, v0;
	v9 =	vmul.f32 $3.200000000e+01, v0  }
0x283: {  	v10 =	vmul.f32 $4.000000000e+01, v0;
	v11 =	vmul.f32 $5.000000000e+01, v0  }
0x284: {  	v12 =	vmul.f32 $6.400000000e+01, v0;
	v13 =	vmul.f32 $8.000000000e+01, v0  }
0x285: {  	v14 =	vmul.f32 $1.010000000e+02, v0;
	v15 =	vmul.f32 $1.270000000e+02, v0  }
0x286: {  	v16 =	vmul.f32 $1.610000000e+02, v0;
	v17 =	vmul.f32 $2.030000000e+02, v0  }
0x287: {  	v18 =	vmul.f32 $2.560000000e+02, v0;
	v19 =	vmul.f32 $3.220000000e+02, v0  }
0x288: {  	v20 =	vmul.f32 $1.600000000e+01, v1;
	v0 =	vmul.f32 $4.060000000e+02, v0  }
0x289: {  	v21 =	vmul.f32 $2.000000000e+01, v1;
	v22 =	vmul.f32 $2.500000000e+01, v1  }
0x28a: {  	v23 =	vmul.f32 $3.200000000e+01, v1;
	v24 =	vmul.f32 $4.000000000e+01, v1  }
0x28b: {  	v25 =	vmul.f32 $5.000000000e+01, v1;
	v26 =	vmul.f32 $6.400000000e+01, v1  }
0x28c: {  	v27 =	vmul.f32 $8.000000000e+01, v1;
	v28 =	vmul.f32 $1.010000000e+02, v1  }
0x28d: {  	v29 =	vmul.f32 $1.270000000e+02, v1;
	v30 =	vmul.f32 $1.610000000e+02, v1  }
0x28e: {  	v31 =	vmul.f32 $2.030000000e+02, v1;
	v32 =	vmul.f32 $2.560000000e+02, v1  }
0x28f: {  	v33 =	vmul.f32 $3.220000000e+02, v1;
	v34 =	vmul.f32 $4.060000000e+02, v1  }
0x290: {  	v36 =	vmul.f32 $2.500000000e+01, v2;
	v37 =	vmul.f32 $4.000000000e+01, v2  }
0x291: {  	v38 =	vmul.f32 $6.400000000e+01, v2;
	v40 =	vmul.f32 $8.000000000e+01, v2  }
0x292: {  	v41 =	vmul.f32 $1.010000000e+02, v2;
	v42 =	vmul.f32 $1.270000000e+02, v2  }
0x293: {  	v43 =	vmul.f32 $1.610000000e+02, v2;
	v44 =	vmul.f32 $2.030000000e+02, v2  }
0x294: {  	v49 =	vmul.f32 $2.560000000e+02, v2;
	v45 =	vmul.f32 $3.220000000e+02, v2  }
0x295: {  	v3 =	vtrunc.f32 v3;
	v5 =	vtrunc.f32 v5  }
0x296: {  	v6 =	vtrunc.f32 v6;
	v1 =	vtrunc.f32 v4  }
0x297: {  	v4 =	vtrunc.f32 v7;
	v7 =	vtrunc.f32 v8  }
0x298: {  	v8 =	vtrunc.f32 v9;
	v9 =	vtrunc.f32 v10  }
0x299: {  	v10 =	vtrunc.f32 v11;
	v11 =	vtrunc.f32 v12  }
0x29a: {  	v12 =	vtrunc.f32 v13;
	v13 =	vtrunc.f32 v14  }
0x29b: {  	v14 =	vtrunc.f32 v15;
	v15 =	vtrunc.f32 v16  }
0x29c: {  	v16 =	vtrunc.f32 v17;
	v17 =	vtrunc.f32 v18  }
0x29d: {  	v18 =	vtrunc.f32 v19;
	v19 =	vmul.f32 $1.600000000e+01, v2  }
0x29e: {  	v35 =	vtrunc.f32 v0;
	v20 =	vtrunc.f32 v20  }
0x29f: {  	v21 =	vtrunc.f32 v21;
	v22 =	vtrunc.f32 v22  }
0x2a0: {  	v23 =	vtrunc.f32 v23;
	v24 =	vtrunc.f32 v24  }
0x2a1: {  	v25 =	vtrunc.f32 v25;
	v26 =	vtrunc.f32 v26  }
0x2a2: {  	v27 =	vtrunc.f32 v27;
	v28 =	vtrunc.f32 v28  }
0x2a3: {  	v29 =	vtrunc.f32 v29;
	v30 =	vtrunc.f32 v30  }
0x2a4: {  	v31 =	vtrunc.f32 v31;
	v32 =	vtrunc.f32 v32  }
0x2a5: {  	v33 =	vtrunc.f32 v33;
	v34 =	vtrunc.f32 v34  }
0x2a6: {  	v36 =	vtrunc.f32 v36;
	v37 =	vtrunc.f32 v37  }
0x2a7: {  	v38 =	vtrunc.f32 v38;
	v40 =	vtrunc.f32 v40  }
0x2a8: {  	v41 =	vtrunc.f32 v41;
	v42 =	vtrunc.f32 v42  }
0x2a9: {  	v43 =	vtrunc.f32 v43;
	v44 =	vtrunc.f32 v44  }
0x2aa: {  	v45 =	vtrunc.f32 v45;
	v3 =	vcvt.f32.s32 v3  }
0x2ab: {  	v5 =	vcvt.f32.s32 v5;
	v6 =	vcvt.f32.s32 v6  }
0x2ac: {  	v1 =	vcvt.f32.s32 v1;
	v4 =	vcvt.f32.s32 v4  }
0x2ad: {  	v7 =	vcvt.f32.s32 v7;
	v8 =	vcvt.f32.s32 v8  }
0x2ae: {  	v9 =	vcvt.f32.s32 v9;
	v10 =	vcvt.f32.s32 v10  }
0x2af: {  	v11 =	vcvt.f32.s32 v11;
	v12 =	vcvt.f32.s32 v12  }
0x2b0: {  	v13 =	vcvt.f32.s32 v13;
	v14 =	vcvt.f32.s32 v14  }
0x2b1: {  	v15 =	vcvt.f32.s32 v15;
	v16 =	vcvt.f32.s32 v16  }
0x2b2: {  	v17 =	vcvt.f32.s32 v17;
	v18 =	vcvt.f32.s32 v18  }
0x2b3: {  	v35 =	vcvt.f32.s32 v35;
	v20 =	vcvt.f32.s32 v20  }
0x2b4: {  	v21 =	vcvt.f32.s32 v21;
	v22 =	vcvt.f32.s32 v22  }
0x2b5: {  	v23 =	vcvt.f32.s32 v23;
	v24 =	vcvt.f32.s32 v24  }
0x2b6: {  	v25 =	vcvt.f32.s32 v25;
	v26 =	vcvt.f32.s32 v26  }
0x2b7: {  	v27 =	vcvt.f32.s32 v27;
	v28 =	vcvt.f32.s32 v28  }
0x2b8: {  	v29 =	vcvt.f32.s32 v29;
	v30 =	vcvt.f32.s32 v30  }
0x2b9: {  	v31 =	vcvt.f32.s32 v31;
	v32 =	vcvt.f32.s32 v32  }
0x2ba: {  	v33 =	vcvt.f32.s32 v33;
	v34 =	vcvt.f32.s32 v34  }
0x2bb: {  	v36 =	vcvt.f32.s32 v36;
	v37 =	vcvt.f32.s32 v37  }
0x2bc: {  	v50 =	vcvt.f32.s32 v40;
	v51 =	vcvt.f32.s32 v41  }
0x2bd: {  	v52 =	vcvt.f32.s32 v42;
	v53 =	vcvt.f32.s32 v44  }
0x2be: {  	v55 =	vcvt.f32.s32 v45;
	v19 =	vtrunc.f32 v19;
	v3 =	vmul.u32 $0x779B1, v3  }
0x2bf: {  	v0 =	vmul.u32 $0x25795, v5;
	v5 =	vmul.f32 $2.000000000e+01, v2;
	v1 =	vmul.u32 $0x779B1, v1  }
0x2c0: {  	v19 =	vcvt.f32.s32 v19;
	v4 =	vmul.u32 $0x779B1, v4;
	v7 =	vmul.u32 $0x779B1, v7  }
0x2c1: {  	v8 =	vmul.u32 $0x779B1, v8;
	v9 =	vmul.u32 $0x779B1, v9;
	v10 =	vmul.u32 $0x779B1, v10  }
0x2c2: {  	v11 =	vmul.u32 $0x779B1, v11;
	v12 =	vmul.u32 $0x779B1, v12;
	v13 =	vmul.u32 $0x779B1, v13  }
0x2c3: {  	v14 =	vmul.u32 $0x779B1, v14;
	v15 =	vmul.u32 $0x779B1, v15;
	v16 =	vmul.u32 $0x779B1, v16  }
0x2c4: {  	v17 =	vmul.u32 $0x779B1, v17;
	v18 =	vmul.u32 $0x779B1, v18;
	v35 =	vmul.u32 $0x779B1, v35  }
0x2c5: {  	v20 =	vmul.u32 $0x25795, v20;
	v21 =	vmul.u32 $0x25795, v21;
	v22 =	vmul.u32 $0x25795, v22  }
0x2c6: {  	v23 =	vmul.u32 $0x25795, v23;
	v24 =	vmul.u32 $0x25795, v24;
	v25 =	vmul.u32 $0x25795, v25  }
0x2c7: {  	v26 =	vmul.u32 $0x25795, v26;
	v27 =	vmul.u32 $0x25795, v27;
	v28 =	vmul.u32 $0x25795, v28  }
0x2c8: {  	v29 =	vmul.u32 $0x25795, v29;
	v30 =	vmul.u32 $0x25795, v30;
	v31 =	vmul.u32 $0x25795, v31  }
0x2c9: {  	v32 =	vmul.u32 $0x25795, v32;
	v33 =	vmul.u32 $0x25795, v33;
	v34 =	vmul.u32 $0x25795, v34  }
0x2ca: {  	v3 =	vxor.u32 v6, v3;
	v6 =	vmul.f32 $3.200000000e+01, v2;
	v19 =	vxor.u32 v19, v1  }
0x2cb: {  	v5 =	vtrunc.f32 v5;
	v7 =	vxor.u32 v36, v7;
	v9 =	vxor.u32 v37, v9  }
0x2cc: {  	v0 =	vxor.u32 v0, v3;
	v3 =	vmul.f32 $5.000000000e+01, v2;
	v2 =	vmul.f32 $4.060000000e+02, v2  }
0x2cd: {  	v5 =	vcvt.f32.s32 v5;
	v39 =	vshll.u32 v0, $0x1;
	v0 =	vand.u32 $0x7F, v0  }
0x2ce: {  	v6 =	vtrunc.f32 v6;
	v39 =	vand.u32 $0xFFF00, v39;
	v3 =	vtrunc.f32 v3  }
0x2cf: {  	v2 =	vtrunc.f32 v2;
	v6 =	vcvt.f32.s32 v6;
	v4 =	vxor.u32 v5, v4  }
0x2d0: {  	v5 =	vcvt.f32.s32 v38;
	v0 =	vor.u32 v39, v0;
	v39 =	vtrunc.f32 v49  }
0x2d1: {  	v3 =	vcvt.f32.s32 v3;
	v2 =	vcvt.f32.s32 v2;
	v1 =	vor.u32 $0xF00080, v0  }
0x2d2: {  	v0 =	vor.u32 $0xF00000, v0;
	v6 =	vxor.u32 v6, v8;
	v8 =	vcvt.f32.s32 v43  }
0x2d3: {  	v54 =	vcvt.f32.s32 v39;
	v5 =	vxor.u32 v5, v11;
	v11 =	vxor.u32 v51, v13  }
0x2d4: {  	v13 =	vxor.u32 v53, v16;
	v16 =	vxor.u32 v20, v19;
	v20 =	vxor.u32 v24, v9  }
0x2d5: {  	v3 =	vxor.u32 v3, v10;
	v10 =	vxor.u32 v50, v12;
	v12 =	vxor.u32 v52, v14  }
0x2d6: {  	v2 =	vxor.u32 v2, v35;
	v19 =	vxor.u32 v23, v6;
	v6 =	vshll.u32 v20, $0x1  }
0x2d7: {  	v63 =	vand.u32 $0x7F, v16;
	v20 =	vand.u32 $0x7F, v20;
	v8 =	vxor.u32 v8, v15  }
0x2d8: {  	v14 =	vxor.u32 v54, v17;
	v15 =	vxor.u32 v55, v18;
	v17 =	vxor.u32 v21, v4  }
0x2d9: {  	v18 =	vxor.u32 v22, v7;
	v21 =	vxor.u32 v25, v3;
	v22 =	vxor.u32 v26, v5  }
0x2da: {  	v23 =	vxor.u32 v27, v10;
	v27 =	vxor.u32 v28, v11;
	v28 =	vxor.u32 v29, v12  }
0x2db: {  	v3 =	vshll.u32 v16, $0x1;
	v57 =	vxor.u32 v34, v2;
	v5 =	vshll.u32 v19, $0x1  }
0x2dc: {  	v10 =	vand.u32 $0xFFF00, v6;
	v29 =	vxor.u32 v30, v8;
	v30 =	vxor.u32 v31, v13  }
0x2dd: {  	v31 =	vxor.u32 v32, v14;
	v56 =	vxor.u32 v33, v15;
	v2 =	vshll.u32 v17, $0x1  }
0x2de: {  	v4 =	vshll.u32 v18, $0x1;
	v7 =	vshll.u32 v21, $0x1;
	v8 =	vshll.u32 v22, $0x1  }
0x2df: {  	v9 =	vshll.u32 v23, $0x1;
	v24 =	vshll.u32 v27, $0x1;
	v25 =	vshll.u32 v28, $0x1  }
0x2e0: {  	v60 =	vand.u32 $0xFFF00, v3;
	v62 =	vshll.u32 v57, $0x1;
	v15 =	vand.u32 $0xFFF00, v5  }
0x2e1: {  	v21 =	vand.u32 $0x7F, v21;
	v22 =	vand.u32 $0x7F, v22;
	v16 =	vand.u32 $0x7F, v23  }
0x2e2: {  	v26 =	vshll.u32 v29, $0x1;
	v58 =	vshll.u32 v30, $0x1;
	v59 =	vshll.u32 v31, $0x1  }
0x2e3: {  	v61 =	vshll.u32 v56, $0x1;
	v13 =	vand.u32 $0xFFF00, v2;
	v14 =	vand.u32 $0xFFF00, v4  }
0x2e4: {  	v11 =	vand.u32 $0xFFF00, v7;
	v12 =	vand.u32 $0xFFF00, v8;
	v2 =	vand.u32 $0xFFF00, v9  }
0x2e5: {  	v3 =	vand.u32 $0xFFF00, v24;
	v4 =	vand.u32 $0xFFF00, v25;
	v5 =	vand.u32 $0xFFF00, v62  }
0x2e6: {  	v24 =	vand.u32 $0x7F, v17;
	v25 =	vand.u32 $0x7F, v18;
	v17 =	vand.u32 $0x7F, v27  }
0x2e7: {  	[tilespmem:s12+$0x2280] =	vst v1;
	v18 =	vand.u32 $0x7F, v28;
	v1 =	vand.u32 $0x7F, v29;
	v23 =	vand.u32 $0x7F, v31  }
0x2e8: {  	v28 =	vor.u32 v63, v60;
	v29 =	vand.u32 $0x7F, v56;
	v27 =	vand.u32 $0x7F, v57  }
0x2e9: {  	v6 =	vand.u32 $0xFFF00, v26;
	v7 =	vand.u32 $0xFFF00, v58;
	v8 =	vand.u32 $0xFFF00, v59  }
0x2ea: {  	s13 =	simm.s32 $0x10;
	s14 =	simm.s32 $0x80;
	[tilespmem:s12+$0x2200] =	vst v0;
	v9 =	vand.u32 $0xFFF00, v61;
	v26 =	vand.u32 $0x7F, v19;
	v19 =	vand.u32 $0x7F, v30  }
.LBB2_8:
0x2eb: {  	p0 =	sne.s32 s14, $0x1C0;
	v30 =	vld [tilespmem:s13+$0x200];
	[tilespmem:s12+$0x1300] =	vst v28;
	v13 =	vor.u32 v13, v24;
	v14 =	vor.u32 v14, v25;
	v15 =	vor.u32 v15, v26  }
0x2ec: {  	v25 =	vor.u32 v10, v20;
	v26 =	vor.u32 v11, v21;
	v22 =	vor.u32 v12, v22;
	v24 =	vld [tilespmem:s13+$0x280]  }
0x2ed: {  	v31 =	vor.u32 v2, v16;
	v32 =	vor.u32 v3, v17;
	v21 =	vor.u32 v4, v18;
	v0 =	vld [tilespmem:s13+$0x180]  }
0x2ee: {  	v20 =	vor.u32 v6, v1;
	v4 =	vor.u32 v7, v19;
	v3 =	vor.u32 v8, v23  }
0x2ef: {  	v6 =	vor.u32 $0x80, v28;
	v2 =	vor.u32 v9, v29;
	v1 =	vor.u32 v5, v27  }
0x2f0: {  	v23 =	vmul.f32 $1.600000000e+01, v30;
	v5 =	vmul.f32 $5.120000000e+02, v30;
	[tilespmem:s12+$0x1380] =	vst v6;
	v6 =	vor.u32 $0x100000, v13  }
0x2f1: {  	v27 =	vmul.f32 $2.000000000e+01, v30;
	v7 =	vmul.f32 $5.120000000e+02, v24;
	[tilespmem:s12+$0x1400] =	vst v6;
	v6 =	vor.u32 $0x100080, v13  }
0x2f2: {  	v8 =	vmul.f32 $5.120000000e+02, v0;
	v5 =	vtrunc.f32 v5;
	[tilespmem:s12+$0x1480] =	vst v6;
	v6 =	vor.u32 $0x200000, v14  }
0x2f3: {  	v5 =	vcvt.f32.s32 v5;
	v7 =	vtrunc.f32 v7;
	[tilespmem:s12+$0x1500] =	vst v6;
	v6 =	vor.u32 $0x200080, v14  }
0x2f4: {  	v8 =	vtrunc.f32 v8;
	v7 =	vcvt.f32.s32 v7;
	[tilespmem:s12+$0x1580] =	vst v6;
	v6 =	vor.u32 $0x300000, v15  }
0x2f5: {  	v28 =	vmul.f32 $2.500000000e+01, v30;
	v8 =	vcvt.f32.s32 v8;
	v5 =	vmul.u32 $0x779B1, v5;
	[tilespmem:s12+$0x1600] =	vst v6  }
0x2f6: {  	v29 =	vmul.f32 $3.200000000e+01, v30;
	v33 =	vmul.f32 $4.000000000e+01, v30;
	v6 =	vmul.u32 $0x25795, v7  }
0x2f7: {  	v34 =	vmul.f32 $5.000000000e+01, v30;
	v35 =	vmul.f32 $6.400000000e+01, v30;
	v5 =	vxor.u32 v8, v5  }
0x2f8: {  	v36 =	vmul.f32 $8.000000000e+01, v30;
	v37 =	vmul.f32 $1.010000000e+02, v30;
	v5 =	vxor.u32 v6, v5  }
0x2f9: {  	v38 =	vmul.f32 $1.270000000e+02, v30;
	v39 =	vmul.f32 $1.610000000e+02, v30;
	v6 =	vshll.u32 v5, $0x1  }
0x2fa: {  	v40 =	vmul.f32 $2.030000000e+02, v30;
	v5 =	vand.u32 $0x7F, v5;
	v6 =	vand.u32 $0xFFF00, v6  }
0x2fb: {  	v41 =	vmul.f32 $2.560000000e+02, v30;
	v42 =	vmul.f32 $3.220000000e+02, v30;
	v43 =	vor.u32 v6, v5  }
0x2fc: {  	v30 =	vmul.f32 $4.060000000e+02, v30;
	v5 =	vmul.f32 $1.600000000e+01, v24;
	v8 =	vor.u32 $0xF00080, v43  }
0x2fd: {  	v10 =	vor.u32 $0x300080, v15;
	v7 =	vmul.f32 $2.500000000e+01, v24;
	v6 =	vmul.f32 $2.000000000e+01, v24;
	[tilespmem:s13+$0x2280] =	vst v8  }
0x2fe: {  	v12 =	vor.u32 $0x400000, v25;
	v9 =	vmul.f32 $4.000000000e+01, v24;
	v8 =	vmul.f32 $3.200000000e+01, v24;
	[tilespmem:s12+$0x1680] =	vst v10  }
0x2ff: {  	v11 =	vmul.f32 $6.400000000e+01, v24;
	v14 =	vor.u32 $0x400080, v25;
	v10 =	vmul.f32 $5.000000000e+01, v24;
	[tilespmem:s12+$0x1700] =	vst v12  }
0x300: {  	v16 =	vor.u32 $0x500000, v26;
	v13 =	vmul.f32 $1.010000000e+02, v24;
	v12 =	vmul.f32 $8.000000000e+01, v24;
	[tilespmem:s12+$0x1780] =	vst v14  }
0x301: {  	v18 =	vor.u32 $0x500080, v26;
	v15 =	vmul.f32 $1.610000000e+02, v24;
	v14 =	vmul.f32 $1.270000000e+02, v24;
	[tilespmem:s12+$0x1800] =	vst v16  }
0x302: {  	v17 =	vmul.f32 $2.030000000e+02, v24;
	v25 =	vor.u32 $0x600000, v22;
	v16 =	vmul.f32 $2.560000000e+02, v24;
	[tilespmem:s12+$0x1880] =	vst v18  }
0x303: {  	v19 =	vmul.f32 $4.060000000e+02, v24;
	v22 =	vor.u32 $0x600080, v22;
	v18 =	vmul.f32 $3.220000000e+02, v24;
	[tilespmem:s12+$0x1900] =	vst v25  }
0x304: {  	v26 =	vtrunc.f32 v23;
	v27 =	vtrunc.f32 v27;
	[tilespmem:s12+$0x1980] =	vst v22;
	v22 =	vor.u32 $0x700000, v31  }
0x305: {  	v28 =	vtrunc.f32 v28;
	v29 =	vtrunc.f32 v29;
	[tilespmem:s12+$0x1A00] =	vst v22;
	v22 =	vor.u32 $0x700080, v31  }
0x306: {  	v31 =	vtrunc.f32 v33;
	v33 =	vtrunc.f32 v34;
	[tilespmem:s12+$0x1A80] =	vst v22;
	v22 =	vor.u32 $0x800000, v32  }
0x307: {  	v34 =	vtrunc.f32 v35;
	v35 =	vtrunc.f32 v36;
	[tilespmem:s12+$0x1B00] =	vst v22;
	v22 =	vor.u32 $0x800080, v32  }
0x308: {  	v36 =	vtrunc.f32 v38;
	v32 =	vtrunc.f32 v37;
	[tilespmem:s12+$0x1B80] =	vst v22;
	v22 =	vor.u32 $0x900000, v21  }
0x309: {  	v38 =	vtrunc.f32 v40;
	v37 =	vtrunc.f32 v39;
	v21 =	vor.u32 $0x900080, v21;
	[tilespmem:s12+$0x1C00] =	vst v22  }
0x30a: {  	v40 =	vtrunc.f32 v42;
	v39 =	vtrunc.f32 v41;
	v22 =	vor.u32 $0xA00000, v20;
	[tilespmem:s12+$0x1C80] =	vst v21  }
0x30b: {  	v30 =	vtrunc.f32 v30;
	v23 =	vor.u32 $0xA00080, v20;
	v21 =	vmul.f32 $1.600000000e+01, v0;
	[tilespmem:s12+$0x1D00] =	vst v22  }
0x30c: {  	v25 =	vor.u32 $0xB00000, v4;
	v20 =	vmul.f32 $2.000000000e+01, v0;
	v22 =	vmul.f32 $2.500000000e+01, v0;
	[tilespmem:s12+$0x1D80] =	vst v23  }
0x30d: {  	v24 =	vmul.f32 $4.000000000e+01, v0;
	v41 =	vor.u32 $0xB00080, v4;
	v23 =	vmul.f32 $3.200000000e+01, v0;
	[tilespmem:s12+$0x1E00] =	vst v25  }
0x30e: {  	v4 =	vmul.f32 $5.000000000e+01, v0;
	v25 =	vmul.f32 $6.400000000e+01, v0;
	[tilespmem:s12+$0x1E80] =	vst v41;
	v41 =	vor.u32 $0xC00000, v3  }
0x30f: {  	v44 =	vmul.f32 $1.010000000e+02, v0;
	v42 =	vmul.f32 $8.000000000e+01, v0;
	v3 =	vor.u32 $0xC00080, v3;
	[tilespmem:s12+$0x1F00] =	vst v41  }
0x310: {  	v45 =	vmul.f32 $1.610000000e+02, v0;
	v41 =	vmul.f32 $1.270000000e+02, v0;
	[tilespmem:s12+$0x1F80] =	vst v3;
	v3 =	vor.u32 $0xD00000, v2  }
0x311: {  	v46 =	vmul.f32 $2.030000000e+02, v0;
	v47 =	vmul.f32 $2.560000000e+02, v0;
	v2 =	vor.u32 $0xD00080, v2;
	[tilespmem:s12+$0x2000] =	vst v3  }
0x312: {  	v3 =	vmul.f32 $3.220000000e+02, v0;
	v0 =	vmul.f32 $4.060000000e+02, v0;
	[tilespmem:s12+$0x2080] =	vst v2;
	v2 =	vor.u32 $0xE00000, v1  }
0x313: {  	v26 =	vcvt.f32.s32 v26;
	v27 =	vcvt.f32.s32 v27;
	v1 =	vor.u32 $0xE00080, v1;
	[tilespmem:s12+$0x2100] =	vst v2  }
0x314: {  	v2 =	vcvt.f32.s32 v28;
	v28 =	vcvt.f32.s32 v29;
	v29 =	vor.u32 $0xF00000, v43;
	[tilespmem:s12+$0x2180] =	vst v1;
	s12 =	smov.u32 s13  }
0x315: {  	v1 =	vmul.u32 $0x779B1, v26;
	v26 =	vcvt.f32.s32 v31;
	v31 =	vcvt.f32.s32 v33;
	[tilespmem:s12+$0x2200] =	vst v29  }
0x316: {  	v27 =	vmul.u32 $0x779B1, v27;
	v33 =	vcvt.f32.s32 v35;
	v29 =	vcvt.f32.s32 v34  }
0x317: {  	v32 =	vcvt.f32.s32 v32;
	v2 =	vmul.u32 $0x779B1, v2;
	v34 =	vcvt.f32.s32 v36  }
0x318: {  	v35 =	vcvt.f32.s32 v37;
	v28 =	vmul.u32 $0x779B1, v28;
	v36 =	vcvt.f32.s32 v38  }
0x319: {  	v37 =	vcvt.f32.s32 v39;
	v38 =	vcvt.f32.s32 v40;
	v26 =	vmul.u32 $0x779B1, v26  }
0x31a: {  	v30 =	vcvt.f32.s32 v30;
	v5 =	vtrunc.f32 v5;
	v31 =	vmul.u32 $0x779B1, v31  }
0x31b: {  	v7 =	vtrunc.f32 v7;
	v6 =	vtrunc.f32 v6;
	v29 =	vmul.u32 $0x779B1, v29  }
0x31c: {  	v9 =	vtrunc.f32 v9;
	v8 =	vtrunc.f32 v8;
	v33 =	vmul.u32 $0x779B1, v33  }
0x31d: {  	v11 =	vtrunc.f32 v11;
	v10 =	vtrunc.f32 v10;
	v32 =	vmul.u32 $0x779B1, v32  }
0x31e: {  	v13 =	vtrunc.f32 v13;
	v12 =	vtrunc.f32 v12;
	v34 =	vmul.u32 $0x779B1, v34  }
0x31f: {  	v15 =	vtrunc.f32 v15;
	v14 =	vtrunc.f32 v14;
	v35 =	vmul.u32 $0x779B1, v35  }
0x320: {  	v17 =	vtrunc.f32 v17;
	v16 =	vtrunc.f32 v16;
	v36 =	vmul.u32 $0x779B1, v36  }
0x321: {  	v19 =	vtrunc.f32 v19;
	v18 =	vtrunc.f32 v18;
	v37 =	vmul.u32 $0x779B1, v37  }
0x322: {  	v5 =	vcvt.f32.s32 v5;
	v6 =	vcvt.f32.s32 v6;
	v38 =	vmul.u32 $0x779B1, v38  }
0x323: {  	v30 =	vmul.u32 $0x779B1, v30;
	v7 =	vcvt.f32.s32 v7;
	v8 =	vcvt.f32.s32 v8  }
0x324: {  	v9 =	vcvt.f32.s32 v9;
	v5 =	vmul.u32 $0x25795, v5;
	v10 =	vcvt.f32.s32 v10  }
0x325: {  	v11 =	vcvt.f32.s32 v11;
	v6 =	vmul.u32 $0x25795, v6;
	v12 =	vcvt.f32.s32 v12  }
0x326: {  	v13 =	vcvt.f32.s32 v13;
	v7 =	vmul.u32 $0x25795, v7;
	v14 =	vcvt.f32.s32 v14  }
0x327: {  	v17 =	vcvt.f32.s32 v17;
	v15 =	vcvt.f32.s32 v15;
	v8 =	vmul.u32 $0x25795, v8  }
0x328: {  	v9 =	vmul.u32 $0x25795, v9;
	v16 =	vcvt.f32.s32 v16;
	v18 =	vcvt.f32.s32 v18  }
0x329: {  	v19 =	vcvt.f32.s32 v19;
	v10 =	vmul.u32 $0x25795, v10;
	v21 =	vtrunc.f32 v21  }
0x32a: {  	v11 =	vmul.u32 $0x25795, v11;
	v20 =	vtrunc.f32 v20;
	v22 =	vtrunc.f32 v22  }
0x32b: {  	v24 =	vtrunc.f32 v24;
	v12 =	vmul.u32 $0x25795, v12;
	v23 =	vtrunc.f32 v23  }
0x32c: {  	v13 =	vmul.u32 $0x25795, v13;
	v4 =	vtrunc.f32 v4;
	v25 =	vtrunc.f32 v25  }
0x32d: {  	v14 =	vmul.u32 $0x25795, v14;
	v39 =	vtrunc.f32 v42;
	v40 =	vtrunc.f32 v44  }
0x32e: {  	v15 =	vmul.u32 $0x25795, v15;
	v41 =	vtrunc.f32 v41;
	v42 =	vtrunc.f32 v45  }
0x32f: {  	v17 =	vmul.u32 $0x25795, v17;
	v43 =	vtrunc.f32 v46;
	v44 =	vtrunc.f32 v47  }
0x330: {  	v16 =	vmul.u32 $0x25795, v16;
	v3 =	vtrunc.f32 v3;
	v0 =	vtrunc.f32 v0  }
0x331: {  	v18 =	vmul.u32 $0x25795, v18;
	v20 =	vcvt.f32.s32 v20;
	v21 =	vcvt.f32.s32 v21  }
0x332: {  	v19 =	vmul.u32 $0x25795, v19;
	v22 =	vcvt.f32.s32 v22;
	v23 =	vcvt.f32.s32 v23  }
0x333: {  	v4 =	vcvt.f32.s32 v4;
	v1 =	vxor.u32 v21, v1;
	v21 =	vcvt.f32.s32 v24  }
0x334: {  	v20 =	vxor.u32 v20, v27;
	v24 =	vcvt.f32.s32 v25;
	v25 =	vcvt.f32.s32 v39  }
0x335: {  	v27 =	vcvt.f32.s32 v41;
	v2 =	vxor.u32 v22, v2;
	v22 =	vcvt.f32.s32 v40  }
0x336: {  	v39 =	vcvt.f32.s32 v43;
	v23 =	vxor.u32 v23, v28;
	v28 =	vcvt.f32.s32 v42  }
0x337: {  	v3 =	vcvt.f32.s32 v3;
	v21 =	vxor.u32 v21, v26;
	v26 =	vcvt.f32.s32 v44  }
0x338: {  	v0 =	vcvt.f32.s32 v0;
	v4 =	vxor.u32 v4, v31;
	v24 =	vxor.u32 v24, v29  }
0x339: {  	v25 =	vxor.u32 v25, v33;
	v22 =	vxor.u32 v22, v32;
	v27 =	vxor.u32 v27, v34  }
0x33a: {  	v28 =	vxor.u32 v28, v35;
	v29 =	vxor.u32 v39, v36;
	v26 =	vxor.u32 v26, v37  }
0x33b: {  	v0 =	vxor.u32 v0, v30;
	v1 =	vxor.u32 v5, v1;
	v3 =	vxor.u32 v3, v38  }
0x33c: {  	v20 =	vxor.u32 v6, v20;
	v30 =	vxor.u32 v7, v2;
	v23 =	vxor.u32 v8, v23  }
0x33d: {  	v21 =	vxor.u32 v9, v21;
	v31 =	vxor.u32 v10, v4;
	v32 =	vxor.u32 v11, v24  }
0x33e: {  	v33 =	vxor.u32 v12, v25;
	v34 =	vxor.u32 v13, v22;
	v27 =	vxor.u32 v14, v27  }
0x33f: {  	v28 =	vxor.u32 v15, v28;
	v29 =	vxor.u32 v17, v29;
	v35 =	vxor.u32 v16, v26  }
0x340: {  	v0 =	vxor.u32 v19, v0;
	v2 =	vshll.u32 v1, $0x1;
	v36 =	vxor.u32 v18, v3  }
0x341: {  	v4 =	vshll.u32 v30, $0x1;
	v5 =	vshll.u32 v23, $0x1;
	v3 =	vshll.u32 v20, $0x1  }
0x342: {  	v6 =	vshll.u32 v21, $0x1;
	v7 =	vshll.u32 v31, $0x1;
	v8 =	vshll.u32 v32, $0x1  }
0x343: {  	v9 =	vshll.u32 v33, $0x1;
	v16 =	vshll.u32 v34, $0x1;
	v17 =	vshll.u32 v27, $0x1  }
0x344: {  	v18 =	vshll.u32 v28, $0x1;
	v19 =	vshll.u32 v29, $0x1;
	v22 =	vshll.u32 v35, $0x1  }
0x345: {  	v25 =	vshll.u32 v0, $0x1;
	v37 =	vand.u32 $0xFFF00, v2;
	v24 =	vshll.u32 v36, $0x1  }
0x346: {  	v14 =	vand.u32 $0xFFF00, v4;
	v15 =	vand.u32 $0xFFF00, v5;
	v13 =	vand.u32 $0xFFF00, v3  }
0x347: {  	v10 =	vand.u32 $0xFFF00, v6;
	v11 =	vand.u32 $0xFFF00, v7;
	v12 =	vand.u32 $0xFFF00, v8  }
0x348: {  	v2 =	vand.u32 $0xFFF00, v9;
	v3 =	vand.u32 $0xFFF00, v16;
	v4 =	vand.u32 $0xFFF00, v17  }
0x349: {  	v6 =	vand.u32 $0xFFF00, v18;
	v7 =	vand.u32 $0xFFF00, v19;
	v8 =	vand.u32 $0xFFF00, v22  }
0x34a: {  	v38 =	vand.u32 $0x7F, v1;
	v5 =	vand.u32 $0xFFF00, v25;
	v9 =	vand.u32 $0xFFF00, v24  }
.Ltmp7:
0x34b: {  	v25 =	vand.u32 $0x7F, v30;
	v26 =	vand.u32 $0x7F, v23;
	v24 =	vand.u32 $0x7F, v20;
	(pc) =	sbr.rel @p0 .LBB2_8-.Ltmp7, $4  }
0x34c: {  	v20 =	vand.u32 $0x7F, v21;
	v21 =	vand.u32 $0x7F, v31;
	v22 =	vand.u32 $0x7F, v32  }
0x34d: {  	v16 =	vand.u32 $0x7F, v33;
	v17 =	vand.u32 $0x7F, v34;
	v18 =	vand.u32 $0x7F, v27  }
0x34e: {  	v1 =	vand.u32 $0x7F, v28;
	v19 =	vand.u32 $0x7F, v29;
	v23 =	vand.u32 $0x7F, v35  }
0x34f: {  	s13 =	sshra.s32 s14, $0x2;
	s14 =	sadd.s32 $0x40, s14;
	v28 =	vor.u32 v38, v37;
	v29 =	vand.u32 $0x7F, v36;
	v27 =	vand.u32 $0x7F, v0  }
0x350: {  	v31 =	vld [tilespmem:s13+$0x200];
	_ =	sdelay $0x3  }
0x351: {  	v10 =	vor.u32 v10, v20  }
0x352: {  	v19 =	vor.u32 v7, v19;
	v52 =	vmul.f32 $5.120000000e+02, v31;
	v7 =	vmul.f32 $1.600000000e+01, v31  }
0x353: {  	[tilespmem:s12+$0x1300] =	vst v28;
	v20 =	vor.u32 v3, v17;
	v17 =	vmul.f32 $2.000000000e+01, v31;
	v62 =	vmul.f32 $2.500000000e+01, v31  }
0x354: {  	v50 =	vor.u32 v15, v26;
	v15 =	vld [tilespmem:s13+$0x280];
	v32 =	vmul.f32 $3.200000000e+01, v31;
	v33 =	vmul.f32 $4.000000000e+01, v31  }
0x355: {  	v12 =	vor.u32 v12, v22;
	v22 =	vld [tilespmem:s13+$0x180];
	v34 =	vmul.f32 $5.000000000e+01, v31;
	v35 =	vmul.f32 $6.400000000e+01, v31  }
0x356: {  	v0 =	vor.u32 v13, v24;
	v36 =	vmul.f32 $8.000000000e+01, v31;
	v37 =	vmul.f32 $1.010000000e+02, v31  }
0x357: {  	v16 =	vor.u32 v2, v16;
	v38 =	vmul.f32 $1.270000000e+02, v31;
	v2 =	vmul.f32 $1.610000000e+02, v31  }
0x358: {  	v49 =	vor.u32 v14, v25;
	v39 =	vmul.f32 $2.030000000e+02, v31;
	v40 =	vmul.f32 $2.560000000e+02, v31  }
0x359: {  	v51 =	vor.u32 $0x80, v28;
	v41 =	vmul.f32 $3.220000000e+02, v31;
	v31 =	vmul.f32 $4.060000000e+02, v31  }
0x35a: {  	v54 =	vor.u32 $0x100000, v0;
	v53 =	vmul.f32 $5.120000000e+02, v15;
	v55 =	vmul.f32 $5.120000000e+02, v22  }
0x35b: {  	v57 =	vor.u32 $0x200000, v49;
	v42 =	vmul.f32 $1.600000000e+01, v15;
	v43 =	vmul.f32 $2.000000000e+01, v15  }
0x35c: {  	v60 =	vor.u32 $0x200080, v49;
	v44 =	vmul.f32 $2.500000000e+01, v15;
	v46 =	vmul.f32 $3.200000000e+01, v15  }
0x35d: {  	[tilespmem:$0x1FF40] =	vst v51;
	v63 =	vor.u32 $0x300000, v50;
	v47 =	vmul.f32 $4.000000000e+01, v15;
	v48 =	vmul.f32 $5.000000000e+01, v15  }
0x35e: {  	v28 =	vor.u32 $0x300080, v50;
	[tilespmem:$0x1FF50] =	vst v54;
	v49 =	vmul.f32 $6.400000000e+01, v15;
	v50 =	vmul.f32 $8.000000000e+01, v15  }
0x35f: {  	[tilespmem:$0x1FF60] =	vst v57;
	v51 =	vmul.f32 $1.010000000e+02, v15;
	v54 =	vmul.f32 $2.030000000e+02, v15  }
0x360: {  	v26 =	vor.u32 v6, v1;
	[tilespmem:$0x1FF80] =	vst v63;
	v57 =	vmul.f32 $4.060000000e+02, v15;
	v63 =	vmul.f32 $3.200000000e+01, v22  }
0x361: {  	v6 =	vor.u32 $0x100080, v0;
	v0 =	vmul.f32 $4.000000000e+01, v22;
	v1 =	vtrunc.f32 v52  }
0x362: {  	[tilespmem:$0x1FF70] =	vst v60;
	v52 =	vmul.f32 $1.270000000e+02, v15;
	v60 =	vtrunc.f32 v62  }
0x363: {  	v32 =	vtrunc.f32 v32;
	v33 =	vtrunc.f32 v33  }
0x364: {  	v34 =	vtrunc.f32 v34;
	v35 =	vtrunc.f32 v35  }
0x365: {  	v36 =	vtrunc.f32 v36;
	v37 =	vtrunc.f32 v37  }
0x366: {  	v38 =	vtrunc.f32 v38;
	v39 =	vtrunc.f32 v39  }
0x367: {  	v40 =	vtrunc.f32 v40;
	v41 =	vtrunc.f32 v41  }
0x368: {  	v62 =	vtrunc.f32 v31;
	v31 =	vmul.f32 $2.500000000e+01, v22  }
0x369: {  	v11 =	vor.u32 v11, v21;
	v56 =	vcvt.f32.s32 v1;
	v58 =	vtrunc.f32 v53  }
0x36a: {  	v4 =	vor.u32 v4, v18;
	v59 =	vtrunc.f32 v55;
	v53 =	vmul.f32 $1.610000000e+02, v15  }
0x36b: {  	v30 =	vor.u32 v8, v23;
	v55 =	vmul.f32 $2.560000000e+02, v15;
	v32 =	vcvt.f32.s32 v32  }
0x36c: {  	v29 =	vor.u32 v9, v29;
	v0 =	vtrunc.f32 v0;
	v1 =	vmul.f32 $1.270000000e+02, v22  }
0x36d: {  	v24 =	vor.u32 v5, v27;
	v36 =	vcvt.f32.s32 v36;
	v37 =	vcvt.f32.s32 v37  }
0x36e: {  	v27 =	vor.u32 $0x400000, v10;
	v38 =	vcvt.f32.s32 v38;
	v39 =	vcvt.f32.s32 v39  }
0x36f: {  	v25 =	vor.u32 $0x400080, v10;
	v40 =	vcvt.f32.s32 v40;
	v41 =	vcvt.f32.s32 v41  }
0x370: {  	v23 =	vor.u32 $0x500000, v11;
	v42 =	vtrunc.f32 v42;
	v62 =	vcvt.f32.s32 v62  }
0x371: {  	v21 =	vor.u32 $0x500080, v11;
	v43 =	vtrunc.f32 v43;
	v44 =	vtrunc.f32 v44  }
0x372: {  	v14 =	vor.u32 $0x700080, v16;
	v46 =	vtrunc.f32 v46;
	v47 =	vtrunc.f32 v47  }
0x373: {  	v13 =	vor.u32 $0x800000, v20;
	v48 =	vtrunc.f32 v48;
	v49 =	vtrunc.f32 v49  }
0x374: {  	v11 =	vor.u32 $0x900000, v4;
	v61 =	vcvt.f32.s32 v58;
	v8 =	vcvt.f32.s32 v59  }
0x375: {  	v10 =	vor.u32 $0x900080, v4;
	v58 =	vtrunc.f32 v7;
	v59 =	vtrunc.f32 v17  }
0x376: {  	v17 =	vor.u32 $0x600080, v12;
	v31 =	vtrunc.f32 v31;
	v0 =	vcvt.f32.s32 v0  }
0x377: {  	[tilespmem:s12+$0x1480] =	vst v6;
	v7 =	vor.u32 $0xB00000, v19;
	v6 =	vtrunc.f32 v52;
	v42 =	vcvt.f32.s32 v42  }
0x378: {  	v43 =	vcvt.f32.s32 v43;
	v18 =	vmul.u32 $0x779B1, v56;
	v56 =	vmul.f32 $3.220000000e+02, v15  }
0x379: {  	v15 =	vor.u32 $0x700000, v16;
	v16 =	vmul.f32 $1.600000000e+01, v22;
	v4 =	vcvt.f32.s32 v58  }
0x37a: {  	v5 =	vcvt.f32.s32 v59;
	v59 =	vor.u32 $0xB00080, v19;
	v31 =	vcvt.f32.s32 v31  }
0x37b: {  	v32 =	vmul.u32 $0x779B1, v32;
	v36 =	vmul.u32 $0x779B1, v36;
	v37 =	vmul.u32 $0x779B1, v37  }
0x37c: {  	v38 =	vmul.u32 $0x779B1, v38;
	v39 =	vmul.u32 $0x779B1, v39;
	v40 =	vmul.u32 $0x779B1, v40  }
0x37d: {  	v41 =	vmul.u32 $0x779B1, v41;
	v6 =	vcvt.f32.s32 v6;
	v1 =	vtrunc.f32 v1  }
0x37e: {  	v9 =	vmul.u32 $0x25795, v61;
	v61 =	vtrunc.f32 v2;
	[tilespmem:$0x1FF90] =	vst v59;
	v59 =	vmul.f32 $5.000000000e+01, v22  }
0x37f: {  	v2 =	vmul.f32 $8.000000000e+01, v22;
	v1 =	vcvt.f32.s32 v1;
	v8 =	vxor.u32 v8, v18  }
0x380: {  	v16 =	vtrunc.f32 v16;
	v58 =	vmul.u32 $0x779B1, v5;
	v8 =	vxor.u32 v9, v8  }
0x381: {  	v5 =	vtrunc.f32 v63;
	v61 =	vcvt.f32.s32 v61;
	v3 =	vshll.u32 v8, $0x1  }
0x382: {  	v63 =	vmul.f32 $3.220000000e+02, v22;
	v8 =	vand.u32 $0x7F, v8;
	v18 =	vand.u32 $0xFFF00, v3  }
0x383: {  	v16 =	vcvt.f32.s32 v16;
	v52 =	vmul.u32 $0x779B1, v61;
	v61 =	vld [tilespmem:$0x1FF60];
	v45 =	vor.u32 v18, v8  }
0x384: {  	v18 =	vor.u32 $0x600000, v12;
	v12 =	vor.u32 $0x800080, v20;
	v20 =	vmul.f32 $2.000000000e+01, v22  }
0x385: {  	v6 =	vmul.u32 $0x25795, v6;
	v5 =	vcvt.f32.s32 v5;
	v3 =	vcvt.f32.s32 v60  }
0x386: {  	v9 =	vor.u32 $0xA00000, v26;
	v59 =	vtrunc.f32 v59;
	v20 =	vtrunc.f32 v20  }
0x387: {  	v2 =	vtrunc.f32 v2;
	v60 =	vmul.u32 $0x779B1, v3;
	v20 =	vcvt.f32.s32 v20  }
0x388: {  	v2 =	vcvt.f32.s32 v2;
	v8 =	vor.u32 $0xA00080, v26;
	v26 =	vmul.u32 $0x779B1, v4;
	[tilespmem:s12+$0x1500] =	vst v61;
	v61 =	vld [tilespmem:$0x1FF70]  }
0x389: {  	v58 =	vxor.u32 v20, v58;
	v20 =	vxor.u32 v31, v60;
	v31 =	vxor.u32 v5, v32;
	v5 =	vld [tilespmem:$0x1FF40]  }
0x38a: {  	v1 =	vxor.u32 v1, v38;
	v4 =	vcvt.f32.s32 v33;
	v33 =	vcvt.f32.s32 v34  }
0x38b: {  	v34 =	vcvt.f32.s32 v35;
	v19 =	vxor.u32 v16, v26;
	v16 =	vmul.f32 $6.400000000e+01, v22  }
0x38c: {  	v1 =	vxor.u32 v6, v1;
	v35 =	vcvt.f32.s32 v59;
	v59 =	vmul.f32 $1.010000000e+02, v22  }
0x38d: {  	v2 =	vxor.u32 v2, v36;
	v33 =	vmul.u32 $0x779B1, v33;
	v16 =	vtrunc.f32 v16;
	[tilespmem:s12+$0x1580] =	vst v61;
	v61 =	vld [tilespmem:$0x1FF80]  }
0x38e: {  	v4 =	vmul.u32 $0x779B1, v4;
	v34 =	vmul.u32 $0x779B1, v34;
	v16 =	vcvt.f32.s32 v16;
	[tilespmem:s12+$0x1380] =	vst v5;
	v5 =	vld [tilespmem:$0x1FF50]  }
0x38f: {  	v33 =	vxor.u32 v35, v33;
	v35 =	vmul.f32 $1.610000000e+02, v22;
	v60 =	vmul.f32 $2.560000000e+02, v22  }
0x390: {  	v34 =	vxor.u32 v16, v34;
	v16 =	vmul.f32 $2.030000000e+02, v22;
	v22 =	vmul.f32 $4.060000000e+02, v22  }
0x391: {  	v3 =	vor.u32 $0xD00000, v29;
	v29 =	vor.u32 $0xD00080, v29;
	v26 =	vor.u32 $0xC00000, v30  }
0x392: {  	v30 =	vor.u32 $0xC00080, v30;
	v32 =	vxor.u32 v0, v4;
	v22 =	vtrunc.f32 v22;
	[tilespmem:s12+$0x1600] =	vst v61  }
0x393: {  	v0 =	vor.u32 $0xF00080, v45;
	v22 =	vcvt.f32.s32 v22;
	v61 =	vcvt.f32.s32 v46;
	[tilespmem:s12+$0x1400] =	vst v5  }
0x394: {  	v46 =	vmul.u32 $0x779B1, v62;
	v62 =	vcvt.f32.s32 v47;
	v47 =	vcvt.f32.s32 v48;
	[tilespmem:s13+$0x2280] =	vst v0  }
0x395: {  	v4 =	vor.u32 $0xE00000, v24;
	v5 =	vtrunc.f32 v50;
	v50 =	vtrunc.f32 v51;
	[tilespmem:s12+$0x1680] =	vst v28  }
0x396: {  	v24 =	vor.u32 $0xE00080, v24;
	v51 =	vtrunc.f32 v53;
	v53 =	vtrunc.f32 v54;
	[tilespmem:s12+$0x1700] =	vst v27  }
0x397: {  	v45 =	vor.u32 $0xF00000, v45;
	v54 =	vtrunc.f32 v55;
	v55 =	vtrunc.f32 v56;
	[tilespmem:s12+$0x1780] =	vst v25  }
0x398: {  	v56 =	vtrunc.f32 v57;
	v57 =	vcvt.f32.s32 v44;
	v22 =	vxor.u32 v22, v46;
	[tilespmem:s12+$0x1800] =	vst v23  }
0x399: {  	v5 =	vcvt.f32.s32 v5;
	v48 =	vcvt.f32.s32 v53;
	v27 =	vmul.u32 $0x25795, v43;
	[tilespmem:s12+$0x1880] =	vst v21  }
0x39a: {  	v43 =	vcvt.f32.s32 v49;
	v0 =	vmul.u32 $0x25795, v57;
	v25 =	vcvt.f32.s32 v50;
	[tilespmem:s12+$0x1900] =	vst v18  }
0x39b: {  	v23 =	vmul.u32 $0x25795, v61;
	v57 =	vcvt.f32.s32 v51;
	v61 =	vcvt.f32.s32 v54;
	[tilespmem:s12+$0x1980] =	vst v17  }
0x39c: {  	v21 =	vmul.u32 $0x25795, v62;
	v62 =	vcvt.f32.s32 v55;
	v50 =	vcvt.f32.s32 v56;
	[tilespmem:s12+$0x1A00] =	vst v15  }
0x39d: {  	v28 =	vmul.u32 $0x25795, v42;
	v51 =	vtrunc.f32 v59;
	v54 =	vtrunc.f32 v35;
	[tilespmem:s12+$0x1A80] =	vst v14  }
0x39e: {  	v18 =	vmul.u32 $0x25795, v47;
	v55 =	vtrunc.f32 v16;
	v56 =	vtrunc.f32 v60;
	[tilespmem:s12+$0x1B00] =	vst v13  }
0x39f: {  	v59 =	vtrunc.f32 v63;
	[tilespmem:s12+$0x1B80] =	vst v12;
	v5 =	vmul.u32 $0x25795, v5;
	v17 =	vcvt.f32.s32 v51  }
0x3a0: {  	v38 =	vld [tilespmem:$0x1FF90];
	[tilespmem:s12+$0x1C00] =	vst v11;
	v60 =	vmul.u32 $0x25795, v48;
	v14 =	vcvt.f32.s32 v55;
	v16 =	vcvt.f32.s32 v56  }
0x3a1: {  	[tilespmem:s12+$0x1C80] =	vst v10;
	v35 =	vcvt.f32.s32 v59;
	v43 =	vmul.u32 $0x25795, v43;
	v53 =	vmul.u32 $0x25795, v25  }
0x3a2: {  	[tilespmem:s12+$0x1D00] =	vst v9;
	v57 =	vmul.u32 $0x25795, v57;
	v61 =	vmul.u32 $0x25795, v61;
	v25 =	vcvt.f32.s32 v54  }
0x3a3: {  	[tilespmem:s12+$0x1D80] =	vst v8;
	v62 =	vmul.u32 $0x25795, v62;
	v63 =	vmul.u32 $0x25795, v50;
	v0 =	vxor.u32 v0, v20  }
0x3a4: {  	[tilespmem:s12+$0x1E00] =	vst v7;
	v42 =	vxor.u32 v23, v31;
	v21 =	vxor.u32 v21, v32;
	v18 =	vxor.u32 v18, v33  }
0x3a5: {  	[tilespmem:s12+$0x1E80] =	vst v38;
	v32 =	vshll.u32 v1, $0x1;
	v1 =	vand.u32 $0x7F, v1;
	v36 =	vxor.u32 v17, v37  }
0x3a6: {  	[tilespmem:s12+$0x1F00] =	vst v26;
	v14 =	vxor.u32 v14, v39;
	v16 =	vxor.u32 v16, v40;
	v39 =	vxor.u32 v28, v19  }
0x3a7: {  	[tilespmem:s12+$0x1F80] =	vst v30;
	v40 =	vxor.u32 v35, v41;
	v41 =	vxor.u32 v27, v58;
	v2 =	vxor.u32 v5, v2  }
0x3a8: {  	[tilespmem:s12+$0x2000] =	vst v3;
	v54 =	vshll.u32 v42, $0x1;
	v59 =	vshll.u32 v21, $0x1;
	v37 =	vxor.u32 v25, v52  }
0x3a9: {  	[tilespmem:s12+$0x2080] =	vst v29;
	v43 =	vxor.u32 v43, v34;
	v44 =	vxor.u32 v53, v36;
	v47 =	vxor.u32 v60, v14  }
0x3aa: {  	[tilespmem:s12+$0x2100] =	vst v4;
	v48 =	vshll.u32 v39, $0x1;
	v8 =	vxor.u32 v62, v40;
	v9 =	vxor.u32 v63, v22  }
0x3ab: {  	[tilespmem:s12+$0x2180] =	vst v24;
	v50 =	vand.u32 $0x7F, v39;
	v34 =	vand.u32 $0xFFF00, v32;
	v4 =	vand.u32 $0xFFF00, v48  }
0x3ac: {  	[tilespmem:s13+$0x2200] =	vst v45;
	v49 =	vshll.u32 v41, $0x1;
	v1 =	vor.u32 v34, v1;
	v4 =	vor.u32 v50, v4  }
0x3ad: {  	v51 =	vand.u32 $0x7F, v41;
	v46 =	vxor.u32 v57, v37;
	v40 =	vor.u32 $0x900000, v1;
	[tilespmem:s13+$0x1300] =	vst v4  }
0x3ae: {  	v10 =	vand.u32 $0xFFF00, v49;
	v57 =	vand.u32 $0x7F, v42;
	v42 =	vor.u32 $0x900080, v1;
	[tilespmem:s13+$0x1C00] =	vst v40  }
0x3af: {  	v52 =	vshll.u32 v0, $0x1;
	v10 =	vor.u32 v10, v51;
	v4 =	vor.u32 $0x80, v4;
	[tilespmem:s13+$0x1C80] =	vst v42  }
0x3b0: {  	v0 =	vand.u32 $0x7F, v0;
	v11 =	vand.u32 $0xFFF00, v52;
	v53 =	vor.u32 $0x100000, v10;
	[tilespmem:s13+$0x1380] =	vst v4  }
0x3b1: {  	v24 =	vshll.u32 v2, $0x1;
	v0 =	vor.u32 v11, v0;
	v55 =	vor.u32 $0x100080, v10;
	[tilespmem:s13+$0x1400] =	vst v53  }
0x3b2: {  	v2 =	vand.u32 $0x7F, v2;
	v26 =	vand.u32 $0xFFF00, v24;
	v58 =	vor.u32 $0x200000, v0;
	[tilespmem:s13+$0x1480] =	vst v55  }
0x3b3: {  	v56 =	vand.u32 $0xFFF00, v54;
	v2 =	vor.u32 v26, v2;
	v0 =	vor.u32 $0x200080, v0;
	[tilespmem:s13+$0x1500] =	vst v58  }
0x3b4: {  	v19 =	vshll.u32 v43, $0x1;
	v22 =	vand.u32 $0x7F, v43;
	v31 =	vor.u32 $0x700000, v2;
	[tilespmem:s13+$0x1580] =	vst v0  }
0x3b5: {  	v28 =	vshll.u32 v44, $0x1;
	v10 =	vor.u32 v56, v57;
	v33 =	vor.u32 $0x700080, v2;
	[tilespmem:s13+$0x1A00] =	vst v31  }
0x3b6: {  	v3 =	vand.u32 $0x7F, v44;
	v30 =	vand.u32 $0xFFF00, v28;
	v62 =	vor.u32 $0x300000, v10;
	[tilespmem:s13+$0x1A80] =	vst v33  }
0x3b7: {  	v41 =	vshll.u32 v47, $0x1;
	v3 =	vor.u32 v30, v3;
	v15 =	vor.u32 $0x300080, v10;
	[tilespmem:s13+$0x1600] =	vst v62  }
0x3b8: {  	v44 =	vand.u32 $0x7F, v47;
	v43 =	vand.u32 $0xFFF00, v41;
	v35 =	vor.u32 $0x800000, v3;
	[tilespmem:s13+$0x1680] =	vst v15  }
0x3b9: {  	v7 =	vxor.u32 v61, v16;
	v1 =	vor.u32 v43, v44;
	v37 =	vor.u32 $0x800080, v3;
	[tilespmem:s13+$0x1B00] =	vst v35  }
0x3ba: {  	v60 =	vand.u32 $0xFFF00, v59;
	v61 =	vand.u32 $0x7F, v21;
	v50 =	vor.u32 $0xB00000, v1;
	[tilespmem:s13+$0x1B80] =	vst v37  }
0x3bb: {  	v63 =	vshll.u32 v18, $0x1;
	v4 =	vor.u32 v60, v61;
	v52 =	vor.u32 $0xB00080, v1;
	[tilespmem:s13+$0x1E00] =	vst v50  }
0x3bc: {  	v17 =	vand.u32 $0x7F, v18;
	v16 =	vand.u32 $0xFFF00, v63;
	v18 =	vor.u32 $0x400000, v4;
	[tilespmem:s13+$0x1E80] =	vst v52  }
0x3bd: {  	v36 =	vshll.u32 v46, $0x1;
	v10 =	vor.u32 v16, v17;
	v20 =	vor.u32 $0x400080, v4;
	[tilespmem:s13+$0x1700] =	vst v18  }
0x3be: {  	v39 =	vand.u32 $0x7F, v46;
	v38 =	vand.u32 $0xFFF00, v36;
	v23 =	vor.u32 $0x500000, v10;
	[tilespmem:s13+$0x1780] =	vst v20  }
0x3bf: {  	v2 =	vor.u32 v38, v39;
	v25 =	vor.u32 $0x500080, v10;
	[tilespmem:s13+$0x1800] =	vst v23  }
0x3c0: {  	v21 =	vand.u32 $0xFFF00, v19;
	v45 =	vor.u32 $0xA00000, v2;
	[tilespmem:s13+$0x1880] =	vst v25  }
0x3c1: {  	v46 =	vshll.u32 v7, $0x1;
	v4 =	vor.u32 v21, v22;
	v47 =	vor.u32 $0xA00080, v2;
	[tilespmem:s13+$0x1D00] =	vst v45  }
0x3c2: {  	v49 =	vand.u32 $0x7F, v7;
	v48 =	vand.u32 $0xFFF00, v46;
	v27 =	vor.u32 $0x600000, v4;
	[tilespmem:s13+$0x1D80] =	vst v47  }
0x3c3: {  	v51 =	vshll.u32 v8, $0x1;
	v2 =	vor.u32 v48, v49;
	v29 =	vor.u32 $0x600080, v4;
	[tilespmem:s13+$0x1900] =	vst v27  }
0x3c4: {  	v54 =	vand.u32 $0x7F, v8;
	v53 =	vand.u32 $0xFFF00, v51;
	v55 =	vor.u32 $0xC00000, v2;
	[tilespmem:s13+$0x1980] =	vst v29  }
0x3c5: {  	v56 =	vshll.u32 v9, $0x1;
	v1 =	vor.u32 v53, v54;
	v57 =	vor.u32 $0xC00080, v2;
	[tilespmem:s13+$0x1F00] =	vst v55  }
0x3c6: {  	v59 =	vand.u32 $0x7F, v9;
	v58 =	vand.u32 $0xFFF00, v56;
	v60 =	vor.u32 $0xD00000, v1;
	[tilespmem:s13+$0x1F80] =	vst v57  }
0x3c7: {  	v2 =	vor.u32 v58, v59;
	v61 =	vor.u32 $0xD00080, v1;
	[tilespmem:s13+$0x2000] =	vst v60  }
0x3c8: {  	[tilespmem:s13+$0x2080] =	vst v61;
	v62 =	vor.u32 $0xE00000, v2  }
0x3c9: {  	v63 =	vor.u32 $0xE00080, v2;
	[tilespmem:s13+$0x2100] =	vst v62  }
0x3ca: {  	s14 =	simm.s32 $0x1300;
	s12 =	simm.s32 $0x200;
	[tilespmem:s13+$0x2180] =	vst v63;
	s13 =	simm.s32 $0x3300  }
.LBB2_10:
0x3cb: {  	[tilespmem:s13], [sflag:$0x2] =	stream.indirect.gather [hbm4b:s1+s18], $0x1, s14, s18, $0xb8;
	[tilespmem:$0x4300] =	vst v63  }
0x3cc: {  	s13 =	smov.u32 s12;
	p0 =	sne.s32 s12, $0x3E00  }
.Ltmp8:
0x3cd: {  	s12 =	sadd.s32 $0x200, s12;
	(pc) =	sbr.rel @p0 .LBB2_10-.Ltmp8, $3  }
0x3ce: {  	_ =	sdelay $0x1  }
0x3cf: {  	s14 =	sshra.s32 s13, $0x2  }
0x3d0: {  	s13 =	sadd.s32 $0x3300, s14;
	s14 =	sadd.s32 $0x1300, s14  }
0x3d1: {  	[tilespmem:s13], [sflag:$0x2] =	stream.indirect.gather [hbm4b:s1+s18], $0x1, s14, s18, $0xb8;
	[tilespmem:$0x4300] =	vst v63  }
0x3d2: {  	_ =	swait.ge [sflag:s20], $0x80  }
0x3d3: {  	[sflag:s20] =	ssyncset.done $0x0  }
0x3d4: {  	[sflag:s20] =	ssyncadd.s32 $0xFFFFFF80  }
0x3d5: {  	_ =	swait.ge [sflag:s20], $0x80  }
0x3d6: {  	[sflag:s20] =	ssyncset.done $0x0  }
0x3d7: {  	[sflag:s20] =	ssyncadd.s32 $0xFFFFFF80  }
0x3d8: {  	_ =	swait.ge [sflag:s20], $0x80  }
0x3d9: {  	[sflag:s20] =	ssyncset.done $0x0  }
0x3da: {  	[sflag:s20] =	ssyncadd.s32 $0xFFFFFF80  }
0x3db: {  	_ =	swait.ge [sflag:s20], $0x80  }
0x3dc: {  	[sflag:s20] =	ssyncset.done $0x0  }
0x3dd: {  	[sflag:s20] =	ssyncadd.s32 $0xFFFFFF80  }
0x3de: {  	_ =	swait.ge [sflag:s20], $0x80  }
0x3df: {  	[sflag:s20] =	ssyncset.done $0x0  }
0x3e0: {  	[sflag:s20] =	ssyncadd.s32 $0xFFFFFF80  }
0x3e1: {  	_ =	swait.ge [sflag:s20], $0x80  }
0x3e2: {  	[sflag:s20] =	ssyncset.done $0x0  }
0x3e3: {  	[sflag:s20] =	ssyncadd.s32 $0xFFFFFF80  }
0x3e4: {  	_ =	swait.ge [sflag:s20], $0x80  }
0x3e5: {  	[sflag:s20] =	ssyncset.done $0x0  }
0x3e6: {  	[sflag:s20] =	ssyncadd.s32 $0xFFFFFF80  }
0x3e7: {  	_ =	swait.ge [sflag:s20], $0x80  }
0x3e8: {  	[sflag:s20] =	ssyncset.done $0x0  }
0x3e9: {  	[sflag:s20] =	ssyncadd.s32 $0xFFFFFF80  }
0x3ea: {  	_ =	swait.ge [sflag:s20], $0x80  }
0x3eb: {  	[sflag:s20] =	ssyncset.done $0x0  }
0x3ec: {  	[sflag:s20] =	ssyncadd.s32 $0xFFFFFF80  }
0x3ed: {  	_ =	swait.ge [sflag:s20], $0x80  }
0x3ee: {  	[sflag:s20] =	ssyncset.done $0x0  }
0x3ef: {  	[sflag:s20] =	ssyncadd.s32 $0xFFFFFF80  }
0x3f0: {  	_ =	swait.ge [sflag:s20], $0x80  }
0x3f1: {  	[sflag:s20] =	ssyncset.done $0x0  }
0x3f2: {  	[sflag:s20] =	ssyncadd.s32 $0xFFFFFF80  }
0x3f3: {  	_ =	swait.ge [sflag:s20], $0x80  }
0x3f4: {  	[sflag:s20] =	ssyncset.done $0x0  }
0x3f5: {  	[sflag:s20] =	ssyncadd.s32 $0xFFFFFF80  }
0x3f6: {  	_ =	swait.ge [sflag:s20], $0x80  }
0x3f7: {  	[sflag:s20] =	ssyncset.done $0x0  }
0x3f8: {  	[sflag:s20] =	ssyncadd.s32 $0xFFFFFF80  }
0x3f9: {  	_ =	swait.ge [sflag:s20], $0x80  }
0x3fa: {  	[sflag:s20] =	ssyncset.done $0x0  }
0x3fb: {  	[sflag:s20] =	ssyncadd.s32 $0xFFFFFF80  }
0x3fc: {  	_ =	swait.ge [sflag:s20], $0x80  }
0x3fd: {  	[sflag:s20] =	ssyncset.done $0x0  }
0x3fe: {  	[sflag:s20] =	ssyncadd.s32 $0xFFFFFF80  }
0x3ff: {  	_ =	swait.ge [sflag:s20], $0x80  }
0x400: {  	[sflag:s20] =	ssyncset.done $0x0  }
0x401: {  	[sflag:s20] =	ssyncadd.s32 $0xFFFFFF80  }
0x402: {  	_ =	swait.ge [sflag:s20], $0x80  }
0x403: {  	[sflag:s20] =	ssyncset.done $0x0  }
0x404: {  	[sflag:s20] =	ssyncadd.s32 $0xFFFFFF80  }
0x405: {  	_ =	swait.ge [sflag:s20], $0x80  }
0x406: {  	[sflag:s20] =	ssyncset.done $0x0  }
0x407: {  	[sflag:s20] =	ssyncadd.s32 $0xFFFFFF80  }
0x408: {  	_ =	swait.ge [sflag:s20], $0x80  }
0x409: {  	[sflag:s20] =	ssyncset.done $0x0  }
0x40a: {  	[sflag:s20] =	ssyncadd.s32 $0xFFFFFF80  }
0x40b: {  	_ =	swait.ge [sflag:s20], $0x80  }
0x40c: {  	[sflag:s20] =	ssyncset.done $0x0  }
0x40d: {  	[sflag:s20] =	ssyncadd.s32 $0xFFFFFF80  }
0x40e: {  	_ =	swait.ge [sflag:s20], $0x80  }
0x40f: {  	[sflag:s20] =	ssyncset.done $0x0  }
0x410: {  	[sflag:s20] =	ssyncadd.s32 $0xFFFFFF80  }
0x411: {  	_ =	swait.ge [sflag:s20], $0x80  }
0x412: {  	[sflag:s20] =	ssyncset.done $0x0  }
0x413: {  	[sflag:s20] =	ssyncadd.s32 $0xFFFFFF80  }
0x414: {  	_ =	swait.ge [sflag:s20], $0x80  }
0x415: {  	[sflag:s20] =	ssyncset.done $0x0  }
0x416: {  	[sflag:s20] =	ssyncadd.s32 $0xFFFFFF80  }
0x417: {  	_ =	swait.ge [sflag:s20], $0x80  }
0x418: {  	[sflag:s20] =	ssyncset.done $0x0  }
0x419: {  	[sflag:s20] =	ssyncadd.s32 $0xFFFFFF80  }
0x41a: {  	_ =	swait.ge [sflag:s20], $0x80  }
0x41b: {  	[sflag:s20] =	ssyncset.done $0x0  }
0x41c: {  	[sflag:s20] =	ssyncadd.s32 $0xFFFFFF80  }
0x41d: {  	_ =	swait.ge [sflag:s20], $0x80  }
0x41e: {  	[sflag:s20] =	ssyncset.done $0x0  }
0x41f: {  	[sflag:s20] =	ssyncadd.s32 $0xFFFFFF80  }
0x420: {  	_ =	swait.ge [sflag:s20], $0x80  }
0x421: {  	[sflag:s20] =	ssyncset.done $0x0  }
0x422: {  	[sflag:s20] =	ssyncadd.s32 $0xFFFFFF80  }
0x423: {  	_ =	swait.ge [sflag:s20], $0x80  }
0x424: {  	[sflag:s20] =	ssyncset.done $0x0  }
0x425: {  	[sflag:s20] =	ssyncadd.s32 $0xFFFFFF80  }
0x426: {  	_ =	swait.ge [sflag:s20], $0x80  }
0x427: {  	[sflag:s20] =	ssyncset.done $0x0  }
0x428: {  	[sflag:s20] =	ssyncadd.s32 $0xFFFFFF80  }
0x429: {  	_ =	swait.ge [sflag:s20], $0x80  }
0x42a: {  	[sflag:s20] =	ssyncset.done $0x0  }
0x42b: {  	[sflag:s20] =	ssyncadd.s32 $0xFFFFFF80  }
0x42c: {  	_ =	swait.ge [sflag:s20], $0x80  }
0x42d: {  	[sflag:s20] =	ssyncset.done $0x0  }
0x42e: {  	s11 =	sshll.u32 s11, $0xA;
	[sflag:s20] =	ssyncadd.s32 $0xFFFFFF80  }
0x42f: {  	s12 =	sadd.s32 $0xFFFFFC00, s11;
	_ =	swait.ge [sflag:s20], $0x80  }
0x430: {  	s11 =	sshrl.u32 s11, $0x3;
	s12 =	sshrl.u32 s12, $0x3;
	[sflag:s20] =	ssyncset.done $0x0  }
0x431: {  	s11 =	sadd.s32 s3, s11;
	s12 =	sadd.s32 s3, s12;
	[sflag:s20] =	ssyncadd.s32 $0xFFFFFF80  }
0x432: {  	[hbm4b:s12+s4] =	stream.linear.scatter [tilespmem:s21], [sflag:$0x5], $0x400, $0x38;
	[tilespmem:$0x4300] =	vst v63  }
0x433: {  	s13 =	sadd.s32 $0xFFF80, s11  }
0x434: {  	[hbm4b:s13+s4] =	stream.linear.scatter [tilespmem:s22], [sflag:$0x5], $0x400, $0x38;
	[tilespmem:$0x4300] =	vst v63  }
.Ltmp9:
0x435: {  	_ = 	snop;
	(pc) =	sbr.rel .LBB2_17-.Ltmp9, $4  }
0x436: {  	s14 =	sadd.s32 $0x1FFF80, s11  }
0x437: {  	[hbm4b:s14+s4] =	stream.linear.scatter [tilespmem:s23], [sflag:$0x5], $0x400, $0x38;
	[tilespmem:$0x4300] =	vst v63  }
0x438: {  	s11 =	sadd.s32 $0x2FFF80, s11  }
0x439: {  	[hbm4b:s11+s4] =	stream.linear.scatter [tilespmem:s24], [sflag:$0x5], $0x400, $0x38;
	[tilespmem:$0x4300] =	vst v63  }
.LBB2_12:
0x43a: {  	p0 =	slt.s32 s9, $0xFE;
	s12 =	smov.u32 s9  }
0x43b: {  	s12 =	simm.s32 @!p0 $0xFE  }
0x43c: {  	s12 =	sor.u32 s12, s6  }
0x43d: {  	_ =	swait.ge [sflag:s2], $0x180;
	s12 =	smul.u32 $0x30, s12  }
0x43e: {  	[sflag:s2] =	ssyncset.done $0x0  }
0x43f: {  	p0 =	slt.u32 s9, $0x2;
	[sflag:s2] =	ssyncadd.s32 $0xFFFFFE80;
	s12 =	sadd.s32 s7, s12  }
0x440: {  	[tilespmem:s17], [sflag:$0x4] =	stream.linear.gather [hbm4b:s12+s4], $0x180, $0x38;
	[tilespmem:$0x4300] =	vst v63  }
0x441: {  	s12 =	simm.s32 @!p0 $0x5  }
0x442: {  	_ =	swait.ge @!p0 [sflag:s12], $0x400  }
0x443: {  	[sflag:s12] =	ssyncset.done @!p0 $0x0  }
0x444: {  	[sflag:s12] =	ssyncadd.s32 @!p0 $0xFFFFFC00  }
0x445: {  	_ =	swait.ge @!p0 [sflag:s12], $0x400  }
0x446: {  	[sflag:s12] =	ssyncset.done @!p0 $0x0  }
0x447: {  	[sflag:s12] =	ssyncadd.s32 @!p0 $0xFFFFFC00  }
0x448: {  	_ =	swait.ge @!p0 [sflag:s12], $0x400  }
0x449: {  	[sflag:s12] =	ssyncset.done @!p0 $0x0  }
0x44a: {  	[sflag:s12] =	ssyncadd.s32 @!p0 $0xFFFFFC00  }
0x44b: {  	_ =	swait.ge @!p0 [sflag:s12], $0x400  }
0x44c: {  	[sflag:s12] =	ssyncset.done @!p0 $0x0  }
0x44d: {  	[sflag:s12] =	ssyncadd.s32 @!p0 $0xFFFFFC00;
	s12 =	simm.s32 $0x0  }
0x44e: {  	v0 =	vld [tilespmem:s12+$0x80]  }
0x44f: {  	v1 =	vld [tilespmem:s12+$0x100]  }
0x450: {  	v2 =	vld [tilespmem:s12+$0x0];
	_ =	sdelay $0x2  }
0x451: {  	v3 =	vmul.f32 $5.120000000e+02, v0  }
0x452: {  	v4 =	vmul.f32 $1.600000000e+01, v0;
	v5 =	vmul.f32 $5.120000000e+02, v1  }
0x453: {  	v6 =	vmul.f32 $5.120000000e+02, v2;
	v7 =	vmul.f32 $2.000000000e+01, v0  }
0x454: {  	v8 =	vmul.f32 $2.500000000e+01, v0;
	v9 =	vmul.f32 $3.200000000e+01, v0  }
0x455: {  	v10 =	vmul.f32 $4.000000000e+01, v0;
	v11 =	vmul.f32 $5.000000000e+01, v0  }
0x456: {  	v12 =	vmul.f32 $6.400000000e+01, v0;
	v13 =	vmul.f32 $8.000000000e+01, v0  }
0x457: {  	v14 =	vmul.f32 $1.010000000e+02, v0;
	v15 =	vmul.f32 $1.270000000e+02, v0  }
0x458: {  	v16 =	vmul.f32 $1.610000000e+02, v0;
	v17 =	vmul.f32 $2.030000000e+02, v0  }
0x459: {  	v18 =	vmul.f32 $2.560000000e+02, v0;
	v19 =	vmul.f32 $3.220000000e+02, v0  }
0x45a: {  	v20 =	vmul.f32 $1.600000000e+01, v1;
	v0 =	vmul.f32 $4.060000000e+02, v0  }
0x45b: {  	v21 =	vmul.f32 $2.000000000e+01, v1;
	v22 =	vmul.f32 $2.500000000e+01, v1  }
0x45c: {  	v23 =	vmul.f32 $3.200000000e+01, v1;
	v24 =	vmul.f32 $4.000000000e+01, v1  }
0x45d: {  	v25 =	vmul.f32 $5.000000000e+01, v1;
	v26 =	vmul.f32 $6.400000000e+01, v1  }
0x45e: {  	v27 =	vmul.f32 $8.000000000e+01, v1;
	v28 =	vmul.f32 $1.010000000e+02, v1  }
0x45f: {  	v29 =	vmul.f32 $1.270000000e+02, v1;
	v30 =	vmul.f32 $1.610000000e+02, v1  }
0x460: {  	v31 =	vmul.f32 $2.030000000e+02, v1;
	v32 =	vmul.f32 $2.560000000e+02, v1  }
0x461: {  	v33 =	vmul.f32 $3.220000000e+02, v1;
	v34 =	vmul.f32 $4.060000000e+02, v1  }
0x462: {  	v36 =	vmul.f32 $2.500000000e+01, v2;
	v37 =	vmul.f32 $4.000000000e+01, v2  }
0x463: {  	v38 =	vmul.f32 $6.400000000e+01, v2;
	v40 =	vmul.f32 $8.000000000e+01, v2  }
0x464: {  	v41 =	vmul.f32 $1.010000000e+02, v2;
	v42 =	vmul.f32 $1.270000000e+02, v2  }
0x465: {  	v43 =	vmul.f32 $1.610000000e+02, v2;
	v44 =	vmul.f32 $2.030000000e+02, v2  }
0x466: {  	v49 =	vmul.f32 $2.560000000e+02, v2;
	v45 =	vmul.f32 $3.220000000e+02, v2  }
0x467: {  	v3 =	vtrunc.f32 v3;
	v5 =	vtrunc.f32 v5  }
0x468: {  	v6 =	vtrunc.f32 v6;
	v1 =	vtrunc.f32 v4  }
0x469: {  	v4 =	vtrunc.f32 v7;
	v7 =	vtrunc.f32 v8  }
0x46a: {  	v8 =	vtrunc.f32 v9;
	v9 =	vtrunc.f32 v10  }
0x46b: {  	v10 =	vtrunc.f32 v11;
	v11 =	vtrunc.f32 v12  }
0x46c: {  	v12 =	vtrunc.f32 v13;
	v13 =	vtrunc.f32 v14  }
0x46d: {  	v14 =	vtrunc.f32 v15;
	v15 =	vtrunc.f32 v16  }
0x46e: {  	v16 =	vtrunc.f32 v17;
	v17 =	vtrunc.f32 v18  }
0x46f: {  	v18 =	vtrunc.f32 v19;
	v19 =	vmul.f32 $1.600000000e+01, v2  }
0x470: {  	v35 =	vtrunc.f32 v0;
	v20 =	vtrunc.f32 v20  }
0x471: {  	v21 =	vtrunc.f32 v21;
	v22 =	vtrunc.f32 v22  }
0x472: {  	v23 =	vtrunc.f32 v23;
	v24 =	vtrunc.f32 v24  }
0x473: {  	v25 =	vtrunc.f32 v25;
	v26 =	vtrunc.f32 v26  }
0x474: {  	v27 =	vtrunc.f32 v27;
	v28 =	vtrunc.f32 v28  }
0x475: {  	v29 =	vtrunc.f32 v29;
	v30 =	vtrunc.f32 v30  }
0x476: {  	v31 =	vtrunc.f32 v31;
	v32 =	vtrunc.f32 v32  }
0x477: {  	v33 =	vtrunc.f32 v33;
	v34 =	vtrunc.f32 v34  }
0x478: {  	v36 =	vtrunc.f32 v36;
	v37 =	vtrunc.f32 v37  }
0x479: {  	v38 =	vtrunc.f32 v38;
	v40 =	vtrunc.f32 v40  }
0x47a: {  	v41 =	vtrunc.f32 v41;
	v42 =	vtrunc.f32 v42  }
0x47b: {  	v43 =	vtrunc.f32 v43;
	v44 =	vtrunc.f32 v44  }
0x47c: {  	v45 =	vtrunc.f32 v45;
	v3 =	vcvt.f32.s32 v3  }
0x47d: {  	v5 =	vcvt.f32.s32 v5;
	v6 =	vcvt.f32.s32 v6  }
0x47e: {  	v1 =	vcvt.f32.s32 v1;
	v4 =	vcvt.f32.s32 v4  }
0x47f: {  	v7 =	vcvt.f32.s32 v7;
	v8 =	vcvt.f32.s32 v8  }
0x480: {  	v9 =	vcvt.f32.s32 v9;
	v10 =	vcvt.f32.s32 v10  }
0x481: {  	v11 =	vcvt.f32.s32 v11;
	v12 =	vcvt.f32.s32 v12  }
0x482: {  	v13 =	vcvt.f32.s32 v13;
	v14 =	vcvt.f32.s32 v14  }
0x483: {  	v15 =	vcvt.f32.s32 v15;
	v16 =	vcvt.f32.s32 v16  }
0x484: {  	v17 =	vcvt.f32.s32 v17;
	v18 =	vcvt.f32.s32 v18  }
0x485: {  	v35 =	vcvt.f32.s32 v35;
	v20 =	vcvt.f32.s32 v20  }
0x486: {  	v21 =	vcvt.f32.s32 v21;
	v22 =	vcvt.f32.s32 v22  }
0x487: {  	v23 =	vcvt.f32.s32 v23;
	v24 =	vcvt.f32.s32 v24  }
0x488: {  	v25 =	vcvt.f32.s32 v25;
	v26 =	vcvt.f32.s32 v26  }
0x489: {  	v27 =	vcvt.f32.s32 v27;
	v28 =	vcvt.f32.s32 v28  }
0x48a: {  	v29 =	vcvt.f32.s32 v29;
	v30 =	vcvt.f32.s32 v30  }
0x48b: {  	v31 =	vcvt.f32.s32 v31;
	v32 =	vcvt.f32.s32 v32  }
0x48c: {  	v33 =	vcvt.f32.s32 v33;
	v34 =	vcvt.f32.s32 v34  }
0x48d: {  	v36 =	vcvt.f32.s32 v36;
	v37 =	vcvt.f32.s32 v37  }
0x48e: {  	v50 =	vcvt.f32.s32 v40;
	v51 =	vcvt.f32.s32 v41  }
0x48f: {  	v52 =	vcvt.f32.s32 v42;
	v53 =	vcvt.f32.s32 v44  }
0x490: {  	v55 =	vcvt.f32.s32 v45;
	v19 =	vtrunc.f32 v19;
	v3 =	vmul.u32 $0x779B1, v3  }
0x491: {  	v0 =	vmul.u32 $0x25795, v5;
	v5 =	vmul.f32 $2.000000000e+01, v2;
	v1 =	vmul.u32 $0x779B1, v1  }
0x492: {  	v19 =	vcvt.f32.s32 v19;
	v4 =	vmul.u32 $0x779B1, v4;
	v7 =	vmul.u32 $0x779B1, v7  }
0x493: {  	v8 =	vmul.u32 $0x779B1, v8;
	v9 =	vmul.u32 $0x779B1, v9;
	v10 =	vmul.u32 $0x779B1, v10  }
0x494: {  	v11 =	vmul.u32 $0x779B1, v11;
	v12 =	vmul.u32 $0x779B1, v12;
	v13 =	vmul.u32 $0x779B1, v13  }
0x495: {  	v14 =	vmul.u32 $0x779B1, v14;
	v15 =	vmul.u32 $0x779B1, v15;
	v16 =	vmul.u32 $0x779B1, v16  }
0x496: {  	v17 =	vmul.u32 $0x779B1, v17;
	v18 =	vmul.u32 $0x779B1, v18;
	v35 =	vmul.u32 $0x779B1, v35  }
0x497: {  	v20 =	vmul.u32 $0x25795, v20;
	v21 =	vmul.u32 $0x25795, v21;
	v22 =	vmul.u32 $0x25795, v22  }
0x498: {  	v23 =	vmul.u32 $0x25795, v23;
	v24 =	vmul.u32 $0x25795, v24;
	v25 =	vmul.u32 $0x25795, v25  }
0x499: {  	v26 =	vmul.u32 $0x25795, v26;
	v27 =	vmul.u32 $0x25795, v27;
	v28 =	vmul.u32 $0x25795, v28  }
0x49a: {  	v29 =	vmul.u32 $0x25795, v29;
	v30 =	vmul.u32 $0x25795, v30;
	v31 =	vmul.u32 $0x25795, v31  }
0x49b: {  	v32 =	vmul.u32 $0x25795, v32;
	v33 =	vmul.u32 $0x25795, v33;
	v34 =	vmul.u32 $0x25795, v34  }
0x49c: {  	v3 =	vxor.u32 v6, v3;
	v6 =	vmul.f32 $3.200000000e+01, v2;
	v19 =	vxor.u32 v19, v1  }
0x49d: {  	v5 =	vtrunc.f32 v5;
	v7 =	vxor.u32 v36, v7;
	v9 =	vxor.u32 v37, v9  }
0x49e: {  	v0 =	vxor.u32 v0, v3;
	v3 =	vmul.f32 $5.000000000e+01, v2;
	v2 =	vmul.f32 $4.060000000e+02, v2  }
0x49f: {  	v5 =	vcvt.f32.s32 v5;
	v39 =	vshll.u32 v0, $0x1;
	v0 =	vand.u32 $0x7F, v0  }
0x4a0: {  	v6 =	vtrunc.f32 v6;
	v39 =	vand.u32 $0xFFF00, v39;
	v3 =	vtrunc.f32 v3  }
0x4a1: {  	v2 =	vtrunc.f32 v2;
	v6 =	vcvt.f32.s32 v6;
	v4 =	vxor.u32 v5, v4  }
0x4a2: {  	v5 =	vcvt.f32.s32 v38;
	v0 =	vor.u32 v39, v0;
	v39 =	vtrunc.f32 v49  }
0x4a3: {  	v3 =	vcvt.f32.s32 v3;
	v2 =	vcvt.f32.s32 v2;
	v1 =	vor.u32 $0xF00080, v0  }
0x4a4: {  	v0 =	vor.u32 $0xF00000, v0;
	v6 =	vxor.u32 v6, v8;
	v8 =	vcvt.f32.s32 v43  }
0x4a5: {  	v54 =	vcvt.f32.s32 v39;
	v5 =	vxor.u32 v5, v11;
	v11 =	vxor.u32 v51, v13  }
0x4a6: {  	v13 =	vxor.u32 v53, v16;
	v16 =	vxor.u32 v20, v19;
	v20 =	vxor.u32 v24, v9  }
0x4a7: {  	v3 =	vxor.u32 v3, v10;
	v10 =	vxor.u32 v50, v12;
	v12 =	vxor.u32 v52, v14  }
0x4a8: {  	v2 =	vxor.u32 v2, v35;
	v19 =	vxor.u32 v23, v6;
	v6 =	vshll.u32 v20, $0x1  }
0x4a9: {  	v63 =	vand.u32 $0x7F, v16;
	v20 =	vand.u32 $0x7F, v20;
	v8 =	vxor.u32 v8, v15  }
0x4aa: {  	v14 =	vxor.u32 v54, v17;
	v15 =	vxor.u32 v55, v18;
	v17 =	vxor.u32 v21, v4  }
0x4ab: {  	v18 =	vxor.u32 v22, v7;
	v21 =	vxor.u32 v25, v3;
	v22 =	vxor.u32 v26, v5  }
0x4ac: {  	v23 =	vxor.u32 v27, v10;
	v27 =	vxor.u32 v28, v11;
	v28 =	vxor.u32 v29, v12  }
0x4ad: {  	v3 =	vshll.u32 v16, $0x1;
	v57 =	vxor.u32 v34, v2;
	v5 =	vshll.u32 v19, $0x1  }
0x4ae: {  	v10 =	vand.u32 $0xFFF00, v6;
	v29 =	vxor.u32 v30, v8;
	v30 =	vxor.u32 v31, v13  }
0x4af: {  	v31 =	vxor.u32 v32, v14;
	v56 =	vxor.u32 v33, v15;
	v2 =	vshll.u32 v17, $0x1  }
0x4b0: {  	v4 =	vshll.u32 v18, $0x1;
	v7 =	vshll.u32 v21, $0x1;
	v8 =	vshll.u32 v22, $0x1  }
0x4b1: {  	v9 =	vshll.u32 v23, $0x1;
	v24 =	vshll.u32 v27, $0x1;
	v25 =	vshll.u32 v28, $0x1  }
0x4b2: {  	v60 =	vand.u32 $0xFFF00, v3;
	v62 =	vshll.u32 v57, $0x1;
	v15 =	vand.u32 $0xFFF00, v5  }
0x4b3: {  	v21 =	vand.u32 $0x7F, v21;
	v22 =	vand.u32 $0x7F, v22;
	v16 =	vand.u32 $0x7F, v23  }
0x4b4: {  	v26 =	vshll.u32 v29, $0x1;
	v58 =	vshll.u32 v30, $0x1;
	v59 =	vshll.u32 v31, $0x1  }
0x4b5: {  	v61 =	vshll.u32 v56, $0x1;
	v13 =	vand.u32 $0xFFF00, v2;
	v14 =	vand.u32 $0xFFF00, v4  }
0x4b6: {  	v11 =	vand.u32 $0xFFF00, v7;
	v12 =	vand.u32 $0xFFF00, v8;
	v2 =	vand.u32 $0xFFF00, v9  }
0x4b7: {  	v3 =	vand.u32 $0xFFF00, v24;
	v4 =	vand.u32 $0xFFF00, v25;
	v5 =	vand.u32 $0xFFF00, v62  }
0x4b8: {  	v24 =	vand.u32 $0x7F, v17;
	v25 =	vand.u32 $0x7F, v18;
	v17 =	vand.u32 $0x7F, v27  }
0x4b9: {  	[tilespmem:s12+$0x1280] =	vst v1;
	v18 =	vand.u32 $0x7F, v28;
	v1 =	vand.u32 $0x7F, v29;
	v23 =	vand.u32 $0x7F, v31  }
0x4ba: {  	v28 =	vor.u32 v63, v60;
	v29 =	vand.u32 $0x7F, v56;
	v27 =	vand.u32 $0x7F, v57  }
0x4bb: {  	v6 =	vand.u32 $0xFFF00, v26;
	v7 =	vand.u32 $0xFFF00, v58;
	v8 =	vand.u32 $0xFFF00, v59  }
0x4bc: {  	s13 =	simm.s32 $0x10;
	s14 =	simm.s32 $0x80;
	[tilespmem:s12+$0x1200] =	vst v0;
	v9 =	vand.u32 $0xFFF00, v61;
	v26 =	vand.u32 $0x7F, v19;
	v19 =	vand.u32 $0x7F, v30  }
.LBB2_13:
0x4bd: {  	p0 =	sne.s32 s14, $0x1C0;
	v30 =	vld [tilespmem:s13+$0x80];
	[tilespmem:s12+$0x300] =	vst v28;
	v13 =	vor.u32 v13, v24;
	v14 =	vor.u32 v14, v25;
	v15 =	vor.u32 v15, v26  }
0x4be: {  	v25 =	vor.u32 v10, v20;
	v26 =	vor.u32 v11, v21;
	v22 =	vor.u32 v12, v22;
	v24 =	vld [tilespmem:s13+$0x100]  }
0x4bf: {  	v31 =	vor.u32 v2, v16;
	v32 =	vor.u32 v3, v17;
	v21 =	vor.u32 v4, v18;
	v0 =	vld [tilespmem:s13+$0x0]  }
0x4c0: {  	v20 =	vor.u32 v6, v1;
	v4 =	vor.u32 v7, v19;
	v3 =	vor.u32 v8, v23  }
0x4c1: {  	v6 =	vor.u32 $0x80, v28;
	v2 =	vor.u32 v9, v29;
	v1 =	vor.u32 v5, v27  }
0x4c2: {  	v23 =	vmul.f32 $1.600000000e+01, v30;
	v5 =	vmul.f32 $5.120000000e+02, v30;
	[tilespmem:s12+$0x380] =	vst v6;
	v6 =	vor.u32 $0x100000, v13  }
0x4c3: {  	v27 =	vmul.f32 $2.000000000e+01, v30;
	v7 =	vmul.f32 $5.120000000e+02, v24;
	[tilespmem:s12+$0x400] =	vst v6;
	v6 =	vor.u32 $0x100080, v13  }
0x4c4: {  	v8 =	vmul.f32 $5.120000000e+02, v0;
	v5 =	vtrunc.f32 v5;
	[tilespmem:s12+$0x480] =	vst v6;
	v6 =	vor.u32 $0x200000, v14  }
0x4c5: {  	v5 =	vcvt.f32.s32 v5;
	v7 =	vtrunc.f32 v7;
	[tilespmem:s12+$0x500] =	vst v6;
	v6 =	vor.u32 $0x200080, v14  }
0x4c6: {  	v8 =	vtrunc.f32 v8;
	v7 =	vcvt.f32.s32 v7;
	[tilespmem:s12+$0x580] =	vst v6;
	v6 =	vor.u32 $0x300000, v15  }
0x4c7: {  	v28 =	vmul.f32 $2.500000000e+01, v30;
	v8 =	vcvt.f32.s32 v8;
	v5 =	vmul.u32 $0x779B1, v5;
	[tilespmem:s12+$0x600] =	vst v6  }
0x4c8: {  	v29 =	vmul.f32 $3.200000000e+01, v30;
	v33 =	vmul.f32 $4.000000000e+01, v30;
	v6 =	vmul.u32 $0x25795, v7  }
0x4c9: {  	v34 =	vmul.f32 $5.000000000e+01, v30;
	v35 =	vmul.f32 $6.400000000e+01, v30;
	v5 =	vxor.u32 v8, v5  }
0x4ca: {  	v36 =	vmul.f32 $8.000000000e+01, v30;
	v37 =	vmul.f32 $1.010000000e+02, v30;
	v5 =	vxor.u32 v6, v5  }
0x4cb: {  	v38 =	vmul.f32 $1.270000000e+02, v30;
	v39 =	vmul.f32 $1.610000000e+02, v30;
	v6 =	vshll.u32 v5, $0x1  }
0x4cc: {  	v40 =	vmul.f32 $2.030000000e+02, v30;
	v5 =	vand.u32 $0x7F, v5;
	v6 =	vand.u32 $0xFFF00, v6  }
0x4cd: {  	v41 =	vmul.f32 $2.560000000e+02, v30;
	v42 =	vmul.f32 $3.220000000e+02, v30;
	v43 =	vor.u32 v6, v5  }
0x4ce: {  	v30 =	vmul.f32 $4.060000000e+02, v30;
	v5 =	vmul.f32 $1.600000000e+01, v24;
	v8 =	vor.u32 $0xF00080, v43  }
0x4cf: {  	v10 =	vor.u32 $0x300080, v15;
	v7 =	vmul.f32 $2.500000000e+01, v24;
	v6 =	vmul.f32 $2.000000000e+01, v24;
	[tilespmem:s13+$0x1280] =	vst v8  }
0x4d0: {  	v12 =	vor.u32 $0x400000, v25;
	v9 =	vmul.f32 $4.000000000e+01, v24;
	v8 =	vmul.f32 $3.200000000e+01, v24;
	[tilespmem:s12+$0x680] =	vst v10  }
0x4d1: {  	v11 =	vmul.f32 $6.400000000e+01, v24;
	v14 =	vor.u32 $0x400080, v25;
	v10 =	vmul.f32 $5.000000000e+01, v24;
	[tilespmem:s12+$0x700] =	vst v12  }
0x4d2: {  	v16 =	vor.u32 $0x500000, v26;
	v13 =	vmul.f32 $1.010000000e+02, v24;
	v12 =	vmul.f32 $8.000000000e+01, v24;
	[tilespmem:s12+$0x780] =	vst v14  }
0x4d3: {  	v18 =	vor.u32 $0x500080, v26;
	v15 =	vmul.f32 $1.610000000e+02, v24;
	v14 =	vmul.f32 $1.270000000e+02, v24;
	[tilespmem:s12+$0x800] =	vst v16  }
0x4d4: {  	v17 =	vmul.f32 $2.030000000e+02, v24;
	v25 =	vor.u32 $0x600000, v22;
	v16 =	vmul.f32 $2.560000000e+02, v24;
	[tilespmem:s12+$0x880] =	vst v18  }
0x4d5: {  	v19 =	vmul.f32 $4.060000000e+02, v24;
	v22 =	vor.u32 $0x600080, v22;
	v18 =	vmul.f32 $3.220000000e+02, v24;
	[tilespmem:s12+$0x900] =	vst v25  }
0x4d6: {  	v26 =	vtrunc.f32 v23;
	v27 =	vtrunc.f32 v27;
	[tilespmem:s12+$0x980] =	vst v22;
	v22 =	vor.u32 $0x700000, v31  }
0x4d7: {  	v28 =	vtrunc.f32 v28;
	v29 =	vtrunc.f32 v29;
	[tilespmem:s12+$0xA00] =	vst v22;
	v22 =	vor.u32 $0x700080, v31  }
0x4d8: {  	v31 =	vtrunc.f32 v33;
	v33 =	vtrunc.f32 v34;
	[tilespmem:s12+$0xA80] =	vst v22;
	v22 =	vor.u32 $0x800000, v32  }
0x4d9: {  	v34 =	vtrunc.f32 v35;
	v35 =	vtrunc.f32 v36;
	[tilespmem:s12+$0xB00] =	vst v22;
	v22 =	vor.u32 $0x800080, v32  }
0x4da: {  	v36 =	vtrunc.f32 v38;
	v32 =	vtrunc.f32 v37;
	[tilespmem:s12+$0xB80] =	vst v22;
	v22 =	vor.u32 $0x900000, v21  }
0x4db: {  	v38 =	vtrunc.f32 v40;
	v37 =	vtrunc.f32 v39;
	v21 =	vor.u32 $0x900080, v21;
	[tilespmem:s12+$0xC00] =	vst v22  }
0x4dc: {  	v40 =	vtrunc.f32 v42;
	v39 =	vtrunc.f32 v41;
	v22 =	vor.u32 $0xA00000, v20;
	[tilespmem:s12+$0xC80] =	vst v21  }
0x4dd: {  	v30 =	vtrunc.f32 v30;
	v23 =	vor.u32 $0xA00080, v20;
	v21 =	vmul.f32 $1.600000000e+01, v0;
	[tilespmem:s12+$0xD00] =	vst v22  }
0x4de: {  	v25 =	vor.u32 $0xB00000, v4;
	v20 =	vmul.f32 $2.000000000e+01, v0;
	v22 =	vmul.f32 $2.500000000e+01, v0;
	[tilespmem:s12+$0xD80] =	vst v23  }
0x4df: {  	v24 =	vmul.f32 $4.000000000e+01, v0;
	v41 =	vor.u32 $0xB00080, v4;
	v23 =	vmul.f32 $3.200000000e+01, v0;
	[tilespmem:s12+$0xE00] =	vst v25  }
0x4e0: {  	v4 =	vmul.f32 $5.000000000e+01, v0;
	v25 =	vmul.f32 $6.400000000e+01, v0;
	[tilespmem:s12+$0xE80] =	vst v41;
	v41 =	vor.u32 $0xC00000, v3  }
0x4e1: {  	v44 =	vmul.f32 $1.010000000e+02, v0;
	v42 =	vmul.f32 $8.000000000e+01, v0;
	v3 =	vor.u32 $0xC00080, v3;
	[tilespmem:s12+$0xF00] =	vst v41  }
0x4e2: {  	v45 =	vmul.f32 $1.610000000e+02, v0;
	v41 =	vmul.f32 $1.270000000e+02, v0;
	[tilespmem:s12+$0xF80] =	vst v3;
	v3 =	vor.u32 $0xD00000, v2  }
0x4e3: {  	v46 =	vmul.f32 $2.030000000e+02, v0;
	v47 =	vmul.f32 $2.560000000e+02, v0;
	v2 =	vor.u32 $0xD00080, v2;
	[tilespmem:s12+$0x1000] =	vst v3  }
0x4e4: {  	v3 =	vmul.f32 $3.220000000e+02, v0;
	v0 =	vmul.f32 $4.060000000e+02, v0;
	[tilespmem:s12+$0x1080] =	vst v2;
	v2 =	vor.u32 $0xE00000, v1  }
0x4e5: {  	v26 =	vcvt.f32.s32 v26;
	v27 =	vcvt.f32.s32 v27;
	v1 =	vor.u32 $0xE00080, v1;
	[tilespmem:s12+$0x1100] =	vst v2  }
0x4e6: {  	v2 =	vcvt.f32.s32 v28;
	v28 =	vcvt.f32.s32 v29;
	v29 =	vor.u32 $0xF00000, v43;
	[tilespmem:s12+$0x1180] =	vst v1;
	s12 =	smov.u32 s13  }
0x4e7: {  	v1 =	vmul.u32 $0x779B1, v26;
	v26 =	vcvt.f32.s32 v31;
	v31 =	vcvt.f32.s32 v33;
	[tilespmem:s12+$0x1200] =	vst v29  }
0x4e8: {  	v27 =	vmul.u32 $0x779B1, v27;
	v33 =	vcvt.f32.s32 v35;
	v29 =	vcvt.f32.s32 v34  }
0x4e9: {  	v32 =	vcvt.f32.s32 v32;
	v2 =	vmul.u32 $0x779B1, v2;
	v34 =	vcvt.f32.s32 v36  }
0x4ea: {  	v35 =	vcvt.f32.s32 v37;
	v28 =	vmul.u32 $0x779B1, v28;
	v36 =	vcvt.f32.s32 v38  }
0x4eb: {  	v37 =	vcvt.f32.s32 v39;
	v38 =	vcvt.f32.s32 v40;
	v26 =	vmul.u32 $0x779B1, v26  }
0x4ec: {  	v30 =	vcvt.f32.s32 v30;
	v5 =	vtrunc.f32 v5;
	v31 =	vmul.u32 $0x779B1, v31  }
0x4ed: {  	v7 =	vtrunc.f32 v7;
	v6 =	vtrunc.f32 v6;
	v29 =	vmul.u32 $0x779B1, v29  }
0x4ee: {  	v9 =	vtrunc.f32 v9;
	v8 =	vtrunc.f32 v8;
	v33 =	vmul.u32 $0x779B1, v33  }
0x4ef: {  	v11 =	vtrunc.f32 v11;
	v10 =	vtrunc.f32 v10;
	v32 =	vmul.u32 $0x779B1, v32  }
0x4f0: {  	v13 =	vtrunc.f32 v13;
	v12 =	vtrunc.f32 v12;
	v34 =	vmul.u32 $0x779B1, v34  }
0x4f1: {  	v15 =	vtrunc.f32 v15;
	v14 =	vtrunc.f32 v14;
	v35 =	vmul.u32 $0x779B1, v35  }
0x4f2: {  	v17 =	vtrunc.f32 v17;
	v16 =	vtrunc.f32 v16;
	v36 =	vmul.u32 $0x779B1, v36  }
0x4f3: {  	v19 =	vtrunc.f32 v19;
	v18 =	vtrunc.f32 v18;
	v37 =	vmul.u32 $0x779B1, v37  }
0x4f4: {  	v5 =	vcvt.f32.s32 v5;
	v6 =	vcvt.f32.s32 v6;
	v38 =	vmul.u32 $0x779B1, v38  }
0x4f5: {  	v30 =	vmul.u32 $0x779B1, v30;
	v7 =	vcvt.f32.s32 v7;
	v8 =	vcvt.f32.s32 v8  }
0x4f6: {  	v9 =	vcvt.f32.s32 v9;
	v5 =	vmul.u32 $0x25795, v5;
	v10 =	vcvt.f32.s32 v10  }
0x4f7: {  	v11 =	vcvt.f32.s32 v11;
	v6 =	vmul.u32 $0x25795, v6;
	v12 =	vcvt.f32.s32 v12  }
0x4f8: {  	v13 =	vcvt.f32.s32 v13;
	v7 =	vmul.u32 $0x25795, v7;
	v14 =	vcvt.f32.s32 v14  }
0x4f9: {  	v17 =	vcvt.f32.s32 v17;
	v15 =	vcvt.f32.s32 v15;
	v8 =	vmul.u32 $0x25795, v8  }
0x4fa: {  	v9 =	vmul.u32 $0x25795, v9;
	v16 =	vcvt.f32.s32 v16;
	v18 =	vcvt.f32.s32 v18  }
0x4fb: {  	v19 =	vcvt.f32.s32 v19;
	v10 =	vmul.u32 $0x25795, v10;
	v21 =	vtrunc.f32 v21  }
0x4fc: {  	v11 =	vmul.u32 $0x25795, v11;
	v20 =	vtrunc.f32 v20;
	v22 =	vtrunc.f32 v22  }
0x4fd: {  	v24 =	vtrunc.f32 v24;
	v12 =	vmul.u32 $0x25795, v12;
	v23 =	vtrunc.f32 v23  }
0x4fe: {  	v13 =	vmul.u32 $0x25795, v13;
	v4 =	vtrunc.f32 v4;
	v25 =	vtrunc.f32 v25  }
0x4ff: {  	v14 =	vmul.u32 $0x25795, v14;
	v39 =	vtrunc.f32 v42;
	v40 =	vtrunc.f32 v44  }
0x500: {  	v15 =	vmul.u32 $0x25795, v15;
	v41 =	vtrunc.f32 v41;
	v42 =	vtrunc.f32 v45  }
0x501: {  	v17 =	vmul.u32 $0x25795, v17;
	v43 =	vtrunc.f32 v46;
	v44 =	vtrunc.f32 v47  }
0x502: {  	v16 =	vmul.u32 $0x25795, v16;
	v3 =	vtrunc.f32 v3;
	v0 =	vtrunc.f32 v0  }
0x503: {  	v18 =	vmul.u32 $0x25795, v18;
	v20 =	vcvt.f32.s32 v20;
	v21 =	vcvt.f32.s32 v21  }
0x504: {  	v19 =	vmul.u32 $0x25795, v19;
	v22 =	vcvt.f32.s32 v22;
	v23 =	vcvt.f32.s32 v23  }
0x505: {  	v4 =	vcvt.f32.s32 v4;
	v1 =	vxor.u32 v21, v1;
	v21 =	vcvt.f32.s32 v24  }
0x506: {  	v20 =	vxor.u32 v20, v27;
	v24 =	vcvt.f32.s32 v25;
	v25 =	vcvt.f32.s32 v39  }
0x507: {  	v27 =	vcvt.f32.s32 v41;
	v2 =	vxor.u32 v22, v2;
	v22 =	vcvt.f32.s32 v40  }
0x508: {  	v39 =	vcvt.f32.s32 v43;
	v23 =	vxor.u32 v23, v28;
	v28 =	vcvt.f32.s32 v42  }
0x509: {  	v3 =	vcvt.f32.s32 v3;
	v21 =	vxor.u32 v21, v26;
	v26 =	vcvt.f32.s32 v44  }
0x50a: {  	v0 =	vcvt.f32.s32 v0;
	v4 =	vxor.u32 v4, v31;
	v24 =	vxor.u32 v24, v29  }
0x50b: {  	v25 =	vxor.u32 v25, v33;
	v22 =	vxor.u32 v22, v32;
	v27 =	vxor.u32 v27, v34  }
0x50c: {  	v28 =	vxor.u32 v28, v35;
	v29 =	vxor.u32 v39, v36;
	v26 =	vxor.u32 v26, v37  }
0x50d: {  	v0 =	vxor.u32 v0, v30;
	v1 =	vxor.u32 v5, v1;
	v3 =	vxor.u32 v3, v38  }
0x50e: {  	v20 =	vxor.u32 v6, v20;
	v30 =	vxor.u32 v7, v2;
	v23 =	vxor.u32 v8, v23  }
0x50f: {  	v21 =	vxor.u32 v9, v21;
	v31 =	vxor.u32 v10, v4;
	v32 =	vxor.u32 v11, v24  }
0x510: {  	v33 =	vxor.u32 v12, v25;
	v34 =	vxor.u32 v13, v22;
	v27 =	vxor.u32 v14, v27  }
0x511: {  	v28 =	vxor.u32 v15, v28;
	v29 =	vxor.u32 v17, v29;
	v35 =	vxor.u32 v16, v26  }
0x512: {  	v0 =	vxor.u32 v19, v0;
	v2 =	vshll.u32 v1, $0x1;
	v36 =	vxor.u32 v18, v3  }
0x513: {  	v4 =	vshll.u32 v30, $0x1;
	v5 =	vshll.u32 v23, $0x1;
	v3 =	vshll.u32 v20, $0x1  }
0x514: {  	v6 =	vshll.u32 v21, $0x1;
	v7 =	vshll.u32 v31, $0x1;
	v8 =	vshll.u32 v32, $0x1  }
0x515: {  	v9 =	vshll.u32 v33, $0x1;
	v16 =	vshll.u32 v34, $0x1;
	v17 =	vshll.u32 v27, $0x1  }
0x516: {  	v18 =	vshll.u32 v28, $0x1;
	v19 =	vshll.u32 v29, $0x1;
	v22 =	vshll.u32 v35, $0x1  }
0x517: {  	v25 =	vshll.u32 v0, $0x1;
	v37 =	vand.u32 $0xFFF00, v2;
	v24 =	vshll.u32 v36, $0x1  }
0x518: {  	v14 =	vand.u32 $0xFFF00, v4;
	v15 =	vand.u32 $0xFFF00, v5;
	v13 =	vand.u32 $0xFFF00, v3  }
0x519: {  	v10 =	vand.u32 $0xFFF00, v6;
	v11 =	vand.u32 $0xFFF00, v7;
	v12 =	vand.u32 $0xFFF00, v8  }
0x51a: {  	v2 =	vand.u32 $0xFFF00, v9;
	v3 =	vand.u32 $0xFFF00, v16;
	v4 =	vand.u32 $0xFFF00, v17  }
0x51b: {  	v6 =	vand.u32 $0xFFF00, v18;
	v7 =	vand.u32 $0xFFF00, v19;
	v8 =	vand.u32 $0xFFF00, v22  }
0x51c: {  	v38 =	vand.u32 $0x7F, v1;
	v5 =	vand.u32 $0xFFF00, v25;
	v9 =	vand.u32 $0xFFF00, v24  }
.Ltmp10:
0x51d: {  	v25 =	vand.u32 $0x7F, v30;
	v26 =	vand.u32 $0x7F, v23;
	v24 =	vand.u32 $0x7F, v20;
	(pc) =	sbr.rel @p0 .LBB2_13-.Ltmp10, $4  }
0x51e: {  	v20 =	vand.u32 $0x7F, v21;
	v21 =	vand.u32 $0x7F, v31;
	v22 =	vand.u32 $0x7F, v32  }
0x51f: {  	v16 =	vand.u32 $0x7F, v33;
	v17 =	vand.u32 $0x7F, v34;
	v18 =	vand.u32 $0x7F, v27  }
0x520: {  	v1 =	vand.u32 $0x7F, v28;
	v19 =	vand.u32 $0x7F, v29;
	v23 =	vand.u32 $0x7F, v35  }
0x521: {  	s13 =	sshra.s32 s14, $0x2;
	s14 =	sadd.s32 $0x40, s14;
	v28 =	vor.u32 v38, v37;
	v29 =	vand.u32 $0x7F, v36;
	v27 =	vand.u32 $0x7F, v0  }
0x522: {  	v31 =	vld [tilespmem:s13+$0x80];
	_ =	sdelay $0x3  }
0x523: {  	v10 =	vor.u32 v10, v20  }
0x524: {  	v19 =	vor.u32 v7, v19;
	v52 =	vmul.f32 $5.120000000e+02, v31;
	v7 =	vmul.f32 $1.600000000e+01, v31  }
0x525: {  	[tilespmem:s12+$0x300] =	vst v28;
	v20 =	vor.u32 v3, v17;
	v17 =	vmul.f32 $2.000000000e+01, v31;
	v62 =	vmul.f32 $2.500000000e+01, v31  }
0x526: {  	v50 =	vor.u32 v15, v26;
	v15 =	vld [tilespmem:s13+$0x100];
	v32 =	vmul.f32 $3.200000000e+01, v31;
	v33 =	vmul.f32 $4.000000000e+01, v31  }
0x527: {  	v12 =	vor.u32 v12, v22;
	v22 =	vld [tilespmem:s13+$0x0];
	v34 =	vmul.f32 $5.000000000e+01, v31;
	v35 =	vmul.f32 $6.400000000e+01, v31  }
0x528: {  	v0 =	vor.u32 v13, v24;
	v36 =	vmul.f32 $8.000000000e+01, v31;
	v37 =	vmul.f32 $1.010000000e+02, v31  }
0x529: {  	v16 =	vor.u32 v2, v16;
	v38 =	vmul.f32 $1.270000000e+02, v31;
	v2 =	vmul.f32 $1.610000000e+02, v31  }
0x52a: {  	v49 =	vor.u32 v14, v25;
	v39 =	vmul.f32 $2.030000000e+02, v31;
	v40 =	vmul.f32 $2.560000000e+02, v31  }
0x52b: {  	v51 =	vor.u32 $0x80, v28;
	v41 =	vmul.f32 $3.220000000e+02, v31;
	v31 =	vmul.f32 $4.060000000e+02, v31  }
0x52c: {  	v54 =	vor.u32 $0x100000, v0;
	v53 =	vmul.f32 $5.120000000e+02, v15;
	v55 =	vmul.f32 $5.120000000e+02, v22  }
0x52d: {  	v57 =	vor.u32 $0x200000, v49;
	v42 =	vmul.f32 $1.600000000e+01, v15;
	v43 =	vmul.f32 $2.000000000e+01, v15  }
0x52e: {  	v60 =	vor.u32 $0x200080, v49;
	v44 =	vmul.f32 $2.500000000e+01, v15;
	v46 =	vmul.f32 $3.200000000e+01, v15  }
0x52f: {  	[tilespmem:$0x1FEE0] =	vst v51;
	v63 =	vor.u32 $0x300000, v50;
	v47 =	vmul.f32 $4.000000000e+01, v15;
	v48 =	vmul.f32 $5.000000000e+01, v15  }
0x530: {  	v28 =	vor.u32 $0x300080, v50;
	[tilespmem:$0x1FEF0] =	vst v54;
	v49 =	vmul.f32 $6.400000000e+01, v15;
	v50 =	vmul.f32 $8.000000000e+01, v15  }
0x531: {  	[tilespmem:$0x1FF00] =	vst v57;
	v51 =	vmul.f32 $1.010000000e+02, v15;
	v54 =	vmul.f32 $2.030000000e+02, v15  }
0x532: {  	v26 =	vor.u32 v6, v1;
	[tilespmem:$0x1FF20] =	vst v63;
	v57 =	vmul.f32 $4.060000000e+02, v15;
	v63 =	vmul.f32 $3.200000000e+01, v22  }
0x533: {  	v6 =	vor.u32 $0x100080, v0;
	v0 =	vmul.f32 $4.000000000e+01, v22;
	v1 =	vtrunc.f32 v52  }
0x534: {  	[tilespmem:$0x1FF10] =	vst v60;
	v52 =	vmul.f32 $1.270000000e+02, v15;
	v60 =	vtrunc.f32 v62  }
0x535: {  	v32 =	vtrunc.f32 v32;
	v33 =	vtrunc.f32 v33  }
0x536: {  	v34 =	vtrunc.f32 v34;
	v35 =	vtrunc.f32 v35  }
0x537: {  	v36 =	vtrunc.f32 v36;
	v37 =	vtrunc.f32 v37  }
0x538: {  	v38 =	vtrunc.f32 v38;
	v39 =	vtrunc.f32 v39  }
0x539: {  	v40 =	vtrunc.f32 v40;
	v41 =	vtrunc.f32 v41  }
0x53a: {  	v62 =	vtrunc.f32 v31;
	v31 =	vmul.f32 $2.500000000e+01, v22  }
0x53b: {  	v11 =	vor.u32 v11, v21;
	v56 =	vcvt.f32.s32 v1;
	v58 =	vtrunc.f32 v53  }
0x53c: {  	v4 =	vor.u32 v4, v18;
	v59 =	vtrunc.f32 v55;
	v53 =	vmul.f32 $1.610000000e+02, v15  }
0x53d: {  	v30 =	vor.u32 v8, v23;
	v55 =	vmul.f32 $2.560000000e+02, v15;
	v32 =	vcvt.f32.s32 v32  }
0x53e: {  	v29 =	vor.u32 v9, v29;
	v0 =	vtrunc.f32 v0;
	v1 =	vmul.f32 $1.270000000e+02, v22  }
0x53f: {  	v24 =	vor.u32 v5, v27;
	v36 =	vcvt.f32.s32 v36;
	v37 =	vcvt.f32.s32 v37  }
0x540: {  	v27 =	vor.u32 $0x400000, v10;
	v38 =	vcvt.f32.s32 v38;
	v39 =	vcvt.f32.s32 v39  }
0x541: {  	v25 =	vor.u32 $0x400080, v10;
	v40 =	vcvt.f32.s32 v40;
	v41 =	vcvt.f32.s32 v41  }
0x542: {  	v23 =	vor.u32 $0x500000, v11;
	v42 =	vtrunc.f32 v42;
	v62 =	vcvt.f32.s32 v62  }
0x543: {  	v21 =	vor.u32 $0x500080, v11;
	v43 =	vtrunc.f32 v43;
	v44 =	vtrunc.f32 v44  }
0x544: {  	v14 =	vor.u32 $0x700080, v16;
	v46 =	vtrunc.f32 v46;
	v47 =	vtrunc.f32 v47  }
0x545: {  	v13 =	vor.u32 $0x800000, v20;
	v48 =	vtrunc.f32 v48;
	v49 =	vtrunc.f32 v49  }
0x546: {  	v11 =	vor.u32 $0x900000, v4;
	v61 =	vcvt.f32.s32 v58;
	v8 =	vcvt.f32.s32 v59  }
0x547: {  	v10 =	vor.u32 $0x900080, v4;
	v58 =	vtrunc.f32 v7;
	v59 =	vtrunc.f32 v17  }
0x548: {  	v17 =	vor.u32 $0x600080, v12;
	v31 =	vtrunc.f32 v31;
	v0 =	vcvt.f32.s32 v0  }
0x549: {  	[tilespmem:s12+$0x480] =	vst v6;
	v7 =	vor.u32 $0xB00000, v19;
	v6 =	vtrunc.f32 v52;
	v42 =	vcvt.f32.s32 v42  }
0x54a: {  	v43 =	vcvt.f32.s32 v43;
	v18 =	vmul.u32 $0x779B1, v56;
	v56 =	vmul.f32 $3.220000000e+02, v15  }
0x54b: {  	v15 =	vor.u32 $0x700000, v16;
	v16 =	vmul.f32 $1.600000000e+01, v22;
	v4 =	vcvt.f32.s32 v58  }
0x54c: {  	v5 =	vcvt.f32.s32 v59;
	v59 =	vor.u32 $0xB00080, v19;
	v31 =	vcvt.f32.s32 v31  }
0x54d: {  	v32 =	vmul.u32 $0x779B1, v32;
	v36 =	vmul.u32 $0x779B1, v36;
	v37 =	vmul.u32 $0x779B1, v37  }
0x54e: {  	v38 =	vmul.u32 $0x779B1, v38;
	v39 =	vmul.u32 $0x779B1, v39;
	v40 =	vmul.u32 $0x779B1, v40  }
0x54f: {  	v41 =	vmul.u32 $0x779B1, v41;
	v6 =	vcvt.f32.s32 v6;
	v1 =	vtrunc.f32 v1  }
0x550: {  	v9 =	vmul.u32 $0x25795, v61;
	v61 =	vtrunc.f32 v2;
	[tilespmem:$0x1FF30] =	vst v59;
	v59 =	vmul.f32 $5.000000000e+01, v22  }
0x551: {  	v2 =	vmul.f32 $8.000000000e+01, v22;
	v1 =	vcvt.f32.s32 v1;
	v8 =	vxor.u32 v8, v18  }
0x552: {  	v16 =	vtrunc.f32 v16;
	v58 =	vmul.u32 $0x779B1, v5;
	v8 =	vxor.u32 v9, v8  }
0x553: {  	v5 =	vtrunc.f32 v63;
	v61 =	vcvt.f32.s32 v61;
	v3 =	vshll.u32 v8, $0x1  }
0x554: {  	v63 =	vmul.f32 $3.220000000e+02, v22;
	v8 =	vand.u32 $0x7F, v8;
	v18 =	vand.u32 $0xFFF00, v3  }
0x555: {  	v16 =	vcvt.f32.s32 v16;
	v52 =	vmul.u32 $0x779B1, v61;
	v61 =	vld [tilespmem:$0x1FF00];
	v45 =	vor.u32 v18, v8  }
0x556: {  	v18 =	vor.u32 $0x600000, v12;
	v12 =	vor.u32 $0x800080, v20;
	v20 =	vmul.f32 $2.000000000e+01, v22  }
0x557: {  	v6 =	vmul.u32 $0x25795, v6;
	v5 =	vcvt.f32.s32 v5;
	v3 =	vcvt.f32.s32 v60  }
0x558: {  	v9 =	vor.u32 $0xA00000, v26;
	v59 =	vtrunc.f32 v59;
	v20 =	vtrunc.f32 v20  }
0x559: {  	v2 =	vtrunc.f32 v2;
	v60 =	vmul.u32 $0x779B1, v3;
	v20 =	vcvt.f32.s32 v20  }
0x55a: {  	v2 =	vcvt.f32.s32 v2;
	v8 =	vor.u32 $0xA00080, v26;
	v26 =	vmul.u32 $0x779B1, v4;
	[tilespmem:s12+$0x500] =	vst v61;
	v61 =	vld [tilespmem:$0x1FF10]  }
0x55b: {  	v58 =	vxor.u32 v20, v58;
	v20 =	vxor.u32 v31, v60;
	v31 =	vxor.u32 v5, v32;
	v5 =	vld [tilespmem:$0x1FEE0]  }
0x55c: {  	v1 =	vxor.u32 v1, v38;
	v4 =	vcvt.f32.s32 v33;
	v33 =	vcvt.f32.s32 v34  }
0x55d: {  	v34 =	vcvt.f32.s32 v35;
	v19 =	vxor.u32 v16, v26;
	v16 =	vmul.f32 $6.400000000e+01, v22  }
0x55e: {  	v1 =	vxor.u32 v6, v1;
	v35 =	vcvt.f32.s32 v59;
	v59 =	vmul.f32 $1.010000000e+02, v22  }
0x55f: {  	v2 =	vxor.u32 v2, v36;
	v33 =	vmul.u32 $0x779B1, v33;
	v16 =	vtrunc.f32 v16;
	[tilespmem:s12+$0x580] =	vst v61;
	v61 =	vld [tilespmem:$0x1FF20]  }
0x560: {  	v4 =	vmul.u32 $0x779B1, v4;
	v34 =	vmul.u32 $0x779B1, v34;
	v16 =	vcvt.f32.s32 v16;
	[tilespmem:s12+$0x380] =	vst v5;
	v5 =	vld [tilespmem:$0x1FEF0]  }
0x561: {  	v33 =	vxor.u32 v35, v33;
	v35 =	vmul.f32 $1.610000000e+02, v22;
	v60 =	vmul.f32 $2.560000000e+02, v22  }
0x562: {  	v34 =	vxor.u32 v16, v34;
	v16 =	vmul.f32 $2.030000000e+02, v22;
	v22 =	vmul.f32 $4.060000000e+02, v22  }
0x563: {  	v3 =	vor.u32 $0xD00000, v29;
	v29 =	vor.u32 $0xD00080, v29;
	v26 =	vor.u32 $0xC00000, v30  }
0x564: {  	v30 =	vor.u32 $0xC00080, v30;
	v32 =	vxor.u32 v0, v4;
	v22 =	vtrunc.f32 v22;
	[tilespmem:s12+$0x600] =	vst v61  }
0x565: {  	v0 =	vor.u32 $0xF00080, v45;
	v22 =	vcvt.f32.s32 v22;
	v61 =	vcvt.f32.s32 v46;
	[tilespmem:s12+$0x400] =	vst v5  }
0x566: {  	v46 =	vmul.u32 $0x779B1, v62;
	v62 =	vcvt.f32.s32 v47;
	v47 =	vcvt.f32.s32 v48;
	[tilespmem:s13+$0x1280] =	vst v0  }
0x567: {  	v4 =	vor.u32 $0xE00000, v24;
	v5 =	vtrunc.f32 v50;
	v50 =	vtrunc.f32 v51;
	[tilespmem:s12+$0x680] =	vst v28  }
0x568: {  	v24 =	vor.u32 $0xE00080, v24;
	v51 =	vtrunc.f32 v53;
	v53 =	vtrunc.f32 v54;
	[tilespmem:s12+$0x700] =	vst v27  }
0x569: {  	v45 =	vor.u32 $0xF00000, v45;
	v54 =	vtrunc.f32 v55;
	v55 =	vtrunc.f32 v56;
	[tilespmem:s12+$0x780] =	vst v25  }
0x56a: {  	v56 =	vtrunc.f32 v57;
	v57 =	vcvt.f32.s32 v44;
	v22 =	vxor.u32 v22, v46;
	[tilespmem:s12+$0x800] =	vst v23  }
0x56b: {  	v5 =	vcvt.f32.s32 v5;
	v48 =	vcvt.f32.s32 v53;
	v27 =	vmul.u32 $0x25795, v43;
	[tilespmem:s12+$0x880] =	vst v21  }
0x56c: {  	v43 =	vcvt.f32.s32 v49;
	v0 =	vmul.u32 $0x25795, v57;
	v25 =	vcvt.f32.s32 v50;
	[tilespmem:s12+$0x900] =	vst v18  }
0x56d: {  	v23 =	vmul.u32 $0x25795, v61;
	v57 =	vcvt.f32.s32 v51;
	v61 =	vcvt.f32.s32 v54;
	[tilespmem:s12+$0x980] =	vst v17  }
0x56e: {  	v21 =	vmul.u32 $0x25795, v62;
	v62 =	vcvt.f32.s32 v55;
	v50 =	vcvt.f32.s32 v56;
	[tilespmem:s12+$0xA00] =	vst v15  }
0x56f: {  	v28 =	vmul.u32 $0x25795, v42;
	v51 =	vtrunc.f32 v59;
	v54 =	vtrunc.f32 v35;
	[tilespmem:s12+$0xA80] =	vst v14  }
0x570: {  	v18 =	vmul.u32 $0x25795, v47;
	v55 =	vtrunc.f32 v16;
	v56 =	vtrunc.f32 v60;
	[tilespmem:s12+$0xB00] =	vst v13  }
0x571: {  	v59 =	vtrunc.f32 v63;
	[tilespmem:s12+$0xB80] =	vst v12;
	v5 =	vmul.u32 $0x25795, v5;
	v17 =	vcvt.f32.s32 v51  }
0x572: {  	v38 =	vld [tilespmem:$0x1FF30];
	[tilespmem:s12+$0xC00] =	vst v11;
	v60 =	vmul.u32 $0x25795, v48;
	v14 =	vcvt.f32.s32 v55;
	v16 =	vcvt.f32.s32 v56  }
0x573: {  	[tilespmem:s12+$0xC80] =	vst v10;
	v35 =	vcvt.f32.s32 v59;
	v43 =	vmul.u32 $0x25795, v43;
	v53 =	vmul.u32 $0x25795, v25  }
0x574: {  	[tilespmem:s12+$0xD00] =	vst v9;
	v57 =	vmul.u32 $0x25795, v57;
	v61 =	vmul.u32 $0x25795, v61;
	v25 =	vcvt.f32.s32 v54  }
0x575: {  	[tilespmem:s12+$0xD80] =	vst v8;
	v62 =	vmul.u32 $0x25795, v62;
	v63 =	vmul.u32 $0x25795, v50;
	v0 =	vxor.u32 v0, v20  }
0x576: {  	[tilespmem:s12+$0xE00] =	vst v7;
	v42 =	vxor.u32 v23, v31;
	v21 =	vxor.u32 v21, v32;
	v18 =	vxor.u32 v18, v33  }
0x577: {  	[tilespmem:s12+$0xE80] =	vst v38;
	v32 =	vshll.u32 v1, $0x1;
	v1 =	vand.u32 $0x7F, v1;
	v36 =	vxor.u32 v17, v37  }
0x578: {  	[tilespmem:s12+$0xF00] =	vst v26;
	v14 =	vxor.u32 v14, v39;
	v16 =	vxor.u32 v16, v40;
	v39 =	vxor.u32 v28, v19  }
0x579: {  	[tilespmem:s12+$0xF80] =	vst v30;
	v40 =	vxor.u32 v35, v41;
	v41 =	vxor.u32 v27, v58;
	v2 =	vxor.u32 v5, v2  }
0x57a: {  	[tilespmem:s12+$0x1000] =	vst v3;
	v54 =	vshll.u32 v42, $0x1;
	v59 =	vshll.u32 v21, $0x1;
	v37 =	vxor.u32 v25, v52  }
0x57b: {  	[tilespmem:s12+$0x1080] =	vst v29;
	v43 =	vxor.u32 v43, v34;
	v44 =	vxor.u32 v53, v36;
	v47 =	vxor.u32 v60, v14  }
0x57c: {  	[tilespmem:s12+$0x1100] =	vst v4;
	v48 =	vshll.u32 v39, $0x1;
	v8 =	vxor.u32 v62, v40;
	v9 =	vxor.u32 v63, v22  }
0x57d: {  	[tilespmem:s12+$0x1180] =	vst v24;
	v50 =	vand.u32 $0x7F, v39;
	v34 =	vand.u32 $0xFFF00, v32;
	v4 =	vand.u32 $0xFFF00, v48  }
0x57e: {  	[tilespmem:s13+$0x1200] =	vst v45;
	v49 =	vshll.u32 v41, $0x1;
	v1 =	vor.u32 v34, v1;
	v4 =	vor.u32 v50, v4  }
0x57f: {  	v51 =	vand.u32 $0x7F, v41;
	v46 =	vxor.u32 v57, v37;
	v40 =	vor.u32 $0x900000, v1;
	[tilespmem:s13+$0x300] =	vst v4  }
0x580: {  	v10 =	vand.u32 $0xFFF00, v49;
	v57 =	vand.u32 $0x7F, v42;
	v42 =	vor.u32 $0x900080, v1;
	[tilespmem:s13+$0xC00] =	vst v40  }
0x581: {  	v52 =	vshll.u32 v0, $0x1;
	v10 =	vor.u32 v10, v51;
	v4 =	vor.u32 $0x80, v4;
	[tilespmem:s13+$0xC80] =	vst v42  }
0x582: {  	v0 =	vand.u32 $0x7F, v0;
	v11 =	vand.u32 $0xFFF00, v52;
	v53 =	vor.u32 $0x100000, v10;
	[tilespmem:s13+$0x380] =	vst v4  }
0x583: {  	v24 =	vshll.u32 v2, $0x1;
	v0 =	vor.u32 v11, v0;
	v55 =	vor.u32 $0x100080, v10;
	[tilespmem:s13+$0x400] =	vst v53  }
0x584: {  	v2 =	vand.u32 $0x7F, v2;
	v26 =	vand.u32 $0xFFF00, v24;
	v58 =	vor.u32 $0x200000, v0;
	[tilespmem:s13+$0x480] =	vst v55  }
0x585: {  	v56 =	vand.u32 $0xFFF00, v54;
	v2 =	vor.u32 v26, v2;
	v0 =	vor.u32 $0x200080, v0;
	[tilespmem:s13+$0x500] =	vst v58  }
0x586: {  	v19 =	vshll.u32 v43, $0x1;
	v22 =	vand.u32 $0x7F, v43;
	v31 =	vor.u32 $0x700000, v2;
	[tilespmem:s13+$0x580] =	vst v0  }
0x587: {  	v28 =	vshll.u32 v44, $0x1;
	v10 =	vor.u32 v56, v57;
	v33 =	vor.u32 $0x700080, v2;
	[tilespmem:s13+$0xA00] =	vst v31  }
0x588: {  	v3 =	vand.u32 $0x7F, v44;
	v30 =	vand.u32 $0xFFF00, v28;
	v62 =	vor.u32 $0x300000, v10;
	[tilespmem:s13+$0xA80] =	vst v33  }
0x589: {  	v41 =	vshll.u32 v47, $0x1;
	v3 =	vor.u32 v30, v3;
	v15 =	vor.u32 $0x300080, v10;
	[tilespmem:s13+$0x600] =	vst v62  }
0x58a: {  	v44 =	vand.u32 $0x7F, v47;
	v43 =	vand.u32 $0xFFF00, v41;
	v35 =	vor.u32 $0x800000, v3;
	[tilespmem:s13+$0x680] =	vst v15  }
0x58b: {  	v7 =	vxor.u32 v61, v16;
	v1 =	vor.u32 v43, v44;
	v37 =	vor.u32 $0x800080, v3;
	[tilespmem:s13+$0xB00] =	vst v35  }
0x58c: {  	v60 =	vand.u32 $0xFFF00, v59;
	v61 =	vand.u32 $0x7F, v21;
	v50 =	vor.u32 $0xB00000, v1;
	[tilespmem:s13+$0xB80] =	vst v37  }
0x58d: {  	v63 =	vshll.u32 v18, $0x1;
	v4 =	vor.u32 v60, v61;
	v52 =	vor.u32 $0xB00080, v1;
	[tilespmem:s13+$0xE00] =	vst v50  }
0x58e: {  	v17 =	vand.u32 $0x7F, v18;
	v16 =	vand.u32 $0xFFF00, v63;
	v18 =	vor.u32 $0x400000, v4;
	[tilespmem:s13+$0xE80] =	vst v52  }
0x58f: {  	v36 =	vshll.u32 v46, $0x1;
	v10 =	vor.u32 v16, v17;
	v20 =	vor.u32 $0x400080, v4;
	[tilespmem:s13+$0x700] =	vst v18  }
0x590: {  	v39 =	vand.u32 $0x7F, v46;
	v38 =	vand.u32 $0xFFF00, v36;
	v23 =	vor.u32 $0x500000, v10;
	[tilespmem:s13+$0x780] =	vst v20  }
0x591: {  	v2 =	vor.u32 v38, v39;
	v25 =	vor.u32 $0x500080, v10;
	[tilespmem:s13+$0x800] =	vst v23  }
0x592: {  	v21 =	vand.u32 $0xFFF00, v19;
	v45 =	vor.u32 $0xA00000, v2;
	[tilespmem:s13+$0x880] =	vst v25  }
0x593: {  	v46 =	vshll.u32 v7, $0x1;
	v4 =	vor.u32 v21, v22;
	v47 =	vor.u32 $0xA00080, v2;
	[tilespmem:s13+$0xD00] =	vst v45  }
0x594: {  	v49 =	vand.u32 $0x7F, v7;
	v48 =	vand.u32 $0xFFF00, v46;
	v27 =	vor.u32 $0x600000, v4;
	[tilespmem:s13+$0xD80] =	vst v47  }
0x595: {  	v51 =	vshll.u32 v8, $0x1;
	v2 =	vor.u32 v48, v49;
	v29 =	vor.u32 $0x600080, v4;
	[tilespmem:s13+$0x900] =	vst v27  }
0x596: {  	v54 =	vand.u32 $0x7F, v8;
	v53 =	vand.u32 $0xFFF00, v51;
	v55 =	vor.u32 $0xC00000, v2;
	[tilespmem:s13+$0x980] =	vst v29  }
0x597: {  	v56 =	vshll.u32 v9, $0x1;
	v1 =	vor.u32 v53, v54;
	v57 =	vor.u32 $0xC00080, v2;
	[tilespmem:s13+$0xF00] =	vst v55  }
0x598: {  	v59 =	vand.u32 $0x7F, v9;
	v58 =	vand.u32 $0xFFF00, v56;
	v60 =	vor.u32 $0xD00000, v1;
	[tilespmem:s13+$0xF80] =	vst v57  }
0x599: {  	v2 =	vor.u32 v58, v59;
	v61 =	vor.u32 $0xD00080, v1;
	[tilespmem:s13+$0x1000] =	vst v60  }
0x59a: {  	[tilespmem:s13+$0x1080] =	vst v61;
	v62 =	vor.u32 $0xE00000, v2  }
0x59b: {  	v63 =	vor.u32 $0xE00080, v2;
	[tilespmem:s13+$0x1100] =	vst v62  }
0x59c: {  	s14 =	simm.s32 $0x300;
	s12 =	simm.s32 $0x200;
	[tilespmem:s13+$0x1180] =	vst v63;
	s13 =	simm.s32 $0x2300  }
.LBB2_15:
0x59d: {  	[tilespmem:s13], [sflag:$0x1] =	stream.indirect.gather [hbm4b:s1+s18], $0x1, s14, s18, $0xb8;
	[tilespmem:$0x4300] =	vst v63  }
0x59e: {  	s13 =	smov.u32 s12;
	p0 =	sne.s32 s12, $0x3E00  }
.Ltmp11:
0x59f: {  	s12 =	sadd.s32 $0x200, s12;
	(pc) =	sbr.rel @p0 .LBB2_15-.Ltmp11, $3  }
0x5a0: {  	_ =	sdelay $0x1  }
0x5a1: {  	s14 =	sshra.s32 s13, $0x2  }
0x5a2: {  	s13 =	sadd.s32 $0x2300, s14;
	s14 =	sadd.s32 $0x300, s14  }
.Ltmp12:
0x5a3: {  	_ = 	snop;
	(pc) =	sbr.rel .LBB2_16-.Ltmp12, $1  }
0x5a4: {  	_ =	sdelay $0x3  }
.LBB2_19:
0x5a5: {  	_ =	sfence.sel $0x180000  }
0x5a6: {  	[bflag:$0x0] =	sbarrier.arrive $0xFFFF  }
0x5a7: {  	_ =	strace $0x90000047  }
0x5a8: {  	s0 =	stileid.u32;
	[bflag:$0x2] =	sbarrier.arrive $0xFFFF  }
0x5a9: {  	p0 =	sne.s32 s0, $0x0;
	s0 =	rddreg [dreg:$0x3]  }
0x5aa: {  	s0 =	sadd.s32 @!p0 $0x100000, s0  }
0x5ab: {  	[sflag:s0] =	ssyncadd.tile.s32 @!p0 $0x1;
	_ =	shalt  }
.Lfunc_end2:
_tile_overlayer_lowered:
.L_overlay_start_2:
0x5ac: {  	(tag) =	ssettag $0x2  }
0x5ad: {  	s0 =	rddreg [dreg:$0x0];
	s2 =	stileid.u32  }
0x5ae: {  	s1 =	rddreg [dreg:$0x1];
	p0 =	sne.s32 s2, $0x0  }
0x5af: {  	s3 =	rddreg [dreg:$0x2];
	[bflag:$0x3] =	sbarrier.arrive $0xFFFF;
	s2 =	simm.s32 @!p0 $0x1C07  }
0x5b0: {  	[timem:s3], [sflag:s2] =	dma.local @!p0 [hbm:s0], s1  }
0x5b1: {  	s0 =	simm.s32 @!p0 $0x7  }
0x5b2: {  	_ =	swait.ge @!p0 [sflag:s0], s1  }
0x5b3: {  	s1 =	ssub.s32 @!p0 $0x0, s1;
	[sflag:s0] =	ssyncset.done @!p0 $0x0  }
0x5b4: {  	[sflag:s0] =	ssyncadd.s32 @!p0 s1  }
0x5b5: {  	[bflag:$0x3] =	sbarrier.arrive $0xFFFF  }
0x5b6: {  	_ =	shalt  }

</sc_bundles>
